<compile_context>
chip_gen: v7x
topology: tpu7x:2x2x1
jax: 0.10.2.dev20260603
libtpu: 0.0.44.dev20260713+nightly
codegen_flags: <defaults>
</compile_context>

<pallas_src>
import jax
import jax.numpy as jnp
from jax import lax
from jax.experimental import pallas as pl
from jax.experimental.pallas import tpu as pltpu
from jax.experimental.pallas import tpu_sc as plsc

NUM_NODES = 10000
NUM_EDGES = 320000
DIM = 128
NUM_REL = 500

_DIMW = DIM // 2
_NC = 2
_NS = 16
_NW = _NC * _NS
_PER_W = NUM_EDGES // _NW
_C = 80
_NCHUNK = _PER_W // _C
_UNROLL = 8
_ZSTRIDE = 624
_ZCOPY = 640


def _sc_body(z_hbm, src_hbm, dst_hbm, et_hbm, rel_hbm, out_hbm,
             zsh, relsh, idxv, srows, drows, rrows, outv, s_idx, s_g):
    cid = lax.axis_index("c")
    sid = lax.axis_index("s")
    wid = sid * _NC + cid

    r0 = pl.multiple_of(sid * _ZSTRIDE, 8)
    pltpu.sync_copy(z_hbm.at[pl.ds(r0, _ZCOPY)], zsh.at[pl.ds(r0, _ZCOPY)])

    @pl.when(sid == 0)
    def _():
        pltpu.sync_copy(rel_hbm, relsh)

    base = pl.multiple_of(wid * _PER_W, 8)
    plsc.subcore_barrier()

    lanes = lax.iota(jnp.int32, 16)

    def idx_fetch(c, b):
        off = pl.multiple_of(base + c * _C, 8)
        pltpu.async_copy(src_hbm.at[pl.ds(off, _C)], idxv.at[b, 0], s_idx)
        pltpu.async_copy(dst_hbm.at[pl.ds(off, _C)], idxv.at[b, 1], s_idx)
        pltpu.async_copy(et_hbm.at[pl.ds(off, _C)], idxv.at[b, 2], s_idx)

    def idx_drain(c, b):
        off = pl.multiple_of(base + c * _C, 8)
        pltpu.make_async_copy(src_hbm.at[pl.ds(off, _C)], idxv.at[b, 0], s_idx).wait()
        pltpu.make_async_copy(dst_hbm.at[pl.ds(off, _C)], idxv.at[b, 1], s_idx).wait()
        pltpu.make_async_copy(et_hbm.at[pl.ds(off, _C)], idxv.at[b, 2], s_idx).wait()

    def rows_fire(b):
        pltpu.async_copy(zsh.at[idxv.at[b, 0]], srows.at[b], s_g)
        pltpu.async_copy(zsh.at[idxv.at[b, 1]], drows.at[b], s_g)
        pltpu.async_copy(relsh.at[idxv.at[b, 2]], rrows.at[b], s_g)

    def rows_drain(b):
        pltpu.make_async_copy(zsh.at[idxv.at[b, 0]], srows.at[b], s_g).wait()
        pltpu.make_async_copy(zsh.at[idxv.at[b, 1]], drows.at[b], s_g).wait()
        pltpu.make_async_copy(relsh.at[idxv.at[b, 2]], rrows.at[b], s_g).wait()

    def process_chunk(c, bb):
        off = pl.multiple_of(c * _C, 8)

        def win_body(w, wcarry):
            e0 = w * 16

            def quad_body(q, ovec):
                for i in range(_UNROLL):
                    e = e0 + q * _UNROLL + i
                    acc = jnp.zeros((16,), jnp.float32)
                    for k in range(_DIMW // 16):
                        sl = pl.ds(k * 16, 16)
                        sw = plsc.bitcast(srows[bb, e, sl], jnp.bfloat16)
                        rw = plsc.bitcast(rrows[bb, e, sl], jnp.bfloat16)
                        dw = plsc.bitcast(drows[bb, e, sl], jnp.bfloat16)
                        s0, s1 = plsc.unpack(sw, format=plsc.PackFormat.INTERLEAVED)
                        r0_, r1 = plsc.unpack(rw, format=plsc.PackFormat.INTERLEAVED)
                        d0, d1 = plsc.unpack(dw, format=plsc.PackFormat.INTERLEAVED)
                        acc = acc + s0 * r0_ * d0 + s1 * r1 * d1
                    ovec = jnp.where(lanes == q * _UNROLL + i, jnp.sum(acc), ovec)
                return ovec

            ovec = lax.fori_loop(0, 16 // _UNROLL, quad_body,
                                 jnp.zeros((16,), jnp.float32))
            outv[pl.ds(off + e0, 16)] = ovec
            return wcarry

        lax.fori_loop(0, _C // 16, win_body, 0)

    idx_fetch(0, 0)
    idx_drain(0, 0)
    rows_fire(0)
    idx_fetch(1, 1)

    def pair_body(p, carry):
        for bb in range(2):
            c = 2 * p + bb
            rows_drain(bb)

            @pl.when(c + 1 < _NCHUNK)
            def _():
                idx_drain(c + 1, 1 - bb)
                rows_fire(1 - bb)

            @pl.when(c + 2 < _NCHUNK)
            def _():
                idx_fetch(c + 2, bb)

            process_chunk(c, bb)
        return carry

    lax.fori_loop(0, _NCHUNK // 2, pair_body, 0)
    rows_drain(0)
    process_chunk(_NCHUNK - 1, 0)

    pltpu.sync_copy(outv, out_hbm.at[pl.ds(base, _PER_W)])


def kernel(z, edge_index, edge_type, rel_emb):
    src = edge_index[0].astype(jnp.int32)
    dst = edge_index[1].astype(jnp.int32)
    et = edge_type.astype(jnp.int32)
    zp = lax.bitcast_convert_type(
        z.astype(jnp.bfloat16).reshape(NUM_NODES, _DIMW, 2), jnp.int32)
    relp = lax.bitcast_convert_type(
        rel_emb.astype(jnp.bfloat16).reshape(NUM_REL, _DIMW, 2), jnp.int32)
    f = pl.kernel(
        _sc_body,
        mesh=plsc.VectorSubcoreMesh(core_axis_name="c", subcore_axis_name="s"),
        out_type=jax.ShapeDtypeStruct((NUM_EDGES,), jnp.float32),
        compiler_params=pltpu.CompilerParams(
            needs_layout_passes=False, use_tc_tiling_on_sc=False),
        scratch_types=[
            pltpu.VMEM_SHARED((NUM_NODES, _DIMW), jnp.int32),
            pltpu.VMEM_SHARED((NUM_REL, _DIMW), jnp.int32),
            pltpu.VMEM((2, 3, _C), jnp.int32),
            pltpu.VMEM((2, _C, _DIMW), jnp.int32),
            pltpu.VMEM((2, _C, _DIMW), jnp.int32),
            pltpu.VMEM((2, _C, _DIMW), jnp.int32),
            pltpu.VMEM((_PER_W,), jnp.float32),
            pltpu.SemaphoreType.DMA,
            pltpu.SemaphoreType.DMA,
        ],
    )
    return f(zp, src, dst, et, relp)

# --- scband reference (transcript-rebuilt; emitter-appended) ---
"""Pipeline reference for scband-dist-mult-decoder-9105330668029 (READ-ONLY COPY).

The authoritative reference and input builder live on the scoring server;
editing this copy changes nothing except your own understanding.
"""

import jax, jax.numpy as jnp
import numpy as np

NUM_NODES = 10000
NUM_EDGES = 320000
DIM = 128
NUM_RELATIONS = 500


def setup_inputs(seed: int = 0) -> dict:
    key = jax.random.key(seed)
    k1, k2, k3, k4 = jax.random.split(key, 4)
    z = jax.random.normal(k1, (NUM_NODES, DIM), dtype=jnp.float32)
    edge_index = jax.random.randint(k2, (2, NUM_EDGES), 0, NUM_NODES, dtype=jnp.int64)
    edge_type = jax.random.randint(k3, (NUM_EDGES,), 0, NUM_RELATIONS, dtype=jnp.int64)
    # rel_emb parameter, xavier_uniform init: bound = sqrt(6/(fan_in+fan_out))
    bound = float(np.sqrt(6.0 / (NUM_RELATIONS + DIM)))
    rel_emb = jax.random.uniform(k4, (NUM_RELATIONS, DIM), dtype=jnp.float32, minval=-bound, maxval=bound)
    return {"z": z, "edge_index": edge_index, "edge_type": edge_type, "rel_emb": rel_emb}


def reference(z, edge_index, edge_type, rel_emb):
    # DistMult score: sum(z_src * r * z_dst) per edge (sigmoid=False path)
    z_src = jnp.take(z, edge_index[0], axis=0)
    z_dst = jnp.take(z, edge_index[1], axis=0)
    rel = jnp.take(rel_emb, edge_type, axis=0)
    return jnp.sum(z_src * rel * z_dst, axis=1)

if __name__ == "__main__":
    import jax
    _d = setup_inputs()
    print(jax.jit(kernel)(*tuple(_d.values())))

</pallas_src>

<mosaic_0001>
#map = affine_map<(d0, d1) -> (0, 0)>
#map1 = affine_map<(d0, d1) -> (0)>
module attributes {stable_mosaic.version = 14 : i64} {
  func.func @_sc_body(%arg0: i32, %arg1: i32, %arg2: memref<10000x64xi32, #tpu.memory_space<hbm>>, %arg3: memref<320000xi32, #tpu.memory_space<hbm>>, %arg4: memref<320000xi32, #tpu.memory_space<hbm>>, %arg5: memref<320000xi32, #tpu.memory_space<hbm>>, %arg6: memref<500x64xi32, #tpu.memory_space<hbm>>, %arg7: memref<320000xf32, #tpu.memory_space<hbm>>, %arg8: memref<10000x64xi32, #tpu.memory_space<vmem_shared>>, %arg9: memref<500x64xi32, #tpu.memory_space<vmem_shared>>, %arg10: memref<2x3x80xi32, #tpu.memory_space<vmem>>, %arg11: memref<2x80x64xi32, #tpu.memory_space<vmem>>, %arg12: memref<2x80x64xi32, #tpu.memory_space<vmem>>, %arg13: memref<2x80x64xi32, #tpu.memory_space<vmem>>, %arg14: memref<10000xf32, #tpu.memory_space<vmem>>, %arg15: memref<!tpu.dma_semaphore, #tpu.memory_space<semaphore_mem>>, %arg16: memref<!tpu.dma_semaphore, #tpu.memory_space<semaphore_mem>>) attributes {dimension_semantics = [#tpu.dimension_semantics<core_parallel>, #tpu.dimension_semantics<subcore_parallel>], iteration_bounds = array<i64: 2, 16>, scalar_prefetch = 0 : i64, scratch_operands = 9 : i64, tpu.core_type = #tpu.core_type<sc_vector_subcore>, window_params = [{transform_indices = #map}, {transform_indices = #map1}, {transform_indices = #map1}, {transform_indices = #map1}, {transform_indices = #map}, {transform_indices = #map1}]} {
    %mul3A = arith.constant 2 : i32
    %mul3A_0 = arith.muli %arg1, %mul3A : i32
    %add3A = arith.addi %mul3A_0, %arg0 : i32
    %mul3A_1 = arith.constant 624 : i32
    %mul3A_2 = arith.muli %arg1, %mul3A_1 : i32
    %multiple_of3A = tpu.assume_multiple %mul3A_2, 8 : i32
    "tpu.region"() ({
      %run_scoped3A = tpu.sem_alloc : memref<!tpu.dma_semaphore, #tpu.memory_space<semaphore_mem>>
      %dma_start3A_196 = arith.constant 0 : i32
      %dma_start3A_197 = tpu.memref_slice %arg8[%multiple_of3A, %dma_start3A_196] : memref<10000x64xi32, #tpu.memory_space<vmem_shared>> -> memref<640x64xi32, #tpu.memory_space<vmem_shared>>
      %dma_start3A_198 = arith.constant 0 : i32
      %dma_start3A_199 = tpu.memref_slice %arg2[%multiple_of3A, %dma_start3A_198] : memref<10000x64xi32, #tpu.memory_space<hbm>> -> memref<640x64xi32, #tpu.memory_space<hbm>>
      tpu.enqueue_dma source(%dma_start3A_199 : memref<640x64xi32, #tpu.memory_space<hbm>>) target(%dma_start3A_197 : memref<640x64xi32, #tpu.memory_space<vmem_shared>>) target_semaphore(%run_scoped3A : memref<!tpu.dma_semaphore, #tpu.memory_space<semaphore_mem>>)
      %dma_wait3A_200 = arith.constant 0 : i32
      %dma_wait3A_201 = tpu.memref_slice %arg8[%multiple_of3A, %dma_wait3A_200] : memref<10000x64xi32, #tpu.memory_space<vmem_shared>> -> memref<640x64xi32, #tpu.memory_space<vmem_shared>>
      %dma_wait3A_202 = arith.constant 0 : i32
      %dma_wait3A_203 = tpu.memref_slice %arg2[%multiple_of3A, %dma_wait3A_202] : memref<10000x64xi32, #tpu.memory_space<hbm>> -> memref<640x64xi32, #tpu.memory_space<hbm>>
      tpu.wait_dma2 semaphore(%run_scoped3A : memref<!tpu.dma_semaphore, #tpu.memory_space<semaphore_mem>>) src(%dma_wait3A_203 : memref<640x64xi32, #tpu.memory_space<hbm>>) dst(%dma_wait3A_201 : memref<640x64xi32, #tpu.memory_space<vmem_shared>>)
      tpu.yield
    }) : () -> ()
    %eq3A = arith.constant 0 : i32
    %eq3A_3 = arith.cmpi eq, %arg1, %eq3A : i32
    %convert_element_type3A = arith.extui %eq3A_3 : i1 to i32
    %cond3A = arith.constant 0 : i32
    %cond3A_4 = arith.cmpi ne, %convert_element_type3A, %cond3A : i32
    scf.if %cond3A_4 {
      "tpu.region"() ({
        %run_scoped3A = tpu.sem_alloc : memref<!tpu.dma_semaphore, #tpu.memory_space<semaphore_mem>>
        tpu.enqueue_dma source(%arg6 : memref<500x64xi32, #tpu.memory_space<hbm>>) target(%arg9 : memref<500x64xi32, #tpu.memory_space<vmem_shared>>) target_semaphore(%run_scoped3A : memref<!tpu.dma_semaphore, #tpu.memory_space<semaphore_mem>>)
        tpu.wait_dma2 semaphore(%run_scoped3A : memref<!tpu.dma_semaphore, #tpu.memory_space<semaphore_mem>>) src(%arg6 : memref<500x64xi32, #tpu.memory_space<hbm>>) dst(%arg9 : memref<500x64xi32, #tpu.memory_space<vmem_shared>>)
        tpu.yield
      }) : () -> ()
    } else {
    }
    %mul3A_5 = arith.constant 10000 : i32
    %mul3A_6 = arith.muli %add3A, %mul3A_5 : i32
    %multiple_of3A_7 = tpu.assume_multiple %mul3A_6, 8 : i32
    %barrier3A = arith.constant 0 : index
    tpu.barrier barrier_id(%barrier3A)
    %iota3A = tpu.iota {dimensions = array<i32: 0>} : vector<16xi32>
    %add3A_8 = arith.constant 0 : i32
    %add3A_9 = arith.addi %multiple_of3A_7, %add3A_8 : i32
    %multiple_of3A_10 = tpu.assume_multiple %add3A_9, 8 : i32
    %dma_start3A = arith.constant 0 : i32
    %dma_start3A_11 = arith.constant 0 : i32
    %dma_start3A_12 = arith.constant 0 : i32
    %dma_start3A_13 = tpu.memref_slice %arg10[%dma_start3A, %dma_start3A_11, %dma_start3A_12] : memref<2x3x80xi32, #tpu.memory_space<vmem>> -> memref<1x1x80xi32, #tpu.memory_space<vmem>>
    %dma_start3A_14 = tpu.memref_squeeze %dma_start3A_13 : memref<1x1x80xi32, #tpu.memory_space<vmem>> -> memref<80xi32, #tpu.memory_space<vmem>>
    %dma_start3A_15 = tpu.memref_slice %arg3[%multiple_of3A_10] : memref<320000xi32, #tpu.memory_space<hbm>> -> memref<80xi32, #tpu.memory_space<hbm>>
    %dma_start3A_16 = arith.constant 0 : i32
    %dma_start3A_17 = tpu.memref_slice %arg10[%dma_start3A, %dma_start3A_11, %dma_start3A_16] : memref<2x3x80xi32, #tpu.memory_space<vmem>> -> memref<1x1x80xi32, #tpu.memory_space<vmem>>
    %dma_start3A_18 = tpu.memref_squeeze %dma_start3A_17 : memref<1x1x80xi32, #tpu.memory_space<vmem>> -> memref<80xi32, #tpu.memory_space<vmem>>
    %dma_start3A_19 = tpu.memref_slice %arg3[%multiple_of3A_10] : memref<320000xi32, #tpu.memory_space<hbm>> -> memref<80xi32, #tpu.memory_space<hbm>>
    tpu.enqueue_dma source(%dma_start3A_19 : memref<80xi32, #tpu.memory_space<hbm>>) target(%dma_start3A_18 : memref<80xi32, #tpu.memory_space<vmem>>) target_semaphore(%arg15 : memref<!tpu.dma_semaphore, #tpu.memory_space<semaphore_mem>>)
    %dma_start3A_20 = arith.constant 0 : i32
    %dma_start3A_21 = arith.constant 1 : i32
    %dma_start3A_22 = arith.constant 0 : i32
    %dma_start3A_23 = tpu.memref_slice %arg10[%dma_start3A_20, %dma_start3A_21, %dma_start3A_22] : memref<2x3x80xi32, #tpu.memory_space<vmem>> -> memref<1x1x80xi32, #tpu.memory_space<vmem>>
    %dma_start3A_24 = tpu.memref_squeeze %dma_start3A_23 : memref<1x1x80xi32, #tpu.memory_space<vmem>> -> memref<80xi32, #tpu.memory_space<vmem>>
    %dma_start3A_25 = tpu.memref_slice %arg4[%multiple_of3A_10] : memref<320000xi32, #tpu.memory_space<hbm>> -> memref<80xi32, #tpu.memory_space<hbm>>
    %dma_start3A_26 = arith.constant 0 : i32
    %dma_start3A_27 = tpu.memref_slice %arg10[%dma_start3A_20, %dma_start3A_21, %dma_start3A_26] : memref<2x3x80xi32, #tpu.memory_space<vmem>> -> memref<1x1x80xi32, #tpu.memory_space<vmem>>
    %dma_start3A_28 = tpu.memref_squeeze %dma_start3A_27 : memref<1x1x80xi32, #tpu.memory_space<vmem>> -> memref<80xi32, #tpu.memory_space<vmem>>
    %dma_start3A_29 = tpu.memref_slice %arg4[%multiple_of3A_10] : memref<320000xi32, #tpu.memory_space<hbm>> -> memref<80xi32, #tpu.memory_space<hbm>>
    tpu.enqueue_dma source(%dma_start3A_29 : memref<80xi32, #tpu.memory_space<hbm>>) target(%dma_start3A_28 : memref<80xi32, #tpu.memory_space<vmem>>) target_semaphore(%arg15 : memref<!tpu.dma_semaphore, #tpu.memory_space<semaphore_mem>>)
    %dma_start3A_30 = arith.constant 0 : i32
    %dma_start3A_31 = arith.constant 2 : i32
    %dma_start3A_32 = arith.constant 0 : i32
    %dma_start3A_33 = tpu.memref_slice %arg10[%dma_start3A_30, %dma_start3A_31, %dma_start3A_32] : memref<2x3x80xi32, #tpu.memory_space<vmem>> -> memref<1x1x80xi32, #tpu.memory_space<vmem>>
    %dma_start3A_34 = tpu.memref_squeeze %dma_start3A_33 : memref<1x1x80xi32, #tpu.memory_space<vmem>> -> memref<80xi32, #tpu.memory_space<vmem>>
    %dma_start3A_35 = tpu.memref_slice %arg5[%multiple_of3A_10] : memref<320000xi32, #tpu.memory_space<hbm>> -> memref<80xi32, #tpu.memory_space<hbm>>
    %dma_start3A_36 = arith.constant 0 : i32
    %dma_start3A_37 = tpu.memref_slice %arg10[%dma_start3A_30, %dma_start3A_31, %dma_start3A_36] : memref<2x3x80xi32, #tpu.memory_space<vmem>> -> memref<1x1x80xi32, #tpu.memory_space<vmem>>
    %dma_start3A_38 = tpu.memref_squeeze %dma_start3A_37 : memref<1x1x80xi32, #tpu.memory_space<vmem>> -> memref<80xi32, #tpu.memory_space<vmem>>
    %dma_start3A_39 = tpu.memref_slice %arg5[%multiple_of3A_10] : memref<320000xi32, #tpu.memory_space<hbm>> -> memref<80xi32, #tpu.memory_space<hbm>>
    tpu.enqueue_dma source(%dma_start3A_39 : memref<80xi32, #tpu.memory_space<hbm>>) target(%dma_start3A_38 : memref<80xi32, #tpu.memory_space<vmem>>) target_semaphore(%arg15 : memref<!tpu.dma_semaphore, #tpu.memory_space<semaphore_mem>>)
    %add3A_40 = arith.constant 0 : i32
    %add3A_41 = arith.addi %multiple_of3A_7, %add3A_40 : i32
    %multiple_of3A_42 = tpu.assume_multiple %add3A_41, 8 : i32
    %dma_wait3A = arith.constant 0 : i32
    %dma_wait3A_43 = arith.constant 0 : i32
    %dma_wait3A_44 = arith.constant 0 : i32
    %dma_wait3A_45 = tpu.memref_slice %arg10[%dma_wait3A, %dma_wait3A_43, %dma_wait3A_44] : memref<2x3x80xi32, #tpu.memory_space<vmem>> -> memref<1x1x80xi32, #tpu.memory_space<vmem>>
    %dma_wait3A_46 = tpu.memref_squeeze %dma_wait3A_45 : memref<1x1x80xi32, #tpu.memory_space<vmem>> -> memref<80xi32, #tpu.memory_space<vmem>>
    %dma_wait3A_47 = tpu.memref_slice %arg3[%multiple_of3A_42] : memref<320000xi32, #tpu.memory_space<hbm>> -> memref<80xi32, #tpu.memory_space<hbm>>
    %dma_wait3A_48 = arith.constant 0 : i32
    %dma_wait3A_49 = tpu.memref_slice %arg10[%dma_wait3A, %dma_wait3A_43, %dma_wait3A_48] : memref<2x3x80xi32, #tpu.memory_space<vmem>> -> memref<1x1x80xi32, #tpu.memory_space<vmem>>
    %dma_wait3A_50 = tpu.memref_squeeze %dma_wait3A_49 : memref<1x1x80xi32, #tpu.memory_space<vmem>> -> memref<80xi32, #tpu.memory_space<vmem>>
    %dma_wait3A_51 = tpu.memref_slice %arg3[%multiple_of3A_42] : memref<320000xi32, #tpu.memory_space<hbm>> -> memref<80xi32, #tpu.memory_space<hbm>>
    tpu.wait_dma2 semaphore(%arg15 : memref<!tpu.dma_semaphore, #tpu.memory_space<semaphore_mem>>) src(%dma_wait3A_51 : memref<80xi32, #tpu.memory_space<hbm>>) dst(%dma_wait3A_50 : memref<80xi32, #tpu.memory_space<vmem>>)
    %dma_wait3A_52 = arith.constant 0 : i32
    %dma_wait3A_53 = arith.constant 1 : i32
    %dma_wait3A_54 = arith.constant 0 : i32
    %dma_wait3A_55 = tpu.memref_slice %arg10[%dma_wait3A_52, %dma_wait3A_53, %dma_wait3A_54] : memref<2x3x80xi32, #tpu.memory_space<vmem>> -> memref<1x1x80xi32, #tpu.memory_space<vmem>>
    %dma_wait3A_56 = tpu.memref_squeeze %dma_wait3A_55 : memref<1x1x80xi32, #tpu.memory_space<vmem>> -> memref<80xi32, #tpu.memory_space<vmem>>
    %dma_wait3A_57 = tpu.memref_slice %arg4[%multiple_of3A_42] : memref<320000xi32, #tpu.memory_space<hbm>> -> memref<80xi32, #tpu.memory_space<hbm>>
    %dma_wait3A_58 = arith.constant 0 : i32
    %dma_wait3A_59 = tpu.memref_slice %arg10[%dma_wait3A_52, %dma_wait3A_53, %dma_wait3A_58] : memref<2x3x80xi32, #tpu.memory_space<vmem>> -> memref<1x1x80xi32, #tpu.memory_space<vmem>>
    %dma_wait3A_60 = tpu.memref_squeeze %dma_wait3A_59 : memref<1x1x80xi32, #tpu.memory_space<vmem>> -> memref<80xi32, #tpu.memory_space<vmem>>
    %dma_wait3A_61 = tpu.memref_slice %arg4[%multiple_of3A_42] : memref<320000xi32, #tpu.memory_space<hbm>> -> memref<80xi32, #tpu.memory_space<hbm>>
    tpu.wait_dma2 semaphore(%arg15 : memref<!tpu.dma_semaphore, #tpu.memory_space<semaphore_mem>>) src(%dma_wait3A_61 : memref<80xi32, #tpu.memory_space<hbm>>) dst(%dma_wait3A_60 : memref<80xi32, #tpu.memory_space<vmem>>)
    %dma_wait3A_62 = arith.constant 0 : i32
    %dma_wait3A_63 = arith.constant 2 : i32
    %dma_wait3A_64 = arith.constant 0 : i32
    %dma_wait3A_65 = tpu.memref_slice %arg10[%dma_wait3A_62, %dma_wait3A_63, %dma_wait3A_64] : memref<2x3x80xi32, #tpu.memory_space<vmem>> -> memref<1x1x80xi32, #tpu.memory_space<vmem>>
    %dma_wait3A_66 = tpu.memref_squeeze %dma_wait3A_65 : memref<1x1x80xi32, #tpu.memory_space<vmem>> -> memref<80xi32, #tpu.memory_space<vmem>>
    %dma_wait3A_67 = tpu.memref_slice %arg5[%multiple_of3A_42] : memref<320000xi32, #tpu.memory_space<hbm>> -> memref<80xi32, #tpu.memory_space<hbm>>
    %dma_wait3A_68 = arith.constant 0 : i32
    %dma_wait3A_69 = tpu.memref_slice %arg10[%dma_wait3A_62, %dma_wait3A_63, %dma_wait3A_68] : memref<2x3x80xi32, #tpu.memory_space<vmem>> -> memref<1x1x80xi32, #tpu.memory_space<vmem>>
    %dma_wait3A_70 = tpu.memref_squeeze %dma_wait3A_69 : memref<1x1x80xi32, #tpu.memory_space<vmem>> -> memref<80xi32, #tpu.memory_space<vmem>>
    %dma_wait3A_71 = tpu.memref_slice %arg5[%multiple_of3A_42] : memref<320000xi32, #tpu.memory_space<hbm>> -> memref<80xi32, #tpu.memory_space<hbm>>
    tpu.wait_dma2 semaphore(%arg15 : memref<!tpu.dma_semaphore, #tpu.memory_space<semaphore_mem>>) src(%dma_wait3A_71 : memref<80xi32, #tpu.memory_space<hbm>>) dst(%dma_wait3A_70 : memref<80xi32, #tpu.memory_space<vmem>>)
    %dma_start3A_72 = arith.constant 0 : i32
    %dma_start3A_73 = arith.constant 0 : i32
    %dma_start3A_74 = arith.constant 0 : i32
    %dma_start3A_75 = arith.constant 0 : i32
    %dma_start3A_76 = arith.constant 0 : i32
    %dma_start3A_77 = tpu.memref_slice %arg11[%dma_start3A_74, %dma_start3A_75, %dma_start3A_76] : memref<2x80x64xi32, #tpu.memory_space<vmem>> -> memref<1x80x64xi32, #tpu.memory_space<vmem>>
    %dma_start3A_78 = tpu.memref_squeeze %dma_start3A_77 : memref<1x80x64xi32, #tpu.memory_space<vmem>> -> memref<80x64xi32, #tpu.memory_space<vmem>>
    %dma_start3A_79 = arith.constant 0 : i32
    %dma_start3A_80 = tpu.memref_slice %arg10[%dma_start3A_72, %dma_start3A_73, %dma_start3A_79] : memref<2x3x80xi32, #tpu.memory_space<vmem>> -> memref<1x1x80xi32, #tpu.memory_space<vmem>>
    %dma_start3A_81 = tpu.memref_squeeze %dma_start3A_80 : memref<1x1x80xi32, #tpu.memory_space<vmem>> -> memref<80xi32, #tpu.memory_space<vmem>>
    %dma_start3A_82 = arith.constant 0 : i32
    %dma_start3A_83 = arith.constant 0 : i32
    %dma_start3A_84 = tpu.memref_slice %arg8[%dma_start3A_82, %dma_start3A_83] : memref<10000x64xi32, #tpu.memory_space<vmem_shared>> -> memref<10000x64xi32, #tpu.memory_space<vmem_shared>>
    tpu.enqueue_indirect_dma source(%dma_start3A_84 : memref<10000x64xi32, #tpu.memory_space<vmem_shared>>) target(%dma_start3A_78 : memref<80x64xi32, #tpu.memory_space<vmem>>) offsets(%dma_start3A_81 : memref<80xi32, #tpu.memory_space<vmem>>) semaphore(%arg16 : memref<!tpu.dma_semaphore, #tpu.memory_space<semaphore_mem>>)
    %dma_start3A_85 = arith.constant 0 : i32
    %dma_start3A_86 = arith.constant 1 : i32
    %dma_start3A_87 = arith.constant 0 : i32
    %dma_start3A_88 = arith.constant 0 : i32
    %dma_start3A_89 = arith.constant 0 : i32
    %dma_start3A_90 = tpu.memref_slice %arg12[%dma_start3A_87, %dma_start3A_88, %dma_start3A_89] : memref<2x80x64xi32, #tpu.memory_space<vmem>> -> memref<1x80x64xi32, #tpu.memory_space<vmem>>
    %dma_start3A_91 = tpu.memref_squeeze %dma_start3A_90 : memref<1x80x64xi32, #tpu.memory_space<vmem>> -> memref<80x64xi32, #tpu.memory_space<vmem>>
    %dma_start3A_92 = arith.constant 0 : i32
    %dma_start3A_93 = tpu.memref_slice %arg10[%dma_start3A_85, %dma_start3A_86, %dma_start3A_92] : memref<2x3x80xi32, #tpu.memory_space<vmem>> -> memref<1x1x80xi32, #tpu.memory_space<vmem>>
    %dma_start3A_94 = tpu.memref_squeeze %dma_start3A_93 : memref<1x1x80xi32, #tpu.memory_space<vmem>> -> memref<80xi32, #tpu.memory_space<vmem>>
    %dma_start3A_95 = arith.constant 0 : i32
    %dma_start3A_96 = arith.constant 0 : i32
    %dma_start3A_97 = tpu.memref_slice %arg8[%dma_start3A_95, %dma_start3A_96] : memref<10000x64xi32, #tpu.memory_space<vmem_shared>> -> memref<10000x64xi32, #tpu.memory_space<vmem_shared>>
    tpu.enqueue_indirect_dma source(%dma_start3A_97 : memref<10000x64xi32, #tpu.memory_space<vmem_shared>>) target(%dma_start3A_91 : memref<80x64xi32, #tpu.memory_space<vmem>>) offsets(%dma_start3A_94 : memref<80xi32, #tpu.memory_space<vmem>>) semaphore(%arg16 : memref<!tpu.dma_semaphore, #tpu.memory_space<semaphore_mem>>)
    %dma_start3A_98 = arith.constant 0 : i32
    %dma_start3A_99 = arith.constant 2 : i32
    %dma_start3A_100 = arith.constant 0 : i32
    %dma_start3A_101 = arith.constant 0 : i32
    %dma_start3A_102 = arith.constant 0 : i32
    %dma_start3A_103 = tpu.memref_slice %arg13[%dma_start3A_100, %dma_start3A_101, %dma_start3A_102] : memref<2x80x64xi32, #tpu.memory_space<vmem>> -> memref<1x80x64xi32, #tpu.memory_space<vmem>>
    %dma_start3A_104 = tpu.memref_squeeze %dma_start3A_103 : memref<1x80x64xi32, #tpu.memory_space<vmem>> -> memref<80x64xi32, #tpu.memory_space<vmem>>
    %dma_start3A_105 = arith.constant 0 : i32
    %dma_start3A_106 = tpu.memref_slice %arg10[%dma_start3A_98, %dma_start3A_99, %dma_start3A_105] : memref<2x3x80xi32, #tpu.memory_space<vmem>> -> memref<1x1x80xi32, #tpu.memory_space<vmem>>
    %dma_start3A_107 = tpu.memref_squeeze %dma_start3A_106 : memref<1x1x80xi32, #tpu.memory_space<vmem>> -> memref<80xi32, #tpu.memory_space<vmem>>
    %dma_start3A_108 = arith.constant 0 : i32
    %dma_start3A_109 = arith.constant 0 : i32
    %dma_start3A_110 = tpu.memref_slice %arg9[%dma_start3A_108, %dma_start3A_109] : memref<500x64xi32, #tpu.memory_space<vmem_shared>> -> memref<500x64xi32, #tpu.memory_space<vmem_shared>>
    tpu.enqueue_indirect_dma source(%dma_start3A_110 : memref<500x64xi32, #tpu.memory_space<vmem_shared>>) target(%dma_start3A_104 : memref<80x64xi32, #tpu.memory_space<vmem>>) offsets(%dma_start3A_107 : memref<80xi32, #tpu.memory_space<vmem>>) semaphore(%arg16 : memref<!tpu.dma_semaphore, #tpu.memory_space<semaphore_mem>>)
    %add3A_111 = arith.constant 80 : i32
    %add3A_112 = arith.addi %multiple_of3A_7, %add3A_111 : i32
    %multiple_of3A_113 = tpu.assume_multiple %add3A_112, 8 : i32
    %dma_start3A_114 = arith.constant 1 : i32
    %dma_start3A_115 = arith.constant 0 : i32
    %dma_start3A_116 = arith.constant 0 : i32
    %dma_start3A_117 = tpu.memref_slice %arg10[%dma_start3A_114, %dma_start3A_115, %dma_start3A_116] : memref<2x3x80xi32, #tpu.memory_space<vmem>> -> memref<1x1x80xi32, #tpu.memory_space<vmem>>
    %dma_start3A_118 = tpu.memref_squeeze %dma_start3A_117 : memref<1x1x80xi32, #tpu.memory_space<vmem>> -> memref<80xi32, #tpu.memory_space<vmem>>
    %dma_start3A_119 = tpu.memref_slice %arg3[%multiple_of3A_113] : memref<320000xi32, #tpu.memory_space<hbm>> -> memref<80xi32, #tpu.memory_space<hbm>>
    %dma_start3A_120 = arith.constant 0 : i32
    %dma_start3A_121 = tpu.memref_slice %arg10[%dma_start3A_114, %dma_start3A_115, %dma_start3A_120] : memref<2x3x80xi32, #tpu.memory_space<vmem>> -> memref<1x1x80xi32, #tpu.memory_space<vmem>>
    %dma_start3A_122 = tpu.memref_squeeze %dma_start3A_121 : memref<1x1x80xi32, #tpu.memory_space<vmem>> -> memref<80xi32, #tpu.memory_space<vmem>>
    %dma_start3A_123 = tpu.memref_slice %arg3[%multiple_of3A_113] : memref<320000xi32, #tpu.memory_space<hbm>> -> memref<80xi32, #tpu.memory_space<hbm>>
    tpu.enqueue_dma source(%dma_start3A_123 : memref<80xi32, #tpu.memory_space<hbm>>) target(%dma_start3A_122 : memref<80xi32, #tpu.memory_space<vmem>>) target_semaphore(%arg15 : memref<!tpu.dma_semaphore, #tpu.memory_space<semaphore_mem>>)
    %dma_start3A_124 = arith.constant 1 : i32
    %dma_start3A_125 = arith.constant 1 : i32
    %dma_start3A_126 = arith.constant 0 : i32
    %dma_start3A_127 = tpu.memref_slice %arg10[%dma_start3A_124, %dma_start3A_125, %dma_start3A_126] : memref<2x3x80xi32, #tpu.memory_space<vmem>> -> memref<1x1x80xi32, #tpu.memory_space<vmem>>
    %dma_start3A_128 = tpu.memref_squeeze %dma_start3A_127 : memref<1x1x80xi32, #tpu.memory_space<vmem>> -> memref<80xi32, #tpu.memory_space<vmem>>
    %dma_start3A_129 = tpu.memref_slice %arg4[%multiple_of3A_113] : memref<320000xi32, #tpu.memory_space<hbm>> -> memref<80xi32, #tpu.memory_space<hbm>>
    %dma_start3A_130 = arith.constant 0 : i32
    %dma_start3A_131 = tpu.memref_slice %arg10[%dma_start3A_124, %dma_start3A_125, %dma_start3A_130] : memref<2x3x80xi32, #tpu.memory_space<vmem>> -> memref<1x1x80xi32, #tpu.memory_space<vmem>>
    %dma_start3A_132 = tpu.memref_squeeze %dma_start3A_131 : memref<1x1x80xi32, #tpu.memory_space<vmem>> -> memref<80xi32, #tpu.memory_space<vmem>>
    %dma_start3A_133 = tpu.memref_slice %arg4[%multiple_of3A_113] : memref<320000xi32, #tpu.memory_space<hbm>> -> memref<80xi32, #tpu.memory_space<hbm>>
    tpu.enqueue_dma source(%dma_start3A_133 : memref<80xi32, #tpu.memory_space<hbm>>) target(%dma_start3A_132 : memref<80xi32, #tpu.memory_space<vmem>>) target_semaphore(%arg15 : memref<!tpu.dma_semaphore, #tpu.memory_space<semaphore_mem>>)
    %dma_start3A_134 = arith.constant 1 : i32
    %dma_start3A_135 = arith.constant 2 : i32
    %dma_start3A_136 = arith.constant 0 : i32
    %dma_start3A_137 = tpu.memref_slice %arg10[%dma_start3A_134, %dma_start3A_135, %dma_start3A_136] : memref<2x3x80xi32, #tpu.memory_space<vmem>> -> memref<1x1x80xi32, #tpu.memory_space<vmem>>
    %dma_start3A_138 = tpu.memref_squeeze %dma_start3A_137 : memref<1x1x80xi32, #tpu.memory_space<vmem>> -> memref<80xi32, #tpu.memory_space<vmem>>
    %dma_start3A_139 = tpu.memref_slice %arg5[%multiple_of3A_113] : memref<320000xi32, #tpu.memory_space<hbm>> -> memref<80xi32, #tpu.memory_space<hbm>>
    %dma_start3A_140 = arith.constant 0 : i32
    %dma_start3A_141 = tpu.memref_slice %arg10[%dma_start3A_134, %dma_start3A_135, %dma_start3A_140] : memref<2x3x80xi32, #tpu.memory_space<vmem>> -> memref<1x1x80xi32, #tpu.memory_space<vmem>>
    %dma_start3A_142 = tpu.memref_squeeze %dma_start3A_141 : memref<1x1x80xi32, #tpu.memory_space<vmem>> -> memref<80xi32, #tpu.memory_space<vmem>>
    %dma_start3A_143 = tpu.memref_slice %arg5[%multiple_of3A_113] : memref<320000xi32, #tpu.memory_space<hbm>> -> memref<80xi32, #tpu.memory_space<hbm>>
    tpu.enqueue_dma source(%dma_start3A_143 : memref<80xi32, #tpu.memory_space<hbm>>) target(%dma_start3A_142 : memref<80xi32, #tpu.memory_space<vmem>>) target_semaphore(%arg15 : memref<!tpu.dma_semaphore, #tpu.memory_space<semaphore_mem>>)
    %scan3A = arith.constant 0 : i32
    %scan3A_144 = arith.constant 0 : i32
    %scan3A_145 = arith.constant 62 : i32
    %scan3A_146 = arith.addi %scan3A_144, %scan3A_145 : i32
    %scan3A_147 = arith.constant 1 : i32
    scf.for %scan3A_196 = %scan3A_144 to %scan3A_146 step %scan3A_147  : i32 {
      %mul3A_197 = arith.constant 2 : i32
      %mul3A_198 = arith.muli %mul3A_197, %scan3A_196 : i32
      %add3A_199 = arith.constant 0 : i32
      %add3A_200 = arith.addi %mul3A_198, %add3A_199 : i32
      %dma_wait3A_201 = arith.constant 0 : i32
      %dma_wait3A_202 = arith.constant 0 : i32
      %dma_wait3A_203 = arith.constant 0 : i32
      %dma_wait3A_204 = arith.constant 0 : i32
      %dma_wait3A_205 = arith.constant 0 : i32
      %dma_wait3A_206 = tpu.memref_slice %arg11[%dma_wait3A_203, %dma_wait3A_204, %dma_wait3A_205] : memref<2x80x64xi32, #tpu.memory_space<vmem>> -> memref<1x80x64xi32, #tpu.memory_space<vmem>>
      %dma_wait3A_207 = tpu.memref_squeeze %dma_wait3A_206 : memref<1x80x64xi32, #tpu.memory_space<vmem>> -> memref<80x64xi32, #tpu.memory_space<vmem>>
      %dma_wait3A_208 = arith.constant 0 : i32
      %dma_wait3A_209 = tpu.memref_slice %arg10[%dma_wait3A_201, %dma_wait3A_202, %dma_wait3A_208] : memref<2x3x80xi32, #tpu.memory_space<vmem>> -> memref<1x1x80xi32, #tpu.memory_space<vmem>>
      %dma_wait3A_210 = tpu.memref_squeeze %dma_wait3A_209 : memref<1x1x80xi32, #tpu.memory_space<vmem>> -> memref<80xi32, #tpu.memory_space<vmem>>
      %dma_wait3A_211 = arith.constant 0 : i32
      %dma_wait3A_212 = arith.constant 0 : i32
      %dma_wait3A_213 = tpu.memref_slice %arg8[%dma_wait3A_211, %dma_wait3A_212] : memref<10000x64xi32, #tpu.memory_space<vmem_shared>> -> memref<10000x64xi32, #tpu.memory_space<vmem_shared>>
      tpu.wait_indirect_dma semaphore(%arg16 : memref<!tpu.dma_semaphore, #tpu.memory_space<semaphore_mem>>) src(%dma_wait3A_213 : memref<10000x64xi32, #tpu.memory_space<vmem_shared>>) dst(%dma_wait3A_207 : memref<80x64xi32, #tpu.memory_space<vmem>>)
      %dma_wait3A_214 = arith.constant 0 : i32
      %dma_wait3A_215 = arith.constant 1 : i32
      %dma_wait3A_216 = arith.constant 0 : i32
      %dma_wait3A_217 = arith.constant 0 : i32
      %dma_wait3A_218 = arith.constant 0 : i32
      %dma_wait3A_219 = tpu.memref_slice %arg12[%dma_wait3A_216, %dma_wait3A_217, %dma_wait3A_218] : memref<2x80x64xi32, #tpu.memory_space<vmem>> -> memref<1x80x64xi32, #tpu.memory_space<vmem>>
      %dma_wait3A_220 = tpu.memref_squeeze %dma_wait3A_219 : memref<1x80x64xi32, #tpu.memory_space<vmem>> -> memref<80x64xi32, #tpu.memory_space<vmem>>
      %dma_wait3A_221 = arith.constant 0 : i32
      %dma_wait3A_222 = tpu.memref_slice %arg10[%dma_wait3A_214, %dma_wait3A_215, %dma_wait3A_221] : memref<2x3x80xi32, #tpu.memory_space<vmem>> -> memref<1x1x80xi32, #tpu.memory_space<vmem>>
      %dma_wait3A_223 = tpu.memref_squeeze %dma_wait3A_222 : memref<1x1x80xi32, #tpu.memory_space<vmem>> -> memref<80xi32, #tpu.memory_space<vmem>>
      %dma_wait3A_224 = arith.constant 0 : i32
      %dma_wait3A_225 = arith.constant 0 : i32
      %dma_wait3A_226 = tpu.memref_slice %arg8[%dma_wait3A_224, %dma_wait3A_225] : memref<10000x64xi32, #tpu.memory_space<vmem_shared>> -> memref<10000x64xi32, #tpu.memory_space<vmem_shared>>
      tpu.wait_indirect_dma semaphore(%arg16 : memref<!tpu.dma_semaphore, #tpu.memory_space<semaphore_mem>>) src(%dma_wait3A_226 : memref<10000x64xi32, #tpu.memory_space<vmem_shared>>) dst(%dma_wait3A_220 : memref<80x64xi32, #tpu.memory_space<vmem>>)
      %dma_wait3A_227 = arith.constant 0 : i32
      %dma_wait3A_228 = arith.constant 2 : i32
      %dma_wait3A_229 = arith.constant 0 : i32
      %dma_wait3A_230 = arith.constant 0 : i32
      %dma_wait3A_231 = arith.constant 0 : i32
      %dma_wait3A_232 = tpu.memref_slice %arg13[%dma_wait3A_229, %dma_wait3A_230, %dma_wait3A_231] : memref<2x80x64xi32, #tpu.memory_space<vmem>> -> memref<1x80x64xi32, #tpu.memory_space<vmem>>
      %dma_wait3A_233 = tpu.memref_squeeze %dma_wait3A_232 : memref<1x80x64xi32, #tpu.memory_space<vmem>> -> memref<80x64xi32, #tpu.memory_space<vmem>>
      %dma_wait3A_234 = arith.constant 0 : i32
      %dma_wait3A_235 = tpu.memref_slice %arg10[%dma_wait3A_227, %dma_wait3A_228, %dma_wait3A_234] : memref<2x3x80xi32, #tpu.memory_space<vmem>> -> memref<1x1x80xi32, #tpu.memory_space<vmem>>
      %dma_wait3A_236 = tpu.memref_squeeze %dma_wait3A_235 : memref<1x1x80xi32, #tpu.memory_space<vmem>> -> memref<80xi32, #tpu.memory_space<vmem>>
      %dma_wait3A_237 = arith.constant 0 : i32
      %dma_wait3A_238 = arith.constant 0 : i32
      %dma_wait3A_239 = tpu.memref_slice %arg9[%dma_wait3A_237, %dma_wait3A_238] : memref<500x64xi32, #tpu.memory_space<vmem_shared>> -> memref<500x64xi32, #tpu.memory_space<vmem_shared>>
      tpu.wait_indirect_dma semaphore(%arg16 : memref<!tpu.dma_semaphore, #tpu.memory_space<semaphore_mem>>) src(%dma_wait3A_239 : memref<500x64xi32, #tpu.memory_space<vmem_shared>>) dst(%dma_wait3A_233 : memref<80x64xi32, #tpu.memory_space<vmem>>)
      %add3A_240 = arith.constant 1 : i32
      %add3A_241 = arith.addi %add3A_200, %add3A_240 : i32
      %lt3A = arith.constant 125 : i32
      %lt3A_242 = arith.cmpi slt, %add3A_241, %lt3A : i32
      %convert_element_type3A_243 = arith.extui %lt3A_242 : i1 to i32
      %cond3A_244 = arith.constant 0 : i32
      %cond3A_245 = arith.cmpi ne, %convert_element_type3A_243, %cond3A_244 : i32
      scf.if %cond3A_245 {
        %add3A_328 = arith.constant 1 : i32
        %add3A_329 = arith.addi %add3A_200, %add3A_328 : i32
        %mul3A_330 = arith.constant 80 : i32
        %mul3A_331 = arith.muli %add3A_329, %mul3A_330 : i32
        %add3A_332 = arith.addi %multiple_of3A_7, %mul3A_331 : i32
        %multiple_of3A_333 = tpu.assume_multiple %add3A_332, 8 : i32
        %dma_wait3A_334 = arith.constant 1 : i32
        %dma_wait3A_335 = arith.constant 0 : i32
        %dma_wait3A_336 = arith.constant 0 : i32
        %dma_wait3A_337 = tpu.memref_slice %arg10[%dma_wait3A_334, %dma_wait3A_335, %dma_wait3A_336] : memref<2x3x80xi32, #tpu.memory_space<vmem>> -> memref<1x1x80xi32, #tpu.memory_space<vmem>>
        %dma_wait3A_338 = tpu.memref_squeeze %dma_wait3A_337 : memref<1x1x80xi32, #tpu.memory_space<vmem>> -> memref<80xi32, #tpu.memory_space<vmem>>
        %dma_wait3A_339 = tpu.memref_slice %arg3[%multiple_of3A_333] : memref<320000xi32, #tpu.memory_space<hbm>> -> memref<80xi32, #tpu.memory_space<hbm>>
        %dma_wait3A_340 = arith.constant 0 : i32
        %dma_wait3A_341 = tpu.memref_slice %arg10[%dma_wait3A_334, %dma_wait3A_335, %dma_wait3A_340] : memref<2x3x80xi32, #tpu.memory_space<vmem>> -> memref<1x1x80xi32, #tpu.memory_space<vmem>>
        %dma_wait3A_342 = tpu.memref_squeeze %dma_wait3A_341 : memref<1x1x80xi32, #tpu.memory_space<vmem>> -> memref<80xi32, #tpu.memory_space<vmem>>
        %dma_wait3A_343 = tpu.memref_slice %arg3[%multiple_of3A_333] : memref<320000xi32, #tpu.memory_space<hbm>> -> memref<80xi32, #tpu.memory_space<hbm>>
        tpu.wait_dma2 semaphore(%arg15 : memref<!tpu.dma_semaphore, #tpu.memory_space<semaphore_mem>>) src(%dma_wait3A_343 : memref<80xi32, #tpu.memory_space<hbm>>) dst(%dma_wait3A_342 : memref<80xi32, #tpu.memory_space<vmem>>)
        %dma_wait3A_344 = arith.constant 1 : i32
        %dma_wait3A_345 = arith.constant 1 : i32
        %dma_wait3A_346 = arith.constant 0 : i32
        %dma_wait3A_347 = tpu.memref_slice %arg10[%dma_wait3A_344, %dma_wait3A_345, %dma_wait3A_346] : memref<2x3x80xi32, #tpu.memory_space<vmem>> -> memref<1x1x80xi32, #tpu.memory_space<vmem>>
        %dma_wait3A_348 = tpu.memref_squeeze %dma_wait3A_347 : memref<1x1x80xi32, #tpu.memory_space<vmem>> -> memref<80xi32, #tpu.memory_space<vmem>>
        %dma_wait3A_349 = tpu.memref_slice %arg4[%multiple_of3A_333] : memref<320000xi32, #tpu.memory_space<hbm>> -> memref<80xi32, #tpu.memory_space<hbm>>
        %dma_wait3A_350 = arith.constant 0 : i32
        %dma_wait3A_351 = tpu.memref_slice %arg10[%dma_wait3A_344, %dma_wait3A_345, %dma_wait3A_350] : memref<2x3x80xi32, #tpu.memory_space<vmem>> -> memref<1x1x80xi32, #tpu.memory_space<vmem>>
        %dma_wait3A_352 = tpu.memref_squeeze %dma_wait3A_351 : memref<1x1x80xi32, #tpu.memory_space<vmem>> -> memref<80xi32, #tpu.memory_space<vmem>>
        %dma_wait3A_353 = tpu.memref_slice %arg4[%multiple_of3A_333] : memref<320000xi32, #tpu.memory_space<hbm>> -> memref<80xi32, #tpu.memory_space<hbm>>
        tpu.wait_dma2 semaphore(%arg15 : memref<!tpu.dma_semaphore, #tpu.memory_space<semaphore_mem>>) src(%dma_wait3A_353 : memref<80xi32, #tpu.memory_space<hbm>>) dst(%dma_wait3A_352 : memref<80xi32, #tpu.memory_space<vmem>>)
        %dma_wait3A_354 = arith.constant 1 : i32
        %dma_wait3A_355 = arith.constant 2 : i32
        %dma_wait3A_356 = arith.constant 0 : i32
        %dma_wait3A_357 = tpu.memref_slice %arg10[%dma_wait3A_354, %dma_wait3A_355, %dma_wait3A_356] : memref<2x3x80xi32, #tpu.memory_space<vmem>> -> memref<1x1x80xi32, #tpu.memory_space<vmem>>
        %dma_wait3A_358 = tpu.memref_squeeze %dma_wait3A_357 : memref<1x1x80xi32, #tpu.memory_space<vmem>> -> memref<80xi32, #tpu.memory_space<vmem>>
        %dma_wait3A_359 = tpu.memref_slice %arg5[%multiple_of3A_333] : memref<320000xi32, #tpu.memory_space<hbm>> -> memref<80xi32, #tpu.memory_space<hbm>>
        %dma_wait3A_360 = arith.constant 0 : i32
        %dma_wait3A_361 = tpu.memref_slice %arg10[%dma_wait3A_354, %dma_wait3A_355, %dma_wait3A_360] : memref<2x3x80xi32, #tpu.memory_space<vmem>> -> memref<1x1x80xi32, #tpu.memory_space<vmem>>
        %dma_wait3A_362 = tpu.memref_squeeze %dma_wait3A_361 : memref<1x1x80xi32, #tpu.memory_space<vmem>> -> memref<80xi32, #tpu.memory_space<vmem>>
        %dma_wait3A_363 = tpu.memref_slice %arg5[%multiple_of3A_333] : memref<320000xi32, #tpu.memory_space<hbm>> -> memref<80xi32, #tpu.memory_space<hbm>>
        tpu.wait_dma2 semaphore(%arg15 : memref<!tpu.dma_semaphore, #tpu.memory_space<semaphore_mem>>) src(%dma_wait3A_363 : memref<80xi32, #tpu.memory_space<hbm>>) dst(%dma_wait3A_362 : memref<80xi32, #tpu.memory_space<vmem>>)
        %dma_start3A_364 = arith.constant 1 : i32
        %dma_start3A_365 = arith.constant 0 : i32
        %dma_start3A_366 = arith.constant 1 : i32
        %dma_start3A_367 = arith.constant 0 : i32
        %dma_start3A_368 = arith.constant 0 : i32
        %dma_start3A_369 = tpu.memref_slice %arg11[%dma_start3A_366, %dma_start3A_367, %dma_start3A_368] : memref<2x80x64xi32, #tpu.memory_space<vmem>> -> memref<1x80x64xi32, #tpu.memory_space<vmem>>
        %dma_start3A_370 = tpu.memref_squeeze %dma_start3A_369 : memref<1x80x64xi32, #tpu.memory_space<vmem>> -> memref<80x64xi32, #tpu.memory_space<vmem>>
        %dma_start3A_371 = arith.constant 0 : i32
        %dma_start3A_372 = tpu.memref_slice %arg10[%dma_start3A_364, %dma_start3A_365, %dma_start3A_371] : memref<2x3x80xi32, #tpu.memory_space<vmem>> -> memref<1x1x80xi32, #tpu.memory_space<vmem>>
        %dma_start3A_373 = tpu.memref_squeeze %dma_start3A_372 : memref<1x1x80xi32, #tpu.memory_space<vmem>> -> memref<80xi32, #tpu.memory_space<vmem>>
        %dma_start3A_374 = arith.constant 0 : i32
        %dma_start3A_375 = arith.constant 0 : i32
        %dma_start3A_376 = tpu.memref_slice %arg8[%dma_start3A_374, %dma_start3A_375] : memref<10000x64xi32, #tpu.memory_space<vmem_shared>> -> memref<10000x64xi32, #tpu.memory_space<vmem_shared>>
        tpu.enqueue_indirect_dma source(%dma_start3A_376 : memref<10000x64xi32, #tpu.memory_space<vmem_shared>>) target(%dma_start3A_370 : memref<80x64xi32, #tpu.memory_space<vmem>>) offsets(%dma_start3A_373 : memref<80xi32, #tpu.memory_space<vmem>>) semaphore(%arg16 : memref<!tpu.dma_semaphore, #tpu.memory_space<semaphore_mem>>)
        %dma_start3A_377 = arith.constant 1 : i32
        %dma_start3A_378 = arith.constant 1 : i32
        %dma_start3A_379 = arith.constant 1 : i32
        %dma_start3A_380 = arith.constant 0 : i32
        %dma_start3A_381 = arith.constant 0 : i32
        %dma_start3A_382 = tpu.memref_slice %arg12[%dma_start3A_379, %dma_start3A_380, %dma_start3A_381] : memref<2x80x64xi32, #tpu.memory_space<vmem>> -> memref<1x80x64xi32, #tpu.memory_space<vmem>>
        %dma_start3A_383 = tpu.memref_squeeze %dma_start3A_382 : memref<1x80x64xi32, #tpu.memory_space<vmem>> -> memref<80x64xi32, #tpu.memory_space<vmem>>
        %dma_start3A_384 = arith.constant 0 : i32
        %dma_start3A_385 = tpu.memref_slice %arg10[%dma_start3A_377, %dma_start3A_378, %dma_start3A_384] : memref<2x3x80xi32, #tpu.memory_space<vmem>> -> memref<1x1x80xi32, #tpu.memory_space<vmem>>
        %dma_start3A_386 = tpu.memref_squeeze %dma_start3A_385 : memref<1x1x80xi32, #tpu.memory_space<vmem>> -> memref<80xi32, #tpu.memory_space<vmem>>
        %dma_start3A_387 = arith.constant 0 : i32
        %dma_start3A_388 = arith.constant 0 : i32
        %dma_start3A_389 = tpu.memref_slice %arg8[%dma_start3A_387, %dma_start3A_388] : memref<10000x64xi32, #tpu.memory_space<vmem_shared>> -> memref<10000x64xi32, #tpu.memory_space<vmem_shared>>
        tpu.enqueue_indirect_dma source(%dma_start3A_389 : memref<10000x64xi32, #tpu.memory_space<vmem_shared>>) target(%dma_start3A_383 : memref<80x64xi32, #tpu.memory_space<vmem>>) offsets(%dma_start3A_386 : memref<80xi32, #tpu.memory_space<vmem>>) semaphore(%arg16 : memref<!tpu.dma_semaphore, #tpu.memory_space<semaphore_mem>>)
        %dma_start3A_390 = arith.constant 1 : i32
        %dma_start3A_391 = arith.constant 2 : i32
        %dma_start3A_392 = arith.constant 1 : i32
        %dma_start3A_393 = arith.constant 0 : i32
        %dma_start3A_394 = arith.constant 0 : i32
        %dma_start3A_395 = tpu.memref_slice %arg13[%dma_start3A_392, %dma_start3A_393, %dma_start3A_394] : memref<2x80x64xi32, #tpu.memory_space<vmem>> -> memref<1x80x64xi32, #tpu.memory_space<vmem>>
        %dma_start3A_396 = tpu.memref_squeeze %dma_start3A_395 : memref<1x80x64xi32, #tpu.memory_space<vmem>> -> memref<80x64xi32, #tpu.memory_space<vmem>>
        %dma_start3A_397 = arith.constant 0 : i32
        %dma_start3A_398 = tpu.memref_slice %arg10[%dma_start3A_390, %dma_start3A_391, %dma_start3A_397] : memref<2x3x80xi32, #tpu.memory_space<vmem>> -> memref<1x1x80xi32, #tpu.memory_space<vmem>>
        %dma_start3A_399 = tpu.memref_squeeze %dma_start3A_398 : memref<1x1x80xi32, #tpu.memory_space<vmem>> -> memref<80xi32, #tpu.memory_space<vmem>>
        %dma_start3A_400 = arith.constant 0 : i32
        %dma_start3A_401 = arith.constant 0 : i32
        %dma_start3A_402 = tpu.memref_slice %arg9[%dma_start3A_400, %dma_start3A_401] : memref<500x64xi32, #tpu.memory_space<vmem_shared>> -> memref<500x64xi32, #tpu.memory_space<vmem_shared>>
        tpu.enqueue_indirect_dma source(%dma_start3A_402 : memref<500x64xi32, #tpu.memory_space<vmem_shared>>) target(%dma_start3A_396 : memref<80x64xi32, #tpu.memory_space<vmem>>) offsets(%dma_start3A_399 : memref<80xi32, #tpu.memory_space<vmem>>) semaphore(%arg16 : memref<!tpu.dma_semaphore, #tpu.memory_space<semaphore_mem>>)
      } else {
      }
      %add3A_246 = arith.constant 2 : i32
      %add3A_247 = arith.addi %add3A_200, %add3A_246 : i32
      %lt3A_248 = arith.constant 125 : i32
      %lt3A_249 = arith.cmpi slt, %add3A_247, %lt3A_248 : i32
      %convert_element_type3A_250 = arith.extui %lt3A_249 : i1 to i32
      %cond3A_251 = arith.constant 0 : i32
      %cond3A_252 = arith.cmpi ne, %convert_element_type3A_250, %cond3A_251 : i32
      scf.if %cond3A_252 {
        %add3A_328 = arith.constant 2 : i32
        %add3A_329 = arith.addi %add3A_200, %add3A_328 : i32
        %mul3A_330 = arith.constant 80 : i32
        %mul3A_331 = arith.muli %add3A_329, %mul3A_330 : i32
        %add3A_332 = arith.addi %multiple_of3A_7, %mul3A_331 : i32
        %multiple_of3A_333 = tpu.assume_multiple %add3A_332, 8 : i32
        %dma_start3A_334 = arith.constant 0 : i32
        %dma_start3A_335 = arith.constant 0 : i32
        %dma_start3A_336 = arith.constant 0 : i32
        %dma_start3A_337 = tpu.memref_slice %arg10[%dma_start3A_334, %dma_start3A_335, %dma_start3A_336] : memref<2x3x80xi32, #tpu.memory_space<vmem>> -> memref<1x1x80xi32, #tpu.memory_space<vmem>>
        %dma_start3A_338 = tpu.memref_squeeze %dma_start3A_337 : memref<1x1x80xi32, #tpu.memory_space<vmem>> -> memref<80xi32, #tpu.memory_space<vmem>>
        %dma_start3A_339 = tpu.memref_slice %arg3[%multiple_of3A_333] : memref<320000xi32, #tpu.memory_space<hbm>> -> memref<80xi32, #tpu.memory_space<hbm>>
        %dma_start3A_340 = arith.constant 0 : i32
        %dma_start3A_341 = tpu.memref_slice %arg10[%dma_start3A_334, %dma_start3A_335, %dma_start3A_340] : memref<2x3x80xi32, #tpu.memory_space<vmem>> -> memref<1x1x80xi32, #tpu.memory_space<vmem>>
        %dma_start3A_342 = tpu.memref_squeeze %dma_start3A_341 : memref<1x1x80xi32, #tpu.memory_space<vmem>> -> memref<80xi32, #tpu.memory_space<vmem>>
        %dma_start3A_343 = tpu.memref_slice %arg3[%multiple_of3A_333] : memref<320000xi32, #tpu.memory_space<hbm>> -> memref<80xi32, #tpu.memory_space<hbm>>
        tpu.enqueue_dma source(%dma_start3A_343 : memref<80xi32, #tpu.memory_space<hbm>>) target(%dma_start3A_342 : memref<80xi32, #tpu.memory_space<vmem>>) target_semaphore(%arg15 : memref<!tpu.dma_semaphore, #tpu.memory_space<semaphore_mem>>)
        %dma_start3A_344 = arith.constant 0 : i32
        %dma_start3A_345 = arith.constant 1 : i32
        %dma_start3A_346 = arith.constant 0 : i32
        %dma_start3A_347 = tpu.memref_slice %arg10[%dma_start3A_344, %dma_start3A_345, %dma_start3A_346] : memref<2x3x80xi32, #tpu.memory_space<vmem>> -> memref<1x1x80xi32, #tpu.memory_space<vmem>>
        %dma_start3A_348 = tpu.memref_squeeze %dma_start3A_347 : memref<1x1x80xi32, #tpu.memory_space<vmem>> -> memref<80xi32, #tpu.memory_space<vmem>>
        %dma_start3A_349 = tpu.memref_slice %arg4[%multiple_of3A_333] : memref<320000xi32, #tpu.memory_space<hbm>> -> memref<80xi32, #tpu.memory_space<hbm>>
        %dma_start3A_350 = arith.constant 0 : i32
        %dma_start3A_351 = tpu.memref_slice %arg10[%dma_start3A_344, %dma_start3A_345, %dma_start3A_350] : memref<2x3x80xi32, #tpu.memory_space<vmem>> -> memref<1x1x80xi32, #tpu.memory_space<vmem>>
        %dma_start3A_352 = tpu.memref_squeeze %dma_start3A_351 : memref<1x1x80xi32, #tpu.memory_space<vmem>> -> memref<80xi32, #tpu.memory_space<vmem>>
        %dma_start3A_353 = tpu.memref_slice %arg4[%multiple_of3A_333] : memref<320000xi32, #tpu.memory_space<hbm>> -> memref<80xi32, #tpu.memory_space<hbm>>
        tpu.enqueue_dma source(%dma_start3A_353 : memref<80xi32, #tpu.memory_space<hbm>>) target(%dma_start3A_352 : memref<80xi32, #tpu.memory_space<vmem>>) target_semaphore(%arg15 : memref<!tpu.dma_semaphore, #tpu.memory_space<semaphore_mem>>)
        %dma_start3A_354 = arith.constant 0 : i32
        %dma_start3A_355 = arith.constant 2 : i32
        %dma_start3A_356 = arith.constant 0 : i32
        %dma_start3A_357 = tpu.memref_slice %arg10[%dma_start3A_354, %dma_start3A_355, %dma_start3A_356] : memref<2x3x80xi32, #tpu.memory_space<vmem>> -> memref<1x1x80xi32, #tpu.memory_space<vmem>>
        %dma_start3A_358 = tpu.memref_squeeze %dma_start3A_357 : memref<1x1x80xi32, #tpu.memory_space<vmem>> -> memref<80xi32, #tpu.memory_space<vmem>>
        %dma_start3A_359 = tpu.memref_slice %arg5[%multiple_of3A_333] : memref<320000xi32, #tpu.memory_space<hbm>> -> memref<80xi32, #tpu.memory_space<hbm>>
        %dma_start3A_360 = arith.constant 0 : i32
        %dma_start3A_361 = tpu.memref_slice %arg10[%dma_start3A_354, %dma_start3A_355, %dma_start3A_360] : memref<2x3x80xi32, #tpu.memory_space<vmem>> -> memref<1x1x80xi32, #tpu.memory_space<vmem>>
        %dma_start3A_362 = tpu.memref_squeeze %dma_start3A_361 : memref<1x1x80xi32, #tpu.memory_space<vmem>> -> memref<80xi32, #tpu.memory_space<vmem>>
        %dma_start3A_363 = tpu.memref_slice %arg5[%multiple_of3A_333] : memref<320000xi32, #tpu.memory_space<hbm>> -> memref<80xi32, #tpu.memory_space<hbm>>
        tpu.enqueue_dma source(%dma_start3A_363 : memref<80xi32, #tpu.memory_space<hbm>>) target(%dma_start3A_362 : memref<80xi32, #tpu.memory_space<vmem>>) target_semaphore(%arg15 : memref<!tpu.dma_semaphore, #tpu.memory_space<semaphore_mem>>)
      } else {
      }
      %mul3A_253 = arith.constant 80 : i32
      %mul3A_254 = arith.muli %add3A_200, %mul3A_253 : i32
      %multiple_of3A_255 = tpu.assume_multiple %mul3A_254, 8 : i32
      %scan3A_256 = arith.constant 0 : i32
      %scan3A_257 = arith.constant 0 : i32
      %scan3A_258 = arith.constant 5 : i32
      %scan3A_259 = arith.addi %scan3A_257, %scan3A_258 : i32
      %scan3A_260 = arith.constant 1 : i32
      scf.for %scan3A_328 = %scan3A_257 to %scan3A_259 step %scan3A_260  : i32 {
        %mul3A_329 = arith.constant 16 : i32
        %mul3A_330 = arith.muli %scan3A_328, %mul3A_329 : i32
        %broadcast_in_dim3A = arith.constant 0.000000e+00 : f32
        %broadcast_in_dim3A_331 = vector.broadcast %broadcast_in_dim3A : f32 to vector<16xf32>
        %scan3A_332 = arith.constant 0 : i32
        %scan3A_333 = arith.constant 2 : i32
        %scan3A_334 = arith.addi %scan3A_332, %scan3A_333 : i32
        %scan3A_335 = arith.constant 1 : i32
        %scan3A_336 = scf.for %scan3A_340 = %scan3A_332 to %scan3A_334 step %scan3A_335 iter_args(%scan3A_341 = %broadcast_in_dim3A_331) -> (vector<16xf32>)  : i32 {
          %mul3A_342 = arith.constant 8 : i32
          %mul3A_343 = arith.muli %scan3A_340, %mul3A_342 : i32
          %add3A_344 = arith.addi %mul3A_330, %mul3A_343 : i32
          %add3A_345 = arith.constant 0 : i32
          %add3A_346 = arith.addi %add3A_344, %add3A_345 : i32
          %broadcast_in_dim3A_347 = arith.constant 0.000000e+00 : f32
          %broadcast_in_dim3A_348 = vector.broadcast %broadcast_in_dim3A_347 : f32 to vector<16xf32>
          %get3A = arith.constant 0 : i32
          %get3A_349 = arith.index_cast %get3A : i32 to index
          %get3A_350 = arith.index_cast %add3A_346 : i32 to index
          %get3A_351 = arith.constant 0 : index
          %get3A_352 = tpu.vector_load %arg11[%get3A_349, %get3A_350, %get3A_351] {strides = array<i32>} : memref<2x80x64xi32, #tpu.memory_space<vmem>>, vector<16xi32>,
          %bitcast3A = vector.bitcast %get3A_352 : vector<16xi32> to vector<32xbf16>
          %get3A_353 = arith.constant 0 : i32
          %get3A_354 = arith.index_cast %get3A_353 : i32 to index
          %get3A_355 = arith.index_cast %add3A_346 : i32 to index
          %get3A_356 = arith.constant 0 : index
          %get3A_357 = tpu.vector_load %arg13[%get3A_354, %get3A_355, %get3A_356] {strides = array<i32>} : memref<2x80x64xi32, #tpu.memory_space<vmem>>, vector<16xi32>,
          %bitcast3A_358 = vector.bitcast %get3A_357 : vector<16xi32> to vector<32xbf16>
          %get3A_359 = arith.constant 0 : i32
          %get3A_360 = arith.index_cast %get3A_359 : i32 to index
          %get3A_361 = arith.index_cast %add3A_346 : i32 to index
          %get3A_362 = arith.constant 0 : index
          %get3A_363 = tpu.vector_load %arg12[%get3A_360, %get3A_361, %get3A_362] {strides = array<i32>} : memref<2x80x64xi32, #tpu.memory_space<vmem>>, vector<16xi32>,
          %bitcast3A_364 = vector.bitcast %get3A_363 : vector<16xi32> to vector<32xbf16>
          %unpack3A = tpu.unpack_subelements %bitcast3A, 0 {pack_format = #tpu.pack_format<interleaved>} : vector<32xbf16> -> vector<16xf32>
          %unpack3A_365 = tpu.unpack_subelements %bitcast3A, 1 {pack_format = #tpu.pack_format<interleaved>} : vector<32xbf16> -> vector<16xf32>
          %unpack3A_366 = tpu.unpack_subelements %bitcast3A_358, 0 {pack_format = #tpu.pack_format<interleaved>} : vector<32xbf16> -> vector<16xf32>
          %unpack3A_367 = tpu.unpack_subelements %bitcast3A_358, 1 {pack_format = #tpu.pack_format<interleaved>} : vector<32xbf16> -> vector<16xf32>
          %unpack3A_368 = tpu.unpack_subelements %bitcast3A_364, 0 {pack_format = #tpu.pack_format<interleaved>} : vector<32xbf16> -> vector<16xf32>
          %unpack3A_369 = tpu.unpack_subelements %bitcast3A_364, 1 {pack_format = #tpu.pack_format<interleaved>} : vector<32xbf16> -> vector<16xf32>
          %mul3A_370 = arith.mulf %unpack3A, %unpack3A_366 : vector<16xf32>
          %mul3A_371 = arith.mulf %mul3A_370, %unpack3A_368 : vector<16xf32>
          %add3A_372 = arith.addf %broadcast_in_dim3A_348, %mul3A_371 : vector<16xf32>
          %mul3A_373 = arith.mulf %unpack3A_365, %unpack3A_367 : vector<16xf32>
          %mul3A_374 = arith.mulf %mul3A_373, %unpack3A_369 : vector<16xf32>
          %add3A_375 = arith.addf %add3A_372, %mul3A_374 : vector<16xf32>
          %get3A_376 = arith.constant 0 : i32
          %get3A_377 = arith.index_cast %get3A_376 : i32 to index
          %get3A_378 = arith.index_cast %add3A_346 : i32 to index
          %get3A_379 = arith.constant 16 : index
          %get3A_380 = tpu.vector_load %arg11[%get3A_377, %get3A_378, %get3A_379] {strides = array<i32>} : memref<2x80x64xi32, #tpu.memory_space<vmem>>, vector<16xi32>,
          %bitcast3A_381 = vector.bitcast %get3A_380 : vector<16xi32> to vector<32xbf16>
          %get3A_382 = arith.constant 0 : i32
          %get3A_383 = arith.index_cast %get3A_382 : i32 to index
          %get3A_384 = arith.index_cast %add3A_346 : i32 to index
          %get3A_385 = arith.constant 16 : index
          %get3A_386 = tpu.vector_load %arg13[%get3A_383, %get3A_384, %get3A_385] {strides = array<i32>} : memref<2x80x64xi32, #tpu.memory_space<vmem>>, vector<16xi32>,
          %bitcast3A_387 = vector.bitcast %get3A_386 : vector<16xi32> to vector<32xbf16>
          %get3A_388 = arith.constant 0 : i32
          %get3A_389 = arith.index_cast %get3A_388 : i32 to index
          %get3A_390 = arith.index_cast %add3A_346 : i32 to index
          %get3A_391 = arith.constant 16 : index
          %get3A_392 = tpu.vector_load %arg12[%get3A_389, %get3A_390, %get3A_391] {strides = array<i32>} : memref<2x80x64xi32, #tpu.memory_space<vmem>>, vector<16xi32>,
          %bitcast3A_393 = vector.bitcast %get3A_392 : vector<16xi32> to vector<32xbf16>
          %unpack3A_394 = tpu.unpack_subelements %bitcast3A_381, 0 {pack_format = #tpu.pack_format<interleaved>} : vector<32xbf16> -> vector<16xf32>
          %unpack3A_395 = tpu.unpack_subelements %bitcast3A_381, 1 {pack_format = #tpu.pack_format<interleaved>} : vector<32xbf16> -> vector<16xf32>
          %unpack3A_396 = tpu.unpack_subelements %bitcast3A_387, 0 {pack_format = #tpu.pack_format<interleaved>} : vector<32xbf16> -> vector<16xf32>
          %unpack3A_397 = tpu.unpack_subelements %bitcast3A_387, 1 {pack_format = #tpu.pack_format<interleaved>} : vector<32xbf16> -> vector<16xf32>
          %unpack3A_398 = tpu.unpack_subelements %bitcast3A_393, 0 {pack_format = #tpu.pack_format<interleaved>} : vector<32xbf16> -> vector<16xf32>
          %unpack3A_399 = tpu.unpack_subelements %bitcast3A_393, 1 {pack_format = #tpu.pack_format<interleaved>} : vector<32xbf16> -> vector<16xf32>
          %mul3A_400 = arith.mulf %unpack3A_394, %unpack3A_396 : vector<16xf32>
          %mul3A_401 = arith.mulf %mul3A_400, %unpack3A_398 : vector<16xf32>
          %add3A_402 = arith.addf %add3A_375, %mul3A_401 : vector<16xf32>
          %mul3A_403 = arith.mulf %unpack3A_395, %unpack3A_397 : vector<16xf32>
          %mul3A_404 = arith.mulf %mul3A_403, %unpack3A_399 : vector<16xf32>
          %add3A_405 = arith.addf %add3A_402, %mul3A_404 : vector<16xf32>
          %get3A_406 = arith.constant 0 : i32
          %get3A_407 = arith.index_cast %get3A_406 : i32 to index
          %get3A_408 = arith.index_cast %add3A_346 : i32 to index
          %get3A_409 = arith.constant 32 : index
          %get3A_410 = tpu.vector_load %arg11[%get3A_407, %get3A_408, %get3A_409] {strides = array<i32>} : memref<2x80x64xi32, #tpu.memory_space<vmem>>, vector<16xi32>,
          %bitcast3A_411 = vector.bitcast %get3A_410 : vector<16xi32> to vector<32xbf16>
          %get3A_412 = arith.constant 0 : i32
          %get3A_413 = arith.index_cast %get3A_412 : i32 to index
          %get3A_414 = arith.index_cast %add3A_346 : i32 to index
          %get3A_415 = arith.constant 32 : index
          %get3A_416 = tpu.vector_load %arg13[%get3A_413, %get3A_414, %get3A_415] {strides = array<i32>} : memref<2x80x64xi32, #tpu.memory_space<vmem>>, vector<16xi32>,
          %bitcast3A_417 = vector.bitcast %get3A_416 : vector<16xi32> to vector<32xbf16>
          %get3A_418 = arith.constant 0 : i32
          %get3A_419 = arith.index_cast %get3A_418 : i32 to index
          %get3A_420 = arith.index_cast %add3A_346 : i32 to index
          %get3A_421 = arith.constant 32 : index
          %get3A_422 = tpu.vector_load %arg12[%get3A_419, %get3A_420, %get3A_421] {strides = array<i32>} : memref<2x80x64xi32, #tpu.memory_space<vmem>>, vector<16xi32>,
          %bitcast3A_423 = vector.bitcast %get3A_422 : vector<16xi32> to vector<32xbf16>
          %unpack3A_424 = tpu.unpack_subelements %bitcast3A_411, 0 {pack_format = #tpu.pack_format<interleaved>} : vector<32xbf16> -> vector<16xf32>
          %unpack3A_425 = tpu.unpack_subelements %bitcast3A_411, 1 {pack_format = #tpu.pack_format<interleaved>} : vector<32xbf16> -> vector<16xf32>
          %unpack3A_426 = tpu.unpack_subelements %bitcast3A_417, 0 {pack_format = #tpu.pack_format<interleaved>} : vector<32xbf16> -> vector<16xf32>
          %unpack3A_427 = tpu.unpack_subelements %bitcast3A_417, 1 {pack_format = #tpu.pack_format<interleaved>} : vector<32xbf16> -> vector<16xf32>
          %unpack3A_428 = tpu.unpack_subelements %bitcast3A_423, 0 {pack_format = #tpu.pack_format<interleaved>} : vector<32xbf16> -> vector<16xf32>
          %unpack3A_429 = tpu.unpack_subelements %bitcast3A_423, 1 {pack_format = #tpu.pack_format<interleaved>} : vector<32xbf16> -> vector<16xf32>
          %mul3A_430 = arith.mulf %unpack3A_424, %unpack3A_426 : vector<16xf32>
          %mul3A_431 = arith.mulf %mul3A_430, %unpack3A_428 : vector<16xf32>
          %add3A_432 = arith.addf %add3A_405, %mul3A_431 : vector<16xf32>
          %mul3A_433 = arith.mulf %unpack3A_425, %unpack3A_427 : vector<16xf32>
          %mul3A_434 = arith.mulf %mul3A_433, %unpack3A_429 : vector<16xf32>
          %add3A_435 = arith.addf %add3A_432, %mul3A_434 : vector<16xf32>
          %get3A_436 = arith.constant 0 : i32
          %get3A_437 = arith.index_cast %get3A_436 : i32 to index
          %get3A_438 = arith.index_cast %add3A_346 : i32 to index
          %get3A_439 = arith.constant 48 : index
          %get3A_440 = tpu.vector_load %arg11[%get3A_437, %get3A_438, %get3A_439] {strides = array<i32>} : memref<2x80x64xi32, #tpu.memory_space<vmem>>, vector<16xi32>,
          %bitcast3A_441 = vector.bitcast %get3A_440 : vector<16xi32> to vector<32xbf16>
          %get3A_442 = arith.constant 0 : i32
          %get3A_443 = arith.index_cast %get3A_442 : i32 to index
          %get3A_444 = arith.index_cast %add3A_346 : i32 to index
          %get3A_445 = arith.constant 48 : index
          %get3A_446 = tpu.vector_load %arg13[%get3A_443, %get3A_444, %get3A_445] {strides = array<i32>} : memref<2x80x64xi32, #tpu.memory_space<vmem>>, vector<16xi32>,
          %bitcast3A_447 = vector.bitcast %get3A_446 : vector<16xi32> to vector<32xbf16>
          %get3A_448 = arith.constant 0 : i32
          %get3A_449 = arith.index_cast %get3A_448 : i32 to index
          %get3A_450 = arith.index_cast %add3A_346 : i32 to index
          %get3A_451 = arith.constant 48 : index
          %get3A_452 = tpu.vector_load %arg12[%get3A_449, %get3A_450, %get3A_451] {strides = array<i32>} : memref<2x80x64xi32, #tpu.memory_space<vmem>>, vector<16xi32>,
          %bitcast3A_453 = vector.bitcast %get3A_452 : vector<16xi32> to vector<32xbf16>
          %unpack3A_454 = tpu.unpack_subelements %bitcast3A_441, 0 {pack_format = #tpu.pack_format<interleaved>} : vector<32xbf16> -> vector<16xf32>
          %unpack3A_455 = tpu.unpack_subelements %bitcast3A_441, 1 {pack_format = #tpu.pack_format<interleaved>} : vector<32xbf16> -> vector<16xf32>
          %unpack3A_456 = tpu.unpack_subelements %bitcast3A_447, 0 {pack_format = #tpu.pack_format<interleaved>} : vector<32xbf16> -> vector<16xf32>
          %unpack3A_457 = tpu.unpack_subelements %bitcast3A_447, 1 {pack_format = #tpu.pack_format<interleaved>} : vector<32xbf16> -> vector<16xf32>
          %unpack3A_458 = tpu.unpack_subelements %bitcast3A_453, 0 {pack_format = #tpu.pack_format<interleaved>} : vector<32xbf16> -> vector<16xf32>
          %unpack3A_459 = tpu.unpack_subelements %bitcast3A_453, 1 {pack_format = #tpu.pack_format<interleaved>} : vector<32xbf16> -> vector<16xf32>
          %mul3A_460 = arith.mulf %unpack3A_454, %unpack3A_456 : vector<16xf32>
          %mul3A_461 = arith.mulf %mul3A_460, %unpack3A_458 : vector<16xf32>
          %add3A_462 = arith.addf %add3A_435, %mul3A_461 : vector<16xf32>
          %mul3A_463 = arith.mulf %unpack3A_455, %unpack3A_457 : vector<16xf32>
          %mul3A_464 = arith.mulf %mul3A_463, %unpack3A_459 : vector<16xf32>
          %add3A_465 = arith.addf %add3A_462, %mul3A_464 : vector<16xf32>
          %mul3A_466 = arith.constant 8 : i32
          %mul3A_467 = arith.muli %scan3A_340, %mul3A_466 : i32
          %add3A_468 = arith.constant 0 : i32
          %add3A_469 = arith.addi %mul3A_467, %add3A_468 : i32
          %eq3A_470 = vector.broadcast %add3A_469 : i32 to vector<16xi32>
          %eq3A_471 = arith.cmpi eq, %iota3A, %eq3A_470 : vector<16xi32>
          %reduce_sum3A = arith.constant true
          %reduce_sum3A_472 = vector.broadcast %reduce_sum3A : i1 to vector<16xi1>
          %reduce_sum3A_473 = tpu.scan <sum>, %add3A_465 masked %reduce_sum3A_472 : vector<16xf32>, vector<16xi1> -> vector<16xf32>
          %reduce_sum3A_474 = vector.extract %reduce_sum3A_473[15] : f32 from vector<16xf32>
          %broadcast_in_dim3A_475 = vector.broadcast %reduce_sum3A_474 : f32 to vector<16xf32>
          %select_n3A = arith.select %eq3A_471, %broadcast_in_dim3A_475, %scan3A_341 : vector<16xi1>, vector<16xf32>
          %mul3A_476 = arith.constant 8 : i32
          %mul3A_477 = arith.muli %scan3A_340, %mul3A_476 : i32
          %add3A_478 = arith.addi %mul3A_330, %mul3A_477 : i32
          %add3A_479 = arith.constant 1 : i32
          %add3A_480 = arith.addi %add3A_478, %add3A_479 : i32
          %broadcast_in_dim3A_481 = arith.constant 0.000000e+00 : f32
          %broadcast_in_dim3A_482 = vector.broadcast %broadcast_in_dim3A_481 : f32 to vector<16xf32>
          %get3A_483 = arith.constant 0 : i32
          %get3A_484 = arith.index_cast %get3A_483 : i32 to index
          %get3A_485 = arith.index_cast %add3A_480 : i32 to index
          %get3A_486 = arith.constant 0 : index
          %get3A_487 = tpu.vector_load %arg11[%get3A_484, %get3A_485, %get3A_486] {strides = array<i32>} : memref<2x80x64xi32, #tpu.memory_space<vmem>>, vector<16xi32>,
          %bitcast3A_488 = vector.bitcast %get3A_487 : vector<16xi32> to vector<32xbf16>
          %get3A_489 = arith.constant 0 : i32
          %get3A_490 = arith.index_cast %get3A_489 : i32 to index
          %get3A_491 = arith.index_cast %add3A_480 : i32 to index
          %get3A_492 = arith.constant 0 : index
          %get3A_493 = tpu.vector_load %arg13[%get3A_490, %get3A_491, %get3A_492] {strides = array<i32>} : memref<2x80x64xi32, #tpu.memory_space<vmem>>, vector<16xi32>,
          %bitcast3A_494 = vector.bitcast %get3A_493 : vector<16xi32> to vector<32xbf16>
          %get3A_495 = arith.constant 0 : i32
          %get3A_496 = arith.index_cast %get3A_495 : i32 to index
          %get3A_497 = arith.index_cast %add3A_480 : i32 to index
          %get3A_498 = arith.constant 0 : index
          %get3A_499 = tpu.vector_load %arg12[%get3A_496, %get3A_497, %get3A_498] {strides = array<i32>} : memref<2x80x64xi32, #tpu.memory_space<vmem>>, vector<16xi32>,
          %bitcast3A_500 = vector.bitcast %get3A_499 : vector<16xi32> to vector<32xbf16>
          %unpack3A_501 = tpu.unpack_subelements %bitcast3A_488, 0 {pack_format = #tpu.pack_format<interleaved>} : vector<32xbf16> -> vector<16xf32>
          %unpack3A_502 = tpu.unpack_subelements %bitcast3A_488, 1 {pack_format = #tpu.pack_format<interleaved>} : vector<32xbf16> -> vector<16xf32>
          %unpack3A_503 = tpu.unpack_subelements %bitcast3A_494, 0 {pack_format = #tpu.pack_format<interleaved>} : vector<32xbf16> -> vector<16xf32>
          %unpack3A_504 = tpu.unpack_subelements %bitcast3A_494, 1 {pack_format = #tpu.pack_format<interleaved>} : vector<32xbf16> -> vector<16xf32>
          %unpack3A_505 = tpu.unpack_subelements %bitcast3A_500, 0 {pack_format = #tpu.pack_format<interleaved>} : vector<32xbf16> -> vector<16xf32>
          %unpack3A_506 = tpu.unpack_subelements %bitcast3A_500, 1 {pack_format = #tpu.pack_format<interleaved>} : vector<32xbf16> -> vector<16xf32>
          %mul3A_507 = arith.mulf %unpack3A_501, %unpack3A_503 : vector<16xf32>
          %mul3A_508 = arith.mulf %mul3A_507, %unpack3A_505 : vector<16xf32>
          %add3A_509 = arith.addf %broadcast_in_dim3A_482, %mul3A_508 : vector<16xf32>
          %mul3A_510 = arith.mulf %unpack3A_502, %unpack3A_504 : vector<16xf32>
          %mul3A_511 = arith.mulf %mul3A_510, %unpack3A_506 : vector<16xf32>
          %add3A_512 = arith.addf %add3A_509, %mul3A_511 : vector<16xf32>
          %get3A_513 = arith.constant 0 : i32
          %get3A_514 = arith.index_cast %get3A_513 : i32 to index
          %get3A_515 = arith.index_cast %add3A_480 : i32 to index
          %get3A_516 = arith.constant 16 : index
          %get3A_517 = tpu.vector_load %arg11[%get3A_514, %get3A_515, %get3A_516] {strides = array<i32>} : memref<2x80x64xi32, #tpu.memory_space<vmem>>, vector<16xi32>,
          %bitcast3A_518 = vector.bitcast %get3A_517 : vector<16xi32> to vector<32xbf16>
          %get3A_519 = arith.constant 0 : i32
          %get3A_520 = arith.index_cast %get3A_519 : i32 to index
          %get3A_521 = arith.index_cast %add3A_480 : i32 to index
          %get3A_522 = arith.constant 16 : index
          %get3A_523 = tpu.vector_load %arg13[%get3A_520, %get3A_521, %get3A_522] {strides = array<i32>} : memref<2x80x64xi32, #tpu.memory_space<vmem>>, vector<16xi32>,
          %bitcast3A_524 = vector.bitcast %get3A_523 : vector<16xi32> to vector<32xbf16>
          %get3A_525 = arith.constant 0 : i32
          %get3A_526 = arith.index_cast %get3A_525 : i32 to index
          %get3A_527 = arith.index_cast %add3A_480 : i32 to index
          %get3A_528 = arith.constant 16 : index
          %get3A_529 = tpu.vector_load %arg12[%get3A_526, %get3A_527, %get3A_528] {strides = array<i32>} : memref<2x80x64xi32, #tpu.memory_space<vmem>>, vector<16xi32>,
          %bitcast3A_530 = vector.bitcast %get3A_529 : vector<16xi32> to vector<32xbf16>
          %unpack3A_531 = tpu.unpack_subelements %bitcast3A_518, 0 {pack_format = #tpu.pack_format<interleaved>} : vector<32xbf16> -> vector<16xf32>
          %unpack3A_532 = tpu.unpack_subelements %bitcast3A_518, 1 {pack_format = #tpu.pack_format<interleaved>} : vector<32xbf16> -> vector<16xf32>
          %unpack3A_533 = tpu.unpack_subelements %bitcast3A_524, 0 {pack_format = #tpu.pack_format<interleaved>} : vector<32xbf16> -> vector<16xf32>
          %unpack3A_534 = tpu.unpack_subelements %bitcast3A_524, 1 {pack_format = #tpu.pack_format<interleaved>} : vector<32xbf16> -> vector<16xf32>
          %unpack3A_535 = tpu.unpack_subelements %bitcast3A_530, 0 {pack_format = #tpu.pack_format<interleaved>} : vector<32xbf16> -> vector<16xf32>
          %unpack3A_536 = tpu.unpack_subelements %bitcast3A_530, 1 {pack_format = #tpu.pack_format<interleaved>} : vector<32xbf16> -> vector<16xf32>
          %mul3A_537 = arith.mulf %unpack3A_531, %unpack3A_533 : vector<16xf32>
          %mul3A_538 = arith.mulf %mul3A_537, %unpack3A_535 : vector<16xf32>
          %add3A_539 = arith.addf %add3A_512, %mul3A_538 : vector<16xf32>
          %mul3A_540 = arith.mulf %unpack3A_532, %unpack3A_534 : vector<16xf32>
          %mul3A_541 = arith.mulf %mul3A_540, %unpack3A_536 : vector<16xf32>
          %add3A_542 = arith.addf %add3A_539, %mul3A_541 : vector<16xf32>
          %get3A_543 = arith.constant 0 : i32
          %get3A_544 = arith.index_cast %get3A_543 : i32 to index
          %get3A_545 = arith.index_cast %add3A_480 : i32 to index
          %get3A_546 = arith.constant 32 : index
          %get3A_547 = tpu.vector_load %arg11[%get3A_544, %get3A_545, %get3A_546] {strides = array<i32>} : memref<2x80x64xi32, #tpu.memory_space<vmem>>, vector<16xi32>,
          %bitcast3A_548 = vector.bitcast %get3A_547 : vector<16xi32> to vector<32xbf16>
          %get3A_549 = arith.constant 0 : i32
          %get3A_550 = arith.index_cast %get3A_549 : i32 to index
          %get3A_551 = arith.index_cast %add3A_480 : i32 to index
          %get3A_552 = arith.constant 32 : index
          %get3A_553 = tpu.vector_load %arg13[%get3A_550, %get3A_551, %get3A_552] {strides = array<i32>} : memref<2x80x64xi32, #tpu.memory_space<vmem>>, vector<16xi32>,
          %bitcast3A_554 = vector.bitcast %get3A_553 : vector<16xi32> to vector<32xbf16>
          %get3A_555 = arith.constant 0 : i32
          %get3A_556 = arith.index_cast %get3A_555 : i32 to index
          %get3A_557 = arith.index_cast %add3A_480 : i32 to index
          %get3A_558 = arith.constant 32 : index
          %get3A_559 = tpu.vector_load %arg12[%get3A_556, %get3A_557, %get3A_558] {strides = array<i32>} : memref<2x80x64xi32, #tpu.memory_space<vmem>>, vector<16xi32>,
          %bitcast3A_560 = vector.bitcast %get3A_559 : vector<16xi32> to vector<32xbf16>
          %unpack3A_561 = tpu.unpack_subelements %bitcast3A_548, 0 {pack_format = #tpu.pack_format<interleaved>} : vector<32xbf16> -> vector<16xf32>
          %unpack3A_562 = tpu.unpack_subelements %bitcast3A_548, 1 {pack_format = #tpu.pack_format<interleaved>} : vector<32xbf16> -> vector<16xf32>
          %unpack3A_563 = tpu.unpack_subelements %bitcast3A_554, 0 {pack_format = #tpu.pack_format<interleaved>} : vector<32xbf16> -> vector<16xf32>
          %unpack3A_564 = tpu.unpack_subelements %bitcast3A_554, 1 {pack_format = #tpu.pack_format<interleaved>} : vector<32xbf16> -> vector<16xf32>
          %unpack3A_565 = tpu.unpack_subelements %bitcast3A_560, 0 {pack_format = #tpu.pack_format<interleaved>} : vector<32xbf16> -> vector<16xf32>
          %unpack3A_566 = tpu.unpack_subelements %bitcast3A_560, 1 {pack_format = #tpu.pack_format<interleaved>} : vector<32xbf16> -> vector<16xf32>
          %mul3A_567 = arith.mulf %unpack3A_561, %unpack3A_563 : vector<16xf32>
          %mul3A_568 = arith.mulf %mul3A_567, %unpack3A_565 : vector<16xf32>
          %add3A_569 = arith.addf %add3A_542, %mul3A_568 : vector<16xf32>
          %mul3A_570 = arith.mulf %unpack3A_562, %unpack3A_564 : vector<16xf32>
          %mul3A_571 = arith.mulf %mul3A_570, %unpack3A_566 : vector<16xf32>
          %add3A_572 = arith.addf %add3A_569, %mul3A_571 : vector<16xf32>
          %get3A_573 = arith.constant 0 : i32
          %get3A_574 = arith.index_cast %get3A_573 : i32 to index
          %get3A_575 = arith.index_cast %add3A_480 : i32 to index
          %get3A_576 = arith.constant 48 : index
          %get3A_577 = tpu.vector_load %arg11[%get3A_574, %get3A_575, %get3A_576] {strides = array<i32>} : memref<2x80x64xi32, #tpu.memory_space<vmem>>, vector<16xi32>,
          %bitcast3A_578 = vector.bitcast %get3A_577 : vector<16xi32> to vector<32xbf16>
          %get3A_579 = arith.constant 0 : i32
          %get3A_580 = arith.index_cast %get3A_579 : i32 to index
          %get3A_581 = arith.index_cast %add3A_480 : i32 to index
          %get3A_582 = arith.constant 48 : index
          %get3A_583 = tpu.vector_load %arg13[%get3A_580, %get3A_581, %get3A_582] {strides = array<i32>} : memref<2x80x64xi32, #tpu.memory_space<vmem>>, vector<16xi32>,
          %bitcast3A_584 = vector.bitcast %get3A_583 : vector<16xi32> to vector<32xbf16>
          %get3A_585 = arith.constant 0 : i32
          %get3A_586 = arith.index_cast %get3A_585 : i32 to index
          %get3A_587 = arith.index_cast %add3A_480 : i32 to index
          %get3A_588 = arith.constant 48 : index
          %get3A_589 = tpu.vector_load %arg12[%get3A_586, %get3A_587, %get3A_588] {strides = array<i32>} : memref<2x80x64xi32, #tpu.memory_space<vmem>>, vector<16xi32>,
          %bitcast3A_590 = vector.bitcast %get3A_589 : vector<16xi32> to vector<32xbf16>
          %unpack3A_591 = tpu.unpack_subelements %bitcast3A_578, 0 {pack_format = #tpu.pack_format<interleaved>} : vector<32xbf16> -> vector<16xf32>
          %unpack3A_592 = tpu.unpack_subelements %bitcast3A_578, 1 {pack_format = #tpu.pack_format<interleaved>} : vector<32xbf16> -> vector<16xf32>
          %unpack3A_593 = tpu.unpack_subelements %bitcast3A_584, 0 {pack_format = #tpu.pack_format<interleaved>} : vector<32xbf16> -> vector<16xf32>
          %unpack3A_594 = tpu.unpack_subelements %bitcast3A_584, 1 {pack_format = #tpu.pack_format<interleaved>} : vector<32xbf16> -> vector<16xf32>
          %unpack3A_595 = tpu.unpack_subelements %bitcast3A_590, 0 {pack_format = #tpu.pack_format<interleaved>} : vector<32xbf16> -> vector<16xf32>
          %unpack3A_596 = tpu.unpack_subelements %bitcast3A_590, 1 {pack_format = #tpu.pack_format<interleaved>} : vector<32xbf16> -> vector<16xf32>
          %mul3A_597 = arith.mulf %unpack3A_591, %unpack3A_593 : vector<16xf32>
          %mul3A_598 = arith.mulf %mul3A_597, %unpack3A_595 : vector<16xf32>
          %add3A_599 = arith.addf %add3A_572, %mul3A_598 : vector<16xf32>
          %mul3A_600 = arith.mulf %unpack3A_592, %unpack3A_594 : vector<16xf32>
          %mul3A_601 = arith.mulf %mul3A_600, %unpack3A_596 : vector<16xf32>
          %add3A_602 = arith.addf %add3A_599, %mul3A_601 : vector<16xf32>
          %mul3A_603 = arith.constant 8 : i32
          %mul3A_604 = arith.muli %scan3A_340, %mul3A_603 : i32
          %add3A_605 = arith.constant 1 : i32
          %add3A_606 = arith.addi %mul3A_604, %add3A_605 : i32
          %eq3A_607 = vector.broadcast %add3A_606 : i32 to vector<16xi32>
          %eq3A_608 = arith.cmpi eq, %iota3A, %eq3A_607 : vector<16xi32>
          %reduce_sum3A_609 = arith.constant true
          %reduce_sum3A_610 = vector.broadcast %reduce_sum3A_609 : i1 to vector<16xi1>
          %reduce_sum3A_611 = tpu.scan <sum>, %add3A_602 masked %reduce_sum3A_610 : vector<16xf32>, vector<16xi1> -> vector<16xf32>
          %reduce_sum3A_612 = vector.extract %reduce_sum3A_611[15] : f32 from vector<16xf32>
          %broadcast_in_dim3A_613 = vector.broadcast %reduce_sum3A_612 : f32 to vector<16xf32>
          %select_n3A_614 = arith.select %eq3A_608, %broadcast_in_dim3A_613, %select_n3A : vector<16xi1>, vector<16xf32>
          %mul3A_615 = arith.constant 8 : i32
          %mul3A_616 = arith.muli %scan3A_340, %mul3A_615 : i32
          %add3A_617 = arith.addi %mul3A_330, %mul3A_616 : i32
          %add3A_618 = arith.constant 2 : i32
          %add3A_619 = arith.addi %add3A_617, %add3A_618 : i32
          %broadcast_in_dim3A_620 = arith.constant 0.000000e+00 : f32
          %broadcast_in_dim3A_621 = vector.broadcast %broadcast_in_dim3A_620 : f32 to vector<16xf32>
          %get3A_622 = arith.constant 0 : i32
          %get3A_623 = arith.index_cast %get3A_622 : i32 to index
          %get3A_624 = arith.index_cast %add3A_619 : i32 to index
          %get3A_625 = arith.constant 0 : index
          %get3A_626 = tpu.vector_load %arg11[%get3A_623, %get3A_624, %get3A_625] {strides = array<i32>} : memref<2x80x64xi32, #tpu.memory_space<vmem>>, vector<16xi32>,
          %bitcast3A_627 = vector.bitcast %get3A_626 : vector<16xi32> to vector<32xbf16>
          %get3A_628 = arith.constant 0 : i32
          %get3A_629 = arith.index_cast %get3A_628 : i32 to index
          %get3A_630 = arith.index_cast %add3A_619 : i32 to index
          %get3A_631 = arith.constant 0 : index
          %get3A_632 = tpu.vector_load %arg13[%get3A_629, %get3A_630, %get3A_631] {strides = array<i32>} : memref<2x80x64xi32, #tpu.memory_space<vmem>>, vector<16xi32>,
          %bitcast3A_633 = vector.bitcast %get3A_632 : vector<16xi32> to vector<32xbf16>
          %get3A_634 = arith.constant 0 : i32
          %get3A_635 = arith.index_cast %get3A_634 : i32 to index
          %get3A_636 = arith.index_cast %add3A_619 : i32 to index
          %get3A_637 = arith.constant 0 : index
          %get3A_638 = tpu.vector_load %arg12[%get3A_635, %get3A_636, %get3A_637] {strides = array<i32>} : memref<2x80x64xi32, #tpu.memory_space<vmem>>, vector<16xi32>,
          %bitcast3A_639 = vector.bitcast %get3A_638 : vector<16xi32> to vector<32xbf16>
          %unpack3A_640 = tpu.unpack_subelements %bitcast3A_627, 0 {pack_format = #tpu.pack_format<interleaved>} : vector<32xbf16> -> vector<16xf32>
          %unpack3A_641 = tpu.unpack_subelements %bitcast3A_627, 1 {pack_format = #tpu.pack_format<interleaved>} : vector<32xbf16> -> vector<16xf32>
          %unpack3A_642 = tpu.unpack_subelements %bitcast3A_633, 0 {pack_format = #tpu.pack_format<interleaved>} : vector<32xbf16> -> vector<16xf32>
          %unpack3A_643 = tpu.unpack_subelements %bitcast3A_633, 1 {pack_format = #tpu.pack_format<interleaved>} : vector<32xbf16> -> vector<16xf32>
          %unpack3A_644 = tpu.unpack_subelements %bitcast3A_639, 0 {pack_format = #tpu.pack_format<interleaved>} : vector<32xbf16> -> vector<16xf32>
          %unpack3A_645 = tpu.unpack_subelements %bitcast3A_639, 1 {pack_format = #tpu.pack_format<interleaved>} : vector<32xbf16> -> vector<16xf32>
          %mul3A_646 = arith.mulf %unpack3A_640, %unpack3A_642 : vector<16xf32>
          %mul3A_647 = arith.mulf %mul3A_646, %unpack3A_644 : vector<16xf32>
          %add3A_648 = arith.addf %broadcast_in_dim3A_621, %mul3A_647 : vector<16xf32>
          %mul3A_649 = arith.mulf %unpack3A_641, %unpack3A_643 : vector<16xf32>
          %mul3A_650 = arith.mulf %mul3A_649, %unpack3A_645 : vector<16xf32>
          %add3A_651 = arith.addf %add3A_648, %mul3A_650 : vector<16xf32>
          %get3A_652 = arith.constant 0 : i32
          %get3A_653 = arith.index_cast %get3A_652 : i32 to index
          %get3A_654 = arith.index_cast %add3A_619 : i32 to index
          %get3A_655 = arith.constant 16 : index
          %get3A_656 = tpu.vector_load %arg11[%get3A_653, %get3A_654, %get3A_655] {strides = array<i32>} : memref<2x80x64xi32, #tpu.memory_space<vmem>>, vector<16xi32>,
          %bitcast3A_657 = vector.bitcast %get3A_656 : vector<16xi32> to vector<32xbf16>
          %get3A_658 = arith.constant 0 : i32
          %get3A_659 = arith.index_cast %get3A_658 : i32 to index
          %get3A_660 = arith.index_cast %add3A_619 : i32 to index
          %get3A_661 = arith.constant 16 : index
          %get3A_662 = tpu.vector_load %arg13[%get3A_659, %get3A_660, %get3A_661] {strides = array<i32>} : memref<2x80x64xi32, #tpu.memory_space<vmem>>, vector<16xi32>,
          %bitcast3A_663 = vector.bitcast %get3A_662 : vector<16xi32> to vector<32xbf16>
          %get3A_664 = arith.constant 0 : i32
          %get3A_665 = arith.index_cast %get3A_664 : i32 to index
          %get3A_666 = arith.index_cast %add3A_619 : i32 to index
          %get3A_667 = arith.constant 16 : index
          %get3A_668 = tpu.vector_load %arg12[%get3A_665, %get3A_666, %get3A_667] {strides = array<i32>} : memref<2x80x64xi32, #tpu.memory_space<vmem>>, vector<16xi32>,
          %bitcast3A_669 = vector.bitcast %get3A_668 : vector<16xi32> to vector<32xbf16>
          %unpack3A_670 = tpu.unpack_subelements %bitcast3A_657, 0 {pack_format = #tpu.pack_format<interleaved>} : vector<32xbf16> -> vector<16xf32>
          %unpack3A_671 = tpu.unpack_subelements %bitcast3A_657, 1 {pack_format = #tpu.pack_format<interleaved>} : vector<32xbf16> -> vector<16xf32>
          %unpack3A_672 = tpu.unpack_subelements %bitcast3A_663, 0 {pack_format = #tpu.pack_format<interleaved>} : vector<32xbf16> -> vector<16xf32>
          %unpack3A_673 = tpu.unpack_subelements %bitcast3A_663, 1 {pack_format = #tpu.pack_format<interleaved>} : vector<32xbf16> -> vector<16xf32>
          %unpack3A_674 = tpu.unpack_subelements %bitcast3A_669, 0 {pack_format = #tpu.pack_format<interleaved>} : vector<32xbf16> -> vector<16xf32>
          %unpack3A_675 = tpu.unpack_subelements %bitcast3A_669, 1 {pack_format = #tpu.pack_format<interleaved>} : vector<32xbf16> -> vector<16xf32>
          %mul3A_676 = arith.mulf %unpack3A_670, %unpack3A_672 : vector<16xf32>
          %mul3A_677 = arith.mulf %mul3A_676, %unpack3A_674 : vector<16xf32>
          %add3A_678 = arith.addf %add3A_651, %mul3A_677 : vector<16xf32>
          %mul3A_679 = arith.mulf %unpack3A_671, %unpack3A_673 : vector<16xf32>
          %mul3A_680 = arith.mulf %mul3A_679, %unpack3A_675 : vector<16xf32>
          %add3A_681 = arith.addf %add3A_678, %mul3A_680 : vector<16xf32>
          %get3A_682 = arith.constant 0 : i32
          %get3A_683 = arith.index_cast %get3A_682 : i32 to index
          %get3A_684 = arith.index_cast %add3A_619 : i32 to index
          %get3A_685 = arith.constant 32 : index
          %get3A_686 = tpu.vector_load %arg11[%get3A_683, %get3A_684, %get3A_685] {strides = array<i32>} : memref<2x80x64xi32, #tpu.memory_space<vmem>>, vector<16xi32>,
          %bitcast3A_687 = vector.bitcast %get3A_686 : vector<16xi32> to vector<32xbf16>
          %get3A_688 = arith.constant 0 : i32
          %get3A_689 = arith.index_cast %get3A_688 : i32 to index
          %get3A_690 = arith.index_cast %add3A_619 : i32 to index
          %get3A_691 = arith.constant 32 : index
          %get3A_692 = tpu.vector_load %arg13[%get3A_689, %get3A_690, %get3A_691] {strides = array<i32>} : memref<2x80x64xi32, #tpu.memory_space<vmem>>, vector<16xi32>,
          %bitcast3A_693 = vector.bitcast %get3A_692 : vector<16xi32> to vector<32xbf16>
          %get3A_694 = arith.constant 0 : i32
          %get3A_695 = arith.index_cast %get3A_694 : i32 to index
          %get3A_696 = arith.index_cast %add3A_619 : i32 to index
          %get3A_697 = arith.constant 32 : index
          %get3A_698 = tpu.vector_load %arg12[%get3A_695, %get3A_696, %get3A_697] {strides = array<i32>} : memref<2x80x64xi32, #tpu.memory_space<vmem>>, vector<16xi32>,
          %bitcast3A_699 = vector.bitcast %get3A_698 : vector<16xi32> to vector<32xbf16>
          %unpack3A_700 = tpu.unpack_subelements %bitcast3A_687, 0 {pack_format = #tpu.pack_format<interleaved>} : vector<32xbf16> -> vector<16xf32>
          %unpack3A_701 = tpu.unpack_subelements %bitcast3A_687, 1 {pack_format = #tpu.pack_format<interleaved>} : vector<32xbf16> -> vector<16xf32>
          %unpack3A_702 = tpu.unpack_subelements %bitcast3A_693, 0 {pack_format = #tpu.pack_format<interleaved>} : vector<32xbf16> -> vector<16xf32>
          %unpack3A_703 = tpu.unpack_subelements %bitcast3A_693, 1 {pack_format = #tpu.pack_format<interleaved>} : vector<32xbf16> -> vector<16xf32>
          %unpack3A_704 = tpu.unpack_subelements %bitcast3A_699, 0 {pack_format = #tpu.pack_format<interleaved>} : vector<32xbf16> -> vector<16xf32>
          %unpack3A_705 = tpu.unpack_subelements %bitcast3A_699, 1 {pack_format = #tpu.pack_format<interleaved>} : vector<32xbf16> -> vector<16xf32>
          %mul3A_706 = arith.mulf %unpack3A_700, %unpack3A_702 : vector<16xf32>
          %mul3A_707 = arith.mulf %mul3A_706, %unpack3A_704 : vector<16xf32>
          %add3A_708 = arith.addf %add3A_681, %mul3A_707 : vector<16xf32>
          %mul3A_709 = arith.mulf %unpack3A_701, %unpack3A_703 : vector<16xf32>
          %mul3A_710 = arith.mulf %mul3A_709, %unpack3A_705 : vector<16xf32>
          %add3A_711 = arith.addf %add3A_708, %mul3A_710 : vector<16xf32>
          %get3A_712 = arith.constant 0 : i32
          %get3A_713 = arith.index_cast %get3A_712 : i32 to index
          %get3A_714 = arith.index_cast %add3A_619 : i32 to index
          %get3A_715 = arith.constant 48 : index
          %get3A_716 = tpu.vector_load %arg11[%get3A_713, %get3A_714, %get3A_715] {strides = array<i32>} : memref<2x80x64xi32, #tpu.memory_space<vmem>>, vector<16xi32>,
          %bitcast3A_717 = vector.bitcast %get3A_716 : vector<16xi32> to vector<32xbf16>
          %get3A_718 = arith.constant 0 : i32
          %get3A_719 = arith.index_cast %get3A_718 : i32 to index
          %get3A_720 = arith.index_cast %add3A_619 : i32 to index
          %get3A_721 = arith.constant 48 : index
          %get3A_722 = tpu.vector_load %arg13[%get3A_719, %get3A_720, %get3A_721] {strides = array<i32>} : memref<2x80x64xi32, #tpu.memory_space<vmem>>, vector<16xi32>,
          %bitcast3A_723 = vector.bitcast %get3A_722 : vector<16xi32> to vector<32xbf16>
          %get3A_724 = arith.constant 0 : i32
          %get3A_725 = arith.index_cast %get3A_724 : i32 to index
          %get3A_726 = arith.index_cast %add3A_619 : i32 to index
          %get3A_727 = arith.constant 48 : index
          %get3A_728 = tpu.vector_load %arg12[%get3A_725, %get3A_726, %get3A_727] {strides = array<i32>} : memref<2x80x64xi32, #tpu.memory_space<vmem>>, vector<16xi32>,
          %bitcast3A_729 = vector.bitcast %get3A_728 : vector<16xi32> to vector<32xbf16>
          %unpack3A_730 = tpu.unpack_subelements %bitcast3A_717, 0 {pack_format = #tpu.pack_format<interleaved>} : vector<32xbf16> -> vector<16xf32>
          %unpack3A_731 = tpu.unpack_subelements %bitcast3A_717, 1 {pack_format = #tpu.pack_format<interleaved>} : vector<32xbf16> -> vector<16xf32>
          %unpack3A_732 = tpu.unpack_subelements %bitcast3A_723, 0 {pack_format = #tpu.pack_format<interleaved>} : vector<32xbf16> -> vector<16xf32>
          %unpack3A_733 = tpu.unpack_subelements %bitcast3A_723, 1 {pack_format = #tpu.pack_format<interleaved>} : vector<32xbf16> -> vector<16xf32>
          %unpack3A_734 = tpu.unpack_subelements %bitcast3A_729, 0 {pack_format = #tpu.pack_format<interleaved>} : vector<32xbf16> -> vector<16xf32>
          %unpack3A_735 = tpu.unpack_subelements %bitcast3A_729, 1 {pack_format = #tpu.pack_format<interleaved>} : vector<32xbf16> -> vector<16xf32>
          %mul3A_736 = arith.mulf %unpack3A_730, %unpack3A_732 : vector<16xf32>
          %mul3A_737 = arith.mulf %mul3A_736, %unpack3A_734 : vector<16xf32>
          %add3A_738 = arith.addf %add3A_711, %mul3A_737 : vector<16xf32>
          %mul3A_739 = arith.mulf %unpack3A_731, %unpack3A_733 : vector<16xf32>
          %mul3A_740 = arith.mulf %mul3A_739, %unpack3A_735 : vector<16xf32>
          %add3A_741 = arith.addf %add3A_738, %mul3A_740 : vector<16xf32>
          %mul3A_742 = arith.constant 8 : i32
          %mul3A_743 = arith.muli %scan3A_340, %mul3A_742 : i32
          %add3A_744 = arith.constant 2 : i32
          %add3A_745 = arith.addi %mul3A_743, %add3A_744 : i32
          %eq3A_746 = vector.broadcast %add3A_745 : i32 to vector<16xi32>
          %eq3A_747 = arith.cmpi eq, %iota3A, %eq3A_746 : vector<16xi32>
          %reduce_sum3A_748 = arith.constant true
          %reduce_sum3A_749 = vector.broadcast %reduce_sum3A_748 : i1 to vector<16xi1>
          %reduce_sum3A_750 = tpu.scan <sum>, %add3A_741 masked %reduce_sum3A_749 : vector<16xf32>, vector<16xi1> -> vector<16xf32>
          %reduce_sum3A_751 = vector.extract %reduce_sum3A_750[15] : f32 from vector<16xf32>
          %broadcast_in_dim3A_752 = vector.broadcast %reduce_sum3A_751 : f32 to vector<16xf32>
          %select_n3A_753 = arith.select %eq3A_747, %broadcast_in_dim3A_752, %select_n3A_614 : vector<16xi1>, vector<16xf32>
          %mul3A_754 = arith.constant 8 : i32
          %mul3A_755 = arith.muli %scan3A_340, %mul3A_754 : i32
          %add3A_756 = arith.addi %mul3A_330, %mul3A_755 : i32
          %add3A_757 = arith.constant 3 : i32
          %add3A_758 = arith.addi %add3A_756, %add3A_757 : i32
          %broadcast_in_dim3A_759 = arith.constant 0.000000e+00 : f32
          %broadcast_in_dim3A_760 = vector.broadcast %broadcast_in_dim3A_759 : f32 to vector<16xf32>
          %get3A_761 = arith.constant 0 : i32
          %get3A_762 = arith.index_cast %get3A_761 : i32 to index
          %get3A_763 = arith.index_cast %add3A_758 : i32 to index
          %get3A_764 = arith.constant 0 : index
          %get3A_765 = tpu.vector_load %arg11[%get3A_762, %get3A_763, %get3A_764] {strides = array<i32>} : memref<2x80x64xi32, #tpu.memory_space<vmem>>, vector<16xi32>,
          %bitcast3A_766 = vector.bitcast %get3A_765 : vector<16xi32> to vector<32xbf16>
          %get3A_767 = arith.constant 0 : i32
          %get3A_768 = arith.index_cast %get3A_767 : i32 to index
          %get3A_769 = arith.index_cast %add3A_758 : i32 to index
          %get3A_770 = arith.constant 0 : index
          %get3A_771 = tpu.vector_load %arg13[%get3A_768, %get3A_769, %get3A_770] {strides = array<i32>} : memref<2x80x64xi32, #tpu.memory_space<vmem>>, vector<16xi32>,
          %bitcast3A_772 = vector.bitcast %get3A_771 : vector<16xi32> to vector<32xbf16>
          %get3A_773 = arith.constant 0 : i32
          %get3A_774 = arith.index_cast %get3A_773 : i32 to index
          %get3A_775 = arith.index_cast %add3A_758 : i32 to index
          %get3A_776 = arith.constant 0 : index
          %get3A_777 = tpu.vector_load %arg12[%get3A_774, %get3A_775, %get3A_776] {strides = array<i32>} : memref<2x80x64xi32, #tpu.memory_space<vmem>>, vector<16xi32>,
          %bitcast3A_778 = vector.bitcast %get3A_777 : vector<16xi32> to vector<32xbf16>
          %unpack3A_779 = tpu.unpack_subelements %bitcast3A_766, 0 {pack_format = #tpu.pack_format<interleaved>} : vector<32xbf16> -> vector<16xf32>
          %unpack3A_780 = tpu.unpack_subelements %bitcast3A_766, 1 {pack_format = #tpu.pack_format<interleaved>} : vector<32xbf16> -> vector<16xf32>
          %unpack3A_781 = tpu.unpack_subelements %bitcast3A_772, 0 {pack_format = #tpu.pack_format<interleaved>} : vector<32xbf16> -> vector<16xf32>
          %unpack3A_782 = tpu.unpack_subelements %bitcast3A_772, 1 {pack_format = #tpu.pack_format<interleaved>} : vector<32xbf16> -> vector<16xf32>
          %unpack3A_783 = tpu.unpack_subelements %bitcast3A_778, 0 {pack_format = #tpu.pack_format<interleaved>} : vector<32xbf16> -> vector<16xf32>
          %unpack3A_784 = tpu.unpack_subelements %bitcast3A_778, 1 {pack_format = #tpu.pack_format<interleaved>} : vector<32xbf16> -> vector<16xf32>
          %mul3A_785 = arith.mulf %unpack3A_779, %unpack3A_781 : vector<16xf32>
          %mul3A_786 = arith.mulf %mul3A_785, %unpack3A_783 : vector<16xf32>
          %add3A_787 = arith.addf %broadcast_in_dim3A_760, %mul3A_786 : vector<16xf32>
          %mul3A_788 = arith.mulf %unpack3A_780, %unpack3A_782 : vector<16xf32>
          %mul3A_789 = arith.mulf %mul3A_788, %unpack3A_784 : vector<16xf32>
          %add3A_790 = arith.addf %add3A_787, %mul3A_789 : vector<16xf32>
          %get3A_791 = arith.constant 0 : i32
          %get3A_792 = arith.index_cast %get3A_791 : i32 to index
          %get3A_793 = arith.index_cast %add3A_758 : i32 to index
          %get3A_794 = arith.constant 16 : index
          %get3A_795 = tpu.vector_load %arg11[%get3A_792, %get3A_793, %get3A_794] {strides = array<i32>} : memref<2x80x64xi32, #tpu.memory_space<vmem>>, vector<16xi32>,
          %bitcast3A_796 = vector.bitcast %get3A_795 : vector<16xi32> to vector<32xbf16>
          %get3A_797 = arith.constant 0 : i32
          %get3A_798 = arith.index_cast %get3A_797 : i32 to index
          %get3A_799 = arith.index_cast %add3A_758 : i32 to index
          %get3A_800 = arith.constant 16 : index
          %get3A_801 = tpu.vector_load %arg13[%get3A_798, %get3A_799, %get3A_800] {strides = array<i32>} : memref<2x80x64xi32, #tpu.memory_space<vmem>>, vector<16xi32>,
          %bitcast3A_802 = vector.bitcast %get3A_801 : vector<16xi32> to vector<32xbf16>
          %get3A_803 = arith.constant 0 : i32
          %get3A_804 = arith.index_cast %get3A_803 : i32 to index
          %get3A_805 = arith.index_cast %add3A_758 : i32 to index
          %get3A_806 = arith.constant 16 : index
          %get3A_807 = tpu.vector_load %arg12[%get3A_804, %get3A_805, %get3A_806] {strides = array<i32>} : memref<2x80x64xi32, #tpu.memory_space<vmem>>, vector<16xi32>,
          %bitcast3A_808 = vector.bitcast %get3A_807 : vector<16xi32> to vector<32xbf16>
          %unpack3A_809 = tpu.unpack_subelements %bitcast3A_796, 0 {pack_format = #tpu.pack_format<interleaved>} : vector<32xbf16> -> vector<16xf32>
          %unpack3A_810 = tpu.unpack_subelements %bitcast3A_796, 1 {pack_format = #tpu.pack_format<interleaved>} : vector<32xbf16> -> vector<16xf32>
          %unpack3A_811 = tpu.unpack_subelements %bitcast3A_802, 0 {pack_format = #tpu.pack_format<interleaved>} : vector<32xbf16> -> vector<16xf32>
          %unpack3A_812 = tpu.unpack_subelements %bitcast3A_802, 1 {pack_format = #tpu.pack_format<interleaved>} : vector<32xbf16> -> vector<16xf32>
          %unpack3A_813 = tpu.unpack_subelements %bitcast3A_808, 0 {pack_format = #tpu.pack_format<interleaved>} : vector<32xbf16> -> vector<16xf32>
          %unpack3A_814 = tpu.unpack_subelements %bitcast3A_808, 1 {pack_format = #tpu.pack_format<interleaved>} : vector<32xbf16> -> vector<16xf32>
          %mul3A_815 = arith.mulf %unpack3A_809, %unpack3A_811 : vector<16xf32>
          %mul3A_816 = arith.mulf %mul3A_815, %unpack3A_813 : vector<16xf32>
          %add3A_817 = arith.addf %add3A_790, %mul3A_816 : vector<16xf32>
          %mul3A_818 = arith.mulf %unpack3A_810, %unpack3A_812 : vector<16xf32>
          %mul3A_819 = arith.mulf %mul3A_818, %unpack3A_814 : vector<16xf32>
          %add3A_820 = arith.addf %add3A_817, %mul3A_819 : vector<16xf32>
          %get3A_821 = arith.constant 0 : i32
          %get3A_822 = arith.index_cast %get3A_821 : i32 to index
          %get3A_823 = arith.index_cast %add3A_758 : i32 to index
          %get3A_824 = arith.constant 32 : index
          %get3A_825 = tpu.vector_load %arg11[%get3A_822, %get3A_823, %get3A_824] {strides = array<i32>} : memref<2x80x64xi32, #tpu.memory_space<vmem>>, vector<16xi32>,
          %bitcast3A_826 = vector.bitcast %get3A_825 : vector<16xi32> to vector<32xbf16>
          %get3A_827 = arith.constant 0 : i32
          %get3A_828 = arith.index_cast %get3A_827 : i32 to index
          %get3A_829 = arith.index_cast %add3A_758 : i32 to index
          %get3A_830 = arith.constant 32 : index
          %get3A_831 = tpu.vector_load %arg13[%get3A_828, %get3A_829, %get3A_830] {strides = array<i32>} : memref<2x80x64xi32, #tpu.memory_space<vmem>>, vector<16xi32>,
          %bitcast3A_832 = vector.bitcast %get3A_831 : vector<16xi32> to vector<32xbf16>
          %get3A_833 = arith.constant 0 : i32
          %get3A_834 = arith.index_cast %get3A_833 : i32 to index
          %get3A_835 = arith.index_cast %add3A_758 : i32 to index
          %get3A_836 = arith.constant 32 : index
          %get3A_837 = tpu.vector_load %arg12[%get3A_834, %get3A_835, %get3A_836] {strides = array<i32>} : memref<2x80x64xi32, #tpu.memory_space<vmem>>, vector<16xi32>,
          %bitcast3A_838 = vector.bitcast %get3A_837 : vector<16xi32> to vector<32xbf16>
          %unpack3A_839 = tpu.unpack_subelements %bitcast3A_826, 0 {pack_format = #tpu.pack_format<interleaved>} : vector<32xbf16> -> vector<16xf32>
          %unpack3A_840 = tpu.unpack_subelements %bitcast3A_826, 1 {pack_format = #tpu.pack_format<interleaved>} : vector<32xbf16> -> vector<16xf32>
          %unpack3A_841 = tpu.unpack_subelements %bitcast3A_832, 0 {pack_format = #tpu.pack_format<interleaved>} : vector<32xbf16> -> vector<16xf32>
          %unpack3A_842 = tpu.unpack_subelements %bitcast3A_832, 1 {pack_format = #tpu.pack_format<interleaved>} : vector<32xbf16> -> vector<16xf32>
          %unpack3A_843 = tpu.unpack_subelements %bitcast3A_838, 0 {pack_format = #tpu.pack_format<interleaved>} : vector<32xbf16> -> vector<16xf32>
          %unpack3A_844 = tpu.unpack_subelements %bitcast3A_838, 1 {pack_format = #tpu.pack_format<interleaved>} : vector<32xbf16> -> vector<16xf32>
          %mul3A_845 = arith.mulf %unpack3A_839, %unpack3A_841 : vector<16xf32>
          %mul3A_846 = arith.mulf %mul3A_845, %unpack3A_843 : vector<16xf32>
          %add3A_847 = arith.addf %add3A_820, %mul3A_846 : vector<16xf32>
          %mul3A_848 = arith.mulf %unpack3A_840, %unpack3A_842 : vector<16xf32>
          %mul3A_849 = arith.mulf %mul3A_848, %unpack3A_844 : vector<16xf32>
          %add3A_850 = arith.addf %add3A_847, %mul3A_849 : vector<16xf32>
          %get3A_851 = arith.constant 0 : i32
          %get3A_852 = arith.index_cast %get3A_851 : i32 to index
          %get3A_853 = arith.index_cast %add3A_758 : i32 to index
          %get3A_854 = arith.constant 48 : index
          %get3A_855 = tpu.vector_load %arg11[%get3A_852, %get3A_853, %get3A_854] {strides = array<i32>} : memref<2x80x64xi32, #tpu.memory_space<vmem>>, vector<16xi32>,
          %bitcast3A_856 = vector.bitcast %get3A_855 : vector<16xi32> to vector<32xbf16>
          %get3A_857 = arith.constant 0 : i32
          %get3A_858 = arith.index_cast %get3A_857 : i32 to index
          %get3A_859 = arith.index_cast %add3A_758 : i32 to index
          %get3A_860 = arith.constant 48 : index
          %get3A_861 = tpu.vector_load %arg13[%get3A_858, %get3A_859, %get3A_860] {strides = array<i32>} : memref<2x80x64xi32, #tpu.memory_space<vmem>>, vector<16xi32>,
          %bitcast3A_862 = vector.bitcast %get3A_861 : vector<16xi32> to vector<32xbf16>
          %get3A_863 = arith.constant 0 : i32
          %get3A_864 = arith.index_cast %get3A_863 : i32 to index
          %get3A_865 = arith.index_cast %add3A_758 : i32 to index
          %get3A_866 = arith.constant 48 : index
          %get3A_867 = tpu.vector_load %arg12[%get3A_864, %get3A_865, %get3A_866] {strides = array<i32>} : memref<2x80x64xi32, #tpu.memory_space<vmem>>, vector<16xi32>,
          %bitcast3A_868 = vector.bitcast %get3A_867 : vector<16xi32> to vector<32xbf16>
          %unpack3A_869 = tpu.unpack_subelements %bitcast3A_856, 0 {pack_format = #tpu.pack_format<interleaved>} : vector<32xbf16> -> vector<16xf32>
          %unpack3A_870 = tpu.unpack_subelements %bitcast3A_856, 1 {pack_format = #tpu.pack_format<interleaved>} : vector<32xbf16> -> vector<16xf32>
          %unpack3A_871 = tpu.unpack_subelements %bitcast3A_862, 0 {pack_format = #tpu.pack_format<interleaved>} : vector<32xbf16> -> vector<16xf32>
          %unpack3A_872 = tpu.unpack_subelements %bitcast3A_862, 1 {pack_format = #tpu.pack_format<interleaved>} : vector<32xbf16> -> vector<16xf32>
          %unpack3A_873 = tpu.unpack_subelements %bitcast3A_868, 0 {pack_format = #tpu.pack_format<interleaved>} : vector<32xbf16> -> vector<16xf32>
          %unpack3A_874 = tpu.unpack_subelements %bitcast3A_868, 1 {pack_format = #tpu.pack_format<interleaved>} : vector<32xbf16> -> vector<16xf32>
          %mul3A_875 = arith.mulf %unpack3A_869, %unpack3A_871 : vector<16xf32>
          %mul3A_876 = arith.mulf %mul3A_875, %unpack3A_873 : vector<16xf32>
          %add3A_877 = arith.addf %add3A_850, %mul3A_876 : vector<16xf32>
          %mul3A_878 = arith.mulf %unpack3A_870, %unpack3A_872 : vector<16xf32>
          %mul3A_879 = arith.mulf %mul3A_878, %unpack3A_874 : vector<16xf32>
          %add3A_880 = arith.addf %add3A_877, %mul3A_879 : vector<16xf32>
          %mul3A_881 = arith.constant 8 : i32
          %mul3A_882 = arith.muli %scan3A_340, %mul3A_881 : i32
          %add3A_883 = arith.constant 3 : i32
          %add3A_884 = arith.addi %mul3A_882, %add3A_883 : i32
          %eq3A_885 = vector.broadcast %add3A_884 : i32 to vector<16xi32>
          %eq3A_886 = arith.cmpi eq, %iota3A, %eq3A_885 : vector<16xi32>
          %reduce_sum3A_887 = arith.constant true
          %reduce_sum3A_888 = vector.broadcast %reduce_sum3A_887 : i1 to vector<16xi1>
          %reduce_sum3A_889 = tpu.scan <sum>, %add3A_880 masked %reduce_sum3A_888 : vector<16xf32>, vector<16xi1> -> vector<16xf32>
          %reduce_sum3A_890 = vector.extract %reduce_sum3A_889[15] : f32 from vector<16xf32>
          %broadcast_in_dim3A_891 = vector.broadcast %reduce_sum3A_890 : f32 to vector<16xf32>
          %select_n3A_892 = arith.select %eq3A_886, %broadcast_in_dim3A_891, %select_n3A_753 : vector<16xi1>, vector<16xf32>
          %mul3A_893 = arith.constant 8 : i32
          %mul3A_894 = arith.muli %scan3A_340, %mul3A_893 : i32
          %add3A_895 = arith.addi %mul3A_330, %mul3A_894 : i32
          %add3A_896 = arith.constant 4 : i32
          %add3A_897 = arith.addi %add3A_895, %add3A_896 : i32
          %broadcast_in_dim3A_898 = arith.constant 0.000000e+00 : f32
          %broadcast_in_dim3A_899 = vector.broadcast %broadcast_in_dim3A_898 : f32 to vector<16xf32>
          %get3A_900 = arith.constant 0 : i32
          %get3A_901 = arith.index_cast %get3A_900 : i32 to index
          %get3A_902 = arith.index_cast %add3A_897 : i32 to index
          %get3A_903 = arith.constant 0 : index
          %get3A_904 = tpu.vector_load %arg11[%get3A_901, %get3A_902, %get3A_903] {strides = array<i32>} : memref<2x80x64xi32, #tpu.memory_space<vmem>>, vector<16xi32>,
          %bitcast3A_905 = vector.bitcast %get3A_904 : vector<16xi32> to vector<32xbf16>
          %get3A_906 = arith.constant 0 : i32
          %get3A_907 = arith.index_cast %get3A_906 : i32 to index
          %get3A_908 = arith.index_cast %add3A_897 : i32 to index
          %get3A_909 = arith.constant 0 : index
          %get3A_910 = tpu.vector_load %arg13[%get3A_907, %get3A_908, %get3A_909] {strides = array<i32>} : memref<2x80x64xi32, #tpu.memory_space<vmem>>, vector<16xi32>,
          %bitcast3A_911 = vector.bitcast %get3A_910 : vector<16xi32> to vector<32xbf16>
          %get3A_912 = arith.constant 0 : i32
          %get3A_913 = arith.index_cast %get3A_912 : i32 to index
          %get3A_914 = arith.index_cast %add3A_897 : i32 to index
          %get3A_915 = arith.constant 0 : index
          %get3A_916 = tpu.vector_load %arg12[%get3A_913, %get3A_914, %get3A_915] {strides = array<i32>} : memref<2x80x64xi32, #tpu.memory_space<vmem>>, vector<16xi32>,
          %bitcast3A_917 = vector.bitcast %get3A_916 : vector<16xi32> to vector<32xbf16>
          %unpack3A_918 = tpu.unpack_subelements %bitcast3A_905, 0 {pack_format = #tpu.pack_format<interleaved>} : vector<32xbf16> -> vector<16xf32>
          %unpack3A_919 = tpu.unpack_subelements %bitcast3A_905, 1 {pack_format = #tpu.pack_format<interleaved>} : vector<32xbf16> -> vector<16xf32>
          %unpack3A_920 = tpu.unpack_subelements %bitcast3A_911, 0 {pack_format = #tpu.pack_format<interleaved>} : vector<32xbf16> -> vector<16xf32>
          %unpack3A_921 = tpu.unpack_subelements %bitcast3A_911, 1 {pack_format = #tpu.pack_format<interleaved>} : vector<32xbf16> -> vector<16xf32>
          %unpack3A_922 = tpu.unpack_subelements %bitcast3A_917, 0 {pack_format = #tpu.pack_format<interleaved>} : vector<32xbf16> -> vector<16xf32>
          %unpack3A_923 = tpu.unpack_subelements %bitcast3A_917, 1 {pack_format = #tpu.pack_format<interleaved>} : vector<32xbf16> -> vector<16xf32>
          %mul3A_924 = arith.mulf %unpack3A_918, %unpack3A_920 : vector<16xf32>
          %mul3A_925 = arith.mulf %mul3A_924, %unpack3A_922 : vector<16xf32>
          %add3A_926 = arith.addf %broadcast_in_dim3A_899, %mul3A_925 : vector<16xf32>
          %mul3A_927 = arith.mulf %unpack3A_919, %unpack3A_921 : vector<16xf32>
          %mul3A_928 = arith.mulf %mul3A_927, %unpack3A_923 : vector<16xf32>
          %add3A_929 = arith.addf %add3A_926, %mul3A_928 : vector<16xf32>
          %get3A_930 = arith.constant 0 : i32
          %get3A_931 = arith.index_cast %get3A_930 : i32 to index
          %get3A_932 = arith.index_cast %add3A_897 : i32 to index
          %get3A_933 = arith.constant 16 : index
          %get3A_934 = tpu.vector_load %arg11[%get3A_931, %get3A_932, %get3A_933] {strides = array<i32>} : memref<2x80x64xi32, #tpu.memory_space<vmem>>, vector<16xi32>,
          %bitcast3A_935 = vector.bitcast %get3A_934 : vector<16xi32> to vector<32xbf16>
          %get3A_936 = arith.constant 0 : i32
          %get3A_937 = arith.index_cast %get3A_936 : i32 to index
          %get3A_938 = arith.index_cast %add3A_897 : i32 to index
          %get3A_939 = arith.constant 16 : index
          %get3A_940 = tpu.vector_load %arg13[%get3A_937, %get3A_938, %get3A_939] {strides = array<i32>} : memref<2x80x64xi32, #tpu.memory_space<vmem>>, vector<16xi32>,
          %bitcast3A_941 = vector.bitcast %get3A_940 : vector<16xi32> to vector<32xbf16>
          %get3A_942 = arith.constant 0 : i32
          %get3A_943 = arith.index_cast %get3A_942 : i32 to index
          %get3A_944 = arith.index_cast %add3A_897 : i32 to index
          %get3A_945 = arith.constant 16 : index
          %get3A_946 = tpu.vector_load %arg12[%get3A_943, %get3A_944, %get3A_945] {strides = array<i32>} : memref<2x80x64xi32, #tpu.memory_space<vmem>>, vector<16xi32>,
          %bitcast3A_947 = vector.bitcast %get3A_946 : vector<16xi32> to vector<32xbf16>
          %unpack3A_948 = tpu.unpack_subelements %bitcast3A_935, 0 {pack_format = #tpu.pack_format<interleaved>} : vector<32xbf16> -> vector<16xf32>
          %unpack3A_949 = tpu.unpack_subelements %bitcast3A_935, 1 {pack_format = #tpu.pack_format<interleaved>} : vector<32xbf16> -> vector<16xf32>
          %unpack3A_950 = tpu.unpack_subelements %bitcast3A_941, 0 {pack_format = #tpu.pack_format<interleaved>} : vector<32xbf16> -> vector<16xf32>
          %unpack3A_951 = tpu.unpack_subelements %bitcast3A_941, 1 {pack_format = #tpu.pack_format<interleaved>} : vector<32xbf16> -> vector<16xf32>
          %unpack3A_952 = tpu.unpack_subelements %bitcast3A_947, 0 {pack_format = #tpu.pack_format<interleaved>} : vector<32xbf16> -> vector<16xf32>
          %unpack3A_953 = tpu.unpack_subelements %bitcast3A_947, 1 {pack_format = #tpu.pack_format<interleaved>} : vector<32xbf16> -> vector<16xf32>
          %mul3A_954 = arith.mulf %unpack3A_948, %unpack3A_950 : vector<16xf32>
          %mul3A_955 = arith.mulf %mul3A_954, %unpack3A_952 : vector<16xf32>
          %add3A_956 = arith.addf %add3A_929, %mul3A_955 : vector<16xf32>
          %mul3A_957 = arith.mulf %unpack3A_949, %unpack3A_951 : vector<16xf32>
          %mul3A_958 = arith.mulf %mul3A_957, %unpack3A_953 : vector<16xf32>
          %add3A_959 = arith.addf %add3A_956, %mul3A_958 : vector<16xf32>
          %get3A_960 = arith.constant 0 : i32
          %get3A_961 = arith.index_cast %get3A_960 : i32 to index
          %get3A_962 = arith.index_cast %add3A_897 : i32 to index
          %get3A_963 = arith.constant 32 : index
          %get3A_964 = tpu.vector_load %arg11[%get3A_961, %get3A_962, %get3A_963] {strides = array<i32>} : memref<2x80x64xi32, #tpu.memory_space<vmem>>, vector<16xi32>,
          %bitcast3A_965 = vector.bitcast %get3A_964 : vector<16xi32> to vector<32xbf16>
          %get3A_966 = arith.constant 0 : i32
          %get3A_967 = arith.index_cast %get3A_966 : i32 to index
          %get3A_968 = arith.index_cast %add3A_897 : i32 to index
          %get3A_969 = arith.constant 32 : index
          %get3A_970 = tpu.vector_load %arg13[%get3A_967, %get3A_968, %get3A_969] {strides = array<i32>} : memref<2x80x64xi32, #tpu.memory_space<vmem>>, vector<16xi32>,
          %bitcast3A_971 = vector.bitcast %get3A_970 : vector<16xi32> to vector<32xbf16>
          %get3A_972 = arith.constant 0 : i32
          %get3A_973 = arith.index_cast %get3A_972 : i32 to index
          %get3A_974 = arith.index_cast %add3A_897 : i32 to index
          %get3A_975 = arith.constant 32 : index
          %get3A_976 = tpu.vector_load %arg12[%get3A_973, %get3A_974, %get3A_975] {strides = array<i32>} : memref<2x80x64xi32, #tpu.memory_space<vmem>>, vector<16xi32>,
          %bitcast3A_977 = vector.bitcast %get3A_976 : vector<16xi32> to vector<32xbf16>
          %unpack3A_978 = tpu.unpack_subelements %bitcast3A_965, 0 {pack_format = #tpu.pack_format<interleaved>} : vector<32xbf16> -> vector<16xf32>
          %unpack3A_979 = tpu.unpack_subelements %bitcast3A_965, 1 {pack_format = #tpu.pack_format<interleaved>} : vector<32xbf16> -> vector<16xf32>
          %unpack3A_980 = tpu.unpack_subelements %bitcast3A_971, 0 {pack_format = #tpu.pack_format<interleaved>} : vector<32xbf16> -> vector<16xf32>
          %unpack3A_981 = tpu.unpack_subelements %bitcast3A_971, 1 {pack_format = #tpu.pack_format<interleaved>} : vector<32xbf16> -> vector<16xf32>
          %unpack3A_982 = tpu.unpack_subelements %bitcast3A_977, 0 {pack_format = #tpu.pack_format<interleaved>} : vector<32xbf16> -> vector<16xf32>
          %unpack3A_983 = tpu.unpack_subelements %bitcast3A_977, 1 {pack_format = #tpu.pack_format<interleaved>} : vector<32xbf16> -> vector<16xf32>
          %mul3A_984 = arith.mulf %unpack3A_978, %unpack3A_980 : vector<16xf32>
          %mul3A_985 = arith.mulf %mul3A_984, %unpack3A_982 : vector<16xf32>
          %add3A_986 = arith.addf %add3A_959, %mul3A_985 : vector<16xf32>
          %mul3A_987 = arith.mulf %unpack3A_979, %unpack3A_981 : vector<16xf32>
          %mul3A_988 = arith.mulf %mul3A_987, %unpack3A_983 : vector<16xf32>
          %add3A_989 = arith.addf %add3A_986, %mul3A_988 : vector<16xf32>
          %get3A_990 = arith.constant 0 : i32
          %get3A_991 = arith.index_cast %get3A_990 : i32 to index
          %get3A_992 = arith.index_cast %add3A_897 : i32 to index
          %get3A_993 = arith.constant 48 : index
          %get3A_994 = tpu.vector_load %arg11[%get3A_991, %get3A_992, %get3A_993] {strides = array<i32>} : memref<2x80x64xi32, #tpu.memory_space<vmem>>, vector<16xi32>,
          %bitcast3A_995 = vector.bitcast %get3A_994 : vector<16xi32> to vector<32xbf16>
          %get3A_996 = arith.constant 0 : i32
          %get3A_997 = arith.index_cast %get3A_996 : i32 to index
          %get3A_998 = arith.index_cast %add3A_897 : i32 to index
          %get3A_999 = arith.constant 48 : index
          %get3A_1000 = tpu.vector_load %arg13[%get3A_997, %get3A_998, %get3A_999] {strides = array<i32>} : memref<2x80x64xi32, #tpu.memory_space<vmem>>, vector<16xi32>,
          %bitcast3A_1001 = vector.bitcast %get3A_1000 : vector<16xi32> to vector<32xbf16>
          %get3A_1002 = arith.constant 0 : i32
          %get3A_1003 = arith.index_cast %get3A_1002 : i32 to index
          %get3A_1004 = arith.index_cast %add3A_897 : i32 to index
          %get3A_1005 = arith.constant 48 : index
          %get3A_1006 = tpu.vector_load %arg12[%get3A_1003, %get3A_1004, %get3A_1005] {strides = array<i32>} : memref<2x80x64xi32, #tpu.memory_space<vmem>>, vector<16xi32>,
          %bitcast3A_1007 = vector.bitcast %get3A_1006 : vector<16xi32> to vector<32xbf16>
          %unpack3A_1008 = tpu.unpack_subelements %bitcast3A_995, 0 {pack_format = #tpu.pack_format<interleaved>} : vector<32xbf16> -> vector<16xf32>
          %unpack3A_1009 = tpu.unpack_subelements %bitcast3A_995, 1 {pack_format = #tpu.pack_format<interleaved>} : vector<32xbf16> -> vector<16xf32>
          %unpack3A_1010 = tpu.unpack_subelements %bitcast3A_1001, 0 {pack_format = #tpu.pack_format<interleaved>} : vector<32xbf16> -> vector<16xf32>
          %unpack3A_1011 = tpu.unpack_subelements %bitcast3A_1001, 1 {pack_format = #tpu.pack_format<interleaved>} : vector<32xbf16> -> vector<16xf32>
          %unpack3A_1012 = tpu.unpack_subelements %bitcast3A_1007, 0 {pack_format = #tpu.pack_format<interleaved>} : vector<32xbf16> -> vector<16xf32>
          %unpack3A_1013 = tpu.unpack_subelements %bitcast3A_1007, 1 {pack_format = #tpu.pack_format<interleaved>} : vector<32xbf16> -> vector<16xf32>
          %mul3A_1014 = arith.mulf %unpack3A_1008, %unpack3A_1010 : vector<16xf32>
          %mul3A_1015 = arith.mulf %mul3A_1014, %unpack3A_1012 : vector<16xf32>
          %add3A_1016 = arith.addf %add3A_989, %mul3A_1015 : vector<16xf32>
          %mul3A_1017 = arith.mulf %unpack3A_1009, %unpack3A_1011 : vector<16xf32>
          %mul3A_1018 = arith.mulf %mul3A_1017, %unpack3A_1013 : vector<16xf32>
          %add3A_1019 = arith.addf %add3A_1016, %mul3A_1018 : vector<16xf32>
          %mul3A_1020 = arith.constant 8 : i32
          %mul3A_1021 = arith.muli %scan3A_340, %mul3A_1020 : i32
          %add3A_1022 = arith.constant 4 : i32
          %add3A_1023 = arith.addi %mul3A_1021, %add3A_1022 : i32
          %eq3A_1024 = vector.broadcast %add3A_1023 : i32 to vector<16xi32>
          %eq3A_1025 = arith.cmpi eq, %iota3A, %eq3A_1024 : vector<16xi32>
          %reduce_sum3A_1026 = arith.constant true
          %reduce_sum3A_1027 = vector.broadcast %reduce_sum3A_1026 : i1 to vector<16xi1>
          %reduce_sum3A_1028 = tpu.scan <sum>, %add3A_1019 masked %reduce_sum3A_1027 : vector<16xf32>, vector<16xi1> -> vector<16xf32>
          %reduce_sum3A_1029 = vector.extract %reduce_sum3A_1028[15] : f32 from vector<16xf32>
          %broadcast_in_dim3A_1030 = vector.broadcast %reduce_sum3A_1029 : f32 to vector<16xf32>
          %select_n3A_1031 = arith.select %eq3A_1025, %broadcast_in_dim3A_1030, %select_n3A_892 : vector<16xi1>, vector<16xf32>
          %mul3A_1032 = arith.constant 8 : i32
          %mul3A_1033 = arith.muli %scan3A_340, %mul3A_1032 : i32
          %add3A_1034 = arith.addi %mul3A_330, %mul3A_1033 : i32
          %add3A_1035 = arith.constant 5 : i32
          %add3A_1036 = arith.addi %add3A_1034, %add3A_1035 : i32
          %broadcast_in_dim3A_1037 = arith.constant 0.000000e+00 : f32
          %broadcast_in_dim3A_1038 = vector.broadcast %broadcast_in_dim3A_1037 : f32 to vector<16xf32>
          %get3A_1039 = arith.constant 0 : i32
          %get3A_1040 = arith.index_cast %get3A_1039 : i32 to index
          %get3A_1041 = arith.index_cast %add3A_1036 : i32 to index
          %get3A_1042 = arith.constant 0 : index
          %get3A_1043 = tpu.vector_load %arg11[%get3A_1040, %get3A_1041, %get3A_1042] {strides = array<i32>} : memref<2x80x64xi32, #tpu.memory_space<vmem>>, vector<16xi32>,
          %bitcast3A_1044 = vector.bitcast %get3A_1043 : vector<16xi32> to vector<32xbf16>
          %get3A_1045 = arith.constant 0 : i32
          %get3A_1046 = arith.index_cast %get3A_1045 : i32 to index
          %get3A_1047 = arith.index_cast %add3A_1036 : i32 to index
          %get3A_1048 = arith.constant 0 : index
          %get3A_1049 = tpu.vector_load %arg13[%get3A_1046, %get3A_1047, %get3A_1048] {strides = array<i32>} : memref<2x80x64xi32, #tpu.memory_space<vmem>>, vector<16xi32>,
          %bitcast3A_1050 = vector.bitcast %get3A_1049 : vector<16xi32> to vector<32xbf16>
          %get3A_1051 = arith.constant 0 : i32
          %get3A_1052 = arith.index_cast %get3A_1051 : i32 to index
          %get3A_1053 = arith.index_cast %add3A_1036 : i32 to index
          %get3A_1054 = arith.constant 0 : index
          %get3A_1055 = tpu.vector_load %arg12[%get3A_1052, %get3A_1053, %get3A_1054] {strides = array<i32>} : memref<2x80x64xi32, #tpu.memory_space<vmem>>, vector<16xi32>,
          %bitcast3A_1056 = vector.bitcast %get3A_1055 : vector<16xi32> to vector<32xbf16>
          %unpack3A_1057 = tpu.unpack_subelements %bitcast3A_1044, 0 {pack_format = #tpu.pack_format<interleaved>} : vector<32xbf16> -> vector<16xf32>
          %unpack3A_1058 = tpu.unpack_subelements %bitcast3A_1044, 1 {pack_format = #tpu.pack_format<interleaved>} : vector<32xbf16> -> vector<16xf32>
          %unpack3A_1059 = tpu.unpack_subelements %bitcast3A_1050, 0 {pack_format = #tpu.pack_format<interleaved>} : vector<32xbf16> -> vector<16xf32>
          %unpack3A_1060 = tpu.unpack_subelements %bitcast3A_1050, 1 {pack_format = #tpu.pack_format<interleaved>} : vector<32xbf16> -> vector<16xf32>
          %unpack3A_1061 = tpu.unpack_subelements %bitcast3A_1056, 0 {pack_format = #tpu.pack_format<interleaved>} : vector<32xbf16> -> vector<16xf32>
          %unpack3A_1062 = tpu.unpack_subelements %bitcast3A_1056, 1 {pack_format = #tpu.pack_format<interleaved>} : vector<32xbf16> -> vector<16xf32>
          %mul3A_1063 = arith.mulf %unpack3A_1057, %unpack3A_1059 : vector<16xf32>
          %mul3A_1064 = arith.mulf %mul3A_1063, %unpack3A_1061 : vector<16xf32>
          %add3A_1065 = arith.addf %broadcast_in_dim3A_1038, %mul3A_1064 : vector<16xf32>
          %mul3A_1066 = arith.mulf %unpack3A_1058, %unpack3A_1060 : vector<16xf32>
          %mul3A_1067 = arith.mulf %mul3A_1066, %unpack3A_1062 : vector<16xf32>
          %add3A_1068 = arith.addf %add3A_1065, %mul3A_1067 : vector<16xf32>
          %get3A_1069 = arith.constant 0 : i32
          %get3A_1070 = arith.index_cast %get3A_1069 : i32 to index
          %get3A_1071 = arith.index_cast %add3A_1036 : i32 to index
          %get3A_1072 = arith.constant 16 : index
          %get3A_1073 = tpu.vector_load %arg11[%get3A_1070, %get3A_1071, %get3A_1072] {strides = array<i32>} : memref<2x80x64xi32, #tpu.memory_space<vmem>>, vector<16xi32>,
          %bitcast3A_1074 = vector.bitcast %get3A_1073 : vector<16xi32> to vector<32xbf16>
          %get3A_1075 = arith.constant 0 : i32
          %get3A_1076 = arith.index_cast %get3A_1075 : i32 to index
          %get3A_1077 = arith.index_cast %add3A_1036 : i32 to index
          %get3A_1078 = arith.constant 16 : index
          %get3A_1079 = tpu.vector_load %arg13[%get3A_1076, %get3A_1077, %get3A_1078] {strides = array<i32>} : memref<2x80x64xi32, #tpu.memory_space<vmem>>, vector<16xi32>,
          %bitcast3A_1080 = vector.bitcast %get3A_1079 : vector<16xi32> to vector<32xbf16>
          %get3A_1081 = arith.constant 0 : i32
          %get3A_1082 = arith.index_cast %get3A_1081 : i32 to index
          %get3A_1083 = arith.index_cast %add3A_1036 : i32 to index
          %get3A_1084 = arith.constant 16 : index
          %get3A_1085 = tpu.vector_load %arg12[%get3A_1082, %get3A_1083, %get3A_1084] {strides = array<i32>} : memref<2x80x64xi32, #tpu.memory_space<vmem>>, vector<16xi32>,
          %bitcast3A_1086 = vector.bitcast %get3A_1085 : vector<16xi32> to vector<32xbf16>
          %unpack3A_1087 = tpu.unpack_subelements %bitcast3A_1074, 0 {pack_format = #tpu.pack_format<interleaved>} : vector<32xbf16> -> vector<16xf32>
          %unpack3A_1088 = tpu.unpack_subelements %bitcast3A_1074, 1 {pack_format = #tpu.pack_format<interleaved>} : vector<32xbf16> -> vector<16xf32>
          %unpack3A_1089 = tpu.unpack_subelements %bitcast3A_1080, 0 {pack_format = #tpu.pack_format<interleaved>} : vector<32xbf16> -> vector<16xf32>
          %unpack3A_1090 = tpu.unpack_subelements %bitcast3A_1080, 1 {pack_format = #tpu.pack_format<interleaved>} : vector<32xbf16> -> vector<16xf32>
          %unpack3A_1091 = tpu.unpack_subelements %bitcast3A_1086, 0 {pack_format = #tpu.pack_format<interleaved>} : vector<32xbf16> -> vector<16xf32>
          %unpack3A_1092 = tpu.unpack_subelements %bitcast3A_1086, 1 {pack_format = #tpu.pack_format<interleaved>} : vector<32xbf16> -> vector<16xf32>
          %mul3A_1093 = arith.mulf %unpack3A_1087, %unpack3A_1089 : vector<16xf32>
          %mul3A_1094 = arith.mulf %mul3A_1093, %unpack3A_1091 : vector<16xf32>
          %add3A_1095 = arith.addf %add3A_1068, %mul3A_1094 : vector<16xf32>
          %mul3A_1096 = arith.mulf %unpack3A_1088, %unpack3A_1090 : vector<16xf32>
          %mul3A_1097 = arith.mulf %mul3A_1096, %unpack3A_1092 : vector<16xf32>
          %add3A_1098 = arith.addf %add3A_1095, %mul3A_1097 : vector<16xf32>
          %get3A_1099 = arith.constant 0 : i32
          %get3A_1100 = arith.index_cast %get3A_1099 : i32 to index
          %get3A_1101 = arith.index_cast %add3A_1036 : i32 to index
          %get3A_1102 = arith.constant 32 : index
          %get3A_1103 = tpu.vector_load %arg11[%get3A_1100, %get3A_1101, %get3A_1102] {strides = array<i32>} : memref<2x80x64xi32, #tpu.memory_space<vmem>>, vector<16xi32>,
          %bitcast3A_1104 = vector.bitcast %get3A_1103 : vector<16xi32> to vector<32xbf16>
          %get3A_1105 = arith.constant 0 : i32
          %get3A_1106 = arith.index_cast %get3A_1105 : i32 to index
          %get3A_1107 = arith.index_cast %add3A_1036 : i32 to index
          %get3A_1108 = arith.constant 32 : index
          %get3A_1109 = tpu.vector_load %arg13[%get3A_1106, %get3A_1107, %get3A_1108] {strides = array<i32>} : memref<2x80x64xi32, #tpu.memory_space<vmem>>, vector<16xi32>,
          %bitcast3A_1110 = vector.bitcast %get3A_1109 : vector<16xi32> to vector<32xbf16>
          %get3A_1111 = arith.constant 0 : i32
          %get3A_1112 = arith.index_cast %get3A_1111 : i32 to index
          %get3A_1113 = arith.index_cast %add3A_1036 : i32 to index
          %get3A_1114 = arith.constant 32 : index
          %get3A_1115 = tpu.vector_load %arg12[%get3A_1112, %get3A_1113, %get3A_1114] {strides = array<i32>} : memref<2x80x64xi32, #tpu.memory_space<vmem>>, vector<16xi32>,
          %bitcast3A_1116 = vector.bitcast %get3A_1115 : vector<16xi32> to vector<32xbf16>
          %unpack3A_1117 = tpu.unpack_subelements %bitcast3A_1104, 0 {pack_format = #tpu.pack_format<interleaved>} : vector<32xbf16> -> vector<16xf32>
          %unpack3A_1118 = tpu.unpack_subelements %bitcast3A_1104, 1 {pack_format = #tpu.pack_format<interleaved>} : vector<32xbf16> -> vector<16xf32>
          %unpack3A_1119 = tpu.unpack_subelements %bitcast3A_1110, 0 {pack_format = #tpu.pack_format<interleaved>} : vector<32xbf16> -> vector<16xf32>
          %unpack3A_1120 = tpu.unpack_subelements %bitcast3A_1110, 1 {pack_format = #tpu.pack_format<interleaved>} : vector<32xbf16> -> vector<16xf32>
          %unpack3A_1121 = tpu.unpack_subelements %bitcast3A_1116, 0 {pack_format = #tpu.pack_format<interleaved>} : vector<32xbf16> -> vector<16xf32>
          %unpack3A_1122 = tpu.unpack_subelements %bitcast3A_1116, 1 {pack_format = #tpu.pack_format<interleaved>} : vector<32xbf16> -> vector<16xf32>
          %mul3A_1123 = arith.mulf %unpack3A_1117, %unpack3A_1119 : vector<16xf32>
          %mul3A_1124 = arith.mulf %mul3A_1123, %unpack3A_1121 : vector<16xf32>
          %add3A_1125 = arith.addf %add3A_1098, %mul3A_1124 : vector<16xf32>
          %mul3A_1126 = arith.mulf %unpack3A_1118, %unpack3A_1120 : vector<16xf32>
          %mul3A_1127 = arith.mulf %mul3A_1126, %unpack3A_1122 : vector<16xf32>
          %add3A_1128 = arith.addf %add3A_1125, %mul3A_1127 : vector<16xf32>
          %get3A_1129 = arith.constant 0 : i32
          %get3A_1130 = arith.index_cast %get3A_1129 : i32 to index
          %get3A_1131 = arith.index_cast %add3A_1036 : i32 to index
          %get3A_1132 = arith.constant 48 : index
          %get3A_1133 = tpu.vector_load %arg11[%get3A_1130, %get3A_1131, %get3A_1132] {strides = array<i32>} : memref<2x80x64xi32, #tpu.memory_space<vmem>>, vector<16xi32>,
          %bitcast3A_1134 = vector.bitcast %get3A_1133 : vector<16xi32> to vector<32xbf16>
          %get3A_1135 = arith.constant 0 : i32
          %get3A_1136 = arith.index_cast %get3A_1135 : i32 to index
          %get3A_1137 = arith.index_cast %add3A_1036 : i32 to index
          %get3A_1138 = arith.constant 48 : index
          %get3A_1139 = tpu.vector_load %arg13[%get3A_1136, %get3A_1137, %get3A_1138] {strides = array<i32>} : memref<2x80x64xi32, #tpu.memory_space<vmem>>, vector<16xi32>,
          %bitcast3A_1140 = vector.bitcast %get3A_1139 : vector<16xi32> to vector<32xbf16>
          %get3A_1141 = arith.constant 0 : i32
          %get3A_1142 = arith.index_cast %get3A_1141 : i32 to index
          %get3A_1143 = arith.index_cast %add3A_1036 : i32 to index
          %get3A_1144 = arith.constant 48 : index
          %get3A_1145 = tpu.vector_load %arg12[%get3A_1142, %get3A_1143, %get3A_1144] {strides = array<i32>} : memref<2x80x64xi32, #tpu.memory_space<vmem>>, vector<16xi32>,
          %bitcast3A_1146 = vector.bitcast %get3A_1145 : vector<16xi32> to vector<32xbf16>
          %unpack3A_1147 = tpu.unpack_subelements %bitcast3A_1134, 0 {pack_format = #tpu.pack_format<interleaved>} : vector<32xbf16> -> vector<16xf32>
          %unpack3A_1148 = tpu.unpack_subelements %bitcast3A_1134, 1 {pack_format = #tpu.pack_format<interleaved>} : vector<32xbf16> -> vector<16xf32>
          %unpack3A_1149 = tpu.unpack_subelements %bitcast3A_1140, 0 {pack_format = #tpu.pack_format<interleaved>} : vector<32xbf16> -> vector<16xf32>
          %unpack3A_1150 = tpu.unpack_subelements %bitcast3A_1140, 1 {pack_format = #tpu.pack_format<interleaved>} : vector<32xbf16> -> vector<16xf32>
          %unpack3A_1151 = tpu.unpack_subelements %bitcast3A_1146, 0 {pack_format = #tpu.pack_format<interleaved>} : vector<32xbf16> -> vector<16xf32>
          %unpack3A_1152 = tpu.unpack_subelements %bitcast3A_1146, 1 {pack_format = #tpu.pack_format<interleaved>} : vector<32xbf16> -> vector<16xf32>
          %mul3A_1153 = arith.mulf %unpack3A_1147, %unpack3A_1149 : vector<16xf32>
          %mul3A_1154 = arith.mulf %mul3A_1153, %unpack3A_1151 : vector<16xf32>
          %add3A_1155 = arith.addf %add3A_1128, %mul3A_1154 : vector<16xf32>
          %mul3A_1156 = arith.mulf %unpack3A_1148, %unpack3A_1150 : vector<16xf32>
          %mul3A_1157 = arith.mulf %mul3A_1156, %unpack3A_1152 : vector<16xf32>
          %add3A_1158 = arith.addf %add3A_1155, %mul3A_1157 : vector<16xf32>
          %mul3A_1159 = arith.constant 8 : i32
          %mul3A_1160 = arith.muli %scan3A_340, %mul3A_1159 : i32
          %add3A_1161 = arith.constant 5 : i32
          %add3A_1162 = arith.addi %mul3A_1160, %add3A_1161 : i32
          %eq3A_1163 = vector.broadcast %add3A_1162 : i32 to vector<16xi32>
          %eq3A_1164 = arith.cmpi eq, %iota3A, %eq3A_1163 : vector<16xi32>
          %reduce_sum3A_1165 = arith.constant true
          %reduce_sum3A_1166 = vector.broadcast %reduce_sum3A_1165 : i1 to vector<16xi1>
          %reduce_sum3A_1167 = tpu.scan <sum>, %add3A_1158 masked %reduce_sum3A_1166 : vector<16xf32>, vector<16xi1> -> vector<16xf32>
          %reduce_sum3A_1168 = vector.extract %reduce_sum3A_1167[15] : f32 from vector<16xf32>
          %broadcast_in_dim3A_1169 = vector.broadcast %reduce_sum3A_1168 : f32 to vector<16xf32>
          %select_n3A_1170 = arith.select %eq3A_1164, %broadcast_in_dim3A_1169, %select_n3A_1031 : vector<16xi1>, vector<16xf32>
          %mul3A_1171 = arith.constant 8 : i32
          %mul3A_1172 = arith.muli %scan3A_340, %mul3A_1171 : i32
          %add3A_1173 = arith.addi %mul3A_330, %mul3A_1172 : i32
          %add3A_1174 = arith.constant 6 : i32
          %add3A_1175 = arith.addi %add3A_1173, %add3A_1174 : i32
          %broadcast_in_dim3A_1176 = arith.constant 0.000000e+00 : f32
          %broadcast_in_dim3A_1177 = vector.broadcast %broadcast_in_dim3A_1176 : f32 to vector<16xf32>
          %get3A_1178 = arith.constant 0 : i32
          %get3A_1179 = arith.index_cast %get3A_1178 : i32 to index
          %get3A_1180 = arith.index_cast %add3A_1175 : i32 to index
          %get3A_1181 = arith.constant 0 : index
          %get3A_1182 = tpu.vector_load %arg11[%get3A_1179, %get3A_1180, %get3A_1181] {strides = array<i32>} : memref<2x80x64xi32, #tpu.memory_space<vmem>>, vector<16xi32>,
          %bitcast3A_1183 = vector.bitcast %get3A_1182 : vector<16xi32> to vector<32xbf16>
          %get3A_1184 = arith.constant 0 : i32
          %get3A_1185 = arith.index_cast %get3A_1184 : i32 to index
          %get3A_1186 = arith.index_cast %add3A_1175 : i32 to index
          %get3A_1187 = arith.constant 0 : index
          %get3A_1188 = tpu.vector_load %arg13[%get3A_1185, %get3A_1186, %get3A_1187] {strides = array<i32>} : memref<2x80x64xi32, #tpu.memory_space<vmem>>, vector<16xi32>,
          %bitcast3A_1189 = vector.bitcast %get3A_1188 : vector<16xi32> to vector<32xbf16>
          %get3A_1190 = arith.constant 0 : i32
          %get3A_1191 = arith.index_cast %get3A_1190 : i32 to index
          %get3A_1192 = arith.index_cast %add3A_1175 : i32 to index
          %get3A_1193 = arith.constant 0 : index
          %get3A_1194 = tpu.vector_load %arg12[%get3A_1191, %get3A_1192, %get3A_1193] {strides = array<i32>} : memref<2x80x64xi32, #tpu.memory_space<vmem>>, vector<16xi32>,
          %bitcast3A_1195 = vector.bitcast %get3A_1194 : vector<16xi32> to vector<32xbf16>
          %unpack3A_1196 = tpu.unpack_subelements %bitcast3A_1183, 0 {pack_format = #tpu.pack_format<interleaved>} : vector<32xbf16> -> vector<16xf32>
          %unpack3A_1197 = tpu.unpack_subelements %bitcast3A_1183, 1 {pack_format = #tpu.pack_format<interleaved>} : vector<32xbf16> -> vector<16xf32>
          %unpack3A_1198 = tpu.unpack_subelements %bitcast3A_1189, 0 {pack_format = #tpu.pack_format<interleaved>} : vector<32xbf16> -> vector<16xf32>
          %unpack3A_1199 = tpu.unpack_subelements %bitcast3A_1189, 1 {pack_format = #tpu.pack_format<interleaved>} : vector<32xbf16> -> vector<16xf32>
          %unpack3A_1200 = tpu.unpack_subelements %bitcast3A_1195, 0 {pack_format = #tpu.pack_format<interleaved>} : vector<32xbf16> -> vector<16xf32>
          %unpack3A_1201 = tpu.unpack_subelements %bitcast3A_1195, 1 {pack_format = #tpu.pack_format<interleaved>} : vector<32xbf16> -> vector<16xf32>
          %mul3A_1202 = arith.mulf %unpack3A_1196, %unpack3A_1198 : vector<16xf32>
          %mul3A_1203 = arith.mulf %mul3A_1202, %unpack3A_1200 : vector<16xf32>
          %add3A_1204 = arith.addf %broadcast_in_dim3A_1177, %mul3A_1203 : vector<16xf32>
          %mul3A_1205 = arith.mulf %unpack3A_1197, %unpack3A_1199 : vector<16xf32>
          %mul3A_1206 = arith.mulf %mul3A_1205, %unpack3A_1201 : vector<16xf32>
          %add3A_1207 = arith.addf %add3A_1204, %mul3A_1206 : vector<16xf32>
          %get3A_1208 = arith.constant 0 : i32
          %get3A_1209 = arith.index_cast %get3A_1208 : i32 to index
          %get3A_1210 = arith.index_cast %add3A_1175 : i32 to index
          %get3A_1211 = arith.constant 16 : index
          %get3A_1212 = tpu.vector_load %arg11[%get3A_1209, %get3A_1210, %get3A_1211] {strides = array<i32>} : memref<2x80x64xi32, #tpu.memory_space<vmem>>, vector<16xi32>,
          %bitcast3A_1213 = vector.bitcast %get3A_1212 : vector<16xi32> to vector<32xbf16>
          %get3A_1214 = arith.constant 0 : i32
          %get3A_1215 = arith.index_cast %get3A_1214 : i32 to index
          %get3A_1216 = arith.index_cast %add3A_1175 : i32 to index
          %get3A_1217 = arith.constant 16 : index
          %get3A_1218 = tpu.vector_load %arg13[%get3A_1215, %get3A_1216, %get3A_1217] {strides = array<i32>} : memref<2x80x64xi32, #tpu.memory_space<vmem>>, vector<16xi32>,
          %bitcast3A_1219 = vector.bitcast %get3A_1218 : vector<16xi32> to vector<32xbf16>
          %get3A_1220 = arith.constant 0 : i32
          %get3A_1221 = arith.index_cast %get3A_1220 : i32 to index
          %get3A_1222 = arith.index_cast %add3A_1175 : i32 to index
          %get3A_1223 = arith.constant 16 : index
          %get3A_1224 = tpu.vector_load %arg12[%get3A_1221, %get3A_1222, %get3A_1223] {strides = array<i32>} : memref<2x80x64xi32, #tpu.memory_space<vmem>>, vector<16xi32>,
          %bitcast3A_1225 = vector.bitcast %get3A_1224 : vector<16xi32> to vector<32xbf16>
          %unpack3A_1226 = tpu.unpack_subelements %bitcast3A_1213, 0 {pack_format = #tpu.pack_format<interleaved>} : vector<32xbf16> -> vector<16xf32>
          %unpack3A_1227 = tpu.unpack_subelements %bitcast3A_1213, 1 {pack_format = #tpu.pack_format<interleaved>} : vector<32xbf16> -> vector<16xf32>
          %unpack3A_1228 = tpu.unpack_subelements %bitcast3A_1219, 0 {pack_format = #tpu.pack_format<interleaved>} : vector<32xbf16> -> vector<16xf32>
          %unpack3A_1229 = tpu.unpack_subelements %bitcast3A_1219, 1 {pack_format = #tpu.pack_format<interleaved>} : vector<32xbf16> -> vector<16xf32>
          %unpack3A_1230 = tpu.unpack_subelements %bitcast3A_1225, 0 {pack_format = #tpu.pack_format<interleaved>} : vector<32xbf16> -> vector<16xf32>
          %unpack3A_1231 = tpu.unpack_subelements %bitcast3A_1225, 1 {pack_format = #tpu.pack_format<interleaved>} : vector<32xbf16> -> vector<16xf32>
          %mul3A_1232 = arith.mulf %unpack3A_1226, %unpack3A_1228 : vector<16xf32>
          %mul3A_1233 = arith.mulf %mul3A_1232, %unpack3A_1230 : vector<16xf32>
          %add3A_1234 = arith.addf %add3A_1207, %mul3A_1233 : vector<16xf32>
          %mul3A_1235 = arith.mulf %unpack3A_1227, %unpack3A_1229 : vector<16xf32>
          %mul3A_1236 = arith.mulf %mul3A_1235, %unpack3A_1231 : vector<16xf32>
          %add3A_1237 = arith.addf %add3A_1234, %mul3A_1236 : vector<16xf32>
          %get3A_1238 = arith.constant 0 : i32
          %get3A_1239 = arith.index_cast %get3A_1238 : i32 to index
          %get3A_1240 = arith.index_cast %add3A_1175 : i32 to index
          %get3A_1241 = arith.constant 32 : index
          %get3A_1242 = tpu.vector_load %arg11[%get3A_1239, %get3A_1240, %get3A_1241] {strides = array<i32>} : memref<2x80x64xi32, #tpu.memory_space<vmem>>, vector<16xi32>,
          %bitcast3A_1243 = vector.bitcast %get3A_1242 : vector<16xi32> to vector<32xbf16>
          %get3A_1244 = arith.constant 0 : i32
          %get3A_1245 = arith.index_cast %get3A_1244 : i32 to index
          %get3A_1246 = arith.index_cast %add3A_1175 : i32 to index
          %get3A_1247 = arith.constant 32 : index
          %get3A_1248 = tpu.vector_load %arg13[%get3A_1245, %get3A_1246, %get3A_1247] {strides = array<i32>} : memref<2x80x64xi32, #tpu.memory_space<vmem>>, vector<16xi32>,
          %bitcast3A_1249 = vector.bitcast %get3A_1248 : vector<16xi32> to vector<32xbf16>
          %get3A_1250 = arith.constant 0 : i32
          %get3A_1251 = arith.index_cast %get3A_1250 : i32 to index
          %get3A_1252 = arith.index_cast %add3A_1175 : i32 to index
          %get3A_1253 = arith.constant 32 : index
          %get3A_1254 = tpu.vector_load %arg12[%get3A_1251, %get3A_1252, %get3A_1253] {strides = array<i32>} : memref<2x80x64xi32, #tpu.memory_space<vmem>>, vector<16xi32>,
          %bitcast3A_1255 = vector.bitcast %get3A_1254 : vector<16xi32> to vector<32xbf16>
          %unpack3A_1256 = tpu.unpack_subelements %bitcast3A_1243, 0 {pack_format = #tpu.pack_format<interleaved>} : vector<32xbf16> -> vector<16xf32>
          %unpack3A_1257 = tpu.unpack_subelements %bitcast3A_1243, 1 {pack_format = #tpu.pack_format<interleaved>} : vector<32xbf16> -> vector<16xf32>
          %unpack3A_1258 = tpu.unpack_subelements %bitcast3A_1249, 0 {pack_format = #tpu.pack_format<interleaved>} : vector<32xbf16> -> vector<16xf32>
          %unpack3A_1259 = tpu.unpack_subelements %bitcast3A_1249, 1 {pack_format = #tpu.pack_format<interleaved>} : vector<32xbf16> -> vector<16xf32>
          %unpack3A_1260 = tpu.unpack_subelements %bitcast3A_1255, 0 {pack_format = #tpu.pack_format<interleaved>} : vector<32xbf16> -> vector<16xf32>
          %unpack3A_1261 = tpu.unpack_subelements %bitcast3A_1255, 1 {pack_format = #tpu.pack_format<interleaved>} : vector<32xbf16> -> vector<16xf32>
          %mul3A_1262 = arith.mulf %unpack3A_1256, %unpack3A_1258 : vector<16xf32>
          %mul3A_1263 = arith.mulf %mul3A_1262, %unpack3A_1260 : vector<16xf32>
          %add3A_1264 = arith.addf %add3A_1237, %mul3A_1263 : vector<16xf32>
          %mul3A_1265 = arith.mulf %unpack3A_1257, %unpack3A_1259 : vector<16xf32>
          %mul3A_1266 = arith.mulf %mul3A_1265, %unpack3A_1261 : vector<16xf32>
          %add3A_1267 = arith.addf %add3A_1264, %mul3A_1266 : vector<16xf32>
          %get3A_1268 = arith.constant 0 : i32
          %get3A_1269 = arith.index_cast %get3A_1268 : i32 to index
          %get3A_1270 = arith.index_cast %add3A_1175 : i32 to index
          %get3A_1271 = arith.constant 48 : index
          %get3A_1272 = tpu.vector_load %arg11[%get3A_1269, %get3A_1270, %get3A_1271] {strides = array<i32>} : memref<2x80x64xi32, #tpu.memory_space<vmem>>, vector<16xi32>,
          %bitcast3A_1273 = vector.bitcast %get3A_1272 : vector<16xi32> to vector<32xbf16>
          %get3A_1274 = arith.constant 0 : i32
          %get3A_1275 = arith.index_cast %get3A_1274 : i32 to index
          %get3A_1276 = arith.index_cast %add3A_1175 : i32 to index
          %get3A_1277 = arith.constant 48 : index
          %get3A_1278 = tpu.vector_load %arg13[%get3A_1275, %get3A_1276, %get3A_1277] {strides = array<i32>} : memref<2x80x64xi32, #tpu.memory_space<vmem>>, vector<16xi32>,
          %bitcast3A_1279 = vector.bitcast %get3A_1278 : vector<16xi32> to vector<32xbf16>
          %get3A_1280 = arith.constant 0 : i32
          %get3A_1281 = arith.index_cast %get3A_1280 : i32 to index
          %get3A_1282 = arith.index_cast %add3A_1175 : i32 to index
          %get3A_1283 = arith.constant 48 : index
          %get3A_1284 = tpu.vector_load %arg12[%get3A_1281, %get3A_1282, %get3A_1283] {strides = array<i32>} : memref<2x80x64xi32, #tpu.memory_space<vmem>>, vector<16xi32>,
          %bitcast3A_1285 = vector.bitcast %get3A_1284 : vector<16xi32> to vector<32xbf16>
          %unpack3A_1286 = tpu.unpack_subelements %bitcast3A_1273, 0 {pack_format = #tpu.pack_format<interleaved>} : vector<32xbf16> -> vector<16xf32>
          %unpack3A_1287 = tpu.unpack_subelements %bitcast3A_1273, 1 {pack_format = #tpu.pack_format<interleaved>} : vector<32xbf16> -> vector<16xf32>
          %unpack3A_1288 = tpu.unpack_subelements %bitcast3A_1279, 0 {pack_format = #tpu.pack_format<interleaved>} : vector<32xbf16> -> vector<16xf32>
          %unpack3A_1289 = tpu.unpack_subelements %bitcast3A_1279, 1 {pack_format = #tpu.pack_format<interleaved>} : vector<32xbf16> -> vector<16xf32>
          %unpack3A_1290 = tpu.unpack_subelements %bitcast3A_1285, 0 {pack_format = #tpu.pack_format<interleaved>} : vector<32xbf16> -> vector<16xf32>
          %unpack3A_1291 = tpu.unpack_subelements %bitcast3A_1285, 1 {pack_format = #tpu.pack_format<interleaved>} : vector<32xbf16> -> vector<16xf32>
          %mul3A_1292 = arith.mulf %unpack3A_1286, %unpack3A_1288 : vector<16xf32>
          %mul3A_1293 = arith.mulf %mul3A_1292, %unpack3A_1290 : vector<16xf32>
          %add3A_1294 = arith.addf %add3A_1267, %mul3A_1293 : vector<16xf32>
          %mul3A_1295 = arith.mulf %unpack3A_1287, %unpack3A_1289 : vector<16xf32>
          %mul3A_1296 = arith.mulf %mul3A_1295, %unpack3A_1291 : vector<16xf32>
          %add3A_1297 = arith.addf %add3A_1294, %mul3A_1296 : vector<16xf32>
          %mul3A_1298 = arith.constant 8 : i32
          %mul3A_1299 = arith.muli %scan3A_340, %mul3A_1298 : i32
          %add3A_1300 = arith.constant 6 : i32
          %add3A_1301 = arith.addi %mul3A_1299, %add3A_1300 : i32
          %eq3A_1302 = vector.broadcast %add3A_1301 : i32 to vector<16xi32>
          %eq3A_1303 = arith.cmpi eq, %iota3A, %eq3A_1302 : vector<16xi32>
          %reduce_sum3A_1304 = arith.constant true
          %reduce_sum3A_1305 = vector.broadcast %reduce_sum3A_1304 : i1 to vector<16xi1>
          %reduce_sum3A_1306 = tpu.scan <sum>, %add3A_1297 masked %reduce_sum3A_1305 : vector<16xf32>, vector<16xi1> -> vector<16xf32>
          %reduce_sum3A_1307 = vector.extract %reduce_sum3A_1306[15] : f32 from vector<16xf32>
          %broadcast_in_dim3A_1308 = vector.broadcast %reduce_sum3A_1307 : f32 to vector<16xf32>
          %select_n3A_1309 = arith.select %eq3A_1303, %broadcast_in_dim3A_1308, %select_n3A_1170 : vector<16xi1>, vector<16xf32>
          %mul3A_1310 = arith.constant 8 : i32
          %mul3A_1311 = arith.muli %scan3A_340, %mul3A_1310 : i32
          %add3A_1312 = arith.addi %mul3A_330, %mul3A_1311 : i32
          %add3A_1313 = arith.constant 7 : i32
          %add3A_1314 = arith.addi %add3A_1312, %add3A_1313 : i32
          %broadcast_in_dim3A_1315 = arith.constant 0.000000e+00 : f32
          %broadcast_in_dim3A_1316 = vector.broadcast %broadcast_in_dim3A_1315 : f32 to vector<16xf32>
          %get3A_1317 = arith.constant 0 : i32
          %get3A_1318 = arith.index_cast %get3A_1317 : i32 to index
          %get3A_1319 = arith.index_cast %add3A_1314 : i32 to index
          %get3A_1320 = arith.constant 0 : index
          %get3A_1321 = tpu.vector_load %arg11[%get3A_1318, %get3A_1319, %get3A_1320] {strides = array<i32>} : memref<2x80x64xi32, #tpu.memory_space<vmem>>, vector<16xi32>,
          %bitcast3A_1322 = vector.bitcast %get3A_1321 : vector<16xi32> to vector<32xbf16>
          %get3A_1323 = arith.constant 0 : i32
          %get3A_1324 = arith.index_cast %get3A_1323 : i32 to index
          %get3A_1325 = arith.index_cast %add3A_1314 : i32 to index
          %get3A_1326 = arith.constant 0 : index
          %get3A_1327 = tpu.vector_load %arg13[%get3A_1324, %get3A_1325, %get3A_1326] {strides = array<i32>} : memref<2x80x64xi32, #tpu.memory_space<vmem>>, vector<16xi32>,
          %bitcast3A_1328 = vector.bitcast %get3A_1327 : vector<16xi32> to vector<32xbf16>
          %get3A_1329 = arith.constant 0 : i32
          %get3A_1330 = arith.index_cast %get3A_1329 : i32 to index
          %get3A_1331 = arith.index_cast %add3A_1314 : i32 to index
          %get3A_1332 = arith.constant 0 : index
          %get3A_1333 = tpu.vector_load %arg12[%get3A_1330, %get3A_1331, %get3A_1332] {strides = array<i32>} : memref<2x80x64xi32, #tpu.memory_space<vmem>>, vector<16xi32>,
          %bitcast3A_1334 = vector.bitcast %get3A_1333 : vector<16xi32> to vector<32xbf16>
          %unpack3A_1335 = tpu.unpack_subelements %bitcast3A_1322, 0 {pack_format = #tpu.pack_format<interleaved>} : vector<32xbf16> -> vector<16xf32>
          %unpack3A_1336 = tpu.unpack_subelements %bitcast3A_1322, 1 {pack_format = #tpu.pack_format<interleaved>} : vector<32xbf16> -> vector<16xf32>
          %unpack3A_1337 = tpu.unpack_subelements %bitcast3A_1328, 0 {pack_format = #tpu.pack_format<interleaved>} : vector<32xbf16> -> vector<16xf32>
          %unpack3A_1338 = tpu.unpack_subelements %bitcast3A_1328, 1 {pack_format = #tpu.pack_format<interleaved>} : vector<32xbf16> -> vector<16xf32>
          %unpack3A_1339 = tpu.unpack_subelements %bitcast3A_1334, 0 {pack_format = #tpu.pack_format<interleaved>} : vector<32xbf16> -> vector<16xf32>
          %unpack3A_1340 = tpu.unpack_subelements %bitcast3A_1334, 1 {pack_format = #tpu.pack_format<interleaved>} : vector<32xbf16> -> vector<16xf32>
          %mul3A_1341 = arith.mulf %unpack3A_1335, %unpack3A_1337 : vector<16xf32>
          %mul3A_1342 = arith.mulf %mul3A_1341, %unpack3A_1339 : vector<16xf32>
          %add3A_1343 = arith.addf %broadcast_in_dim3A_1316, %mul3A_1342 : vector<16xf32>
          %mul3A_1344 = arith.mulf %unpack3A_1336, %unpack3A_1338 : vector<16xf32>
          %mul3A_1345 = arith.mulf %mul3A_1344, %unpack3A_1340 : vector<16xf32>
          %add3A_1346 = arith.addf %add3A_1343, %mul3A_1345 : vector<16xf32>
          %get3A_1347 = arith.constant 0 : i32
          %get3A_1348 = arith.index_cast %get3A_1347 : i32 to index
          %get3A_1349 = arith.index_cast %add3A_1314 : i32 to index
          %get3A_1350 = arith.constant 16 : index
          %get3A_1351 = tpu.vector_load %arg11[%get3A_1348, %get3A_1349, %get3A_1350] {strides = array<i32>} : memref<2x80x64xi32, #tpu.memory_space<vmem>>, vector<16xi32>,
          %bitcast3A_1352 = vector.bitcast %get3A_1351 : vector<16xi32> to vector<32xbf16>
          %get3A_1353 = arith.constant 0 : i32
          %get3A_1354 = arith.index_cast %get3A_1353 : i32 to index
          %get3A_1355 = arith.index_cast %add3A_1314 : i32 to index
          %get3A_1356 = arith.constant 16 : index
          %get3A_1357 = tpu.vector_load %arg13[%get3A_1354, %get3A_1355, %get3A_1356] {strides = array<i32>} : memref<2x80x64xi32, #tpu.memory_space<vmem>>, vector<16xi32>,
          %bitcast3A_1358 = vector.bitcast %get3A_1357 : vector<16xi32> to vector<32xbf16>
          %get3A_1359 = arith.constant 0 : i32
          %get3A_1360 = arith.index_cast %get3A_1359 : i32 to index
          %get3A_1361 = arith.index_cast %add3A_1314 : i32 to index
          %get3A_1362 = arith.constant 16 : index
          %get3A_1363 = tpu.vector_load %arg12[%get3A_1360, %get3A_1361, %get3A_1362] {strides = array<i32>} : memref<2x80x64xi32, #tpu.memory_space<vmem>>, vector<16xi32>,
          %bitcast3A_1364 = vector.bitcast %get3A_1363 : vector<16xi32> to vector<32xbf16>
          %unpack3A_1365 = tpu.unpack_subelements %bitcast3A_1352, 0 {pack_format = #tpu.pack_format<interleaved>} : vector<32xbf16> -> vector<16xf32>
          %unpack3A_1366 = tpu.unpack_subelements %bitcast3A_1352, 1 {pack_format = #tpu.pack_format<interleaved>} : vector<32xbf16> -> vector<16xf32>
          %unpack3A_1367 = tpu.unpack_subelements %bitcast3A_1358, 0 {pack_format = #tpu.pack_format<interleaved>} : vector<32xbf16> -> vector<16xf32>
          %unpack3A_1368 = tpu.unpack_subelements %bitcast3A_1358, 1 {pack_format = #tpu.pack_format<interleaved>} : vector<32xbf16> -> vector<16xf32>
          %unpack3A_1369 = tpu.unpack_subelements %bitcast3A_1364, 0 {pack_format = #tpu.pack_format<interleaved>} : vector<32xbf16> -> vector<16xf32>
          %unpack3A_1370 = tpu.unpack_subelements %bitcast3A_1364, 1 {pack_format = #tpu.pack_format<interleaved>} : vector<32xbf16> -> vector<16xf32>
          %mul3A_1371 = arith.mulf %unpack3A_1365, %unpack3A_1367 : vector<16xf32>
          %mul3A_1372 = arith.mulf %mul3A_1371, %unpack3A_1369 : vector<16xf32>
          %add3A_1373 = arith.addf %add3A_1346, %mul3A_1372 : vector<16xf32>
          %mul3A_1374 = arith.mulf %unpack3A_1366, %unpack3A_1368 : vector<16xf32>
          %mul3A_1375 = arith.mulf %mul3A_1374, %unpack3A_1370 : vector<16xf32>
          %add3A_1376 = arith.addf %add3A_1373, %mul3A_1375 : vector<16xf32>
          %get3A_1377 = arith.constant 0 : i32
          %get3A_1378 = arith.index_cast %get3A_1377 : i32 to index
          %get3A_1379 = arith.index_cast %add3A_1314 : i32 to index
          %get3A_1380 = arith.constant 32 : index
          %get3A_1381 = tpu.vector_load %arg11[%get3A_1378, %get3A_1379, %get3A_1380] {strides = array<i32>} : memref<2x80x64xi32, #tpu.memory_space<vmem>>, vector<16xi32>,
          %bitcast3A_1382 = vector.bitcast %get3A_1381 : vector<16xi32> to vector<32xbf16>
          %get3A_1383 = arith.constant 0 : i32
          %get3A_1384 = arith.index_cast %get3A_1383 : i32 to index
          %get3A_1385 = arith.index_cast %add3A_1314 : i32 to index
          %get3A_1386 = arith.constant 32 : index
          %get3A_1387 = tpu.vector_load %arg13[%get3A_1384, %get3A_1385, %get3A_1386] {strides = array<i32>} : memref<2x80x64xi32, #tpu.memory_space<vmem>>, vector<16xi32>,
          %bitcast3A_1388 = vector.bitcast %get3A_1387 : vector<16xi32> to vector<32xbf16>
          %get3A_1389 = arith.constant 0 : i32
          %get3A_1390 = arith.index_cast %get3A_1389 : i32 to index
          %get3A_1391 = arith.index_cast %add3A_1314 : i32 to index
          %get3A_1392 = arith.constant 32 : index
          %get3A_1393 = tpu.vector_load %arg12[%get3A_1390, %get3A_1391, %get3A_1392] {strides = array<i32>} : memref<2x80x64xi32, #tpu.memory_space<vmem>>, vector<16xi32>,
          %bitcast3A_1394 = vector.bitcast %get3A_1393 : vector<16xi32> to vector<32xbf16>
          %unpack3A_1395 = tpu.unpack_subelements %bitcast3A_1382, 0 {pack_format = #tpu.pack_format<interleaved>} : vector<32xbf16> -> vector<16xf32>
          %unpack3A_1396 = tpu.unpack_subelements %bitcast3A_1382, 1 {pack_format = #tpu.pack_format<interleaved>} : vector<32xbf16> -> vector<16xf32>
          %unpack3A_1397 = tpu.unpack_subelements %bitcast3A_1388, 0 {pack_format = #tpu.pack_format<interleaved>} : vector<32xbf16> -> vector<16xf32>
          %unpack3A_1398 = tpu.unpack_subelements %bitcast3A_1388, 1 {pack_format = #tpu.pack_format<interleaved>} : vector<32xbf16> -> vector<16xf32>
          %unpack3A_1399 = tpu.unpack_subelements %bitcast3A_1394, 0 {pack_format = #tpu.pack_format<interleaved>} : vector<32xbf16> -> vector<16xf32>
          %unpack3A_1400 = tpu.unpack_subelements %bitcast3A_1394, 1 {pack_format = #tpu.pack_format<interleaved>} : vector<32xbf16> -> vector<16xf32>
          %mul3A_1401 = arith.mulf %unpack3A_1395, %unpack3A_1397 : vector<16xf32>
          %mul3A_1402 = arith.mulf %mul3A_1401, %unpack3A_1399 : vector<16xf32>
          %add3A_1403 = arith.addf %add3A_1376, %mul3A_1402 : vector<16xf32>
          %mul3A_1404 = arith.mulf %unpack3A_1396, %unpack3A_1398 : vector<16xf32>
          %mul3A_1405 = arith.mulf %mul3A_1404, %unpack3A_1400 : vector<16xf32>
          %add3A_1406 = arith.addf %add3A_1403, %mul3A_1405 : vector<16xf32>
          %get3A_1407 = arith.constant 0 : i32
          %get3A_1408 = arith.index_cast %get3A_1407 : i32 to index
          %get3A_1409 = arith.index_cast %add3A_1314 : i32 to index
          %get3A_1410 = arith.constant 48 : index
          %get3A_1411 = tpu.vector_load %arg11[%get3A_1408, %get3A_1409, %get3A_1410] {strides = array<i32>} : memref<2x80x64xi32, #tpu.memory_space<vmem>>, vector<16xi32>,
          %bitcast3A_1412 = vector.bitcast %get3A_1411 : vector<16xi32> to vector<32xbf16>
          %get3A_1413 = arith.constant 0 : i32
          %get3A_1414 = arith.index_cast %get3A_1413 : i32 to index
          %get3A_1415 = arith.index_cast %add3A_1314 : i32 to index
          %get3A_1416 = arith.constant 48 : index
          %get3A_1417 = tpu.vector_load %arg13[%get3A_1414, %get3A_1415, %get3A_1416] {strides = array<i32>} : memref<2x80x64xi32, #tpu.memory_space<vmem>>, vector<16xi32>,
          %bitcast3A_1418 = vector.bitcast %get3A_1417 : vector<16xi32> to vector<32xbf16>
          %get3A_1419 = arith.constant 0 : i32
          %get3A_1420 = arith.index_cast %get3A_1419 : i32 to index
          %get3A_1421 = arith.index_cast %add3A_1314 : i32 to index
          %get3A_1422 = arith.constant 48 : index
          %get3A_1423 = tpu.vector_load %arg12[%get3A_1420, %get3A_1421, %get3A_1422] {strides = array<i32>} : memref<2x80x64xi32, #tpu.memory_space<vmem>>, vector<16xi32>,
          %bitcast3A_1424 = vector.bitcast %get3A_1423 : vector<16xi32> to vector<32xbf16>
          %unpack3A_1425 = tpu.unpack_subelements %bitcast3A_1412, 0 {pack_format = #tpu.pack_format<interleaved>} : vector<32xbf16> -> vector<16xf32>
          %unpack3A_1426 = tpu.unpack_subelements %bitcast3A_1412, 1 {pack_format = #tpu.pack_format<interleaved>} : vector<32xbf16> -> vector<16xf32>
          %unpack3A_1427 = tpu.unpack_subelements %bitcast3A_1418, 0 {pack_format = #tpu.pack_format<interleaved>} : vector<32xbf16> -> vector<16xf32>
          %unpack3A_1428 = tpu.unpack_subelements %bitcast3A_1418, 1 {pack_format = #tpu.pack_format<interleaved>} : vector<32xbf16> -> vector<16xf32>
          %unpack3A_1429 = tpu.unpack_subelements %bitcast3A_1424, 0 {pack_format = #tpu.pack_format<interleaved>} : vector<32xbf16> -> vector<16xf32>
          %unpack3A_1430 = tpu.unpack_subelements %bitcast3A_1424, 1 {pack_format = #tpu.pack_format<interleaved>} : vector<32xbf16> -> vector<16xf32>
          %mul3A_1431 = arith.mulf %unpack3A_1425, %unpack3A_1427 : vector<16xf32>
          %mul3A_1432 = arith.mulf %mul3A_1431, %unpack3A_1429 : vector<16xf32>
          %add3A_1433 = arith.addf %add3A_1406, %mul3A_1432 : vector<16xf32>
          %mul3A_1434 = arith.mulf %unpack3A_1426, %unpack3A_1428 : vector<16xf32>
          %mul3A_1435 = arith.mulf %mul3A_1434, %unpack3A_1430 : vector<16xf32>
          %add3A_1436 = arith.addf %add3A_1433, %mul3A_1435 : vector<16xf32>
          %mul3A_1437 = arith.constant 8 : i32
          %mul3A_1438 = arith.muli %scan3A_340, %mul3A_1437 : i32
          %add3A_1439 = arith.constant 7 : i32
          %add3A_1440 = arith.addi %mul3A_1438, %add3A_1439 : i32
          %eq3A_1441 = vector.broadcast %add3A_1440 : i32 to vector<16xi32>
          %eq3A_1442 = arith.cmpi eq, %iota3A, %eq3A_1441 : vector<16xi32>
          %reduce_sum3A_1443 = arith.constant true
          %reduce_sum3A_1444 = vector.broadcast %reduce_sum3A_1443 : i1 to vector<16xi1>
          %reduce_sum3A_1445 = tpu.scan <sum>, %add3A_1436 masked %reduce_sum3A_1444 : vector<16xf32>, vector<16xi1> -> vector<16xf32>
          %reduce_sum3A_1446 = vector.extract %reduce_sum3A_1445[15] : f32 from vector<16xf32>
          %broadcast_in_dim3A_1447 = vector.broadcast %reduce_sum3A_1446 : f32 to vector<16xf32>
          %select_n3A_1448 = arith.select %eq3A_1442, %broadcast_in_dim3A_1447, %select_n3A_1309 : vector<16xi1>, vector<16xf32>
          scf.yield %select_n3A_1448 : vector<16xf32>
        }
        %scan3A_337 = arith.constant 2 : i32
        %add3A_338 = arith.addi %multiple_of3A_255, %mul3A_330 : i32
        %swap3A = arith.index_cast %add3A_338 : i32 to index
        %swap3A_339 = tpu.vector_load %arg14[%swap3A] {strides = array<i32>} : memref<10000xf32, #tpu.memory_space<vmem>>, vector<16xf32>,
        tpu.vector_store %arg14[%swap3A], %scan3A_336 {strides = array<i32>} : memref<10000xf32, #tpu.memory_space<vmem>>, vector<16xf32>,
      }
      %scan3A_261 = arith.constant 5 : i32
      %mul3A_262 = arith.constant 2 : i32
      %mul3A_263 = arith.muli %mul3A_262, %scan3A_196 : i32
      %add3A_264 = arith.constant 1 : i32
      %add3A_265 = arith.addi %mul3A_263, %add3A_264 : i32
      %dma_wait3A_266 = arith.constant 1 : i32
      %dma_wait3A_267 = arith.constant 0 : i32
      %dma_wait3A_268 = arith.constant 1 : i32
      %dma_wait3A_269 = arith.constant 0 : i32
      %dma_wait3A_270 = arith.constant 0 : i32
      %dma_wait3A_271 = tpu.memref_slice %arg11[%dma_wait3A_268, %dma_wait3A_269, %dma_wait3A_270] : memref<2x80x64xi32, #tpu.memory_space<vmem>> -> memref<1x80x64xi32, #tpu.memory_space<vmem>>
      %dma_wait3A_272 = tpu.memref_squeeze %dma_wait3A_271 : memref<1x80x64xi32, #tpu.memory_space<vmem>> -> memref<80x64xi32, #tpu.memory_space<vmem>>
      %dma_wait3A_273 = arith.constant 0 : i32
      %dma_wait3A_274 = tpu.memref_slice %arg10[%dma_wait3A_266, %dma_wait3A_267, %dma_wait3A_273] : memref<2x3x80xi32, #tpu.memory_space<vmem>> -> memref<1x1x80xi32, #tpu.memory_space<vmem>>
      %dma_wait3A_275 = tpu.memref_squeeze %dma_wait3A_274 : memref<1x1x80xi32, #tpu.memory_space<vmem>> -> memref<80xi32, #tpu.memory_space<vmem>>
      %dma_wait3A_276 = arith.constant 0 : i32
      %dma_wait3A_277 = arith.constant 0 : i32
      %dma_wait3A_278 = tpu.memref_slice %arg8[%dma_wait3A_276, %dma_wait3A_277] : memref<10000x64xi32, #tpu.memory_space<vmem_shared>> -> memref<10000x64xi32, #tpu.memory_space<vmem_shared>>
      tpu.wait_indirect_dma semaphore(%arg16 : memref<!tpu.dma_semaphore, #tpu.memory_space<semaphore_mem>>) src(%dma_wait3A_278 : memref<10000x64xi32, #tpu.memory_space<vmem_shared>>) dst(%dma_wait3A_272 : memref<80x64xi32, #tpu.memory_space<vmem>>)
      %dma_wait3A_279 = arith.constant 1 : i32
      %dma_wait3A_280 = arith.constant 1 : i32
      %dma_wait3A_281 = arith.constant 1 : i32
      %dma_wait3A_282 = arith.constant 0 : i32
      %dma_wait3A_283 = arith.constant 0 : i32
      %dma_wait3A_284 = tpu.memref_slice %arg12[%dma_wait3A_281, %dma_wait3A_282, %dma_wait3A_283] : memref<2x80x64xi32, #tpu.memory_space<vmem>> -> memref<1x80x64xi32, #tpu.memory_space<vmem>>
      %dma_wait3A_285 = tpu.memref_squeeze %dma_wait3A_284 : memref<1x80x64xi32, #tpu.memory_space<vmem>> -> memref<80x64xi32, #tpu.memory_space<vmem>>
      %dma_wait3A_286 = arith.constant 0 : i32
      %dma_wait3A_287 = tpu.memref_slice %arg10[%dma_wait3A_279, %dma_wait3A_280, %dma_wait3A_286] : memref<2x3x80xi32, #tpu.memory_space<vmem>> -> memref<1x1x80xi32, #tpu.memory_space<vmem>>
      %dma_wait3A_288 = tpu.memref_squeeze %dma_wait3A_287 : memref<1x1x80xi32, #tpu.memory_space<vmem>> -> memref<80xi32, #tpu.memory_space<vmem>>
      %dma_wait3A_289 = arith.constant 0 : i32
      %dma_wait3A_290 = arith.constant 0 : i32
      %dma_wait3A_291 = tpu.memref_slice %arg8[%dma_wait3A_289, %dma_wait3A_290] : memref<10000x64xi32, #tpu.memory_space<vmem_shared>> -> memref<10000x64xi32, #tpu.memory_space<vmem_shared>>
      tpu.wait_indirect_dma semaphore(%arg16 : memref<!tpu.dma_semaphore, #tpu.memory_space<semaphore_mem>>) src(%dma_wait3A_291 : memref<10000x64xi32, #tpu.memory_space<vmem_shared>>) dst(%dma_wait3A_285 : memref<80x64xi32, #tpu.memory_space<vmem>>)
      %dma_wait3A_292 = arith.constant 1 : i32
      %dma_wait3A_293 = arith.constant 2 : i32
      %dma_wait3A_294 = arith.constant 1 : i32
      %dma_wait3A_295 = arith.constant 0 : i32
      %dma_wait3A_296 = arith.constant 0 : i32
      %dma_wait3A_297 = tpu.memref_slice %arg13[%dma_wait3A_294, %dma_wait3A_295, %dma_wait3A_296] : memref<2x80x64xi32, #tpu.memory_space<vmem>> -> memref<1x80x64xi32, #tpu.memory_space<vmem>>
      %dma_wait3A_298 = tpu.memref_squeeze %dma_wait3A_297 : memref<1x80x64xi32, #tpu.memory_space<vmem>> -> memref<80x64xi32, #tpu.memory_space<vmem>>
      %dma_wait3A_299 = arith.constant 0 : i32
      %dma_wait3A_300 = tpu.memref_slice %arg10[%dma_wait3A_292, %dma_wait3A_293, %dma_wait3A_299] : memref<2x3x80xi32, #tpu.memory_space<vmem>> -> memref<1x1x80xi32, #tpu.memory_space<vmem>>
      %dma_wait3A_301 = tpu.memref_squeeze %dma_wait3A_300 : memref<1x1x80xi32, #tpu.memory_space<vmem>> -> memref<80xi32, #tpu.memory_space<vmem>>
      %dma_wait3A_302 = arith.constant 0 : i32
      %dma_wait3A_303 = arith.constant 0 : i32
      %dma_wait3A_304 = tpu.memref_slice %arg9[%dma_wait3A_302, %dma_wait3A_303] : memref<500x64xi32, #tpu.memory_space<vmem_shared>> -> memref<500x64xi32, #tpu.memory_space<vmem_shared>>
      tpu.wait_indirect_dma semaphore(%arg16 : memref<!tpu.dma_semaphore, #tpu.memory_space<semaphore_mem>>) src(%dma_wait3A_304 : memref<500x64xi32, #tpu.memory_space<vmem_shared>>) dst(%dma_wait3A_298 : memref<80x64xi32, #tpu.memory_space<vmem>>)
      %add3A_305 = arith.constant 1 : i32
      %add3A_306 = arith.addi %add3A_265, %add3A_305 : i32
      %lt3A_307 = arith.constant 125 : i32
      %lt3A_308 = arith.cmpi slt, %add3A_306, %lt3A_307 : i32
      %convert_element_type3A_309 = arith.extui %lt3A_308 : i1 to i32
      %cond3A_310 = arith.constant 0 : i32
      %cond3A_311 = arith.cmpi ne, %convert_element_type3A_309, %cond3A_310 : i32
      scf.if %cond3A_311 {
        %add3A_328 = arith.constant 1 : i32
        %add3A_329 = arith.addi %add3A_265, %add3A_328 : i32
        %mul3A_330 = arith.constant 80 : i32
        %mul3A_331 = arith.muli %add3A_329, %mul3A_330 : i32
        %add3A_332 = arith.addi %multiple_of3A_7, %mul3A_331 : i32
        %multiple_of3A_333 = tpu.assume_multiple %add3A_332, 8 : i32
        %dma_wait3A_334 = arith.constant 0 : i32
        %dma_wait3A_335 = arith.constant 0 : i32
        %dma_wait3A_336 = arith.constant 0 : i32
        %dma_wait3A_337 = tpu.memref_slice %arg10[%dma_wait3A_334, %dma_wait3A_335, %dma_wait3A_336] : memref<2x3x80xi32, #tpu.memory_space<vmem>> -> memref<1x1x80xi32, #tpu.memory_space<vmem>>
        %dma_wait3A_338 = tpu.memref_squeeze %dma_wait3A_337 : memref<1x1x80xi32, #tpu.memory_space<vmem>> -> memref<80xi32, #tpu.memory_space<vmem>>
        %dma_wait3A_339 = tpu.memref_slice %arg3[%multiple_of3A_333] : memref<320000xi32, #tpu.memory_space<hbm>> -> memref<80xi32, #tpu.memory_space<hbm>>
        %dma_wait3A_340 = arith.constant 0 : i32
        %dma_wait3A_341 = tpu.memref_slice %arg10[%dma_wait3A_334, %dma_wait3A_335, %dma_wait3A_340] : memref<2x3x80xi32, #tpu.memory_space<vmem>> -> memref<1x1x80xi32, #tpu.memory_space<vmem>>
        %dma_wait3A_342 = tpu.memref_squeeze %dma_wait3A_341 : memref<1x1x80xi32, #tpu.memory_space<vmem>> -> memref<80xi32, #tpu.memory_space<vmem>>
        %dma_wait3A_343 = tpu.memref_slice %arg3[%multiple_of3A_333] : memref<320000xi32, #tpu.memory_space<hbm>> -> memref<80xi32, #tpu.memory_space<hbm>>
        tpu.wait_dma2 semaphore(%arg15 : memref<!tpu.dma_semaphore, #tpu.memory_space<semaphore_mem>>) src(%dma_wait3A_343 : memref<80xi32, #tpu.memory_space<hbm>>) dst(%dma_wait3A_342 : memref<80xi32, #tpu.memory_space<vmem>>)
        %dma_wait3A_344 = arith.constant 0 : i32
        %dma_wait3A_345 = arith.constant 1 : i32
        %dma_wait3A_346 = arith.constant 0 : i32
        %dma_wait3A_347 = tpu.memref_slice %arg10[%dma_wait3A_344, %dma_wait3A_345, %dma_wait3A_346] : memref<2x3x80xi32, #tpu.memory_space<vmem>> -> memref<1x1x80xi32, #tpu.memory_space<vmem>>
        %dma_wait3A_348 = tpu.memref_squeeze %dma_wait3A_347 : memref<1x1x80xi32, #tpu.memory_space<vmem>> -> memref<80xi32, #tpu.memory_space<vmem>>
        %dma_wait3A_349 = tpu.memref_slice %arg4[%multiple_of3A_333] : memref<320000xi32, #tpu.memory_space<hbm>> -> memref<80xi32, #tpu.memory_space<hbm>>
        %dma_wait3A_350 = arith.constant 0 : i32
        %dma_wait3A_351 = tpu.memref_slice %arg10[%dma_wait3A_344, %dma_wait3A_345, %dma_wait3A_350] : memref<2x3x80xi32, #tpu.memory_space<vmem>> -> memref<1x1x80xi32, #tpu.memory_space<vmem>>
        %dma_wait3A_352 = tpu.memref_squeeze %dma_wait3A_351 : memref<1x1x80xi32, #tpu.memory_space<vmem>> -> memref<80xi32, #tpu.memory_space<vmem>>
        %dma_wait3A_353 = tpu.memref_slice %arg4[%multiple_of3A_333] : memref<320000xi32, #tpu.memory_space<hbm>> -> memref<80xi32, #tpu.memory_space<hbm>>
        tpu.wait_dma2 semaphore(%arg15 : memref<!tpu.dma_semaphore, #tpu.memory_space<semaphore_mem>>) src(%dma_wait3A_353 : memref<80xi32, #tpu.memory_space<hbm>>) dst(%dma_wait3A_352 : memref<80xi32, #tpu.memory_space<vmem>>)
        %dma_wait3A_354 = arith.constant 0 : i32
        %dma_wait3A_355 = arith.constant 2 : i32
        %dma_wait3A_356 = arith.constant 0 : i32
        %dma_wait3A_357 = tpu.memref_slice %arg10[%dma_wait3A_354, %dma_wait3A_355, %dma_wait3A_356] : memref<2x3x80xi32, #tpu.memory_space<vmem>> -> memref<1x1x80xi32, #tpu.memory_space<vmem>>
        %dma_wait3A_358 = tpu.memref_squeeze %dma_wait3A_357 : memref<1x1x80xi32, #tpu.memory_space<vmem>> -> memref<80xi32, #tpu.memory_space<vmem>>
        %dma_wait3A_359 = tpu.memref_slice %arg5[%multiple_of3A_333] : memref<320000xi32, #tpu.memory_space<hbm>> -> memref<80xi32, #tpu.memory_space<hbm>>
        %dma_wait3A_360 = arith.constant 0 : i32
        %dma_wait3A_361 = tpu.memref_slice %arg10[%dma_wait3A_354, %dma_wait3A_355, %dma_wait3A_360] : memref<2x3x80xi32, #tpu.memory_space<vmem>> -> memref<1x1x80xi32, #tpu.memory_space<vmem>>
        %dma_wait3A_362 = tpu.memref_squeeze %dma_wait3A_361 : memref<1x1x80xi32, #tpu.memory_space<vmem>> -> memref<80xi32, #tpu.memory_space<vmem>>
        %dma_wait3A_363 = tpu.memref_slice %arg5[%multiple_of3A_333] : memref<320000xi32, #tpu.memory_space<hbm>> -> memref<80xi32, #tpu.memory_space<hbm>>
        tpu.wait_dma2 semaphore(%arg15 : memref<!tpu.dma_semaphore, #tpu.memory_space<semaphore_mem>>) src(%dma_wait3A_363 : memref<80xi32, #tpu.memory_space<hbm>>) dst(%dma_wait3A_362 : memref<80xi32, #tpu.memory_space<vmem>>)
        %dma_start3A_364 = arith.constant 0 : i32
        %dma_start3A_365 = arith.constant 0 : i32
        %dma_start3A_366 = arith.constant 0 : i32
        %dma_start3A_367 = arith.constant 0 : i32
        %dma_start3A_368 = arith.constant 0 : i32
        %dma_start3A_369 = tpu.memref_slice %arg11[%dma_start3A_366, %dma_start3A_367, %dma_start3A_368] : memref<2x80x64xi32, #tpu.memory_space<vmem>> -> memref<1x80x64xi32, #tpu.memory_space<vmem>>
        %dma_start3A_370 = tpu.memref_squeeze %dma_start3A_369 : memref<1x80x64xi32, #tpu.memory_space<vmem>> -> memref<80x64xi32, #tpu.memory_space<vmem>>
        %dma_start3A_371 = arith.constant 0 : i32
        %dma_start3A_372 = tpu.memref_slice %arg10[%dma_start3A_364, %dma_start3A_365, %dma_start3A_371] : memref<2x3x80xi32, #tpu.memory_space<vmem>> -> memref<1x1x80xi32, #tpu.memory_space<vmem>>
        %dma_start3A_373 = tpu.memref_squeeze %dma_start3A_372 : memref<1x1x80xi32, #tpu.memory_space<vmem>> -> memref<80xi32, #tpu.memory_space<vmem>>
        %dma_start3A_374 = arith.constant 0 : i32
        %dma_start3A_375 = arith.constant 0 : i32
        %dma_start3A_376 = tpu.memref_slice %arg8[%dma_start3A_374, %dma_start3A_375] : memref<10000x64xi32, #tpu.memory_space<vmem_shared>> -> memref<10000x64xi32, #tpu.memory_space<vmem_shared>>
        tpu.enqueue_indirect_dma source(%dma_start3A_376 : memref<10000x64xi32, #tpu.memory_space<vmem_shared>>) target(%dma_start3A_370 : memref<80x64xi32, #tpu.memory_space<vmem>>) offsets(%dma_start3A_373 : memref<80xi32, #tpu.memory_space<vmem>>) semaphore(%arg16 : memref<!tpu.dma_semaphore, #tpu.memory_space<semaphore_mem>>)
        %dma_start3A_377 = arith.constant 0 : i32
        %dma_start3A_378 = arith.constant 1 : i32
        %dma_start3A_379 = arith.constant 0 : i32
        %dma_start3A_380 = arith.constant 0 : i32
        %dma_start3A_381 = arith.constant 0 : i32
        %dma_start3A_382 = tpu.memref_slice %arg12[%dma_start3A_379, %dma_start3A_380, %dma_start3A_381] : memref<2x80x64xi32, #tpu.memory_space<vmem>> -> memref<1x80x64xi32, #tpu.memory_space<vmem>>
        %dma_start3A_383 = tpu.memref_squeeze %dma_start3A_382 : memref<1x80x64xi32, #tpu.memory_space<vmem>> -> memref<80x64xi32, #tpu.memory_space<vmem>>
        %dma_start3A_384 = arith.constant 0 : i32
        %dma_start3A_385 = tpu.memref_slice %arg10[%dma_start3A_377, %dma_start3A_378, %dma_start3A_384] : memref<2x3x80xi32, #tpu.memory_space<vmem>> -> memref<1x1x80xi32, #tpu.memory_space<vmem>>
        %dma_start3A_386 = tpu.memref_squeeze %dma_start3A_385 : memref<1x1x80xi32, #tpu.memory_space<vmem>> -> memref<80xi32, #tpu.memory_space<vmem>>
        %dma_start3A_387 = arith.constant 0 : i32
        %dma_start3A_388 = arith.constant 0 : i32
        %dma_start3A_389 = tpu.memref_slice %arg8[%dma_start3A_387, %dma_start3A_388] : memref<10000x64xi32, #tpu.memory_space<vmem_shared>> -> memref<10000x64xi32, #tpu.memory_space<vmem_shared>>
        tpu.enqueue_indirect_dma source(%dma_start3A_389 : memref<10000x64xi32, #tpu.memory_space<vmem_shared>>) target(%dma_start3A_383 : memref<80x64xi32, #tpu.memory_space<vmem>>) offsets(%dma_start3A_386 : memref<80xi32, #tpu.memory_space<vmem>>) semaphore(%arg16 : memref<!tpu.dma_semaphore, #tpu.memory_space<semaphore_mem>>)
        %dma_start3A_390 = arith.constant 0 : i32
        %dma_start3A_391 = arith.constant 2 : i32
        %dma_start3A_392 = arith.constant 0 : i32
        %dma_start3A_393 = arith.constant 0 : i32
        %dma_start3A_394 = arith.constant 0 : i32
        %dma_start3A_395 = tpu.memref_slice %arg13[%dma_start3A_392, %dma_start3A_393, %dma_start3A_394] : memref<2x80x64xi32, #tpu.memory_space<vmem>> -> memref<1x80x64xi32, #tpu.memory_space<vmem>>
        %dma_start3A_396 = tpu.memref_squeeze %dma_start3A_395 : memref<1x80x64xi32, #tpu.memory_space<vmem>> -> memref<80x64xi32, #tpu.memory_space<vmem>>
        %dma_start3A_397 = arith.constant 0 : i32
        %dma_start3A_398 = tpu.memref_slice %arg10[%dma_start3A_390, %dma_start3A_391, %dma_start3A_397] : memref<2x3x80xi32, #tpu.memory_space<vmem>> -> memref<1x1x80xi32, #tpu.memory_space<vmem>>
        %dma_start3A_399 = tpu.memref_squeeze %dma_start3A_398 : memref<1x1x80xi32, #tpu.memory_space<vmem>> -> memref<80xi32, #tpu.memory_space<vmem>>
        %dma_start3A_400 = arith.constant 0 : i32
        %dma_start3A_401 = arith.constant 0 : i32
        %dma_start3A_402 = tpu.memref_slice %arg9[%dma_start3A_400, %dma_start3A_401] : memref<500x64xi32, #tpu.memory_space<vmem_shared>> -> memref<500x64xi32, #tpu.memory_space<vmem_shared>>
        tpu.enqueue_indirect_dma source(%dma_start3A_402 : memref<500x64xi32, #tpu.memory_space<vmem_shared>>) target(%dma_start3A_396 : memref<80x64xi32, #tpu.memory_space<vmem>>) offsets(%dma_start3A_399 : memref<80xi32, #tpu.memory_space<vmem>>) semaphore(%arg16 : memref<!tpu.dma_semaphore, #tpu.memory_space<semaphore_mem>>)
      } else {
      }
      %add3A_312 = arith.constant 2 : i32
      %add3A_313 = arith.addi %add3A_265, %add3A_312 : i32
      %lt3A_314 = arith.constant 125 : i32
      %lt3A_315 = arith.cmpi slt, %add3A_313, %lt3A_314 : i32
      %convert_element_type3A_316 = arith.extui %lt3A_315 : i1 to i32
      %cond3A_317 = arith.constant 0 : i32
      %cond3A_318 = arith.cmpi ne, %convert_element_type3A_316, %cond3A_317 : i32
      scf.if %cond3A_318 {
        %add3A_328 = arith.constant 2 : i32
        %add3A_329 = arith.addi %add3A_265, %add3A_328 : i32
        %mul3A_330 = arith.constant 80 : i32
        %mul3A_331 = arith.muli %add3A_329, %mul3A_330 : i32
        %add3A_332 = arith.addi %multiple_of3A_7, %mul3A_331 : i32
        %multiple_of3A_333 = tpu.assume_multiple %add3A_332, 8 : i32
        %dma_start3A_334 = arith.constant 1 : i32
        %dma_start3A_335 = arith.constant 0 : i32
        %dma_start3A_336 = arith.constant 0 : i32
        %dma_start3A_337 = tpu.memref_slice %arg10[%dma_start3A_334, %dma_start3A_335, %dma_start3A_336] : memref<2x3x80xi32, #tpu.memory_space<vmem>> -> memref<1x1x80xi32, #tpu.memory_space<vmem>>
        %dma_start3A_338 = tpu.memref_squeeze %dma_start3A_337 : memref<1x1x80xi32, #tpu.memory_space<vmem>> -> memref<80xi32, #tpu.memory_space<vmem>>
        %dma_start3A_339 = tpu.memref_slice %arg3[%multiple_of3A_333] : memref<320000xi32, #tpu.memory_space<hbm>> -> memref<80xi32, #tpu.memory_space<hbm>>
        %dma_start3A_340 = arith.constant 0 : i32
        %dma_start3A_341 = tpu.memref_slice %arg10[%dma_start3A_334, %dma_start3A_335, %dma_start3A_340] : memref<2x3x80xi32, #tpu.memory_space<vmem>> -> memref<1x1x80xi32, #tpu.memory_space<vmem>>
        %dma_start3A_342 = tpu.memref_squeeze %dma_start3A_341 : memref<1x1x80xi32, #tpu.memory_space<vmem>> -> memref<80xi32, #tpu.memory_space<vmem>>
        %dma_start3A_343 = tpu.memref_slice %arg3[%multiple_of3A_333] : memref<320000xi32, #tpu.memory_space<hbm>> -> memref<80xi32, #tpu.memory_space<hbm>>
        tpu.enqueue_dma source(%dma_start3A_343 : memref<80xi32, #tpu.memory_space<hbm>>) target(%dma_start3A_342 : memref<80xi32, #tpu.memory_space<vmem>>) target_semaphore(%arg15 : memref<!tpu.dma_semaphore, #tpu.memory_space<semaphore_mem>>)
        %dma_start3A_344 = arith.constant 1 : i32
        %dma_start3A_345 = arith.constant 1 : i32
        %dma_start3A_346 = arith.constant 0 : i32
        %dma_start3A_347 = tpu.memref_slice %arg10[%dma_start3A_344, %dma_start3A_345, %dma_start3A_346] : memref<2x3x80xi32, #tpu.memory_space<vmem>> -> memref<1x1x80xi32, #tpu.memory_space<vmem>>
        %dma_start3A_348 = tpu.memref_squeeze %dma_start3A_347 : memref<1x1x80xi32, #tpu.memory_space<vmem>> -> memref<80xi32, #tpu.memory_space<vmem>>
        %dma_start3A_349 = tpu.memref_slice %arg4[%multiple_of3A_333] : memref<320000xi32, #tpu.memory_space<hbm>> -> memref<80xi32, #tpu.memory_space<hbm>>
        %dma_start3A_350 = arith.constant 0 : i32
        %dma_start3A_351 = tpu.memref_slice %arg10[%dma_start3A_344, %dma_start3A_345, %dma_start3A_350] : memref<2x3x80xi32, #tpu.memory_space<vmem>> -> memref<1x1x80xi32, #tpu.memory_space<vmem>>
        %dma_start3A_352 = tpu.memref_squeeze %dma_start3A_351 : memref<1x1x80xi32, #tpu.memory_space<vmem>> -> memref<80xi32, #tpu.memory_space<vmem>>
        %dma_start3A_353 = tpu.memref_slice %arg4[%multiple_of3A_333] : memref<320000xi32, #tpu.memory_space<hbm>> -> memref<80xi32, #tpu.memory_space<hbm>>
        tpu.enqueue_dma source(%dma_start3A_353 : memref<80xi32, #tpu.memory_space<hbm>>) target(%dma_start3A_352 : memref<80xi32, #tpu.memory_space<vmem>>) target_semaphore(%arg15 : memref<!tpu.dma_semaphore, #tpu.memory_space<semaphore_mem>>)
        %dma_start3A_354 = arith.constant 1 : i32
        %dma_start3A_355 = arith.constant 2 : i32
        %dma_start3A_356 = arith.constant 0 : i32
        %dma_start3A_357 = tpu.memref_slice %arg10[%dma_start3A_354, %dma_start3A_355, %dma_start3A_356] : memref<2x3x80xi32, #tpu.memory_space<vmem>> -> memref<1x1x80xi32, #tpu.memory_space<vmem>>
        %dma_start3A_358 = tpu.memref_squeeze %dma_start3A_357 : memref<1x1x80xi32, #tpu.memory_space<vmem>> -> memref<80xi32, #tpu.memory_space<vmem>>
        %dma_start3A_359 = tpu.memref_slice %arg5[%multiple_of3A_333] : memref<320000xi32, #tpu.memory_space<hbm>> -> memref<80xi32, #tpu.memory_space<hbm>>
        %dma_start3A_360 = arith.constant 0 : i32
        %dma_start3A_361 = tpu.memref_slice %arg10[%dma_start3A_354, %dma_start3A_355, %dma_start3A_360] : memref<2x3x80xi32, #tpu.memory_space<vmem>> -> memref<1x1x80xi32, #tpu.memory_space<vmem>>
        %dma_start3A_362 = tpu.memref_squeeze %dma_start3A_361 : memref<1x1x80xi32, #tpu.memory_space<vmem>> -> memref<80xi32, #tpu.memory_space<vmem>>
        %dma_start3A_363 = tpu.memref_slice %arg5[%multiple_of3A_333] : memref<320000xi32, #tpu.memory_space<hbm>> -> memref<80xi32, #tpu.memory_space<hbm>>
        tpu.enqueue_dma source(%dma_start3A_363 : memref<80xi32, #tpu.memory_space<hbm>>) target(%dma_start3A_362 : memref<80xi32, #tpu.memory_space<vmem>>) target_semaphore(%arg15 : memref<!tpu.dma_semaphore, #tpu.memory_space<semaphore_mem>>)
      } else {
      }
      %mul3A_319 = arith.constant 80 : i32
      %mul3A_320 = arith.muli %add3A_265, %mul3A_319 : i32
      %multiple_of3A_321 = tpu.assume_multiple %mul3A_320, 8 : i32
      %scan3A_322 = arith.constant 0 : i32
      %scan3A_323 = arith.constant 0 : i32
      %scan3A_324 = arith.constant 5 : i32
      %scan3A_325 = arith.addi %scan3A_323, %scan3A_324 : i32
      %scan3A_326 = arith.constant 1 : i32
      scf.for %scan3A_328 = %scan3A_323 to %scan3A_325 step %scan3A_326  : i32 {
        %mul3A_329 = arith.constant 16 : i32
        %mul3A_330 = arith.muli %scan3A_328, %mul3A_329 : i32
        %broadcast_in_dim3A = arith.constant 0.000000e+00 : f32
        %broadcast_in_dim3A_331 = vector.broadcast %broadcast_in_dim3A : f32 to vector<16xf32>
        %scan3A_332 = arith.constant 0 : i32
        %scan3A_333 = arith.constant 2 : i32
        %scan3A_334 = arith.addi %scan3A_332, %scan3A_333 : i32
        %scan3A_335 = arith.constant 1 : i32
        %scan3A_336 = scf.for %scan3A_340 = %scan3A_332 to %scan3A_334 step %scan3A_335 iter_args(%scan3A_341 = %broadcast_in_dim3A_331) -> (vector<16xf32>)  : i32 {
          %mul3A_342 = arith.constant 8 : i32
          %mul3A_343 = arith.muli %scan3A_340, %mul3A_342 : i32
          %add3A_344 = arith.addi %mul3A_330, %mul3A_343 : i32
          %add3A_345 = arith.constant 0 : i32
          %add3A_346 = arith.addi %add3A_344, %add3A_345 : i32
          %broadcast_in_dim3A_347 = arith.constant 0.000000e+00 : f32
          %broadcast_in_dim3A_348 = vector.broadcast %broadcast_in_dim3A_347 : f32 to vector<16xf32>
          %get3A = arith.constant 1 : i32
          %get3A_349 = arith.index_cast %get3A : i32 to index
          %get3A_350 = arith.index_cast %add3A_346 : i32 to index
          %get3A_351 = arith.constant 0 : index
          %get3A_352 = tpu.vector_load %arg11[%get3A_349, %get3A_350, %get3A_351] {strides = array<i32>} : memref<2x80x64xi32, #tpu.memory_space<vmem>>, vector<16xi32>,
          %bitcast3A = vector.bitcast %get3A_352 : vector<16xi32> to vector<32xbf16>
          %get3A_353 = arith.constant 1 : i32
          %get3A_354 = arith.index_cast %get3A_353 : i32 to index
          %get3A_355 = arith.index_cast %add3A_346 : i32 to index
          %get3A_356 = arith.constant 0 : index
          %get3A_357 = tpu.vector_load %arg13[%get3A_354, %get3A_355, %get3A_356] {strides = array<i32>} : memref<2x80x64xi32, #tpu.memory_space<vmem>>, vector<16xi32>,
          %bitcast3A_358 = vector.bitcast %get3A_357 : vector<16xi32> to vector<32xbf16>
          %get3A_359 = arith.constant 1 : i32
          %get3A_360 = arith.index_cast %get3A_359 : i32 to index
          %get3A_361 = arith.index_cast %add3A_346 : i32 to index
          %get3A_362 = arith.constant 0 : index
          %get3A_363 = tpu.vector_load %arg12[%get3A_360, %get3A_361, %get3A_362] {strides = array<i32>} : memref<2x80x64xi32, #tpu.memory_space<vmem>>, vector<16xi32>,
          %bitcast3A_364 = vector.bitcast %get3A_363 : vector<16xi32> to vector<32xbf16>
          %unpack3A = tpu.unpack_subelements %bitcast3A, 0 {pack_format = #tpu.pack_format<interleaved>} : vector<32xbf16> -> vector<16xf32>
          %unpack3A_365 = tpu.unpack_subelements %bitcast3A, 1 {pack_format = #tpu.pack_format<interleaved>} : vector<32xbf16> -> vector<16xf32>
          %unpack3A_366 = tpu.unpack_subelements %bitcast3A_358, 0 {pack_format = #tpu.pack_format<interleaved>} : vector<32xbf16> -> vector<16xf32>
          %unpack3A_367 = tpu.unpack_subelements %bitcast3A_358, 1 {pack_format = #tpu.pack_format<interleaved>} : vector<32xbf16> -> vector<16xf32>
          %unpack3A_368 = tpu.unpack_subelements %bitcast3A_364, 0 {pack_format = #tpu.pack_format<interleaved>} : vector<32xbf16> -> vector<16xf32>
          %unpack3A_369 = tpu.unpack_subelements %bitcast3A_364, 1 {pack_format = #tpu.pack_format<interleaved>} : vector<32xbf16> -> vector<16xf32>
          %mul3A_370 = arith.mulf %unpack3A, %unpack3A_366 : vector<16xf32>
          %mul3A_371 = arith.mulf %mul3A_370, %unpack3A_368 : vector<16xf32>
          %add3A_372 = arith.addf %broadcast_in_dim3A_348, %mul3A_371 : vector<16xf32>
          %mul3A_373 = arith.mulf %unpack3A_365, %unpack3A_367 : vector<16xf32>
          %mul3A_374 = arith.mulf %mul3A_373, %unpack3A_369 : vector<16xf32>
          %add3A_375 = arith.addf %add3A_372, %mul3A_374 : vector<16xf32>
          %get3A_376 = arith.constant 1 : i32
          %get3A_377 = arith.index_cast %get3A_376 : i32 to index
          %get3A_378 = arith.index_cast %add3A_346 : i32 to index
          %get3A_379 = arith.constant 16 : index
          %get3A_380 = tpu.vector_load %arg11[%get3A_377, %get3A_378, %get3A_379] {strides = array<i32>} : memref<2x80x64xi32, #tpu.memory_space<vmem>>, vector<16xi32>,
          %bitcast3A_381 = vector.bitcast %get3A_380 : vector<16xi32> to vector<32xbf16>
          %get3A_382 = arith.constant 1 : i32
          %get3A_383 = arith.index_cast %get3A_382 : i32 to index
          %get3A_384 = arith.index_cast %add3A_346 : i32 to index
          %get3A_385 = arith.constant 16 : index
          %get3A_386 = tpu.vector_load %arg13[%get3A_383, %get3A_384, %get3A_385] {strides = array<i32>} : memref<2x80x64xi32, #tpu.memory_space<vmem>>, vector<16xi32>,
          %bitcast3A_387 = vector.bitcast %get3A_386 : vector<16xi32> to vector<32xbf16>
          %get3A_388 = arith.constant 1 : i32
          %get3A_389 = arith.index_cast %get3A_388 : i32 to index
          %get3A_390 = arith.index_cast %add3A_346 : i32 to index
          %get3A_391 = arith.constant 16 : index
          %get3A_392 = tpu.vector_load %arg12[%get3A_389, %get3A_390, %get3A_391] {strides = array<i32>} : memref<2x80x64xi32, #tpu.memory_space<vmem>>, vector<16xi32>,
          %bitcast3A_393 = vector.bitcast %get3A_392 : vector<16xi32> to vector<32xbf16>
          %unpack3A_394 = tpu.unpack_subelements %bitcast3A_381, 0 {pack_format = #tpu.pack_format<interleaved>} : vector<32xbf16> -> vector<16xf32>
          %unpack3A_395 = tpu.unpack_subelements %bitcast3A_381, 1 {pack_format = #tpu.pack_format<interleaved>} : vector<32xbf16> -> vector<16xf32>
          %unpack3A_396 = tpu.unpack_subelements %bitcast3A_387, 0 {pack_format = #tpu.pack_format<interleaved>} : vector<32xbf16> -> vector<16xf32>
          %unpack3A_397 = tpu.unpack_subelements %bitcast3A_387, 1 {pack_format = #tpu.pack_format<interleaved>} : vector<32xbf16> -> vector<16xf32>
          %unpack3A_398 = tpu.unpack_subelements %bitcast3A_393, 0 {pack_format = #tpu.pack_format<interleaved>} : vector<32xbf16> -> vector<16xf32>
          %unpack3A_399 = tpu.unpack_subelements %bitcast3A_393, 1 {pack_format = #tpu.pack_format<interleaved>} : vector<32xbf16> -> vector<16xf32>
          %mul3A_400 = arith.mulf %unpack3A_394, %unpack3A_396 : vector<16xf32>
          %mul3A_401 = arith.mulf %mul3A_400, %unpack3A_398 : vector<16xf32>
          %add3A_402 = arith.addf %add3A_375, %mul3A_401 : vector<16xf32>
          %mul3A_403 = arith.mulf %unpack3A_395, %unpack3A_397 : vector<16xf32>
          %mul3A_404 = arith.mulf %mul3A_403, %unpack3A_399 : vector<16xf32>
          %add3A_405 = arith.addf %add3A_402, %mul3A_404 : vector<16xf32>
          %get3A_406 = arith.constant 1 : i32
          %get3A_407 = arith.index_cast %get3A_406 : i32 to index
          %get3A_408 = arith.index_cast %add3A_346 : i32 to index
          %get3A_409 = arith.constant 32 : index
          %get3A_410 = tpu.vector_load %arg11[%get3A_407, %get3A_408, %get3A_409] {strides = array<i32>} : memref<2x80x64xi32, #tpu.memory_space<vmem>>, vector<16xi32>,
          %bitcast3A_411 = vector.bitcast %get3A_410 : vector<16xi32> to vector<32xbf16>
          %get3A_412 = arith.constant 1 : i32
          %get3A_413 = arith.index_cast %get3A_412 : i32 to index
          %get3A_414 = arith.index_cast %add3A_346 : i32 to index
          %get3A_415 = arith.constant 32 : index
          %get3A_416 = tpu.vector_load %arg13[%get3A_413, %get3A_414, %get3A_415] {strides = array<i32>} : memref<2x80x64xi32, #tpu.memory_space<vmem>>, vector<16xi32>,
          %bitcast3A_417 = vector.bitcast %get3A_416 : vector<16xi32> to vector<32xbf16>
          %get3A_418 = arith.constant 1 : i32
          %get3A_419 = arith.index_cast %get3A_418 : i32 to index
          %get3A_420 = arith.index_cast %add3A_346 : i32 to index
          %get3A_421 = arith.constant 32 : index
          %get3A_422 = tpu.vector_load %arg12[%get3A_419, %get3A_420, %get3A_421] {strides = array<i32>} : memref<2x80x64xi32, #tpu.memory_space<vmem>>, vector<16xi32>,
          %bitcast3A_423 = vector.bitcast %get3A_422 : vector<16xi32> to vector<32xbf16>
          %unpack3A_424 = tpu.unpack_subelements %bitcast3A_411, 0 {pack_format = #tpu.pack_format<interleaved>} : vector<32xbf16> -> vector<16xf32>
          %unpack3A_425 = tpu.unpack_subelements %bitcast3A_411, 1 {pack_format = #tpu.pack_format<interleaved>} : vector<32xbf16> -> vector<16xf32>
          %unpack3A_426 = tpu.unpack_subelements %bitcast3A_417, 0 {pack_format = #tpu.pack_format<interleaved>} : vector<32xbf16> -> vector<16xf32>
          %unpack3A_427 = tpu.unpack_subelements %bitcast3A_417, 1 {pack_format = #tpu.pack_format<interleaved>} : vector<32xbf16> -> vector<16xf32>
          %unpack3A_428 = tpu.unpack_subelements %bitcast3A_423, 0 {pack_format = #tpu.pack_format<interleaved>} : vector<32xbf16> -> vector<16xf32>
          %unpack3A_429 = tpu.unpack_subelements %bitcast3A_423, 1 {pack_format = #tpu.pack_format<interleaved>} : vector<32xbf16> -> vector<16xf32>
          %mul3A_430 = arith.mulf %unpack3A_424, %unpack3A_426 : vector<16xf32>
          %mul3A_431 = arith.mulf %mul3A_430, %unpack3A_428 : vector<16xf32>
          %add3A_432 = arith.addf %add3A_405, %mul3A_431 : vector<16xf32>
          %mul3A_433 = arith.mulf %unpack3A_425, %unpack3A_427 : vector<16xf32>
          %mul3A_434 = arith.mulf %mul3A_433, %unpack3A_429 : vector<16xf32>
          %add3A_435 = arith.addf %add3A_432, %mul3A_434 : vector<16xf32>
          %get3A_436 = arith.constant 1 : i32
          %get3A_437 = arith.index_cast %get3A_436 : i32 to index
          %get3A_438 = arith.index_cast %add3A_346 : i32 to index
          %get3A_439 = arith.constant 48 : index
          %get3A_440 = tpu.vector_load %arg11[%get3A_437, %get3A_438, %get3A_439] {strides = array<i32>} : memref<2x80x64xi32, #tpu.memory_space<vmem>>, vector<16xi32>,
          %bitcast3A_441 = vector.bitcast %get3A_440 : vector<16xi32> to vector<32xbf16>
          %get3A_442 = arith.constant 1 : i32
          %get3A_443 = arith.index_cast %get3A_442 : i32 to index
          %get3A_444 = arith.index_cast %add3A_346 : i32 to index
          %get3A_445 = arith.constant 48 : index
          %get3A_446 = tpu.vector_load %arg13[%get3A_443, %get3A_444, %get3A_445] {strides = array<i32>} : memref<2x80x64xi32, #tpu.memory_space<vmem>>, vector<16xi32>,
          %bitcast3A_447 = vector.bitcast %get3A_446 : vector<16xi32> to vector<32xbf16>
          %get3A_448 = arith.constant 1 : i32
          %get3A_449 = arith.index_cast %get3A_448 : i32 to index
          %get3A_450 = arith.index_cast %add3A_346 : i32 to index
          %get3A_451 = arith.constant 48 : index
          %get3A_452 = tpu.vector_load %arg12[%get3A_449, %get3A_450, %get3A_451] {strides = array<i32>} : memref<2x80x64xi32, #tpu.memory_space<vmem>>, vector<16xi32>,
          %bitcast3A_453 = vector.bitcast %get3A_452 : vector<16xi32> to vector<32xbf16>
          %unpack3A_454 = tpu.unpack_subelements %bitcast3A_441, 0 {pack_format = #tpu.pack_format<interleaved>} : vector<32xbf16> -> vector<16xf32>
          %unpack3A_455 = tpu.unpack_subelements %bitcast3A_441, 1 {pack_format = #tpu.pack_format<interleaved>} : vector<32xbf16> -> vector<16xf32>
          %unpack3A_456 = tpu.unpack_subelements %bitcast3A_447, 0 {pack_format = #tpu.pack_format<interleaved>} : vector<32xbf16> -> vector<16xf32>
          %unpack3A_457 = tpu.unpack_subelements %bitcast3A_447, 1 {pack_format = #tpu.pack_format<interleaved>} : vector<32xbf16> -> vector<16xf32>
          %unpack3A_458 = tpu.unpack_subelements %bitcast3A_453, 0 {pack_format = #tpu.pack_format<interleaved>} : vector<32xbf16> -> vector<16xf32>
          %unpack3A_459 = tpu.unpack_subelements %bitcast3A_453, 1 {pack_format = #tpu.pack_format<interleaved>} : vector<32xbf16> -> vector<16xf32>
          %mul3A_460 = arith.mulf %unpack3A_454, %unpack3A_456 : vector<16xf32>
          %mul3A_461 = arith.mulf %mul3A_460, %unpack3A_458 : vector<16xf32>
          %add3A_462 = arith.addf %add3A_435, %mul3A_461 : vector<16xf32>
          %mul3A_463 = arith.mulf %unpack3A_455, %unpack3A_457 : vector<16xf32>
          %mul3A_464 = arith.mulf %mul3A_463, %unpack3A_459 : vector<16xf32>
          %add3A_465 = arith.addf %add3A_462, %mul3A_464 : vector<16xf32>
          %mul3A_466 = arith.constant 8 : i32
          %mul3A_467 = arith.muli %scan3A_340, %mul3A_466 : i32
          %add3A_468 = arith.constant 0 : i32
          %add3A_469 = arith.addi %mul3A_467, %add3A_468 : i32
          %eq3A_470 = vector.broadcast %add3A_469 : i32 to vector<16xi32>
          %eq3A_471 = arith.cmpi eq, %iota3A, %eq3A_470 : vector<16xi32>
          %reduce_sum3A = arith.constant true
          %reduce_sum3A_472 = vector.broadcast %reduce_sum3A : i1 to vector<16xi1>
          %reduce_sum3A_473 = tpu.scan <sum>, %add3A_465 masked %reduce_sum3A_472 : vector<16xf32>, vector<16xi1> -> vector<16xf32>
          %reduce_sum3A_474 = vector.extract %reduce_sum3A_473[15] : f32 from vector<16xf32>
          %broadcast_in_dim3A_475 = vector.broadcast %reduce_sum3A_474 : f32 to vector<16xf32>
          %select_n3A = arith.select %eq3A_471, %broadcast_in_dim3A_475, %scan3A_341 : vector<16xi1>, vector<16xf32>
          %mul3A_476 = arith.constant 8 : i32
          %mul3A_477 = arith.muli %scan3A_340, %mul3A_476 : i32
          %add3A_478 = arith.addi %mul3A_330, %mul3A_477 : i32
          %add3A_479 = arith.constant 1 : i32
          %add3A_480 = arith.addi %add3A_478, %add3A_479 : i32
          %broadcast_in_dim3A_481 = arith.constant 0.000000e+00 : f32
          %broadcast_in_dim3A_482 = vector.broadcast %broadcast_in_dim3A_481 : f32 to vector<16xf32>
          %get3A_483 = arith.constant 1 : i32
          %get3A_484 = arith.index_cast %get3A_483 : i32 to index
          %get3A_485 = arith.index_cast %add3A_480 : i32 to index
          %get3A_486 = arith.constant 0 : index
          %get3A_487 = tpu.vector_load %arg11[%get3A_484, %get3A_485, %get3A_486] {strides = array<i32>} : memref<2x80x64xi32, #tpu.memory_space<vmem>>, vector<16xi32>,
          %bitcast3A_488 = vector.bitcast %get3A_487 : vector<16xi32> to vector<32xbf16>
          %get3A_489 = arith.constant 1 : i32
          %get3A_490 = arith.index_cast %get3A_489 : i32 to index
          %get3A_491 = arith.index_cast %add3A_480 : i32 to index
          %get3A_492 = arith.constant 0 : index
          %get3A_493 = tpu.vector_load %arg13[%get3A_490, %get3A_491, %get3A_492] {strides = array<i32>} : memref<2x80x64xi32, #tpu.memory_space<vmem>>, vector<16xi32>,
          %bitcast3A_494 = vector.bitcast %get3A_493 : vector<16xi32> to vector<32xbf16>
          %get3A_495 = arith.constant 1 : i32
          %get3A_496 = arith.index_cast %get3A_495 : i32 to index
          %get3A_497 = arith.index_cast %add3A_480 : i32 to index
          %get3A_498 = arith.constant 0 : index
          %get3A_499 = tpu.vector_load %arg12[%get3A_496, %get3A_497, %get3A_498] {strides = array<i32>} : memref<2x80x64xi32, #tpu.memory_space<vmem>>, vector<16xi32>,
          %bitcast3A_500 = vector.bitcast %get3A_499 : vector<16xi32> to vector<32xbf16>
          %unpack3A_501 = tpu.unpack_subelements %bitcast3A_488, 0 {pack_format = #tpu.pack_format<interleaved>} : vector<32xbf16> -> vector<16xf32>
          %unpack3A_502 = tpu.unpack_subelements %bitcast3A_488, 1 {pack_format = #tpu.pack_format<interleaved>} : vector<32xbf16> -> vector<16xf32>
          %unpack3A_503 = tpu.unpack_subelements %bitcast3A_494, 0 {pack_format = #tpu.pack_format<interleaved>} : vector<32xbf16> -> vector<16xf32>
          %unpack3A_504 = tpu.unpack_subelements %bitcast3A_494, 1 {pack_format = #tpu.pack_format<interleaved>} : vector<32xbf16> -> vector<16xf32>
          %unpack3A_505 = tpu.unpack_subelements %bitcast3A_500, 0 {pack_format = #tpu.pack_format<interleaved>} : vector<32xbf16> -> vector<16xf32>
          %unpack3A_506 = tpu.unpack_subelements %bitcast3A_500, 1 {pack_format = #tpu.pack_format<interleaved>} : vector<32xbf16> -> vector<16xf32>
          %mul3A_507 = arith.mulf %unpack3A_501, %unpack3A_503 : vector<16xf32>
          %mul3A_508 = arith.mulf %mul3A_507, %unpack3A_505 : vector<16xf32>
          %add3A_509 = arith.addf %broadcast_in_dim3A_482, %mul3A_508 : vector<16xf32>
          %mul3A_510 = arith.mulf %unpack3A_502, %unpack3A_504 : vector<16xf32>
          %mul3A_511 = arith.mulf %mul3A_510, %unpack3A_506 : vector<16xf32>
          %add3A_512 = arith.addf %add3A_509, %mul3A_511 : vector<16xf32>
          %get3A_513 = arith.constant 1 : i32
          %get3A_514 = arith.index_cast %get3A_513 : i32 to index
          %get3A_515 = arith.index_cast %add3A_480 : i32 to index
          %get3A_516 = arith.constant 16 : index
          %get3A_517 = tpu.vector_load %arg11[%get3A_514, %get3A_515, %get3A_516] {strides = array<i32>} : memref<2x80x64xi32, #tpu.memory_space<vmem>>, vector<16xi32>,
          %bitcast3A_518 = vector.bitcast %get3A_517 : vector<16xi32> to vector<32xbf16>
          %get3A_519 = arith.constant 1 : i32
          %get3A_520 = arith.index_cast %get3A_519 : i32 to index
          %get3A_521 = arith.index_cast %add3A_480 : i32 to index
          %get3A_522 = arith.constant 16 : index
          %get3A_523 = tpu.vector_load %arg13[%get3A_520, %get3A_521, %get3A_522] {strides = array<i32>} : memref<2x80x64xi32, #tpu.memory_space<vmem>>, vector<16xi32>,
          %bitcast3A_524 = vector.bitcast %get3A_523 : vector<16xi32> to vector<32xbf16>
          %get3A_525 = arith.constant 1 : i32
          %get3A_526 = arith.index_cast %get3A_525 : i32 to index
          %get3A_527 = arith.index_cast %add3A_480 : i32 to index
          %get3A_528 = arith.constant 16 : index
          %get3A_529 = tpu.vector_load %arg12[%get3A_526, %get3A_527, %get3A_528] {strides = array<i32>} : memref<2x80x64xi32, #tpu.memory_space<vmem>>, vector<16xi32>,
          %bitcast3A_530 = vector.bitcast %get3A_529 : vector<16xi32> to vector<32xbf16>
          %unpack3A_531 = tpu.unpack_subelements %bitcast3A_518, 0 {pack_format = #tpu.pack_format<interleaved>} : vector<32xbf16> -> vector<16xf32>
          %unpack3A_532 = tpu.unpack_subelements %bitcast3A_518, 1 {pack_format = #tpu.pack_format<interleaved>} : vector<32xbf16> -> vector<16xf32>
          %unpack3A_533 = tpu.unpack_subelements %bitcast3A_524, 0 {pack_format = #tpu.pack_format<interleaved>} : vector<32xbf16> -> vector<16xf32>
          %unpack3A_534 = tpu.unpack_subelements %bitcast3A_524, 1 {pack_format = #tpu.pack_format<interleaved>} : vector<32xbf16> -> vector<16xf32>
          %unpack3A_535 = tpu.unpack_subelements %bitcast3A_530, 0 {pack_format = #tpu.pack_format<interleaved>} : vector<32xbf16> -> vector<16xf32>
          %unpack3A_536 = tpu.unpack_subelements %bitcast3A_530, 1 {pack_format = #tpu.pack_format<interleaved>} : vector<32xbf16> -> vector<16xf32>
          %mul3A_537 = arith.mulf %unpack3A_531, %unpack3A_533 : vector<16xf32>
          %mul3A_538 = arith.mulf %mul3A_537, %unpack3A_535 : vector<16xf32>
          %add3A_539 = arith.addf %add3A_512, %mul3A_538 : vector<16xf32>
          %mul3A_540 = arith.mulf %unpack3A_532, %unpack3A_534 : vector<16xf32>
          %mul3A_541 = arith.mulf %mul3A_540, %unpack3A_536 : vector<16xf32>
          %add3A_542 = arith.addf %add3A_539, %mul3A_541 : vector<16xf32>
          %get3A_543 = arith.constant 1 : i32
          %get3A_544 = arith.index_cast %get3A_543 : i32 to index
          %get3A_545 = arith.index_cast %add3A_480 : i32 to index
          %get3A_546 = arith.constant 32 : index
          %get3A_547 = tpu.vector_load %arg11[%get3A_544, %get3A_545, %get3A_546] {strides = array<i32>} : memref<2x80x64xi32, #tpu.memory_space<vmem>>, vector<16xi32>,
          %bitcast3A_548 = vector.bitcast %get3A_547 : vector<16xi32> to vector<32xbf16>
          %get3A_549 = arith.constant 1 : i32
          %get3A_550 = arith.index_cast %get3A_549 : i32 to index
          %get3A_551 = arith.index_cast %add3A_480 : i32 to index
          %get3A_552 = arith.constant 32 : index
          %get3A_553 = tpu.vector_load %arg13[%get3A_550, %get3A_551, %get3A_552] {strides = array<i32>} : memref<2x80x64xi32, #tpu.memory_space<vmem>>, vector<16xi32>,
          %bitcast3A_554 = vector.bitcast %get3A_553 : vector<16xi32> to vector<32xbf16>
          %get3A_555 = arith.constant 1 : i32
          %get3A_556 = arith.index_cast %get3A_555 : i32 to index
          %get3A_557 = arith.index_cast %add3A_480 : i32 to index
          %get3A_558 = arith.constant 32 : index
          %get3A_559 = tpu.vector_load %arg12[%get3A_556, %get3A_557, %get3A_558] {strides = array<i32>} : memref<2x80x64xi32, #tpu.memory_space<vmem>>, vector<16xi32>,
          %bitcast3A_560 = vector.bitcast %get3A_559 : vector<16xi32> to vector<32xbf16>
          %unpack3A_561 = tpu.unpack_subelements %bitcast3A_548, 0 {pack_format = #tpu.pack_format<interleaved>} : vector<32xbf16> -> vector<16xf32>
          %unpack3A_562 = tpu.unpack_subelements %bitcast3A_548, 1 {pack_format = #tpu.pack_format<interleaved>} : vector<32xbf16> -> vector<16xf32>
          %unpack3A_563 = tpu.unpack_subelements %bitcast3A_554, 0 {pack_format = #tpu.pack_format<interleaved>} : vector<32xbf16> -> vector<16xf32>
          %unpack3A_564 = tpu.unpack_subelements %bitcast3A_554, 1 {pack_format = #tpu.pack_format<interleaved>} : vector<32xbf16> -> vector<16xf32>
          %unpack3A_565 = tpu.unpack_subelements %bitcast3A_560, 0 {pack_format = #tpu.pack_format<interleaved>} : vector<32xbf16> -> vector<16xf32>
          %unpack3A_566 = tpu.unpack_subelements %bitcast3A_560, 1 {pack_format = #tpu.pack_format<interleaved>} : vector<32xbf16> -> vector<16xf32>
          %mul3A_567 = arith.mulf %unpack3A_561, %unpack3A_563 : vector<16xf32>
          %mul3A_568 = arith.mulf %mul3A_567, %unpack3A_565 : vector<16xf32>
          %add3A_569 = arith.addf %add3A_542, %mul3A_568 : vector<16xf32>
          %mul3A_570 = arith.mulf %unpack3A_562, %unpack3A_564 : vector<16xf32>
          %mul3A_571 = arith.mulf %mul3A_570, %unpack3A_566 : vector<16xf32>
          %add3A_572 = arith.addf %add3A_569, %mul3A_571 : vector<16xf32>
          %get3A_573 = arith.constant 1 : i32
          %get3A_574 = arith.index_cast %get3A_573 : i32 to index
          %get3A_575 = arith.index_cast %add3A_480 : i32 to index
          %get3A_576 = arith.constant 48 : index
          %get3A_577 = tpu.vector_load %arg11[%get3A_574, %get3A_575, %get3A_576] {strides = array<i32>} : memref<2x80x64xi32, #tpu.memory_space<vmem>>, vector<16xi32>,
          %bitcast3A_578 = vector.bitcast %get3A_577 : vector<16xi32> to vector<32xbf16>
          %get3A_579 = arith.constant 1 : i32
          %get3A_580 = arith.index_cast %get3A_579 : i32 to index
          %get3A_581 = arith.index_cast %add3A_480 : i32 to index
          %get3A_582 = arith.constant 48 : index
          %get3A_583 = tpu.vector_load %arg13[%get3A_580, %get3A_581, %get3A_582] {strides = array<i32>} : memref<2x80x64xi32, #tpu.memory_space<vmem>>, vector<16xi32>,
          %bitcast3A_584 = vector.bitcast %get3A_583 : vector<16xi32> to vector<32xbf16>
          %get3A_585 = arith.constant 1 : i32
          %get3A_586 = arith.index_cast %get3A_585 : i32 to index
          %get3A_587 = arith.index_cast %add3A_480 : i32 to index
          %get3A_588 = arith.constant 48 : index
          %get3A_589 = tpu.vector_load %arg12[%get3A_586, %get3A_587, %get3A_588] {strides = array<i32>} : memref<2x80x64xi32, #tpu.memory_space<vmem>>, vector<16xi32>,
          %bitcast3A_590 = vector.bitcast %get3A_589 : vector<16xi32> to vector<32xbf16>
          %unpack3A_591 = tpu.unpack_subelements %bitcast3A_578, 0 {pack_format = #tpu.pack_format<interleaved>} : vector<32xbf16> -> vector<16xf32>
          %unpack3A_592 = tpu.unpack_subelements %bitcast3A_578, 1 {pack_format = #tpu.pack_format<interleaved>} : vector<32xbf16> -> vector<16xf32>
          %unpack3A_593 = tpu.unpack_subelements %bitcast3A_584, 0 {pack_format = #tpu.pack_format<interleaved>} : vector<32xbf16> -> vector<16xf32>
          %unpack3A_594 = tpu.unpack_subelements %bitcast3A_584, 1 {pack_format = #tpu.pack_format<interleaved>} : vector<32xbf16> -> vector<16xf32>
          %unpack3A_595 = tpu.unpack_subelements %bitcast3A_590, 0 {pack_format = #tpu.pack_format<interleaved>} : vector<32xbf16> -> vector<16xf32>
          %unpack3A_596 = tpu.unpack_subelements %bitcast3A_590, 1 {pack_format = #tpu.pack_format<interleaved>} : vector<32xbf16> -> vector<16xf32>
          %mul3A_597 = arith.mulf %unpack3A_591, %unpack3A_593 : vector<16xf32>
          %mul3A_598 = arith.mulf %mul3A_597, %unpack3A_595 : vector<16xf32>
          %add3A_599 = arith.addf %add3A_572, %mul3A_598 : vector<16xf32>
          %mul3A_600 = arith.mulf %unpack3A_592, %unpack3A_594 : vector<16xf32>
          %mul3A_601 = arith.mulf %mul3A_600, %unpack3A_596 : vector<16xf32>
          %add3A_602 = arith.addf %add3A_599, %mul3A_601 : vector<16xf32>
          %mul3A_603 = arith.constant 8 : i32
          %mul3A_604 = arith.muli %scan3A_340, %mul3A_603 : i32
          %add3A_605 = arith.constant 1 : i32
          %add3A_606 = arith.addi %mul3A_604, %add3A_605 : i32
          %eq3A_607 = vector.broadcast %add3A_606 : i32 to vector<16xi32>
          %eq3A_608 = arith.cmpi eq, %iota3A, %eq3A_607 : vector<16xi32>
          %reduce_sum3A_609 = arith.constant true
          %reduce_sum3A_610 = vector.broadcast %reduce_sum3A_609 : i1 to vector<16xi1>
          %reduce_sum3A_611 = tpu.scan <sum>, %add3A_602 masked %reduce_sum3A_610 : vector<16xf32>, vector<16xi1> -> vector<16xf32>
          %reduce_sum3A_612 = vector.extract %reduce_sum3A_611[15] : f32 from vector<16xf32>
          %broadcast_in_dim3A_613 = vector.broadcast %reduce_sum3A_612 : f32 to vector<16xf32>
          %select_n3A_614 = arith.select %eq3A_608, %broadcast_in_dim3A_613, %select_n3A : vector<16xi1>, vector<16xf32>
          %mul3A_615 = arith.constant 8 : i32
          %mul3A_616 = arith.muli %scan3A_340, %mul3A_615 : i32
          %add3A_617 = arith.addi %mul3A_330, %mul3A_616 : i32
          %add3A_618 = arith.constant 2 : i32
          %add3A_619 = arith.addi %add3A_617, %add3A_618 : i32
          %broadcast_in_dim3A_620 = arith.constant 0.000000e+00 : f32
          %broadcast_in_dim3A_621 = vector.broadcast %broadcast_in_dim3A_620 : f32 to vector<16xf32>
          %get3A_622 = arith.constant 1 : i32
          %get3A_623 = arith.index_cast %get3A_622 : i32 to index
          %get3A_624 = arith.index_cast %add3A_619 : i32 to index
          %get3A_625 = arith.constant 0 : index
          %get3A_626 = tpu.vector_load %arg11[%get3A_623, %get3A_624, %get3A_625] {strides = array<i32>} : memref<2x80x64xi32, #tpu.memory_space<vmem>>, vector<16xi32>,
          %bitcast3A_627 = vector.bitcast %get3A_626 : vector<16xi32> to vector<32xbf16>
          %get3A_628 = arith.constant 1 : i32
          %get3A_629 = arith.index_cast %get3A_628 : i32 to index
          %get3A_630 = arith.index_cast %add3A_619 : i32 to index
          %get3A_631 = arith.constant 0 : index
          %get3A_632 = tpu.vector_load %arg13[%get3A_629, %get3A_630, %get3A_631] {strides = array<i32>} : memref<2x80x64xi32, #tpu.memory_space<vmem>>, vector<16xi32>,
          %bitcast3A_633 = vector.bitcast %get3A_632 : vector<16xi32> to vector<32xbf16>
          %get3A_634 = arith.constant 1 : i32
          %get3A_635 = arith.index_cast %get3A_634 : i32 to index
          %get3A_636 = arith.index_cast %add3A_619 : i32 to index
          %get3A_637 = arith.constant 0 : index
          %get3A_638 = tpu.vector_load %arg12[%get3A_635, %get3A_636, %get3A_637] {strides = array<i32>} : memref<2x80x64xi32, #tpu.memory_space<vmem>>, vector<16xi32>,
          %bitcast3A_639 = vector.bitcast %get3A_638 : vector<16xi32> to vector<32xbf16>
          %unpack3A_640 = tpu.unpack_subelements %bitcast3A_627, 0 {pack_format = #tpu.pack_format<interleaved>} : vector<32xbf16> -> vector<16xf32>
          %unpack3A_641 = tpu.unpack_subelements %bitcast3A_627, 1 {pack_format = #tpu.pack_format<interleaved>} : vector<32xbf16> -> vector<16xf32>
          %unpack3A_642 = tpu.unpack_subelements %bitcast3A_633, 0 {pack_format = #tpu.pack_format<interleaved>} : vector<32xbf16> -> vector<16xf32>
          %unpack3A_643 = tpu.unpack_subelements %bitcast3A_633, 1 {pack_format = #tpu.pack_format<interleaved>} : vector<32xbf16> -> vector<16xf32>
          %unpack3A_644 = tpu.unpack_subelements %bitcast3A_639, 0 {pack_format = #tpu.pack_format<interleaved>} : vector<32xbf16> -> vector<16xf32>
          %unpack3A_645 = tpu.unpack_subelements %bitcast3A_639, 1 {pack_format = #tpu.pack_format<interleaved>} : vector<32xbf16> -> vector<16xf32>
          %mul3A_646 = arith.mulf %unpack3A_640, %unpack3A_642 : vector<16xf32>
          %mul3A_647 = arith.mulf %mul3A_646, %unpack3A_644 : vector<16xf32>
          %add3A_648 = arith.addf %broadcast_in_dim3A_621, %mul3A_647 : vector<16xf32>
          %mul3A_649 = arith.mulf %unpack3A_641, %unpack3A_643 : vector<16xf32>
          %mul3A_650 = arith.mulf %mul3A_649, %unpack3A_645 : vector<16xf32>
          %add3A_651 = arith.addf %add3A_648, %mul3A_650 : vector<16xf32>
          %get3A_652 = arith.constant 1 : i32
          %get3A_653 = arith.index_cast %get3A_652 : i32 to index
          %get3A_654 = arith.index_cast %add3A_619 : i32 to index
          %get3A_655 = arith.constant 16 : index
          %get3A_656 = tpu.vector_load %arg11[%get3A_653, %get3A_654, %get3A_655] {strides = array<i32>} : memref<2x80x64xi32, #tpu.memory_space<vmem>>, vector<16xi32>,
          %bitcast3A_657 = vector.bitcast %get3A_656 : vector<16xi32> to vector<32xbf16>
          %get3A_658 = arith.constant 1 : i32
          %get3A_659 = arith.index_cast %get3A_658 : i32 to index
          %get3A_660 = arith.index_cast %add3A_619 : i32 to index
          %get3A_661 = arith.constant 16 : index
          %get3A_662 = tpu.vector_load %arg13[%get3A_659, %get3A_660, %get3A_661] {strides = array<i32>} : memref<2x80x64xi32, #tpu.memory_space<vmem>>, vector<16xi32>,
          %bitcast3A_663 = vector.bitcast %get3A_662 : vector<16xi32> to vector<32xbf16>
          %get3A_664 = arith.constant 1 : i32
          %get3A_665 = arith.index_cast %get3A_664 : i32 to index
          %get3A_666 = arith.index_cast %add3A_619 : i32 to index
          %get3A_667 = arith.constant 16 : index
          %get3A_668 = tpu.vector_load %arg12[%get3A_665, %get3A_666, %get3A_667] {strides = array<i32>} : memref<2x80x64xi32, #tpu.memory_space<vmem>>, vector<16xi32>,
          %bitcast3A_669 = vector.bitcast %get3A_668 : vector<16xi32> to vector<32xbf16>
          %unpack3A_670 = tpu.unpack_subelements %bitcast3A_657, 0 {pack_format = #tpu.pack_format<interleaved>} : vector<32xbf16> -> vector<16xf32>
          %unpack3A_671 = tpu.unpack_subelements %bitcast3A_657, 1 {pack_format = #tpu.pack_format<interleaved>} : vector<32xbf16> -> vector<16xf32>
          %unpack3A_672 = tpu.unpack_subelements %bitcast3A_663, 0 {pack_format = #tpu.pack_format<interleaved>} : vector<32xbf16> -> vector<16xf32>
          %unpack3A_673 = tpu.unpack_subelements %bitcast3A_663, 1 {pack_format = #tpu.pack_format<interleaved>} : vector<32xbf16> -> vector<16xf32>
          %unpack3A_674 = tpu.unpack_subelements %bitcast3A_669, 0 {pack_format = #tpu.pack_format<interleaved>} : vector<32xbf16> -> vector<16xf32>
          %unpack3A_675 = tpu.unpack_subelements %bitcast3A_669, 1 {pack_format = #tpu.pack_format<interleaved>} : vector<32xbf16> -> vector<16xf32>
          %mul3A_676 = arith.mulf %unpack3A_670, %unpack3A_672 : vector<16xf32>
          %mul3A_677 = arith.mulf %mul3A_676, %unpack3A_674 : vector<16xf32>
          %add3A_678 = arith.addf %add3A_651, %mul3A_677 : vector<16xf32>
          %mul3A_679 = arith.mulf %unpack3A_671, %unpack3A_673 : vector<16xf32>
          %mul3A_680 = arith.mulf %mul3A_679, %unpack3A_675 : vector<16xf32>
          %add3A_681 = arith.addf %add3A_678, %mul3A_680 : vector<16xf32>
          %get3A_682 = arith.constant 1 : i32
          %get3A_683 = arith.index_cast %get3A_682 : i32 to index
          %get3A_684 = arith.index_cast %add3A_619 : i32 to index
          %get3A_685 = arith.constant 32 : index
          %get3A_686 = tpu.vector_load %arg11[%get3A_683, %get3A_684, %get3A_685] {strides = array<i32>} : memref<2x80x64xi32, #tpu.memory_space<vmem>>, vector<16xi32>,
          %bitcast3A_687 = vector.bitcast %get3A_686 : vector<16xi32> to vector<32xbf16>
          %get3A_688 = arith.constant 1 : i32
          %get3A_689 = arith.index_cast %get3A_688 : i32 to index
          %get3A_690 = arith.index_cast %add3A_619 : i32 to index
          %get3A_691 = arith.constant 32 : index
          %get3A_692 = tpu.vector_load %arg13[%get3A_689, %get3A_690, %get3A_691] {strides = array<i32>} : memref<2x80x64xi32, #tpu.memory_space<vmem>>, vector<16xi32>,
          %bitcast3A_693 = vector.bitcast %get3A_692 : vector<16xi32> to vector<32xbf16>
          %get3A_694 = arith.constant 1 : i32
          %get3A_695 = arith.index_cast %get3A_694 : i32 to index
          %get3A_696 = arith.index_cast %add3A_619 : i32 to index
          %get3A_697 = arith.constant 32 : index
          %get3A_698 = tpu.vector_load %arg12[%get3A_695, %get3A_696, %get3A_697] {strides = array<i32>} : memref<2x80x64xi32, #tpu.memory_space<vmem>>, vector<16xi32>,
          %bitcast3A_699 = vector.bitcast %get3A_698 : vector<16xi32> to vector<32xbf16>
          %unpack3A_700 = tpu.unpack_subelements %bitcast3A_687, 0 {pack_format = #tpu.pack_format<interleaved>} : vector<32xbf16> -> vector<16xf32>
          %unpack3A_701 = tpu.unpack_subelements %bitcast3A_687, 1 {pack_format = #tpu.pack_format<interleaved>} : vector<32xbf16> -> vector<16xf32>
          %unpack3A_702 = tpu.unpack_subelements %bitcast3A_693, 0 {pack_format = #tpu.pack_format<interleaved>} : vector<32xbf16> -> vector<16xf32>
          %unpack3A_703 = tpu.unpack_subelements %bitcast3A_693, 1 {pack_format = #tpu.pack_format<interleaved>} : vector<32xbf16> -> vector<16xf32>
          %unpack3A_704 = tpu.unpack_subelements %bitcast3A_699, 0 {pack_format = #tpu.pack_format<interleaved>} : vector<32xbf16> -> vector<16xf32>
          %unpack3A_705 = tpu.unpack_subelements %bitcast3A_699, 1 {pack_format = #tpu.pack_format<interleaved>} : vector<32xbf16> -> vector<16xf32>
          %mul3A_706 = arith.mulf %unpack3A_700, %unpack3A_702 : vector<16xf32>
          %mul3A_707 = arith.mulf %mul3A_706, %unpack3A_704 : vector<16xf32>
          %add3A_708 = arith.addf %add3A_681, %mul3A_707 : vector<16xf32>
          %mul3A_709 = arith.mulf %unpack3A_701, %unpack3A_703 : vector<16xf32>
          %mul3A_710 = arith.mulf %mul3A_709, %unpack3A_705 : vector<16xf32>
          %add3A_711 = arith.addf %add3A_708, %mul3A_710 : vector<16xf32>
          %get3A_712 = arith.constant 1 : i32
          %get3A_713 = arith.index_cast %get3A_712 : i32 to index
          %get3A_714 = arith.index_cast %add3A_619 : i32 to index
          %get3A_715 = arith.constant 48 : index
          %get3A_716 = tpu.vector_load %arg11[%get3A_713, %get3A_714, %get3A_715] {strides = array<i32>} : memref<2x80x64xi32, #tpu.memory_space<vmem>>, vector<16xi32>,
          %bitcast3A_717 = vector.bitcast %get3A_716 : vector<16xi32> to vector<32xbf16>
          %get3A_718 = arith.constant 1 : i32
          %get3A_719 = arith.index_cast %get3A_718 : i32 to index
          %get3A_720 = arith.index_cast %add3A_619 : i32 to index
          %get3A_721 = arith.constant 48 : index
          %get3A_722 = tpu.vector_load %arg13[%get3A_719, %get3A_720, %get3A_721] {strides = array<i32>} : memref<2x80x64xi32, #tpu.memory_space<vmem>>, vector<16xi32>,
          %bitcast3A_723 = vector.bitcast %get3A_722 : vector<16xi32> to vector<32xbf16>
          %get3A_724 = arith.constant 1 : i32
          %get3A_725 = arith.index_cast %get3A_724 : i32 to index
          %get3A_726 = arith.index_cast %add3A_619 : i32 to index
          %get3A_727 = arith.constant 48 : index
          %get3A_728 = tpu.vector_load %arg12[%get3A_725, %get3A_726, %get3A_727] {strides = array<i32>} : memref<2x80x64xi32, #tpu.memory_space<vmem>>, vector<16xi32>,
          %bitcast3A_729 = vector.bitcast %get3A_728 : vector<16xi32> to vector<32xbf16>
          %unpack3A_730 = tpu.unpack_subelements %bitcast3A_717, 0 {pack_format = #tpu.pack_format<interleaved>} : vector<32xbf16> -> vector<16xf32>
          %unpack3A_731 = tpu.unpack_subelements %bitcast3A_717, 1 {pack_format = #tpu.pack_format<interleaved>} : vector<32xbf16> -> vector<16xf32>
          %unpack3A_732 = tpu.unpack_subelements %bitcast3A_723, 0 {pack_format = #tpu.pack_format<interleaved>} : vector<32xbf16> -> vector<16xf32>
          %unpack3A_733 = tpu.unpack_subelements %bitcast3A_723, 1 {pack_format = #tpu.pack_format<interleaved>} : vector<32xbf16> -> vector<16xf32>
          %unpack3A_734 = tpu.unpack_subelements %bitcast3A_729, 0 {pack_format = #tpu.pack_format<interleaved>} : vector<32xbf16> -> vector<16xf32>
          %unpack3A_735 = tpu.unpack_subelements %bitcast3A_729, 1 {pack_format = #tpu.pack_format<interleaved>} : vector<32xbf16> -> vector<16xf32>
          %mul3A_736 = arith.mulf %unpack3A_730, %unpack3A_732 : vector<16xf32>
          %mul3A_737 = arith.mulf %mul3A_736, %unpack3A_734 : vector<16xf32>
          %add3A_738 = arith.addf %add3A_711, %mul3A_737 : vector<16xf32>
          %mul3A_739 = arith.mulf %unpack3A_731, %unpack3A_733 : vector<16xf32>
          %mul3A_740 = arith.mulf %mul3A_739, %unpack3A_735 : vector<16xf32>
          %add3A_741 = arith.addf %add3A_738, %mul3A_740 : vector<16xf32>
          %mul3A_742 = arith.constant 8 : i32
          %mul3A_743 = arith.muli %scan3A_340, %mul3A_742 : i32
          %add3A_744 = arith.constant 2 : i32
          %add3A_745 = arith.addi %mul3A_743, %add3A_744 : i32
          %eq3A_746 = vector.broadcast %add3A_745 : i32 to vector<16xi32>
          %eq3A_747 = arith.cmpi eq, %iota3A, %eq3A_746 : vector<16xi32>
          %reduce_sum3A_748 = arith.constant true
          %reduce_sum3A_749 = vector.broadcast %reduce_sum3A_748 : i1 to vector<16xi1>
          %reduce_sum3A_750 = tpu.scan <sum>, %add3A_741 masked %reduce_sum3A_749 : vector<16xf32>, vector<16xi1> -> vector<16xf32>
          %reduce_sum3A_751 = vector.extract %reduce_sum3A_750[15] : f32 from vector<16xf32>
          %broadcast_in_dim3A_752 = vector.broadcast %reduce_sum3A_751 : f32 to vector<16xf32>
          %select_n3A_753 = arith.select %eq3A_747, %broadcast_in_dim3A_752, %select_n3A_614 : vector<16xi1>, vector<16xf32>
          %mul3A_754 = arith.constant 8 : i32
          %mul3A_755 = arith.muli %scan3A_340, %mul3A_754 : i32
          %add3A_756 = arith.addi %mul3A_330, %mul3A_755 : i32
          %add3A_757 = arith.constant 3 : i32
          %add3A_758 = arith.addi %add3A_756, %add3A_757 : i32
          %broadcast_in_dim3A_759 = arith.constant 0.000000e+00 : f32
          %broadcast_in_dim3A_760 = vector.broadcast %broadcast_in_dim3A_759 : f32 to vector<16xf32>
          %get3A_761 = arith.constant 1 : i32
          %get3A_762 = arith.index_cast %get3A_761 : i32 to index
          %get3A_763 = arith.index_cast %add3A_758 : i32 to index
          %get3A_764 = arith.constant 0 : index
          %get3A_765 = tpu.vector_load %arg11[%get3A_762, %get3A_763, %get3A_764] {strides = array<i32>} : memref<2x80x64xi32, #tpu.memory_space<vmem>>, vector<16xi32>,
          %bitcast3A_766 = vector.bitcast %get3A_765 : vector<16xi32> to vector<32xbf16>
          %get3A_767 = arith.constant 1 : i32
          %get3A_768 = arith.index_cast %get3A_767 : i32 to index
          %get3A_769 = arith.index_cast %add3A_758 : i32 to index
          %get3A_770 = arith.constant 0 : index
          %get3A_771 = tpu.vector_load %arg13[%get3A_768, %get3A_769, %get3A_770] {strides = array<i32>} : memref<2x80x64xi32, #tpu.memory_space<vmem>>, vector<16xi32>,
          %bitcast3A_772 = vector.bitcast %get3A_771 : vector<16xi32> to vector<32xbf16>
          %get3A_773 = arith.constant 1 : i32
          %get3A_774 = arith.index_cast %get3A_773 : i32 to index
          %get3A_775 = arith.index_cast %add3A_758 : i32 to index
          %get3A_776 = arith.constant 0 : index
          %get3A_777 = tpu.vector_load %arg12[%get3A_774, %get3A_775, %get3A_776] {strides = array<i32>} : memref<2x80x64xi32, #tpu.memory_space<vmem>>, vector<16xi32>,
          %bitcast3A_778 = vector.bitcast %get3A_777 : vector<16xi32> to vector<32xbf16>
          %unpack3A_779 = tpu.unpack_subelements %bitcast3A_766, 0 {pack_format = #tpu.pack_format<interleaved>} : vector<32xbf16> -> vector<16xf32>
          %unpack3A_780 = tpu.unpack_subelements %bitcast3A_766, 1 {pack_format = #tpu.pack_format<interleaved>} : vector<32xbf16> -> vector<16xf32>
          %unpack3A_781 = tpu.unpack_subelements %bitcast3A_772, 0 {pack_format = #tpu.pack_format<interleaved>} : vector<32xbf16> -> vector<16xf32>
          %unpack3A_782 = tpu.unpack_subelements %bitcast3A_772, 1 {pack_format = #tpu.pack_format<interleaved>} : vector<32xbf16> -> vector<16xf32>
          %unpack3A_783 = tpu.unpack_subelements %bitcast3A_778, 0 {pack_format = #tpu.pack_format<interleaved>} : vector<32xbf16> -> vector<16xf32>
          %unpack3A_784 = tpu.unpack_subelements %bitcast3A_778, 1 {pack_format = #tpu.pack_format<interleaved>} : vector<32xbf16> -> vector<16xf32>
          %mul3A_785 = arith.mulf %unpack3A_779, %unpack3A_781 : vector<16xf32>
          %mul3A_786 = arith.mulf %mul3A_785, %unpack3A_783 : vector<16xf32>
          %add3A_787 = arith.addf %broadcast_in_dim3A_760, %mul3A_786 : vector<16xf32>
          %mul3A_788 = arith.mulf %unpack3A_780, %unpack3A_782 : vector<16xf32>
          %mul3A_789 = arith.mulf %mul3A_788, %unpack3A_784 : vector<16xf32>
          %add3A_790 = arith.addf %add3A_787, %mul3A_789 : vector<16xf32>
          %get3A_791 = arith.constant 1 : i32
          %get3A_792 = arith.index_cast %get3A_791 : i32 to index
          %get3A_793 = arith.index_cast %add3A_758 : i32 to index
          %get3A_794 = arith.constant 16 : index
          %get3A_795 = tpu.vector_load %arg11[%get3A_792, %get3A_793, %get3A_794] {strides = array<i32>} : memref<2x80x64xi32, #tpu.memory_space<vmem>>, vector<16xi32>,
          %bitcast3A_796 = vector.bitcast %get3A_795 : vector<16xi32> to vector<32xbf16>
          %get3A_797 = arith.constant 1 : i32
          %get3A_798 = arith.index_cast %get3A_797 : i32 to index
          %get3A_799 = arith.index_cast %add3A_758 : i32 to index
          %get3A_800 = arith.constant 16 : index
          %get3A_801 = tpu.vector_load %arg13[%get3A_798, %get3A_799, %get3A_800] {strides = array<i32>} : memref<2x80x64xi32, #tpu.memory_space<vmem>>, vector<16xi32>,
          %bitcast3A_802 = vector.bitcast %get3A_801 : vector<16xi32> to vector<32xbf16>
          %get3A_803 = arith.constant 1 : i32
          %get3A_804 = arith.index_cast %get3A_803 : i32 to index
          %get3A_805 = arith.index_cast %add3A_758 : i32 to index
          %get3A_806 = arith.constant 16 : index
          %get3A_807 = tpu.vector_load %arg12[%get3A_804, %get3A_805, %get3A_806] {strides = array<i32>} : memref<2x80x64xi32, #tpu.memory_space<vmem>>, vector<16xi32>,
          %bitcast3A_808 = vector.bitcast %get3A_807 : vector<16xi32> to vector<32xbf16>
          %unpack3A_809 = tpu.unpack_subelements %bitcast3A_796, 0 {pack_format = #tpu.pack_format<interleaved>} : vector<32xbf16> -> vector<16xf32>
          %unpack3A_810 = tpu.unpack_subelements %bitcast3A_796, 1 {pack_format = #tpu.pack_format<interleaved>} : vector<32xbf16> -> vector<16xf32>
          %unpack3A_811 = tpu.unpack_subelements %bitcast3A_802, 0 {pack_format = #tpu.pack_format<interleaved>} : vector<32xbf16> -> vector<16xf32>
          %unpack3A_812 = tpu.unpack_subelements %bitcast3A_802, 1 {pack_format = #tpu.pack_format<interleaved>} : vector<32xbf16> -> vector<16xf32>
          %unpack3A_813 = tpu.unpack_subelements %bitcast3A_808, 0 {pack_format = #tpu.pack_format<interleaved>} : vector<32xbf16> -> vector<16xf32>
          %unpack3A_814 = tpu.unpack_subelements %bitcast3A_808, 1 {pack_format = #tpu.pack_format<interleaved>} : vector<32xbf16> -> vector<16xf32>
          %mul3A_815 = arith.mulf %unpack3A_809, %unpack3A_811 : vector<16xf32>
          %mul3A_816 = arith.mulf %mul3A_815, %unpack3A_813 : vector<16xf32>
          %add3A_817 = arith.addf %add3A_790, %mul3A_816 : vector<16xf32>
          %mul3A_818 = arith.mulf %unpack3A_810, %unpack3A_812 : vector<16xf32>
          %mul3A_819 = arith.mulf %mul3A_818, %unpack3A_814 : vector<16xf32>
          %add3A_820 = arith.addf %add3A_817, %mul3A_819 : vector<16xf32>
          %get3A_821 = arith.constant 1 : i32
          %get3A_822 = arith.index_cast %get3A_821 : i32 to index
          %get3A_823 = arith.index_cast %add3A_758 : i32 to index
          %get3A_824 = arith.constant 32 : index
          %get3A_825 = tpu.vector_load %arg11[%get3A_822, %get3A_823, %get3A_824] {strides = array<i32>} : memref<2x80x64xi32, #tpu.memory_space<vmem>>, vector<16xi32>,
          %bitcast3A_826 = vector.bitcast %get3A_825 : vector<16xi32> to vector<32xbf16>
          %get3A_827 = arith.constant 1 : i32
          %get3A_828 = arith.index_cast %get3A_827 : i32 to index
          %get3A_829 = arith.index_cast %add3A_758 : i32 to index
          %get3A_830 = arith.constant 32 : index
          %get3A_831 = tpu.vector_load %arg13[%get3A_828, %get3A_829, %get3A_830] {strides = array<i32>} : memref<2x80x64xi32, #tpu.memory_space<vmem>>, vector<16xi32>,
          %bitcast3A_832 = vector.bitcast %get3A_831 : vector<16xi32> to vector<32xbf16>
          %get3A_833 = arith.constant 1 : i32
          %get3A_834 = arith.index_cast %get3A_833 : i32 to index
          %get3A_835 = arith.index_cast %add3A_758 : i32 to index
          %get3A_836 = arith.constant 32 : index
          %get3A_837 = tpu.vector_load %arg12[%get3A_834, %get3A_835, %get3A_836] {strides = array<i32>} : memref<2x80x64xi32, #tpu.memory_space<vmem>>, vector<16xi32>,
          %bitcast3A_838 = vector.bitcast %get3A_837 : vector<16xi32> to vector<32xbf16>
          %unpack3A_839 = tpu.unpack_subelements %bitcast3A_826, 0 {pack_format = #tpu.pack_format<interleaved>} : vector<32xbf16> -> vector<16xf32>
          %unpack3A_840 = tpu.unpack_subelements %bitcast3A_826, 1 {pack_format = #tpu.pack_format<interleaved>} : vector<32xbf16> -> vector<16xf32>
          %unpack3A_841 = tpu.unpack_subelements %bitcast3A_832, 0 {pack_format = #tpu.pack_format<interleaved>} : vector<32xbf16> -> vector<16xf32>
          %unpack3A_842 = tpu.unpack_subelements %bitcast3A_832, 1 {pack_format = #tpu.pack_format<interleaved>} : vector<32xbf16> -> vector<16xf32>
          %unpack3A_843 = tpu.unpack_subelements %bitcast3A_838, 0 {pack_format = #tpu.pack_format<interleaved>} : vector<32xbf16> -> vector<16xf32>
          %unpack3A_844 = tpu.unpack_subelements %bitcast3A_838, 1 {pack_format = #tpu.pack_format<interleaved>} : vector<32xbf16> -> vector<16xf32>
          %mul3A_845 = arith.mulf %unpack3A_839, %unpack3A_841 : vector<16xf32>
          %mul3A_846 = arith.mulf %mul3A_845, %unpack3A_843 : vector<16xf32>
          %add3A_847 = arith.addf %add3A_820, %mul3A_846 : vector<16xf32>
          %mul3A_848 = arith.mulf %unpack3A_840, %unpack3A_842 : vector<16xf32>
          %mul3A_849 = arith.mulf %mul3A_848, %unpack3A_844 : vector<16xf32>
          %add3A_850 = arith.addf %add3A_847, %mul3A_849 : vector<16xf32>
          %get3A_851 = arith.constant 1 : i32
          %get3A_852 = arith.index_cast %get3A_851 : i32 to index
          %get3A_853 = arith.index_cast %add3A_758 : i32 to index
          %get3A_854 = arith.constant 48 : index
          %get3A_855 = tpu.vector_load %arg11[%get3A_852, %get3A_853, %get3A_854] {strides = array<i32>} : memref<2x80x64xi32, #tpu.memory_space<vmem>>, vector<16xi32>,
          %bitcast3A_856 = vector.bitcast %get3A_855 : vector<16xi32> to vector<32xbf16>
          %get3A_857 = arith.constant 1 : i32
          %get3A_858 = arith.index_cast %get3A_857 : i32 to index
          %get3A_859 = arith.index_cast %add3A_758 : i32 to index
          %get3A_860 = arith.constant 48 : index
          %get3A_861 = tpu.vector_load %arg13[%get3A_858, %get3A_859, %get3A_860] {strides = array<i32>} : memref<2x80x64xi32, #tpu.memory_space<vmem>>, vector<16xi32>,
          %bitcast3A_862 = vector.bitcast %get3A_861 : vector<16xi32> to vector<32xbf16>
          %get3A_863 = arith.constant 1 : i32
          %get3A_864 = arith.index_cast %get3A_863 : i32 to index
          %get3A_865 = arith.index_cast %add3A_758 : i32 to index
          %get3A_866 = arith.constant 48 : index
          %get3A_867 = tpu.vector_load %arg12[%get3A_864, %get3A_865, %get3A_866] {strides = array<i32>} : memref<2x80x64xi32, #tpu.memory_space<vmem>>, vector<16xi32>,
          %bitcast3A_868 = vector.bitcast %get3A_867 : vector<16xi32> to vector<32xbf16>
          %unpack3A_869 = tpu.unpack_subelements %bitcast3A_856, 0 {pack_format = #tpu.pack_format<interleaved>} : vector<32xbf16> -> vector<16xf32>
          %unpack3A_870 = tpu.unpack_subelements %bitcast3A_856, 1 {pack_format = #tpu.pack_format<interleaved>} : vector<32xbf16> -> vector<16xf32>
          %unpack3A_871 = tpu.unpack_subelements %bitcast3A_862, 0 {pack_format = #tpu.pack_format<interleaved>} : vector<32xbf16> -> vector<16xf32>
          %unpack3A_872 = tpu.unpack_subelements %bitcast3A_862, 1 {pack_format = #tpu.pack_format<interleaved>} : vector<32xbf16> -> vector<16xf32>
          %unpack3A_873 = tpu.unpack_subelements %bitcast3A_868, 0 {pack_format = #tpu.pack_format<interleaved>} : vector<32xbf16> -> vector<16xf32>
          %unpack3A_874 = tpu.unpack_subelements %bitcast3A_868, 1 {pack_format = #tpu.pack_format<interleaved>} : vector<32xbf16> -> vector<16xf32>
          %mul3A_875 = arith.mulf %unpack3A_869, %unpack3A_871 : vector<16xf32>
          %mul3A_876 = arith.mulf %mul3A_875, %unpack3A_873 : vector<16xf32>
          %add3A_877 = arith.addf %add3A_850, %mul3A_876 : vector<16xf32>
          %mul3A_878 = arith.mulf %unpack3A_870, %unpack3A_872 : vector<16xf32>
          %mul3A_879 = arith.mulf %mul3A_878, %unpack3A_874 : vector<16xf32>
          %add3A_880 = arith.addf %add3A_877, %mul3A_879 : vector<16xf32>
          %mul3A_881 = arith.constant 8 : i32
          %mul3A_882 = arith.muli %scan3A_340, %mul3A_881 : i32
          %add3A_883 = arith.constant 3 : i32
          %add3A_884 = arith.addi %mul3A_882, %add3A_883 : i32
          %eq3A_885 = vector.broadcast %add3A_884 : i32 to vector<16xi32>
          %eq3A_886 = arith.cmpi eq, %iota3A, %eq3A_885 : vector<16xi32>
          %reduce_sum3A_887 = arith.constant true
          %reduce_sum3A_888 = vector.broadcast %reduce_sum3A_887 : i1 to vector<16xi1>
          %reduce_sum3A_889 = tpu.scan <sum>, %add3A_880 masked %reduce_sum3A_888 : vector<16xf32>, vector<16xi1> -> vector<16xf32>
          %reduce_sum3A_890 = vector.extract %reduce_sum3A_889[15] : f32 from vector<16xf32>
          %broadcast_in_dim3A_891 = vector.broadcast %reduce_sum3A_890 : f32 to vector<16xf32>
          %select_n3A_892 = arith.select %eq3A_886, %broadcast_in_dim3A_891, %select_n3A_753 : vector<16xi1>, vector<16xf32>
          %mul3A_893 = arith.constant 8 : i32
          %mul3A_894 = arith.muli %scan3A_340, %mul3A_893 : i32
          %add3A_895 = arith.addi %mul3A_330, %mul3A_894 : i32
          %add3A_896 = arith.constant 4 : i32
          %add3A_897 = arith.addi %add3A_895, %add3A_896 : i32
          %broadcast_in_dim3A_898 = arith.constant 0.000000e+00 : f32
          %broadcast_in_dim3A_899 = vector.broadcast %broadcast_in_dim3A_898 : f32 to vector<16xf32>
          %get3A_900 = arith.constant 1 : i32
          %get3A_901 = arith.index_cast %get3A_900 : i32 to index
          %get3A_902 = arith.index_cast %add3A_897 : i32 to index
          %get3A_903 = arith.constant 0 : index
          %get3A_904 = tpu.vector_load %arg11[%get3A_901, %get3A_902, %get3A_903] {strides = array<i32>} : memref<2x80x64xi32, #tpu.memory_space<vmem>>, vector<16xi32>,
          %bitcast3A_905 = vector.bitcast %get3A_904 : vector<16xi32> to vector<32xbf16>
          %get3A_906 = arith.constant 1 : i32
          %get3A_907 = arith.index_cast %get3A_906 : i32 to index
          %get3A_908 = arith.index_cast %add3A_897 : i32 to index
          %get3A_909 = arith.constant 0 : index
          %get3A_910 = tpu.vector_load %arg13[%get3A_907, %get3A_908, %get3A_909] {strides = array<i32>} : memref<2x80x64xi32, #tpu.memory_space<vmem>>, vector<16xi32>,
          %bitcast3A_911 = vector.bitcast %get3A_910 : vector<16xi32> to vector<32xbf16>
          %get3A_912 = arith.constant 1 : i32
          %get3A_913 = arith.index_cast %get3A_912 : i32 to index
          %get3A_914 = arith.index_cast %add3A_897 : i32 to index
          %get3A_915 = arith.constant 0 : index
          %get3A_916 = tpu.vector_load %arg12[%get3A_913, %get3A_914, %get3A_915] {strides = array<i32>} : memref<2x80x64xi32, #tpu.memory_space<vmem>>, vector<16xi32>,
          %bitcast3A_917 = vector.bitcast %get3A_916 : vector<16xi32> to vector<32xbf16>
          %unpack3A_918 = tpu.unpack_subelements %bitcast3A_905, 0 {pack_format = #tpu.pack_format<interleaved>} : vector<32xbf16> -> vector<16xf32>
          %unpack3A_919 = tpu.unpack_subelements %bitcast3A_905, 1 {pack_format = #tpu.pack_format<interleaved>} : vector<32xbf16> -> vector<16xf32>
          %unpack3A_920 = tpu.unpack_subelements %bitcast3A_911, 0 {pack_format = #tpu.pack_format<interleaved>} : vector<32xbf16> -> vector<16xf32>
          %unpack3A_921 = tpu.unpack_subelements %bitcast3A_911, 1 {pack_format = #tpu.pack_format<interleaved>} : vector<32xbf16> -> vector<16xf32>
          %unpack3A_922 = tpu.unpack_subelements %bitcast3A_917, 0 {pack_format = #tpu.pack_format<interleaved>} : vector<32xbf16> -> vector<16xf32>
          %unpack3A_923 = tpu.unpack_subelements %bitcast3A_917, 1 {pack_format = #tpu.pack_format<interleaved>} : vector<32xbf16> -> vector<16xf32>
          %mul3A_924 = arith.mulf %unpack3A_918, %unpack3A_920 : vector<16xf32>
          %mul3A_925 = arith.mulf %mul3A_924, %unpack3A_922 : vector<16xf32>
          %add3A_926 = arith.addf %broadcast_in_dim3A_899, %mul3A_925 : vector<16xf32>
          %mul3A_927 = arith.mulf %unpack3A_919, %unpack3A_921 : vector<16xf32>
          %mul3A_928 = arith.mulf %mul3A_927, %unpack3A_923 : vector<16xf32>
          %add3A_929 = arith.addf %add3A_926, %mul3A_928 : vector<16xf32>
          %get3A_930 = arith.constant 1 : i32
          %get3A_931 = arith.index_cast %get3A_930 : i32 to index
          %get3A_932 = arith.index_cast %add3A_897 : i32 to index
          %get3A_933 = arith.constant 16 : index
          %get3A_934 = tpu.vector_load %arg11[%get3A_931, %get3A_932, %get3A_933] {strides = array<i32>} : memref<2x80x64xi32, #tpu.memory_space<vmem>>, vector<16xi32>,
          %bitcast3A_935 = vector.bitcast %get3A_934 : vector<16xi32> to vector<32xbf16>
          %get3A_936 = arith.constant 1 : i32
          %get3A_937 = arith.index_cast %get3A_936 : i32 to index
          %get3A_938 = arith.index_cast %add3A_897 : i32 to index
          %get3A_939 = arith.constant 16 : index
          %get3A_940 = tpu.vector_load %arg13[%get3A_937, %get3A_938, %get3A_939] {strides = array<i32>} : memref<2x80x64xi32, #tpu.memory_space<vmem>>, vector<16xi32>,
          %bitcast3A_941 = vector.bitcast %get3A_940 : vector<16xi32> to vector<32xbf16>
          %get3A_942 = arith.constant 1 : i32
          %get3A_943 = arith.index_cast %get3A_942 : i32 to index
          %get3A_944 = arith.index_cast %add3A_897 : i32 to index
          %get3A_945 = arith.constant 16 : index
          %get3A_946 = tpu.vector_load %arg12[%get3A_943, %get3A_944, %get3A_945] {strides = array<i32>} : memref<2x80x64xi32, #tpu.memory_space<vmem>>, vector<16xi32>,
          %bitcast3A_947 = vector.bitcast %get3A_946 : vector<16xi32> to vector<32xbf16>
          %unpack3A_948 = tpu.unpack_subelements %bitcast3A_935, 0 {pack_format = #tpu.pack_format<interleaved>} : vector<32xbf16> -> vector<16xf32>
          %unpack3A_949 = tpu.unpack_subelements %bitcast3A_935, 1 {pack_format = #tpu.pack_format<interleaved>} : vector<32xbf16> -> vector<16xf32>
          %unpack3A_950 = tpu.unpack_subelements %bitcast3A_941, 0 {pack_format = #tpu.pack_format<interleaved>} : vector<32xbf16> -> vector<16xf32>
          %unpack3A_951 = tpu.unpack_subelements %bitcast3A_941, 1 {pack_format = #tpu.pack_format<interleaved>} : vector<32xbf16> -> vector<16xf32>
          %unpack3A_952 = tpu.unpack_subelements %bitcast3A_947, 0 {pack_format = #tpu.pack_format<interleaved>} : vector<32xbf16> -> vector<16xf32>
          %unpack3A_953 = tpu.unpack_subelements %bitcast3A_947, 1 {pack_format = #tpu.pack_format<interleaved>} : vector<32xbf16> -> vector<16xf32>
          %mul3A_954 = arith.mulf %unpack3A_948, %unpack3A_950 : vector<16xf32>
          %mul3A_955 = arith.mulf %mul3A_954, %unpack3A_952 : vector<16xf32>
          %add3A_956 = arith.addf %add3A_929, %mul3A_955 : vector<16xf32>
          %mul3A_957 = arith.mulf %unpack3A_949, %unpack3A_951 : vector<16xf32>
          %mul3A_958 = arith.mulf %mul3A_957, %unpack3A_953 : vector<16xf32>
          %add3A_959 = arith.addf %add3A_956, %mul3A_958 : vector<16xf32>
          %get3A_960 = arith.constant 1 : i32
          %get3A_961 = arith.index_cast %get3A_960 : i32 to index
          %get3A_962 = arith.index_cast %add3A_897 : i32 to index
          %get3A_963 = arith.constant 32 : index
          %get3A_964 = tpu.vector_load %arg11[%get3A_961, %get3A_962, %get3A_963] {strides = array<i32>} : memref<2x80x64xi32, #tpu.memory_space<vmem>>, vector<16xi32>,
          %bitcast3A_965 = vector.bitcast %get3A_964 : vector<16xi32> to vector<32xbf16>
          %get3A_966 = arith.constant 1 : i32
          %get3A_967 = arith.index_cast %get3A_966 : i32 to index
          %get3A_968 = arith.index_cast %add3A_897 : i32 to index
          %get3A_969 = arith.constant 32 : index
          %get3A_970 = tpu.vector_load %arg13[%get3A_967, %get3A_968, %get3A_969] {strides = array<i32>} : memref<2x80x64xi32, #tpu.memory_space<vmem>>, vector<16xi32>,
          %bitcast3A_971 = vector.bitcast %get3A_970 : vector<16xi32> to vector<32xbf16>
          %get3A_972 = arith.constant 1 : i32
          %get3A_973 = arith.index_cast %get3A_972 : i32 to index
          %get3A_974 = arith.index_cast %add3A_897 : i32 to index
          %get3A_975 = arith.constant 32 : index
          %get3A_976 = tpu.vector_load %arg12[%get3A_973, %get3A_974, %get3A_975] {strides = array<i32>} : memref<2x80x64xi32, #tpu.memory_space<vmem>>, vector<16xi32>,
          %bitcast3A_977 = vector.bitcast %get3A_976 : vector<16xi32> to vector<32xbf16>
          %unpack3A_978 = tpu.unpack_subelements %bitcast3A_965, 0 {pack_format = #tpu.pack_format<interleaved>} : vector<32xbf16> -> vector<16xf32>
          %unpack3A_979 = tpu.unpack_subelements %bitcast3A_965, 1 {pack_format = #tpu.pack_format<interleaved>} : vector<32xbf16> -> vector<16xf32>
          %unpack3A_980 = tpu.unpack_subelements %bitcast3A_971, 0 {pack_format = #tpu.pack_format<interleaved>} : vector<32xbf16> -> vector<16xf32>
          %unpack3A_981 = tpu.unpack_subelements %bitcast3A_971, 1 {pack_format = #tpu.pack_format<interleaved>} : vector<32xbf16> -> vector<16xf32>
          %unpack3A_982 = tpu.unpack_subelements %bitcast3A_977, 0 {pack_format = #tpu.pack_format<interleaved>} : vector<32xbf16> -> vector<16xf32>
          %unpack3A_983 = tpu.unpack_subelements %bitcast3A_977, 1 {pack_format = #tpu.pack_format<interleaved>} : vector<32xbf16> -> vector<16xf32>
          %mul3A_984 = arith.mulf %unpack3A_978, %unpack3A_980 : vector<16xf32>
          %mul3A_985 = arith.mulf %mul3A_984, %unpack3A_982 : vector<16xf32>
          %add3A_986 = arith.addf %add3A_959, %mul3A_985 : vector<16xf32>
          %mul3A_987 = arith.mulf %unpack3A_979, %unpack3A_981 : vector<16xf32>
          %mul3A_988 = arith.mulf %mul3A_987, %unpack3A_983 : vector<16xf32>
          %add3A_989 = arith.addf %add3A_986, %mul3A_988 : vector<16xf32>
          %get3A_990 = arith.constant 1 : i32
          %get3A_991 = arith.index_cast %get3A_990 : i32 to index
          %get3A_992 = arith.index_cast %add3A_897 : i32 to index
          %get3A_993 = arith.constant 48 : index
          %get3A_994 = tpu.vector_load %arg11[%get3A_991, %get3A_992, %get3A_993] {strides = array<i32>} : memref<2x80x64xi32, #tpu.memory_space<vmem>>, vector<16xi32>,
          %bitcast3A_995 = vector.bitcast %get3A_994 : vector<16xi32> to vector<32xbf16>
          %get3A_996 = arith.constant 1 : i32
          %get3A_997 = arith.index_cast %get3A_996 : i32 to index
          %get3A_998 = arith.index_cast %add3A_897 : i32 to index
          %get3A_999 = arith.constant 48 : index
          %get3A_1000 = tpu.vector_load %arg13[%get3A_997, %get3A_998, %get3A_999] {strides = array<i32>} : memref<2x80x64xi32, #tpu.memory_space<vmem>>, vector<16xi32>,
          %bitcast3A_1001 = vector.bitcast %get3A_1000 : vector<16xi32> to vector<32xbf16>
          %get3A_1002 = arith.constant 1 : i32
          %get3A_1003 = arith.index_cast %get3A_1002 : i32 to index
          %get3A_1004 = arith.index_cast %add3A_897 : i32 to index
          %get3A_1005 = arith.constant 48 : index
          %get3A_1006 = tpu.vector_load %arg12[%get3A_1003, %get3A_1004, %get3A_1005] {strides = array<i32>} : memref<2x80x64xi32, #tpu.memory_space<vmem>>, vector<16xi32>,
          %bitcast3A_1007 = vector.bitcast %get3A_1006 : vector<16xi32> to vector<32xbf16>
          %unpack3A_1008 = tpu.unpack_subelements %bitcast3A_995, 0 {pack_format = #tpu.pack_format<interleaved>} : vector<32xbf16> -> vector<16xf32>
          %unpack3A_1009 = tpu.unpack_subelements %bitcast3A_995, 1 {pack_format = #tpu.pack_format<interleaved>} : vector<32xbf16> -> vector<16xf32>
          %unpack3A_1010 = tpu.unpack_subelements %bitcast3A_1001, 0 {pack_format = #tpu.pack_format<interleaved>} : vector<32xbf16> -> vector<16xf32>
          %unpack3A_1011 = tpu.unpack_subelements %bitcast3A_1001, 1 {pack_format = #tpu.pack_format<interleaved>} : vector<32xbf16> -> vector<16xf32>
          %unpack3A_1012 = tpu.unpack_subelements %bitcast3A_1007, 0 {pack_format = #tpu.pack_format<interleaved>} : vector<32xbf16> -> vector<16xf32>
          %unpack3A_1013 = tpu.unpack_subelements %bitcast3A_1007, 1 {pack_format = #tpu.pack_format<interleaved>} : vector<32xbf16> -> vector<16xf32>
          %mul3A_1014 = arith.mulf %unpack3A_1008, %unpack3A_1010 : vector<16xf32>
          %mul3A_1015 = arith.mulf %mul3A_1014, %unpack3A_1012 : vector<16xf32>
          %add3A_1016 = arith.addf %add3A_989, %mul3A_1015 : vector<16xf32>
          %mul3A_1017 = arith.mulf %unpack3A_1009, %unpack3A_1011 : vector<16xf32>
          %mul3A_1018 = arith.mulf %mul3A_1017, %unpack3A_1013 : vector<16xf32>
          %add3A_1019 = arith.addf %add3A_1016, %mul3A_1018 : vector<16xf32>
          %mul3A_1020 = arith.constant 8 : i32
          %mul3A_1021 = arith.muli %scan3A_340, %mul3A_1020 : i32
          %add3A_1022 = arith.constant 4 : i32
          %add3A_1023 = arith.addi %mul3A_1021, %add3A_1022 : i32
          %eq3A_1024 = vector.broadcast %add3A_1023 : i32 to vector<16xi32>
          %eq3A_1025 = arith.cmpi eq, %iota3A, %eq3A_1024 : vector<16xi32>
          %reduce_sum3A_1026 = arith.constant true
          %reduce_sum3A_1027 = vector.broadcast %reduce_sum3A_1026 : i1 to vector<16xi1>
          %reduce_sum3A_1028 = tpu.scan <sum>, %add3A_1019 masked %reduce_sum3A_1027 : vector<16xf32>, vector<16xi1> -> vector<16xf32>
          %reduce_sum3A_1029 = vector.extract %reduce_sum3A_1028[15] : f32 from vector<16xf32>
          %broadcast_in_dim3A_1030 = vector.broadcast %reduce_sum3A_1029 : f32 to vector<16xf32>
          %select_n3A_1031 = arith.select %eq3A_1025, %broadcast_in_dim3A_1030, %select_n3A_892 : vector<16xi1>, vector<16xf32>
          %mul3A_1032 = arith.constant 8 : i32
          %mul3A_1033 = arith.muli %scan3A_340, %mul3A_1032 : i32
          %add3A_1034 = arith.addi %mul3A_330, %mul3A_1033 : i32
          %add3A_1035 = arith.constant 5 : i32
          %add3A_1036 = arith.addi %add3A_1034, %add3A_1035 : i32
          %broadcast_in_dim3A_1037 = arith.constant 0.000000e+00 : f32
          %broadcast_in_dim3A_1038 = vector.broadcast %broadcast_in_dim3A_1037 : f32 to vector<16xf32>
          %get3A_1039 = arith.constant 1 : i32
          %get3A_1040 = arith.index_cast %get3A_1039 : i32 to index
          %get3A_1041 = arith.index_cast %add3A_1036 : i32 to index
          %get3A_1042 = arith.constant 0 : index
          %get3A_1043 = tpu.vector_load %arg11[%get3A_1040, %get3A_1041, %get3A_1042] {strides = array<i32>} : memref<2x80x64xi32, #tpu.memory_space<vmem>>, vector<16xi32>,
          %bitcast3A_1044 = vector.bitcast %get3A_1043 : vector<16xi32> to vector<32xbf16>
          %get3A_1045 = arith.constant 1 : i32
          %get3A_1046 = arith.index_cast %get3A_1045 : i32 to index
          %get3A_1047 = arith.index_cast %add3A_1036 : i32 to index
          %get3A_1048 = arith.constant 0 : index
          %get3A_1049 = tpu.vector_load %arg13[%get3A_1046, %get3A_1047, %get3A_1048] {strides = array<i32>} : memref<2x80x64xi32, #tpu.memory_space<vmem>>, vector<16xi32>,
          %bitcast3A_1050 = vector.bitcast %get3A_1049 : vector<16xi32> to vector<32xbf16>
          %get3A_1051 = arith.constant 1 : i32
          %get3A_1052 = arith.index_cast %get3A_1051 : i32 to index
          %get3A_1053 = arith.index_cast %add3A_1036 : i32 to index
          %get3A_1054 = arith.constant 0 : index
          %get3A_1055 = tpu.vector_load %arg12[%get3A_1052, %get3A_1053, %get3A_1054] {strides = array<i32>} : memref<2x80x64xi32, #tpu.memory_space<vmem>>, vector<16xi32>,
          %bitcast3A_1056 = vector.bitcast %get3A_1055 : vector<16xi32> to vector<32xbf16>
          %unpack3A_1057 = tpu.unpack_subelements %bitcast3A_1044, 0 {pack_format = #tpu.pack_format<interleaved>} : vector<32xbf16> -> vector<16xf32>
          %unpack3A_1058 = tpu.unpack_subelements %bitcast3A_1044, 1 {pack_format = #tpu.pack_format<interleaved>} : vector<32xbf16> -> vector<16xf32>
          %unpack3A_1059 = tpu.unpack_subelements %bitcast3A_1050, 0 {pack_format = #tpu.pack_format<interleaved>} : vector<32xbf16> -> vector<16xf32>
          %unpack3A_1060 = tpu.unpack_subelements %bitcast3A_1050, 1 {pack_format = #tpu.pack_format<interleaved>} : vector<32xbf16> -> vector<16xf32>
          %unpack3A_1061 = tpu.unpack_subelements %bitcast3A_1056, 0 {pack_format = #tpu.pack_format<interleaved>} : vector<32xbf16> -> vector<16xf32>
          %unpack3A_1062 = tpu.unpack_subelements %bitcast3A_1056, 1 {pack_format = #tpu.pack_format<interleaved>} : vector<32xbf16> -> vector<16xf32>
          %mul3A_1063 = arith.mulf %unpack3A_1057, %unpack3A_1059 : vector<16xf32>
          %mul3A_1064 = arith.mulf %mul3A_1063, %unpack3A_1061 : vector<16xf32>
          %add3A_1065 = arith.addf %broadcast_in_dim3A_1038, %mul3A_1064 : vector<16xf32>
          %mul3A_1066 = arith.mulf %unpack3A_1058, %unpack3A_1060 : vector<16xf32>
          %mul3A_1067 = arith.mulf %mul3A_1066, %unpack3A_1062 : vector<16xf32>
          %add3A_1068 = arith.addf %add3A_1065, %mul3A_1067 : vector<16xf32>
          %get3A_1069 = arith.constant 1 : i32
          %get3A_1070 = arith.index_cast %get3A_1069 : i32 to index
          %get3A_1071 = arith.index_cast %add3A_1036 : i32 to index
          %get3A_1072 = arith.constant 16 : index
          %get3A_1073 = tpu.vector_load %arg11[%get3A_1070, %get3A_1071, %get3A_1072] {strides = array<i32>} : memref<2x80x64xi32, #tpu.memory_space<vmem>>, vector<16xi32>,
          %bitcast3A_1074 = vector.bitcast %get3A_1073 : vector<16xi32> to vector<32xbf16>
          %get3A_1075 = arith.constant 1 : i32
          %get3A_1076 = arith.index_cast %get3A_1075 : i32 to index
          %get3A_1077 = arith.index_cast %add3A_1036 : i32 to index
          %get3A_1078 = arith.constant 16 : index
          %get3A_1079 = tpu.vector_load %arg13[%get3A_1076, %get3A_1077, %get3A_1078] {strides = array<i32>} : memref<2x80x64xi32, #tpu.memory_space<vmem>>, vector<16xi32>,
          %bitcast3A_1080 = vector.bitcast %get3A_1079 : vector<16xi32> to vector<32xbf16>
          %get3A_1081 = arith.constant 1 : i32
          %get3A_1082 = arith.index_cast %get3A_1081 : i32 to index
          %get3A_1083 = arith.index_cast %add3A_1036 : i32 to index
          %get3A_1084 = arith.constant 16 : index
          %get3A_1085 = tpu.vector_load %arg12[%get3A_1082, %get3A_1083, %get3A_1084] {strides = array<i32>} : memref<2x80x64xi32, #tpu.memory_space<vmem>>, vector<16xi32>,
          %bitcast3A_1086 = vector.bitcast %get3A_1085 : vector<16xi32> to vector<32xbf16>
          %unpack3A_1087 = tpu.unpack_subelements %bitcast3A_1074, 0 {pack_format = #tpu.pack_format<interleaved>} : vector<32xbf16> -> vector<16xf32>
          %unpack3A_1088 = tpu.unpack_subelements %bitcast3A_1074, 1 {pack_format = #tpu.pack_format<interleaved>} : vector<32xbf16> -> vector<16xf32>
          %unpack3A_1089 = tpu.unpack_subelements %bitcast3A_1080, 0 {pack_format = #tpu.pack_format<interleaved>} : vector<32xbf16> -> vector<16xf32>
          %unpack3A_1090 = tpu.unpack_subelements %bitcast3A_1080, 1 {pack_format = #tpu.pack_format<interleaved>} : vector<32xbf16> -> vector<16xf32>
          %unpack3A_1091 = tpu.unpack_subelements %bitcast3A_1086, 0 {pack_format = #tpu.pack_format<interleaved>} : vector<32xbf16> -> vector<16xf32>
          %unpack3A_1092 = tpu.unpack_subelements %bitcast3A_1086, 1 {pack_format = #tpu.pack_format<interleaved>} : vector<32xbf16> -> vector<16xf32>
          %mul3A_1093 = arith.mulf %unpack3A_1087, %unpack3A_1089 : vector<16xf32>
          %mul3A_1094 = arith.mulf %mul3A_1093, %unpack3A_1091 : vector<16xf32>
          %add3A_1095 = arith.addf %add3A_1068, %mul3A_1094 : vector<16xf32>
          %mul3A_1096 = arith.mulf %unpack3A_1088, %unpack3A_1090 : vector<16xf32>
          %mul3A_1097 = arith.mulf %mul3A_1096, %unpack3A_1092 : vector<16xf32>
          %add3A_1098 = arith.addf %add3A_1095, %mul3A_1097 : vector<16xf32>
          %get3A_1099 = arith.constant 1 : i32
          %get3A_1100 = arith.index_cast %get3A_1099 : i32 to index
          %get3A_1101 = arith.index_cast %add3A_1036 : i32 to index
          %get3A_1102 = arith.constant 32 : index
          %get3A_1103 = tpu.vector_load %arg11[%get3A_1100, %get3A_1101, %get3A_1102] {strides = array<i32>} : memref<2x80x64xi32, #tpu.memory_space<vmem>>, vector<16xi32>,
          %bitcast3A_1104 = vector.bitcast %get3A_1103 : vector<16xi32> to vector<32xbf16>
          %get3A_1105 = arith.constant 1 : i32
          %get3A_1106 = arith.index_cast %get3A_1105 : i32 to index
          %get3A_1107 = arith.index_cast %add3A_1036 : i32 to index
          %get3A_1108 = arith.constant 32 : index
          %get3A_1109 = tpu.vector_load %arg13[%get3A_1106, %get3A_1107, %get3A_1108] {strides = array<i32>} : memref<2x80x64xi32, #tpu.memory_space<vmem>>, vector<16xi32>,
          %bitcast3A_1110 = vector.bitcast %get3A_1109 : vector<16xi32> to vector<32xbf16>
          %get3A_1111 = arith.constant 1 : i32
          %get3A_1112 = arith.index_cast %get3A_1111 : i32 to index
          %get3A_1113 = arith.index_cast %add3A_1036 : i32 to index
          %get3A_1114 = arith.constant 32 : index
          %get3A_1115 = tpu.vector_load %arg12[%get3A_1112, %get3A_1113, %get3A_1114] {strides = array<i32>} : memref<2x80x64xi32, #tpu.memory_space<vmem>>, vector<16xi32>,
          %bitcast3A_1116 = vector.bitcast %get3A_1115 : vector<16xi32> to vector<32xbf16>
          %unpack3A_1117 = tpu.unpack_subelements %bitcast3A_1104, 0 {pack_format = #tpu.pack_format<interleaved>} : vector<32xbf16> -> vector<16xf32>
          %unpack3A_1118 = tpu.unpack_subelements %bitcast3A_1104, 1 {pack_format = #tpu.pack_format<interleaved>} : vector<32xbf16> -> vector<16xf32>
          %unpack3A_1119 = tpu.unpack_subelements %bitcast3A_1110, 0 {pack_format = #tpu.pack_format<interleaved>} : vector<32xbf16> -> vector<16xf32>
          %unpack3A_1120 = tpu.unpack_subelements %bitcast3A_1110, 1 {pack_format = #tpu.pack_format<interleaved>} : vector<32xbf16> -> vector<16xf32>
          %unpack3A_1121 = tpu.unpack_subelements %bitcast3A_1116, 0 {pack_format = #tpu.pack_format<interleaved>} : vector<32xbf16> -> vector<16xf32>
          %unpack3A_1122 = tpu.unpack_subelements %bitcast3A_1116, 1 {pack_format = #tpu.pack_format<interleaved>} : vector<32xbf16> -> vector<16xf32>
          %mul3A_1123 = arith.mulf %unpack3A_1117, %unpack3A_1119 : vector<16xf32>
          %mul3A_1124 = arith.mulf %mul3A_1123, %unpack3A_1121 : vector<16xf32>
          %add3A_1125 = arith.addf %add3A_1098, %mul3A_1124 : vector<16xf32>
          %mul3A_1126 = arith.mulf %unpack3A_1118, %unpack3A_1120 : vector<16xf32>
          %mul3A_1127 = arith.mulf %mul3A_1126, %unpack3A_1122 : vector<16xf32>
          %add3A_1128 = arith.addf %add3A_1125, %mul3A_1127 : vector<16xf32>
          %get3A_1129 = arith.constant 1 : i32
          %get3A_1130 = arith.index_cast %get3A_1129 : i32 to index
          %get3A_1131 = arith.index_cast %add3A_1036 : i32 to index
          %get3A_1132 = arith.constant 48 : index
          %get3A_1133 = tpu.vector_load %arg11[%get3A_1130, %get3A_1131, %get3A_1132] {strides = array<i32>} : memref<2x80x64xi32, #tpu.memory_space<vmem>>, vector<16xi32>,
          %bitcast3A_1134 = vector.bitcast %get3A_1133 : vector<16xi32> to vector<32xbf16>
          %get3A_1135 = arith.constant 1 : i32
          %get3A_1136 = arith.index_cast %get3A_1135 : i32 to index
          %get3A_1137 = arith.index_cast %add3A_1036 : i32 to index
          %get3A_1138 = arith.constant 48 : index
          %get3A_1139 = tpu.vector_load %arg13[%get3A_1136, %get3A_1137, %get3A_1138] {strides = array<i32>} : memref<2x80x64xi32, #tpu.memory_space<vmem>>, vector<16xi32>,
          %bitcast3A_1140 = vector.bitcast %get3A_1139 : vector<16xi32> to vector<32xbf16>
          %get3A_1141 = arith.constant 1 : i32
          %get3A_1142 = arith.index_cast %get3A_1141 : i32 to index
          %get3A_1143 = arith.index_cast %add3A_1036 : i32 to index
          %get3A_1144 = arith.constant 48 : index
          %get3A_1145 = tpu.vector_load %arg12[%get3A_1142, %get3A_1143, %get3A_1144] {strides = array<i32>} : memref<2x80x64xi32, #tpu.memory_space<vmem>>, vector<16xi32>,
          %bitcast3A_1146 = vector.bitcast %get3A_1145 : vector<16xi32> to vector<32xbf16>
          %unpack3A_1147 = tpu.unpack_subelements %bitcast3A_1134, 0 {pack_format = #tpu.pack_format<interleaved>} : vector<32xbf16> -> vector<16xf32>
          %unpack3A_1148 = tpu.unpack_subelements %bitcast3A_1134, 1 {pack_format = #tpu.pack_format<interleaved>} : vector<32xbf16> -> vector<16xf32>
          %unpack3A_1149 = tpu.unpack_subelements %bitcast3A_1140, 0 {pack_format = #tpu.pack_format<interleaved>} : vector<32xbf16> -> vector<16xf32>
          %unpack3A_1150 = tpu.unpack_subelements %bitcast3A_1140, 1 {pack_format = #tpu.pack_format<interleaved>} : vector<32xbf16> -> vector<16xf32>
          %unpack3A_1151 = tpu.unpack_subelements %bitcast3A_1146, 0 {pack_format = #tpu.pack_format<interleaved>} : vector<32xbf16> -> vector<16xf32>
          %unpack3A_1152 = tpu.unpack_subelements %bitcast3A_1146, 1 {pack_format = #tpu.pack_format<interleaved>} : vector<32xbf16> -> vector<16xf32>
          %mul3A_1153 = arith.mulf %unpack3A_1147, %unpack3A_1149 : vector<16xf32>
          %mul3A_1154 = arith.mulf %mul3A_1153, %unpack3A_1151 : vector<16xf32>
          %add3A_1155 = arith.addf %add3A_1128, %mul3A_1154 : vector<16xf32>
          %mul3A_1156 = arith.mulf %unpack3A_1148, %unpack3A_1150 : vector<16xf32>
          %mul3A_1157 = arith.mulf %mul3A_1156, %unpack3A_1152 : vector<16xf32>
          %add3A_1158 = arith.addf %add3A_1155, %mul3A_1157 : vector<16xf32>
          %mul3A_1159 = arith.constant 8 : i32
          %mul3A_1160 = arith.muli %scan3A_340, %mul3A_1159 : i32
          %add3A_1161 = arith.constant 5 : i32
          %add3A_1162 = arith.addi %mul3A_1160, %add3A_1161 : i32
          %eq3A_1163 = vector.broadcast %add3A_1162 : i32 to vector<16xi32>
          %eq3A_1164 = arith.cmpi eq, %iota3A, %eq3A_1163 : vector<16xi32>
          %reduce_sum3A_1165 = arith.constant true
          %reduce_sum3A_1166 = vector.broadcast %reduce_sum3A_1165 : i1 to vector<16xi1>
          %reduce_sum3A_1167 = tpu.scan <sum>, %add3A_1158 masked %reduce_sum3A_1166 : vector<16xf32>, vector<16xi1> -> vector<16xf32>
          %reduce_sum3A_1168 = vector.extract %reduce_sum3A_1167[15] : f32 from vector<16xf32>
          %broadcast_in_dim3A_1169 = vector.broadcast %reduce_sum3A_1168 : f32 to vector<16xf32>
          %select_n3A_1170 = arith.select %eq3A_1164, %broadcast_in_dim3A_1169, %select_n3A_1031 : vector<16xi1>, vector<16xf32>
          %mul3A_1171 = arith.constant 8 : i32
          %mul3A_1172 = arith.muli %scan3A_340, %mul3A_1171 : i32
          %add3A_1173 = arith.addi %mul3A_330, %mul3A_1172 : i32
          %add3A_1174 = arith.constant 6 : i32
          %add3A_1175 = arith.addi %add3A_1173, %add3A_1174 : i32
          %broadcast_in_dim3A_1176 = arith.constant 0.000000e+00 : f32
          %broadcast_in_dim3A_1177 = vector.broadcast %broadcast_in_dim3A_1176 : f32 to vector<16xf32>
          %get3A_1178 = arith.constant 1 : i32
          %get3A_1179 = arith.index_cast %get3A_1178 : i32 to index
          %get3A_1180 = arith.index_cast %add3A_1175 : i32 to index
          %get3A_1181 = arith.constant 0 : index
          %get3A_1182 = tpu.vector_load %arg11[%get3A_1179, %get3A_1180, %get3A_1181] {strides = array<i32>} : memref<2x80x64xi32, #tpu.memory_space<vmem>>, vector<16xi32>,
          %bitcast3A_1183 = vector.bitcast %get3A_1182 : vector<16xi32> to vector<32xbf16>
          %get3A_1184 = arith.constant 1 : i32
          %get3A_1185 = arith.index_cast %get3A_1184 : i32 to index
          %get3A_1186 = arith.index_cast %add3A_1175 : i32 to index
          %get3A_1187 = arith.constant 0 : index
          %get3A_1188 = tpu.vector_load %arg13[%get3A_1185, %get3A_1186, %get3A_1187] {strides = array<i32>} : memref<2x80x64xi32, #tpu.memory_space<vmem>>, vector<16xi32>,
          %bitcast3A_1189 = vector.bitcast %get3A_1188 : vector<16xi32> to vector<32xbf16>
          %get3A_1190 = arith.constant 1 : i32
          %get3A_1191 = arith.index_cast %get3A_1190 : i32 to index
          %get3A_1192 = arith.index_cast %add3A_1175 : i32 to index
          %get3A_1193 = arith.constant 0 : index
          %get3A_1194 = tpu.vector_load %arg12[%get3A_1191, %get3A_1192, %get3A_1193] {strides = array<i32>} : memref<2x80x64xi32, #tpu.memory_space<vmem>>, vector<16xi32>,
          %bitcast3A_1195 = vector.bitcast %get3A_1194 : vector<16xi32> to vector<32xbf16>
          %unpack3A_1196 = tpu.unpack_subelements %bitcast3A_1183, 0 {pack_format = #tpu.pack_format<interleaved>} : vector<32xbf16> -> vector<16xf32>
          %unpack3A_1197 = tpu.unpack_subelements %bitcast3A_1183, 1 {pack_format = #tpu.pack_format<interleaved>} : vector<32xbf16> -> vector<16xf32>
          %unpack3A_1198 = tpu.unpack_subelements %bitcast3A_1189, 0 {pack_format = #tpu.pack_format<interleaved>} : vector<32xbf16> -> vector<16xf32>
          %unpack3A_1199 = tpu.unpack_subelements %bitcast3A_1189, 1 {pack_format = #tpu.pack_format<interleaved>} : vector<32xbf16> -> vector<16xf32>
          %unpack3A_1200 = tpu.unpack_subelements %bitcast3A_1195, 0 {pack_format = #tpu.pack_format<interleaved>} : vector<32xbf16> -> vector<16xf32>
          %unpack3A_1201 = tpu.unpack_subelements %bitcast3A_1195, 1 {pack_format = #tpu.pack_format<interleaved>} : vector<32xbf16> -> vector<16xf32>
          %mul3A_1202 = arith.mulf %unpack3A_1196, %unpack3A_1198 : vector<16xf32>
          %mul3A_1203 = arith.mulf %mul3A_1202, %unpack3A_1200 : vector<16xf32>
          %add3A_1204 = arith.addf %broadcast_in_dim3A_1177, %mul3A_1203 : vector<16xf32>
          %mul3A_1205 = arith.mulf %unpack3A_1197, %unpack3A_1199 : vector<16xf32>
          %mul3A_1206 = arith.mulf %mul3A_1205, %unpack3A_1201 : vector<16xf32>
          %add3A_1207 = arith.addf %add3A_1204, %mul3A_1206 : vector<16xf32>
          %get3A_1208 = arith.constant 1 : i32
          %get3A_1209 = arith.index_cast %get3A_1208 : i32 to index
          %get3A_1210 = arith.index_cast %add3A_1175 : i32 to index
          %get3A_1211 = arith.constant 16 : index
          %get3A_1212 = tpu.vector_load %arg11[%get3A_1209, %get3A_1210, %get3A_1211] {strides = array<i32>} : memref<2x80x64xi32, #tpu.memory_space<vmem>>, vector<16xi32>,
          %bitcast3A_1213 = vector.bitcast %get3A_1212 : vector<16xi32> to vector<32xbf16>
          %get3A_1214 = arith.constant 1 : i32
          %get3A_1215 = arith.index_cast %get3A_1214 : i32 to index
          %get3A_1216 = arith.index_cast %add3A_1175 : i32 to index
          %get3A_1217 = arith.constant 16 : index
          %get3A_1218 = tpu.vector_load %arg13[%get3A_1215, %get3A_1216, %get3A_1217] {strides = array<i32>} : memref<2x80x64xi32, #tpu.memory_space<vmem>>, vector<16xi32>,
          %bitcast3A_1219 = vector.bitcast %get3A_1218 : vector<16xi32> to vector<32xbf16>
          %get3A_1220 = arith.constant 1 : i32
          %get3A_1221 = arith.index_cast %get3A_1220 : i32 to index
          %get3A_1222 = arith.index_cast %add3A_1175 : i32 to index
          %get3A_1223 = arith.constant 16 : index
          %get3A_1224 = tpu.vector_load %arg12[%get3A_1221, %get3A_1222, %get3A_1223] {strides = array<i32>} : memref<2x80x64xi32, #tpu.memory_space<vmem>>, vector<16xi32>,
          %bitcast3A_1225 = vector.bitcast %get3A_1224 : vector<16xi32> to vector<32xbf16>
          %unpack3A_1226 = tpu.unpack_subelements %bitcast3A_1213, 0 {pack_format = #tpu.pack_format<interleaved>} : vector<32xbf16> -> vector<16xf32>
          %unpack3A_1227 = tpu.unpack_subelements %bitcast3A_1213, 1 {pack_format = #tpu.pack_format<interleaved>} : vector<32xbf16> -> vector<16xf32>
          %unpack3A_1228 = tpu.unpack_subelements %bitcast3A_1219, 0 {pack_format = #tpu.pack_format<interleaved>} : vector<32xbf16> -> vector<16xf32>
          %unpack3A_1229 = tpu.unpack_subelements %bitcast3A_1219, 1 {pack_format = #tpu.pack_format<interleaved>} : vector<32xbf16> -> vector<16xf32>
          %unpack3A_1230 = tpu.unpack_subelements %bitcast3A_1225, 0 {pack_format = #tpu.pack_format<interleaved>} : vector<32xbf16> -> vector<16xf32>
          %unpack3A_1231 = tpu.unpack_subelements %bitcast3A_1225, 1 {pack_format = #tpu.pack_format<interleaved>} : vector<32xbf16> -> vector<16xf32>
          %mul3A_1232 = arith.mulf %unpack3A_1226, %unpack3A_1228 : vector<16xf32>
          %mul3A_1233 = arith.mulf %mul3A_1232, %unpack3A_1230 : vector<16xf32>
          %add3A_1234 = arith.addf %add3A_1207, %mul3A_1233 : vector<16xf32>
          %mul3A_1235 = arith.mulf %unpack3A_1227, %unpack3A_1229 : vector<16xf32>
          %mul3A_1236 = arith.mulf %mul3A_1235, %unpack3A_1231 : vector<16xf32>
          %add3A_1237 = arith.addf %add3A_1234, %mul3A_1236 : vector<16xf32>
          %get3A_1238 = arith.constant 1 : i32
          %get3A_1239 = arith.index_cast %get3A_1238 : i32 to index
          %get3A_1240 = arith.index_cast %add3A_1175 : i32 to index
          %get3A_1241 = arith.constant 32 : index
          %get3A_1242 = tpu.vector_load %arg11[%get3A_1239, %get3A_1240, %get3A_1241] {strides = array<i32>} : memref<2x80x64xi32, #tpu.memory_space<vmem>>, vector<16xi32>,
          %bitcast3A_1243 = vector.bitcast %get3A_1242 : vector<16xi32> to vector<32xbf16>
          %get3A_1244 = arith.constant 1 : i32
          %get3A_1245 = arith.index_cast %get3A_1244 : i32 to index
          %get3A_1246 = arith.index_cast %add3A_1175 : i32 to index
          %get3A_1247 = arith.constant 32 : index
          %get3A_1248 = tpu.vector_load %arg13[%get3A_1245, %get3A_1246, %get3A_1247] {strides = array<i32>} : memref<2x80x64xi32, #tpu.memory_space<vmem>>, vector<16xi32>,
          %bitcast3A_1249 = vector.bitcast %get3A_1248 : vector<16xi32> to vector<32xbf16>
          %get3A_1250 = arith.constant 1 : i32
          %get3A_1251 = arith.index_cast %get3A_1250 : i32 to index
          %get3A_1252 = arith.index_cast %add3A_1175 : i32 to index
          %get3A_1253 = arith.constant 32 : index
          %get3A_1254 = tpu.vector_load %arg12[%get3A_1251, %get3A_1252, %get3A_1253] {strides = array<i32>} : memref<2x80x64xi32, #tpu.memory_space<vmem>>, vector<16xi32>,
          %bitcast3A_1255 = vector.bitcast %get3A_1254 : vector<16xi32> to vector<32xbf16>
          %unpack3A_1256 = tpu.unpack_subelements %bitcast3A_1243, 0 {pack_format = #tpu.pack_format<interleaved>} : vector<32xbf16> -> vector<16xf32>
          %unpack3A_1257 = tpu.unpack_subelements %bitcast3A_1243, 1 {pack_format = #tpu.pack_format<interleaved>} : vector<32xbf16> -> vector<16xf32>
          %unpack3A_1258 = tpu.unpack_subelements %bitcast3A_1249, 0 {pack_format = #tpu.pack_format<interleaved>} : vector<32xbf16> -> vector<16xf32>
          %unpack3A_1259 = tpu.unpack_subelements %bitcast3A_1249, 1 {pack_format = #tpu.pack_format<interleaved>} : vector<32xbf16> -> vector<16xf32>
          %unpack3A_1260 = tpu.unpack_subelements %bitcast3A_1255, 0 {pack_format = #tpu.pack_format<interleaved>} : vector<32xbf16> -> vector<16xf32>
          %unpack3A_1261 = tpu.unpack_subelements %bitcast3A_1255, 1 {pack_format = #tpu.pack_format<interleaved>} : vector<32xbf16> -> vector<16xf32>
          %mul3A_1262 = arith.mulf %unpack3A_1256, %unpack3A_1258 : vector<16xf32>
          %mul3A_1263 = arith.mulf %mul3A_1262, %unpack3A_1260 : vector<16xf32>
          %add3A_1264 = arith.addf %add3A_1237, %mul3A_1263 : vector<16xf32>
          %mul3A_1265 = arith.mulf %unpack3A_1257, %unpack3A_1259 : vector<16xf32>
          %mul3A_1266 = arith.mulf %mul3A_1265, %unpack3A_1261 : vector<16xf32>
          %add3A_1267 = arith.addf %add3A_1264, %mul3A_1266 : vector<16xf32>
          %get3A_1268 = arith.constant 1 : i32
          %get3A_1269 = arith.index_cast %get3A_1268 : i32 to index
          %get3A_1270 = arith.index_cast %add3A_1175 : i32 to index
          %get3A_1271 = arith.constant 48 : index
          %get3A_1272 = tpu.vector_load %arg11[%get3A_1269, %get3A_1270, %get3A_1271] {strides = array<i32>} : memref<2x80x64xi32, #tpu.memory_space<vmem>>, vector<16xi32>,
          %bitcast3A_1273 = vector.bitcast %get3A_1272 : vector<16xi32> to vector<32xbf16>
          %get3A_1274 = arith.constant 1 : i32
          %get3A_1275 = arith.index_cast %get3A_1274 : i32 to index
          %get3A_1276 = arith.index_cast %add3A_1175 : i32 to index
          %get3A_1277 = arith.constant 48 : index
          %get3A_1278 = tpu.vector_load %arg13[%get3A_1275, %get3A_1276, %get3A_1277] {strides = array<i32>} : memref<2x80x64xi32, #tpu.memory_space<vmem>>, vector<16xi32>,
          %bitcast3A_1279 = vector.bitcast %get3A_1278 : vector<16xi32> to vector<32xbf16>
          %get3A_1280 = arith.constant 1 : i32
          %get3A_1281 = arith.index_cast %get3A_1280 : i32 to index
          %get3A_1282 = arith.index_cast %add3A_1175 : i32 to index
          %get3A_1283 = arith.constant 48 : index
          %get3A_1284 = tpu.vector_load %arg12[%get3A_1281, %get3A_1282, %get3A_1283] {strides = array<i32>} : memref<2x80x64xi32, #tpu.memory_space<vmem>>, vector<16xi32>,
          %bitcast3A_1285 = vector.bitcast %get3A_1284 : vector<16xi32> to vector<32xbf16>
          %unpack3A_1286 = tpu.unpack_subelements %bitcast3A_1273, 0 {pack_format = #tpu.pack_format<interleaved>} : vector<32xbf16> -> vector<16xf32>
          %unpack3A_1287 = tpu.unpack_subelements %bitcast3A_1273, 1 {pack_format = #tpu.pack_format<interleaved>} : vector<32xbf16> -> vector<16xf32>
          %unpack3A_1288 = tpu.unpack_subelements %bitcast3A_1279, 0 {pack_format = #tpu.pack_format<interleaved>} : vector<32xbf16> -> vector<16xf32>
          %unpack3A_1289 = tpu.unpack_subelements %bitcast3A_1279, 1 {pack_format = #tpu.pack_format<interleaved>} : vector<32xbf16> -> vector<16xf32>
          %unpack3A_1290 = tpu.unpack_subelements %bitcast3A_1285, 0 {pack_format = #tpu.pack_format<interleaved>} : vector<32xbf16> -> vector<16xf32>
          %unpack3A_1291 = tpu.unpack_subelements %bitcast3A_1285, 1 {pack_format = #tpu.pack_format<interleaved>} : vector<32xbf16> -> vector<16xf32>
          %mul3A_1292 = arith.mulf %unpack3A_1286, %unpack3A_1288 : vector<16xf32>
          %mul3A_1293 = arith.mulf %mul3A_1292, %unpack3A_1290 : vector<16xf32>
          %add3A_1294 = arith.addf %add3A_1267, %mul3A_1293 : vector<16xf32>
          %mul3A_1295 = arith.mulf %unpack3A_1287, %unpack3A_1289 : vector<16xf32>
          %mul3A_1296 = arith.mulf %mul3A_1295, %unpack3A_1291 : vector<16xf32>
          %add3A_1297 = arith.addf %add3A_1294, %mul3A_1296 : vector<16xf32>
          %mul3A_1298 = arith.constant 8 : i32
          %mul3A_1299 = arith.muli %scan3A_340, %mul3A_1298 : i32
          %add3A_1300 = arith.constant 6 : i32
          %add3A_1301 = arith.addi %mul3A_1299, %add3A_1300 : i32
          %eq3A_1302 = vector.broadcast %add3A_1301 : i32 to vector<16xi32>
          %eq3A_1303 = arith.cmpi eq, %iota3A, %eq3A_1302 : vector<16xi32>
          %reduce_sum3A_1304 = arith.constant true
          %reduce_sum3A_1305 = vector.broadcast %reduce_sum3A_1304 : i1 to vector<16xi1>
          %reduce_sum3A_1306 = tpu.scan <sum>, %add3A_1297 masked %reduce_sum3A_1305 : vector<16xf32>, vector<16xi1> -> vector<16xf32>
          %reduce_sum3A_1307 = vector.extract %reduce_sum3A_1306[15] : f32 from vector<16xf32>
          %broadcast_in_dim3A_1308 = vector.broadcast %reduce_sum3A_1307 : f32 to vector<16xf32>
          %select_n3A_1309 = arith.select %eq3A_1303, %broadcast_in_dim3A_1308, %select_n3A_1170 : vector<16xi1>, vector<16xf32>
          %mul3A_1310 = arith.constant 8 : i32
          %mul3A_1311 = arith.muli %scan3A_340, %mul3A_1310 : i32
          %add3A_1312 = arith.addi %mul3A_330, %mul3A_1311 : i32
          %add3A_1313 = arith.constant 7 : i32
          %add3A_1314 = arith.addi %add3A_1312, %add3A_1313 : i32
          %broadcast_in_dim3A_1315 = arith.constant 0.000000e+00 : f32
          %broadcast_in_dim3A_1316 = vector.broadcast %broadcast_in_dim3A_1315 : f32 to vector<16xf32>
          %get3A_1317 = arith.constant 1 : i32
          %get3A_1318 = arith.index_cast %get3A_1317 : i32 to index
          %get3A_1319 = arith.index_cast %add3A_1314 : i32 to index
          %get3A_1320 = arith.constant 0 : index
          %get3A_1321 = tpu.vector_load %arg11[%get3A_1318, %get3A_1319, %get3A_1320] {strides = array<i32>} : memref<2x80x64xi32, #tpu.memory_space<vmem>>, vector<16xi32>,
          %bitcast3A_1322 = vector.bitcast %get3A_1321 : vector<16xi32> to vector<32xbf16>
          %get3A_1323 = arith.constant 1 : i32
          %get3A_1324 = arith.index_cast %get3A_1323 : i32 to index
          %get3A_1325 = arith.index_cast %add3A_1314 : i32 to index
          %get3A_1326 = arith.constant 0 : index
          %get3A_1327 = tpu.vector_load %arg13[%get3A_1324, %get3A_1325, %get3A_1326] {strides = array<i32>} : memref<2x80x64xi32, #tpu.memory_space<vmem>>, vector<16xi32>,
          %bitcast3A_1328 = vector.bitcast %get3A_1327 : vector<16xi32> to vector<32xbf16>
          %get3A_1329 = arith.constant 1 : i32
          %get3A_1330 = arith.index_cast %get3A_1329 : i32 to index
          %get3A_1331 = arith.index_cast %add3A_1314 : i32 to index
          %get3A_1332 = arith.constant 0 : index
          %get3A_1333 = tpu.vector_load %arg12[%get3A_1330, %get3A_1331, %get3A_1332] {strides = array<i32>} : memref<2x80x64xi32, #tpu.memory_space<vmem>>, vector<16xi32>,
          %bitcast3A_1334 = vector.bitcast %get3A_1333 : vector<16xi32> to vector<32xbf16>
          %unpack3A_1335 = tpu.unpack_subelements %bitcast3A_1322, 0 {pack_format = #tpu.pack_format<interleaved>} : vector<32xbf16> -> vector<16xf32>
          %unpack3A_1336 = tpu.unpack_subelements %bitcast3A_1322, 1 {pack_format = #tpu.pack_format<interleaved>} : vector<32xbf16> -> vector<16xf32>
          %unpack3A_1337 = tpu.unpack_subelements %bitcast3A_1328, 0 {pack_format = #tpu.pack_format<interleaved>} : vector<32xbf16> -> vector<16xf32>
          %unpack3A_1338 = tpu.unpack_subelements %bitcast3A_1328, 1 {pack_format = #tpu.pack_format<interleaved>} : vector<32xbf16> -> vector<16xf32>
          %unpack3A_1339 = tpu.unpack_subelements %bitcast3A_1334, 0 {pack_format = #tpu.pack_format<interleaved>} : vector<32xbf16> -> vector<16xf32>
          %unpack3A_1340 = tpu.unpack_subelements %bitcast3A_1334, 1 {pack_format = #tpu.pack_format<interleaved>} : vector<32xbf16> -> vector<16xf32>
          %mul3A_1341 = arith.mulf %unpack3A_1335, %unpack3A_1337 : vector<16xf32>
          %mul3A_1342 = arith.mulf %mul3A_1341, %unpack3A_1339 : vector<16xf32>
          %add3A_1343 = arith.addf %broadcast_in_dim3A_1316, %mul3A_1342 : vector<16xf32>
          %mul3A_1344 = arith.mulf %unpack3A_1336, %unpack3A_1338 : vector<16xf32>
          %mul3A_1345 = arith.mulf %mul3A_1344, %unpack3A_1340 : vector<16xf32>
          %add3A_1346 = arith.addf %add3A_1343, %mul3A_1345 : vector<16xf32>
          %get3A_1347 = arith.constant 1 : i32
          %get3A_1348 = arith.index_cast %get3A_1347 : i32 to index
          %get3A_1349 = arith.index_cast %add3A_1314 : i32 to index
          %get3A_1350 = arith.constant 16 : index
          %get3A_1351 = tpu.vector_load %arg11[%get3A_1348, %get3A_1349, %get3A_1350] {strides = array<i32>} : memref<2x80x64xi32, #tpu.memory_space<vmem>>, vector<16xi32>,
          %bitcast3A_1352 = vector.bitcast %get3A_1351 : vector<16xi32> to vector<32xbf16>
          %get3A_1353 = arith.constant 1 : i32
          %get3A_1354 = arith.index_cast %get3A_1353 : i32 to index
          %get3A_1355 = arith.index_cast %add3A_1314 : i32 to index
          %get3A_1356 = arith.constant 16 : index
          %get3A_1357 = tpu.vector_load %arg13[%get3A_1354, %get3A_1355, %get3A_1356] {strides = array<i32>} : memref<2x80x64xi32, #tpu.memory_space<vmem>>, vector<16xi32>,
          %bitcast3A_1358 = vector.bitcast %get3A_1357 : vector<16xi32> to vector<32xbf16>
          %get3A_1359 = arith.constant 1 : i32
          %get3A_1360 = arith.index_cast %get3A_1359 : i32 to index
          %get3A_1361 = arith.index_cast %add3A_1314 : i32 to index
          %get3A_1362 = arith.constant 16 : index
          %get3A_1363 = tpu.vector_load %arg12[%get3A_1360, %get3A_1361, %get3A_1362] {strides = array<i32>} : memref<2x80x64xi32, #tpu.memory_space<vmem>>, vector<16xi32>,
          %bitcast3A_1364 = vector.bitcast %get3A_1363 : vector<16xi32> to vector<32xbf16>
          %unpack3A_1365 = tpu.unpack_subelements %bitcast3A_1352, 0 {pack_format = #tpu.pack_format<interleaved>} : vector<32xbf16> -> vector<16xf32>
          %unpack3A_1366 = tpu.unpack_subelements %bitcast3A_1352, 1 {pack_format = #tpu.pack_format<interleaved>} : vector<32xbf16> -> vector<16xf32>
          %unpack3A_1367 = tpu.unpack_subelements %bitcast3A_1358, 0 {pack_format = #tpu.pack_format<interleaved>} : vector<32xbf16> -> vector<16xf32>
          %unpack3A_1368 = tpu.unpack_subelements %bitcast3A_1358, 1 {pack_format = #tpu.pack_format<interleaved>} : vector<32xbf16> -> vector<16xf32>
          %unpack3A_1369 = tpu.unpack_subelements %bitcast3A_1364, 0 {pack_format = #tpu.pack_format<interleaved>} : vector<32xbf16> -> vector<16xf32>
          %unpack3A_1370 = tpu.unpack_subelements %bitcast3A_1364, 1 {pack_format = #tpu.pack_format<interleaved>} : vector<32xbf16> -> vector<16xf32>
          %mul3A_1371 = arith.mulf %unpack3A_1365, %unpack3A_1367 : vector<16xf32>
          %mul3A_1372 = arith.mulf %mul3A_1371, %unpack3A_1369 : vector<16xf32>
          %add3A_1373 = arith.addf %add3A_1346, %mul3A_1372 : vector<16xf32>
          %mul3A_1374 = arith.mulf %unpack3A_1366, %unpack3A_1368 : vector<16xf32>
          %mul3A_1375 = arith.mulf %mul3A_1374, %unpack3A_1370 : vector<16xf32>
          %add3A_1376 = arith.addf %add3A_1373, %mul3A_1375 : vector<16xf32>
          %get3A_1377 = arith.constant 1 : i32
          %get3A_1378 = arith.index_cast %get3A_1377 : i32 to index
          %get3A_1379 = arith.index_cast %add3A_1314 : i32 to index
          %get3A_1380 = arith.constant 32 : index
          %get3A_1381 = tpu.vector_load %arg11[%get3A_1378, %get3A_1379, %get3A_1380] {strides = array<i32>} : memref<2x80x64xi32, #tpu.memory_space<vmem>>, vector<16xi32>,
          %bitcast3A_1382 = vector.bitcast %get3A_1381 : vector<16xi32> to vector<32xbf16>
          %get3A_1383 = arith.constant 1 : i32
          %get3A_1384 = arith.index_cast %get3A_1383 : i32 to index
          %get3A_1385 = arith.index_cast %add3A_1314 : i32 to index
          %get3A_1386 = arith.constant 32 : index
          %get3A_1387 = tpu.vector_load %arg13[%get3A_1384, %get3A_1385, %get3A_1386] {strides = array<i32>} : memref<2x80x64xi32, #tpu.memory_space<vmem>>, vector<16xi32>,
          %bitcast3A_1388 = vector.bitcast %get3A_1387 : vector<16xi32> to vector<32xbf16>
          %get3A_1389 = arith.constant 1 : i32
          %get3A_1390 = arith.index_cast %get3A_1389 : i32 to index
          %get3A_1391 = arith.index_cast %add3A_1314 : i32 to index
          %get3A_1392 = arith.constant 32 : index
          %get3A_1393 = tpu.vector_load %arg12[%get3A_1390, %get3A_1391, %get3A_1392] {strides = array<i32>} : memref<2x80x64xi32, #tpu.memory_space<vmem>>, vector<16xi32>,
          %bitcast3A_1394 = vector.bitcast %get3A_1393 : vector<16xi32> to vector<32xbf16>
          %unpack3A_1395 = tpu.unpack_subelements %bitcast3A_1382, 0 {pack_format = #tpu.pack_format<interleaved>} : vector<32xbf16> -> vector<16xf32>
          %unpack3A_1396 = tpu.unpack_subelements %bitcast3A_1382, 1 {pack_format = #tpu.pack_format<interleaved>} : vector<32xbf16> -> vector<16xf32>
          %unpack3A_1397 = tpu.unpack_subelements %bitcast3A_1388, 0 {pack_format = #tpu.pack_format<interleaved>} : vector<32xbf16> -> vector<16xf32>
          %unpack3A_1398 = tpu.unpack_subelements %bitcast3A_1388, 1 {pack_format = #tpu.pack_format<interleaved>} : vector<32xbf16> -> vector<16xf32>
          %unpack3A_1399 = tpu.unpack_subelements %bitcast3A_1394, 0 {pack_format = #tpu.pack_format<interleaved>} : vector<32xbf16> -> vector<16xf32>
          %unpack3A_1400 = tpu.unpack_subelements %bitcast3A_1394, 1 {pack_format = #tpu.pack_format<interleaved>} : vector<32xbf16> -> vector<16xf32>
          %mul3A_1401 = arith.mulf %unpack3A_1395, %unpack3A_1397 : vector<16xf32>
          %mul3A_1402 = arith.mulf %mul3A_1401, %unpack3A_1399 : vector<16xf32>
          %add3A_1403 = arith.addf %add3A_1376, %mul3A_1402 : vector<16xf32>
          %mul3A_1404 = arith.mulf %unpack3A_1396, %unpack3A_1398 : vector<16xf32>
          %mul3A_1405 = arith.mulf %mul3A_1404, %unpack3A_1400 : vector<16xf32>
          %add3A_1406 = arith.addf %add3A_1403, %mul3A_1405 : vector<16xf32>
          %get3A_1407 = arith.constant 1 : i32
          %get3A_1408 = arith.index_cast %get3A_1407 : i32 to index
          %get3A_1409 = arith.index_cast %add3A_1314 : i32 to index
          %get3A_1410 = arith.constant 48 : index
          %get3A_1411 = tpu.vector_load %arg11[%get3A_1408, %get3A_1409, %get3A_1410] {strides = array<i32>} : memref<2x80x64xi32, #tpu.memory_space<vmem>>, vector<16xi32>,
          %bitcast3A_1412 = vector.bitcast %get3A_1411 : vector<16xi32> to vector<32xbf16>
          %get3A_1413 = arith.constant 1 : i32
          %get3A_1414 = arith.index_cast %get3A_1413 : i32 to index
          %get3A_1415 = arith.index_cast %add3A_1314 : i32 to index
          %get3A_1416 = arith.constant 48 : index
          %get3A_1417 = tpu.vector_load %arg13[%get3A_1414, %get3A_1415, %get3A_1416] {strides = array<i32>} : memref<2x80x64xi32, #tpu.memory_space<vmem>>, vector<16xi32>,
          %bitcast3A_1418 = vector.bitcast %get3A_1417 : vector<16xi32> to vector<32xbf16>
          %get3A_1419 = arith.constant 1 : i32
          %get3A_1420 = arith.index_cast %get3A_1419 : i32 to index
          %get3A_1421 = arith.index_cast %add3A_1314 : i32 to index
          %get3A_1422 = arith.constant 48 : index
          %get3A_1423 = tpu.vector_load %arg12[%get3A_1420, %get3A_1421, %get3A_1422] {strides = array<i32>} : memref<2x80x64xi32, #tpu.memory_space<vmem>>, vector<16xi32>,
          %bitcast3A_1424 = vector.bitcast %get3A_1423 : vector<16xi32> to vector<32xbf16>
          %unpack3A_1425 = tpu.unpack_subelements %bitcast3A_1412, 0 {pack_format = #tpu.pack_format<interleaved>} : vector<32xbf16> -> vector<16xf32>
          %unpack3A_1426 = tpu.unpack_subelements %bitcast3A_1412, 1 {pack_format = #tpu.pack_format<interleaved>} : vector<32xbf16> -> vector<16xf32>
          %unpack3A_1427 = tpu.unpack_subelements %bitcast3A_1418, 0 {pack_format = #tpu.pack_format<interleaved>} : vector<32xbf16> -> vector<16xf32>
          %unpack3A_1428 = tpu.unpack_subelements %bitcast3A_1418, 1 {pack_format = #tpu.pack_format<interleaved>} : vector<32xbf16> -> vector<16xf32>
          %unpack3A_1429 = tpu.unpack_subelements %bitcast3A_1424, 0 {pack_format = #tpu.pack_format<interleaved>} : vector<32xbf16> -> vector<16xf32>
          %unpack3A_1430 = tpu.unpack_subelements %bitcast3A_1424, 1 {pack_format = #tpu.pack_format<interleaved>} : vector<32xbf16> -> vector<16xf32>
          %mul3A_1431 = arith.mulf %unpack3A_1425, %unpack3A_1427 : vector<16xf32>
          %mul3A_1432 = arith.mulf %mul3A_1431, %unpack3A_1429 : vector<16xf32>
          %add3A_1433 = arith.addf %add3A_1406, %mul3A_1432 : vector<16xf32>
          %mul3A_1434 = arith.mulf %unpack3A_1426, %unpack3A_1428 : vector<16xf32>
          %mul3A_1435 = arith.mulf %mul3A_1434, %unpack3A_1430 : vector<16xf32>
          %add3A_1436 = arith.addf %add3A_1433, %mul3A_1435 : vector<16xf32>
          %mul3A_1437 = arith.constant 8 : i32
          %mul3A_1438 = arith.muli %scan3A_340, %mul3A_1437 : i32
          %add3A_1439 = arith.constant 7 : i32
          %add3A_1440 = arith.addi %mul3A_1438, %add3A_1439 : i32
          %eq3A_1441 = vector.broadcast %add3A_1440 : i32 to vector<16xi32>
          %eq3A_1442 = arith.cmpi eq, %iota3A, %eq3A_1441 : vector<16xi32>
          %reduce_sum3A_1443 = arith.constant true
          %reduce_sum3A_1444 = vector.broadcast %reduce_sum3A_1443 : i1 to vector<16xi1>
          %reduce_sum3A_1445 = tpu.scan <sum>, %add3A_1436 masked %reduce_sum3A_1444 : vector<16xf32>, vector<16xi1> -> vector<16xf32>
          %reduce_sum3A_1446 = vector.extract %reduce_sum3A_1445[15] : f32 from vector<16xf32>
          %broadcast_in_dim3A_1447 = vector.broadcast %reduce_sum3A_1446 : f32 to vector<16xf32>
          %select_n3A_1448 = arith.select %eq3A_1442, %broadcast_in_dim3A_1447, %select_n3A_1309 : vector<16xi1>, vector<16xf32>
          scf.yield %select_n3A_1448 : vector<16xf32>
        }
        %scan3A_337 = arith.constant 2 : i32
        %add3A_338 = arith.addi %multiple_of3A_321, %mul3A_330 : i32
        %swap3A = arith.index_cast %add3A_338 : i32 to index
        %swap3A_339 = tpu.vector_load %arg14[%swap3A] {strides = array<i32>} : memref<10000xf32, #tpu.memory_space<vmem>>, vector<16xf32>,
        tpu.vector_store %arg14[%swap3A], %scan3A_336 {strides = array<i32>} : memref<10000xf32, #tpu.memory_space<vmem>>, vector<16xf32>,
      }
      %scan3A_327 = arith.constant 5 : i32
    }
    %scan3A_148 = arith.constant 62 : i32
    %dma_wait3A_149 = arith.constant 0 : i32
    %dma_wait3A_150 = arith.constant 0 : i32
    %dma_wait3A_151 = arith.constant 0 : i32
    %dma_wait3A_152 = arith.constant 0 : i32
    %dma_wait3A_153 = arith.constant 0 : i32
    %dma_wait3A_154 = tpu.memref_slice %arg11[%dma_wait3A_151, %dma_wait3A_152, %dma_wait3A_153] : memref<2x80x64xi32, #tpu.memory_space<vmem>> -> memref<1x80x64xi32, #tpu.memory_space<vmem>>
    %dma_wait3A_155 = tpu.memref_squeeze %dma_wait3A_154 : memref<1x80x64xi32, #tpu.memory_space<vmem>> -> memref<80x64xi32, #tpu.memory_space<vmem>>
    %dma_wait3A_156 = arith.constant 0 : i32
    %dma_wait3A_157 = tpu.memref_slice %arg10[%dma_wait3A_149, %dma_wait3A_150, %dma_wait3A_156] : memref<2x3x80xi32, #tpu.memory_space<vmem>> -> memref<1x1x80xi32, #tpu.memory_space<vmem>>
    %dma_wait3A_158 = tpu.memref_squeeze %dma_wait3A_157 : memref<1x1x80xi32, #tpu.memory_space<vmem>> -> memref<80xi32, #tpu.memory_space<vmem>>
    %dma_wait3A_159 = arith.constant 0 : i32
    %dma_wait3A_160 = arith.constant 0 : i32
    %dma_wait3A_161 = tpu.memref_slice %arg8[%dma_wait3A_159, %dma_wait3A_160] : memref<10000x64xi32, #tpu.memory_space<vmem_shared>> -> memref<10000x64xi32, #tpu.memory_space<vmem_shared>>
    tpu.wait_indirect_dma semaphore(%arg16 : memref<!tpu.dma_semaphore, #tpu.memory_space<semaphore_mem>>) src(%dma_wait3A_161 : memref<10000x64xi32, #tpu.memory_space<vmem_shared>>) dst(%dma_wait3A_155 : memref<80x64xi32, #tpu.memory_space<vmem>>)
    %dma_wait3A_162 = arith.constant 0 : i32
    %dma_wait3A_163 = arith.constant 1 : i32
    %dma_wait3A_164 = arith.constant 0 : i32
    %dma_wait3A_165 = arith.constant 0 : i32
    %dma_wait3A_166 = arith.constant 0 : i32
    %dma_wait3A_167 = tpu.memref_slice %arg12[%dma_wait3A_164, %dma_wait3A_165, %dma_wait3A_166] : memref<2x80x64xi32, #tpu.memory_space<vmem>> -> memref<1x80x64xi32, #tpu.memory_space<vmem>>
    %dma_wait3A_168 = tpu.memref_squeeze %dma_wait3A_167 : memref<1x80x64xi32, #tpu.memory_space<vmem>> -> memref<80x64xi32, #tpu.memory_space<vmem>>
    %dma_wait3A_169 = arith.constant 0 : i32
    %dma_wait3A_170 = tpu.memref_slice %arg10[%dma_wait3A_162, %dma_wait3A_163, %dma_wait3A_169] : memref<2x3x80xi32, #tpu.memory_space<vmem>> -> memref<1x1x80xi32, #tpu.memory_space<vmem>>
    %dma_wait3A_171 = tpu.memref_squeeze %dma_wait3A_170 : memref<1x1x80xi32, #tpu.memory_space<vmem>> -> memref<80xi32, #tpu.memory_space<vmem>>
    %dma_wait3A_172 = arith.constant 0 : i32
    %dma_wait3A_173 = arith.constant 0 : i32
    %dma_wait3A_174 = tpu.memref_slice %arg8[%dma_wait3A_172, %dma_wait3A_173] : memref<10000x64xi32, #tpu.memory_space<vmem_shared>> -> memref<10000x64xi32, #tpu.memory_space<vmem_shared>>
    tpu.wait_indirect_dma semaphore(%arg16 : memref<!tpu.dma_semaphore, #tpu.memory_space<semaphore_mem>>) src(%dma_wait3A_174 : memref<10000x64xi32, #tpu.memory_space<vmem_shared>>) dst(%dma_wait3A_168 : memref<80x64xi32, #tpu.memory_space<vmem>>)
    %dma_wait3A_175 = arith.constant 0 : i32
    %dma_wait3A_176 = arith.constant 2 : i32
    %dma_wait3A_177 = arith.constant 0 : i32
    %dma_wait3A_178 = arith.constant 0 : i32
    %dma_wait3A_179 = arith.constant 0 : i32
    %dma_wait3A_180 = tpu.memref_slice %arg13[%dma_wait3A_177, %dma_wait3A_178, %dma_wait3A_179] : memref<2x80x64xi32, #tpu.memory_space<vmem>> -> memref<1x80x64xi32, #tpu.memory_space<vmem>>
    %dma_wait3A_181 = tpu.memref_squeeze %dma_wait3A_180 : memref<1x80x64xi32, #tpu.memory_space<vmem>> -> memref<80x64xi32, #tpu.memory_space<vmem>>
    %dma_wait3A_182 = arith.constant 0 : i32
    %dma_wait3A_183 = tpu.memref_slice %arg10[%dma_wait3A_175, %dma_wait3A_176, %dma_wait3A_182] : memref<2x3x80xi32, #tpu.memory_space<vmem>> -> memref<1x1x80xi32, #tpu.memory_space<vmem>>
    %dma_wait3A_184 = tpu.memref_squeeze %dma_wait3A_183 : memref<1x1x80xi32, #tpu.memory_space<vmem>> -> memref<80xi32, #tpu.memory_space<vmem>>
    %dma_wait3A_185 = arith.constant 0 : i32
    %dma_wait3A_186 = arith.constant 0 : i32
    %dma_wait3A_187 = tpu.memref_slice %arg9[%dma_wait3A_185, %dma_wait3A_186] : memref<500x64xi32, #tpu.memory_space<vmem_shared>> -> memref<500x64xi32, #tpu.memory_space<vmem_shared>>
    tpu.wait_indirect_dma semaphore(%arg16 : memref<!tpu.dma_semaphore, #tpu.memory_space<semaphore_mem>>) src(%dma_wait3A_187 : memref<500x64xi32, #tpu.memory_space<vmem_shared>>) dst(%dma_wait3A_181 : memref<80x64xi32, #tpu.memory_space<vmem>>)
    %multiple_of3A_188 = arith.constant 9920 : i32
    %multiple_of3A_189 = tpu.assume_multiple %multiple_of3A_188, 8 : i32
    %scan3A_190 = arith.constant 0 : i32
    %scan3A_191 = arith.constant 0 : i32
    %scan3A_192 = arith.constant 5 : i32
    %scan3A_193 = arith.addi %scan3A_191, %scan3A_192 : i32
    %scan3A_194 = arith.constant 1 : i32
    scf.for %scan3A_196 = %scan3A_191 to %scan3A_193 step %scan3A_194  : i32 {
      %mul3A_197 = arith.constant 16 : i32
      %mul3A_198 = arith.muli %scan3A_196, %mul3A_197 : i32
      %broadcast_in_dim3A = arith.constant 0.000000e+00 : f32
      %broadcast_in_dim3A_199 = vector.broadcast %broadcast_in_dim3A : f32 to vector<16xf32>
      %scan3A_200 = arith.constant 0 : i32
      %scan3A_201 = arith.constant 2 : i32
      %scan3A_202 = arith.addi %scan3A_200, %scan3A_201 : i32
      %scan3A_203 = arith.constant 1 : i32
      %scan3A_204 = scf.for %scan3A_208 = %scan3A_200 to %scan3A_202 step %scan3A_203 iter_args(%scan3A_209 = %broadcast_in_dim3A_199) -> (vector<16xf32>)  : i32 {
        %mul3A_210 = arith.constant 8 : i32
        %mul3A_211 = arith.muli %scan3A_208, %mul3A_210 : i32
        %add3A_212 = arith.addi %mul3A_198, %mul3A_211 : i32
        %add3A_213 = arith.constant 0 : i32
        %add3A_214 = arith.addi %add3A_212, %add3A_213 : i32
        %broadcast_in_dim3A_215 = arith.constant 0.000000e+00 : f32
        %broadcast_in_dim3A_216 = vector.broadcast %broadcast_in_dim3A_215 : f32 to vector<16xf32>
        %get3A = arith.constant 0 : i32
        %get3A_217 = arith.index_cast %get3A : i32 to index
        %get3A_218 = arith.index_cast %add3A_214 : i32 to index
        %get3A_219 = arith.constant 0 : index
        %get3A_220 = tpu.vector_load %arg11[%get3A_217, %get3A_218, %get3A_219] {strides = array<i32>} : memref<2x80x64xi32, #tpu.memory_space<vmem>>, vector<16xi32>,
        %bitcast3A = vector.bitcast %get3A_220 : vector<16xi32> to vector<32xbf16>
        %get3A_221 = arith.constant 0 : i32
        %get3A_222 = arith.index_cast %get3A_221 : i32 to index
        %get3A_223 = arith.index_cast %add3A_214 : i32 to index
        %get3A_224 = arith.constant 0 : index
        %get3A_225 = tpu.vector_load %arg13[%get3A_222, %get3A_223, %get3A_224] {strides = array<i32>} : memref<2x80x64xi32, #tpu.memory_space<vmem>>, vector<16xi32>,
        %bitcast3A_226 = vector.bitcast %get3A_225 : vector<16xi32> to vector<32xbf16>
        %get3A_227 = arith.constant 0 : i32
        %get3A_228 = arith.index_cast %get3A_227 : i32 to index
        %get3A_229 = arith.index_cast %add3A_214 : i32 to index
        %get3A_230 = arith.constant 0 : index
        %get3A_231 = tpu.vector_load %arg12[%get3A_228, %get3A_229, %get3A_230] {strides = array<i32>} : memref<2x80x64xi32, #tpu.memory_space<vmem>>, vector<16xi32>,
        %bitcast3A_232 = vector.bitcast %get3A_231 : vector<16xi32> to vector<32xbf16>
        %unpack3A = tpu.unpack_subelements %bitcast3A, 0 {pack_format = #tpu.pack_format<interleaved>} : vector<32xbf16> -> vector<16xf32>
        %unpack3A_233 = tpu.unpack_subelements %bitcast3A, 1 {pack_format = #tpu.pack_format<interleaved>} : vector<32xbf16> -> vector<16xf32>
        %unpack3A_234 = tpu.unpack_subelements %bitcast3A_226, 0 {pack_format = #tpu.pack_format<interleaved>} : vector<32xbf16> -> vector<16xf32>
        %unpack3A_235 = tpu.unpack_subelements %bitcast3A_226, 1 {pack_format = #tpu.pack_format<interleaved>} : vector<32xbf16> -> vector<16xf32>
        %unpack3A_236 = tpu.unpack_subelements %bitcast3A_232, 0 {pack_format = #tpu.pack_format<interleaved>} : vector<32xbf16> -> vector<16xf32>
        %unpack3A_237 = tpu.unpack_subelements %bitcast3A_232, 1 {pack_format = #tpu.pack_format<interleaved>} : vector<32xbf16> -> vector<16xf32>
        %mul3A_238 = arith.mulf %unpack3A, %unpack3A_234 : vector<16xf32>
        %mul3A_239 = arith.mulf %mul3A_238, %unpack3A_236 : vector<16xf32>
        %add3A_240 = arith.addf %broadcast_in_dim3A_216, %mul3A_239 : vector<16xf32>
        %mul3A_241 = arith.mulf %unpack3A_233, %unpack3A_235 : vector<16xf32>
        %mul3A_242 = arith.mulf %mul3A_241, %unpack3A_237 : vector<16xf32>
        %add3A_243 = arith.addf %add3A_240, %mul3A_242 : vector<16xf32>
        %get3A_244 = arith.constant 0 : i32
        %get3A_245 = arith.index_cast %get3A_244 : i32 to index
        %get3A_246 = arith.index_cast %add3A_214 : i32 to index
        %get3A_247 = arith.constant 16 : index
        %get3A_248 = tpu.vector_load %arg11[%get3A_245, %get3A_246, %get3A_247] {strides = array<i32>} : memref<2x80x64xi32, #tpu.memory_space<vmem>>, vector<16xi32>,
        %bitcast3A_249 = vector.bitcast %get3A_248 : vector<16xi32> to vector<32xbf16>
        %get3A_250 = arith.constant 0 : i32
        %get3A_251 = arith.index_cast %get3A_250 : i32 to index
        %get3A_252 = arith.index_cast %add3A_214 : i32 to index
        %get3A_253 = arith.constant 16 : index
        %get3A_254 = tpu.vector_load %arg13[%get3A_251, %get3A_252, %get3A_253] {strides = array<i32>} : memref<2x80x64xi32, #tpu.memory_space<vmem>>, vector<16xi32>,
        %bitcast3A_255 = vector.bitcast %get3A_254 : vector<16xi32> to vector<32xbf16>
        %get3A_256 = arith.constant 0 : i32
        %get3A_257 = arith.index_cast %get3A_256 : i32 to index
        %get3A_258 = arith.index_cast %add3A_214 : i32 to index
        %get3A_259 = arith.constant 16 : index
        %get3A_260 = tpu.vector_load %arg12[%get3A_257, %get3A_258, %get3A_259] {strides = array<i32>} : memref<2x80x64xi32, #tpu.memory_space<vmem>>, vector<16xi32>,
        %bitcast3A_261 = vector.bitcast %get3A_260 : vector<16xi32> to vector<32xbf16>
        %unpack3A_262 = tpu.unpack_subelements %bitcast3A_249, 0 {pack_format = #tpu.pack_format<interleaved>} : vector<32xbf16> -> vector<16xf32>
        %unpack3A_263 = tpu.unpack_subelements %bitcast3A_249, 1 {pack_format = #tpu.pack_format<interleaved>} : vector<32xbf16> -> vector<16xf32>
        %unpack3A_264 = tpu.unpack_subelements %bitcast3A_255, 0 {pack_format = #tpu.pack_format<interleaved>} : vector<32xbf16> -> vector<16xf32>
        %unpack3A_265 = tpu.unpack_subelements %bitcast3A_255, 1 {pack_format = #tpu.pack_format<interleaved>} : vector<32xbf16> -> vector<16xf32>
        %unpack3A_266 = tpu.unpack_subelements %bitcast3A_261, 0 {pack_format = #tpu.pack_format<interleaved>} : vector<32xbf16> -> vector<16xf32>
        %unpack3A_267 = tpu.unpack_subelements %bitcast3A_261, 1 {pack_format = #tpu.pack_format<interleaved>} : vector<32xbf16> -> vector<16xf32>
        %mul3A_268 = arith.mulf %unpack3A_262, %unpack3A_264 : vector<16xf32>
        %mul3A_269 = arith.mulf %mul3A_268, %unpack3A_266 : vector<16xf32>
        %add3A_270 = arith.addf %add3A_243, %mul3A_269 : vector<16xf32>
        %mul3A_271 = arith.mulf %unpack3A_263, %unpack3A_265 : vector<16xf32>
        %mul3A_272 = arith.mulf %mul3A_271, %unpack3A_267 : vector<16xf32>
        %add3A_273 = arith.addf %add3A_270, %mul3A_272 : vector<16xf32>
        %get3A_274 = arith.constant 0 : i32
        %get3A_275 = arith.index_cast %get3A_274 : i32 to index
        %get3A_276 = arith.index_cast %add3A_214 : i32 to index
        %get3A_277 = arith.constant 32 : index
        %get3A_278 = tpu.vector_load %arg11[%get3A_275, %get3A_276, %get3A_277] {strides = array<i32>} : memref<2x80x64xi32, #tpu.memory_space<vmem>>, vector<16xi32>,
        %bitcast3A_279 = vector.bitcast %get3A_278 : vector<16xi32> to vector<32xbf16>
        %get3A_280 = arith.constant 0 : i32
        %get3A_281 = arith.index_cast %get3A_280 : i32 to index
        %get3A_282 = arith.index_cast %add3A_214 : i32 to index
        %get3A_283 = arith.constant 32 : index
        %get3A_284 = tpu.vector_load %arg13[%get3A_281, %get3A_282, %get3A_283] {strides = array<i32>} : memref<2x80x64xi32, #tpu.memory_space<vmem>>, vector<16xi32>,
        %bitcast3A_285 = vector.bitcast %get3A_284 : vector<16xi32> to vector<32xbf16>
        %get3A_286 = arith.constant 0 : i32
        %get3A_287 = arith.index_cast %get3A_286 : i32 to index
        %get3A_288 = arith.index_cast %add3A_214 : i32 to index
        %get3A_289 = arith.constant 32 : index
        %get3A_290 = tpu.vector_load %arg12[%get3A_287, %get3A_288, %get3A_289] {strides = array<i32>} : memref<2x80x64xi32, #tpu.memory_space<vmem>>, vector<16xi32>,
        %bitcast3A_291 = vector.bitcast %get3A_290 : vector<16xi32> to vector<32xbf16>
        %unpack3A_292 = tpu.unpack_subelements %bitcast3A_279, 0 {pack_format = #tpu.pack_format<interleaved>} : vector<32xbf16> -> vector<16xf32>
        %unpack3A_293 = tpu.unpack_subelements %bitcast3A_279, 1 {pack_format = #tpu.pack_format<interleaved>} : vector<32xbf16> -> vector<16xf32>
        %unpack3A_294 = tpu.unpack_subelements %bitcast3A_285, 0 {pack_format = #tpu.pack_format<interleaved>} : vector<32xbf16> -> vector<16xf32>
        %unpack3A_295 = tpu.unpack_subelements %bitcast3A_285, 1 {pack_format = #tpu.pack_format<interleaved>} : vector<32xbf16> -> vector<16xf32>
        %unpack3A_296 = tpu.unpack_subelements %bitcast3A_291, 0 {pack_format = #tpu.pack_format<interleaved>} : vector<32xbf16> -> vector<16xf32>
        %unpack3A_297 = tpu.unpack_subelements %bitcast3A_291, 1 {pack_format = #tpu.pack_format<interleaved>} : vector<32xbf16> -> vector<16xf32>
        %mul3A_298 = arith.mulf %unpack3A_292, %unpack3A_294 : vector<16xf32>
        %mul3A_299 = arith.mulf %mul3A_298, %unpack3A_296 : vector<16xf32>
        %add3A_300 = arith.addf %add3A_273, %mul3A_299 : vector<16xf32>
        %mul3A_301 = arith.mulf %unpack3A_293, %unpack3A_295 : vector<16xf32>
        %mul3A_302 = arith.mulf %mul3A_301, %unpack3A_297 : vector<16xf32>
        %add3A_303 = arith.addf %add3A_300, %mul3A_302 : vector<16xf32>
        %get3A_304 = arith.constant 0 : i32
        %get3A_305 = arith.index_cast %get3A_304 : i32 to index
        %get3A_306 = arith.index_cast %add3A_214 : i32 to index
        %get3A_307 = arith.constant 48 : index
        %get3A_308 = tpu.vector_load %arg11[%get3A_305, %get3A_306, %get3A_307] {strides = array<i32>} : memref<2x80x64xi32, #tpu.memory_space<vmem>>, vector<16xi32>,
        %bitcast3A_309 = vector.bitcast %get3A_308 : vector<16xi32> to vector<32xbf16>
        %get3A_310 = arith.constant 0 : i32
        %get3A_311 = arith.index_cast %get3A_310 : i32 to index
        %get3A_312 = arith.index_cast %add3A_214 : i32 to index
        %get3A_313 = arith.constant 48 : index
        %get3A_314 = tpu.vector_load %arg13[%get3A_311, %get3A_312, %get3A_313] {strides = array<i32>} : memref<2x80x64xi32, #tpu.memory_space<vmem>>, vector<16xi32>,
        %bitcast3A_315 = vector.bitcast %get3A_314 : vector<16xi32> to vector<32xbf16>
        %get3A_316 = arith.constant 0 : i32
        %get3A_317 = arith.index_cast %get3A_316 : i32 to index
        %get3A_318 = arith.index_cast %add3A_214 : i32 to index
        %get3A_319 = arith.constant 48 : index
        %get3A_320 = tpu.vector_load %arg12[%get3A_317, %get3A_318, %get3A_319] {strides = array<i32>} : memref<2x80x64xi32, #tpu.memory_space<vmem>>, vector<16xi32>,
        %bitcast3A_321 = vector.bitcast %get3A_320 : vector<16xi32> to vector<32xbf16>
        %unpack3A_322 = tpu.unpack_subelements %bitcast3A_309, 0 {pack_format = #tpu.pack_format<interleaved>} : vector<32xbf16> -> vector<16xf32>
        %unpack3A_323 = tpu.unpack_subelements %bitcast3A_309, 1 {pack_format = #tpu.pack_format<interleaved>} : vector<32xbf16> -> vector<16xf32>
        %unpack3A_324 = tpu.unpack_subelements %bitcast3A_315, 0 {pack_format = #tpu.pack_format<interleaved>} : vector<32xbf16> -> vector<16xf32>
        %unpack3A_325 = tpu.unpack_subelements %bitcast3A_315, 1 {pack_format = #tpu.pack_format<interleaved>} : vector<32xbf16> -> vector<16xf32>
        %unpack3A_326 = tpu.unpack_subelements %bitcast3A_321, 0 {pack_format = #tpu.pack_format<interleaved>} : vector<32xbf16> -> vector<16xf32>
        %unpack3A_327 = tpu.unpack_subelements %bitcast3A_321, 1 {pack_format = #tpu.pack_format<interleaved>} : vector<32xbf16> -> vector<16xf32>
        %mul3A_328 = arith.mulf %unpack3A_322, %unpack3A_324 : vector<16xf32>
        %mul3A_329 = arith.mulf %mul3A_328, %unpack3A_326 : vector<16xf32>
        %add3A_330 = arith.addf %add3A_303, %mul3A_329 : vector<16xf32>
        %mul3A_331 = arith.mulf %unpack3A_323, %unpack3A_325 : vector<16xf32>
        %mul3A_332 = arith.mulf %mul3A_331, %unpack3A_327 : vector<16xf32>
        %add3A_333 = arith.addf %add3A_330, %mul3A_332 : vector<16xf32>
        %mul3A_334 = arith.constant 8 : i32
        %mul3A_335 = arith.muli %scan3A_208, %mul3A_334 : i32
        %add3A_336 = arith.constant 0 : i32
        %add3A_337 = arith.addi %mul3A_335, %add3A_336 : i32
        %eq3A_338 = vector.broadcast %add3A_337 : i32 to vector<16xi32>
        %eq3A_339 = arith.cmpi eq, %iota3A, %eq3A_338 : vector<16xi32>
        %reduce_sum3A = arith.constant true
        %reduce_sum3A_340 = vector.broadcast %reduce_sum3A : i1 to vector<16xi1>
        %reduce_sum3A_341 = tpu.scan <sum>, %add3A_333 masked %reduce_sum3A_340 : vector<16xf32>, vector<16xi1> -> vector<16xf32>
        %reduce_sum3A_342 = vector.extract %reduce_sum3A_341[15] : f32 from vector<16xf32>
        %broadcast_in_dim3A_343 = vector.broadcast %reduce_sum3A_342 : f32 to vector<16xf32>
        %select_n3A = arith.select %eq3A_339, %broadcast_in_dim3A_343, %scan3A_209 : vector<16xi1>, vector<16xf32>
        %mul3A_344 = arith.constant 8 : i32
        %mul3A_345 = arith.muli %scan3A_208, %mul3A_344 : i32
        %add3A_346 = arith.addi %mul3A_198, %mul3A_345 : i32
        %add3A_347 = arith.constant 1 : i32
        %add3A_348 = arith.addi %add3A_346, %add3A_347 : i32
        %broadcast_in_dim3A_349 = arith.constant 0.000000e+00 : f32
        %broadcast_in_dim3A_350 = vector.broadcast %broadcast_in_dim3A_349 : f32 to vector<16xf32>
        %get3A_351 = arith.constant 0 : i32
        %get3A_352 = arith.index_cast %get3A_351 : i32 to index
        %get3A_353 = arith.index_cast %add3A_348 : i32 to index
        %get3A_354 = arith.constant 0 : index
        %get3A_355 = tpu.vector_load %arg11[%get3A_352, %get3A_353, %get3A_354] {strides = array<i32>} : memref<2x80x64xi32, #tpu.memory_space<vmem>>, vector<16xi32>,
        %bitcast3A_356 = vector.bitcast %get3A_355 : vector<16xi32> to vector<32xbf16>
        %get3A_357 = arith.constant 0 : i32
        %get3A_358 = arith.index_cast %get3A_357 : i32 to index
        %get3A_359 = arith.index_cast %add3A_348 : i32 to index
        %get3A_360 = arith.constant 0 : index
        %get3A_361 = tpu.vector_load %arg13[%get3A_358, %get3A_359, %get3A_360] {strides = array<i32>} : memref<2x80x64xi32, #tpu.memory_space<vmem>>, vector<16xi32>,
        %bitcast3A_362 = vector.bitcast %get3A_361 : vector<16xi32> to vector<32xbf16>
        %get3A_363 = arith.constant 0 : i32
        %get3A_364 = arith.index_cast %get3A_363 : i32 to index
        %get3A_365 = arith.index_cast %add3A_348 : i32 to index
        %get3A_366 = arith.constant 0 : index
        %get3A_367 = tpu.vector_load %arg12[%get3A_364, %get3A_365, %get3A_366] {strides = array<i32>} : memref<2x80x64xi32, #tpu.memory_space<vmem>>, vector<16xi32>,
        %bitcast3A_368 = vector.bitcast %get3A_367 : vector<16xi32> to vector<32xbf16>
        %unpack3A_369 = tpu.unpack_subelements %bitcast3A_356, 0 {pack_format = #tpu.pack_format<interleaved>} : vector<32xbf16> -> vector<16xf32>
        %unpack3A_370 = tpu.unpack_subelements %bitcast3A_356, 1 {pack_format = #tpu.pack_format<interleaved>} : vector<32xbf16> -> vector<16xf32>
        %unpack3A_371 = tpu.unpack_subelements %bitcast3A_362, 0 {pack_format = #tpu.pack_format<interleaved>} : vector<32xbf16> -> vector<16xf32>
        %unpack3A_372 = tpu.unpack_subelements %bitcast3A_362, 1 {pack_format = #tpu.pack_format<interleaved>} : vector<32xbf16> -> vector<16xf32>
        %unpack3A_373 = tpu.unpack_subelements %bitcast3A_368, 0 {pack_format = #tpu.pack_format<interleaved>} : vector<32xbf16> -> vector<16xf32>
        %unpack3A_374 = tpu.unpack_subelements %bitcast3A_368, 1 {pack_format = #tpu.pack_format<interleaved>} : vector<32xbf16> -> vector<16xf32>
        %mul3A_375 = arith.mulf %unpack3A_369, %unpack3A_371 : vector<16xf32>
        %mul3A_376 = arith.mulf %mul3A_375, %unpack3A_373 : vector<16xf32>
        %add3A_377 = arith.addf %broadcast_in_dim3A_350, %mul3A_376 : vector<16xf32>
        %mul3A_378 = arith.mulf %unpack3A_370, %unpack3A_372 : vector<16xf32>
        %mul3A_379 = arith.mulf %mul3A_378, %unpack3A_374 : vector<16xf32>
        %add3A_380 = arith.addf %add3A_377, %mul3A_379 : vector<16xf32>
        %get3A_381 = arith.constant 0 : i32
        %get3A_382 = arith.index_cast %get3A_381 : i32 to index
        %get3A_383 = arith.index_cast %add3A_348 : i32 to index
        %get3A_384 = arith.constant 16 : index
        %get3A_385 = tpu.vector_load %arg11[%get3A_382, %get3A_383, %get3A_384] {strides = array<i32>} : memref<2x80x64xi32, #tpu.memory_space<vmem>>, vector<16xi32>,
        %bitcast3A_386 = vector.bitcast %get3A_385 : vector<16xi32> to vector<32xbf16>
        %get3A_387 = arith.constant 0 : i32
        %get3A_388 = arith.index_cast %get3A_387 : i32 to index
        %get3A_389 = arith.index_cast %add3A_348 : i32 to index
        %get3A_390 = arith.constant 16 : index
        %get3A_391 = tpu.vector_load %arg13[%get3A_388, %get3A_389, %get3A_390] {strides = array<i32>} : memref<2x80x64xi32, #tpu.memory_space<vmem>>, vector<16xi32>,
        %bitcast3A_392 = vector.bitcast %get3A_391 : vector<16xi32> to vector<32xbf16>
        %get3A_393 = arith.constant 0 : i32
        %get3A_394 = arith.index_cast %get3A_393 : i32 to index
        %get3A_395 = arith.index_cast %add3A_348 : i32 to index
        %get3A_396 = arith.constant 16 : index
        %get3A_397 = tpu.vector_load %arg12[%get3A_394, %get3A_395, %get3A_396] {strides = array<i32>} : memref<2x80x64xi32, #tpu.memory_space<vmem>>, vector<16xi32>,
        %bitcast3A_398 = vector.bitcast %get3A_397 : vector<16xi32> to vector<32xbf16>
        %unpack3A_399 = tpu.unpack_subelements %bitcast3A_386, 0 {pack_format = #tpu.pack_format<interleaved>} : vector<32xbf16> -> vector<16xf32>
        %unpack3A_400 = tpu.unpack_subelements %bitcast3A_386, 1 {pack_format = #tpu.pack_format<interleaved>} : vector<32xbf16> -> vector<16xf32>
        %unpack3A_401 = tpu.unpack_subelements %bitcast3A_392, 0 {pack_format = #tpu.pack_format<interleaved>} : vector<32xbf16> -> vector<16xf32>
        %unpack3A_402 = tpu.unpack_subelements %bitcast3A_392, 1 {pack_format = #tpu.pack_format<interleaved>} : vector<32xbf16> -> vector<16xf32>
        %unpack3A_403 = tpu.unpack_subelements %bitcast3A_398, 0 {pack_format = #tpu.pack_format<interleaved>} : vector<32xbf16> -> vector<16xf32>
        %unpack3A_404 = tpu.unpack_subelements %bitcast3A_398, 1 {pack_format = #tpu.pack_format<interleaved>} : vector<32xbf16> -> vector<16xf32>
        %mul3A_405 = arith.mulf %unpack3A_399, %unpack3A_401 : vector<16xf32>
        %mul3A_406 = arith.mulf %mul3A_405, %unpack3A_403 : vector<16xf32>
        %add3A_407 = arith.addf %add3A_380, %mul3A_406 : vector<16xf32>
        %mul3A_408 = arith.mulf %unpack3A_400, %unpack3A_402 : vector<16xf32>
        %mul3A_409 = arith.mulf %mul3A_408, %unpack3A_404 : vector<16xf32>
        %add3A_410 = arith.addf %add3A_407, %mul3A_409 : vector<16xf32>
        %get3A_411 = arith.constant 0 : i32
        %get3A_412 = arith.index_cast %get3A_411 : i32 to index
        %get3A_413 = arith.index_cast %add3A_348 : i32 to index
        %get3A_414 = arith.constant 32 : index
        %get3A_415 = tpu.vector_load %arg11[%get3A_412, %get3A_413, %get3A_414] {strides = array<i32>} : memref<2x80x64xi32, #tpu.memory_space<vmem>>, vector<16xi32>,
        %bitcast3A_416 = vector.bitcast %get3A_415 : vector<16xi32> to vector<32xbf16>
        %get3A_417 = arith.constant 0 : i32
        %get3A_418 = arith.index_cast %get3A_417 : i32 to index
        %get3A_419 = arith.index_cast %add3A_348 : i32 to index
        %get3A_420 = arith.constant 32 : index
        %get3A_421 = tpu.vector_load %arg13[%get3A_418, %get3A_419, %get3A_420] {strides = array<i32>} : memref<2x80x64xi32, #tpu.memory_space<vmem>>, vector<16xi32>,
        %bitcast3A_422 = vector.bitcast %get3A_421 : vector<16xi32> to vector<32xbf16>
        %get3A_423 = arith.constant 0 : i32
        %get3A_424 = arith.index_cast %get3A_423 : i32 to index
        %get3A_425 = arith.index_cast %add3A_348 : i32 to index
        %get3A_426 = arith.constant 32 : index
        %get3A_427 = tpu.vector_load %arg12[%get3A_424, %get3A_425, %get3A_426] {strides = array<i32>} : memref<2x80x64xi32, #tpu.memory_space<vmem>>, vector<16xi32>,
        %bitcast3A_428 = vector.bitcast %get3A_427 : vector<16xi32> to vector<32xbf16>
        %unpack3A_429 = tpu.unpack_subelements %bitcast3A_416, 0 {pack_format = #tpu.pack_format<interleaved>} : vector<32xbf16> -> vector<16xf32>
        %unpack3A_430 = tpu.unpack_subelements %bitcast3A_416, 1 {pack_format = #tpu.pack_format<interleaved>} : vector<32xbf16> -> vector<16xf32>
        %unpack3A_431 = tpu.unpack_subelements %bitcast3A_422, 0 {pack_format = #tpu.pack_format<interleaved>} : vector<32xbf16> -> vector<16xf32>
        %unpack3A_432 = tpu.unpack_subelements %bitcast3A_422, 1 {pack_format = #tpu.pack_format<interleaved>} : vector<32xbf16> -> vector<16xf32>
        %unpack3A_433 = tpu.unpack_subelements %bitcast3A_428, 0 {pack_format = #tpu.pack_format<interleaved>} : vector<32xbf16> -> vector<16xf32>
        %unpack3A_434 = tpu.unpack_subelements %bitcast3A_428, 1 {pack_format = #tpu.pack_format<interleaved>} : vector<32xbf16> -> vector<16xf32>
        %mul3A_435 = arith.mulf %unpack3A_429, %unpack3A_431 : vector<16xf32>
        %mul3A_436 = arith.mulf %mul3A_435, %unpack3A_433 : vector<16xf32>
        %add3A_437 = arith.addf %add3A_410, %mul3A_436 : vector<16xf32>
        %mul3A_438 = arith.mulf %unpack3A_430, %unpack3A_432 : vector<16xf32>
        %mul3A_439 = arith.mulf %mul3A_438, %unpack3A_434 : vector<16xf32>
        %add3A_440 = arith.addf %add3A_437, %mul3A_439 : vector<16xf32>
        %get3A_441 = arith.constant 0 : i32
        %get3A_442 = arith.index_cast %get3A_441 : i32 to index
        %get3A_443 = arith.index_cast %add3A_348 : i32 to index
        %get3A_444 = arith.constant 48 : index
        %get3A_445 = tpu.vector_load %arg11[%get3A_442, %get3A_443, %get3A_444] {strides = array<i32>} : memref<2x80x64xi32, #tpu.memory_space<vmem>>, vector<16xi32>,
        %bitcast3A_446 = vector.bitcast %get3A_445 : vector<16xi32> to vector<32xbf16>
        %get3A_447 = arith.constant 0 : i32
        %get3A_448 = arith.index_cast %get3A_447 : i32 to index
        %get3A_449 = arith.index_cast %add3A_348 : i32 to index
        %get3A_450 = arith.constant 48 : index
        %get3A_451 = tpu.vector_load %arg13[%get3A_448, %get3A_449, %get3A_450] {strides = array<i32>} : memref<2x80x64xi32, #tpu.memory_space<vmem>>, vector<16xi32>,
        %bitcast3A_452 = vector.bitcast %get3A_451 : vector<16xi32> to vector<32xbf16>
        %get3A_453 = arith.constant 0 : i32
        %get3A_454 = arith.index_cast %get3A_453 : i32 to index
        %get3A_455 = arith.index_cast %add3A_348 : i32 to index
        %get3A_456 = arith.constant 48 : index
        %get3A_457 = tpu.vector_load %arg12[%get3A_454, %get3A_455, %get3A_456] {strides = array<i32>} : memref<2x80x64xi32, #tpu.memory_space<vmem>>, vector<16xi32>,
        %bitcast3A_458 = vector.bitcast %get3A_457 : vector<16xi32> to vector<32xbf16>
        %unpack3A_459 = tpu.unpack_subelements %bitcast3A_446, 0 {pack_format = #tpu.pack_format<interleaved>} : vector<32xbf16> -> vector<16xf32>
        %unpack3A_460 = tpu.unpack_subelements %bitcast3A_446, 1 {pack_format = #tpu.pack_format<interleaved>} : vector<32xbf16> -> vector<16xf32>
        %unpack3A_461 = tpu.unpack_subelements %bitcast3A_452, 0 {pack_format = #tpu.pack_format<interleaved>} : vector<32xbf16> -> vector<16xf32>
        %unpack3A_462 = tpu.unpack_subelements %bitcast3A_452, 1 {pack_format = #tpu.pack_format<interleaved>} : vector<32xbf16> -> vector<16xf32>
        %unpack3A_463 = tpu.unpack_subelements %bitcast3A_458, 0 {pack_format = #tpu.pack_format<interleaved>} : vector<32xbf16> -> vector<16xf32>
        %unpack3A_464 = tpu.unpack_subelements %bitcast3A_458, 1 {pack_format = #tpu.pack_format<interleaved>} : vector<32xbf16> -> vector<16xf32>
        %mul3A_465 = arith.mulf %unpack3A_459, %unpack3A_461 : vector<16xf32>
        %mul3A_466 = arith.mulf %mul3A_465, %unpack3A_463 : vector<16xf32>
        %add3A_467 = arith.addf %add3A_440, %mul3A_466 : vector<16xf32>
        %mul3A_468 = arith.mulf %unpack3A_460, %unpack3A_462 : vector<16xf32>
        %mul3A_469 = arith.mulf %mul3A_468, %unpack3A_464 : vector<16xf32>
        %add3A_470 = arith.addf %add3A_467, %mul3A_469 : vector<16xf32>
        %mul3A_471 = arith.constant 8 : i32
        %mul3A_472 = arith.muli %scan3A_208, %mul3A_471 : i32
        %add3A_473 = arith.constant 1 : i32
        %add3A_474 = arith.addi %mul3A_472, %add3A_473 : i32
        %eq3A_475 = vector.broadcast %add3A_474 : i32 to vector<16xi32>
        %eq3A_476 = arith.cmpi eq, %iota3A, %eq3A_475 : vector<16xi32>
        %reduce_sum3A_477 = arith.constant true
        %reduce_sum3A_478 = vector.broadcast %reduce_sum3A_477 : i1 to vector<16xi1>
        %reduce_sum3A_479 = tpu.scan <sum>, %add3A_470 masked %reduce_sum3A_478 : vector<16xf32>, vector<16xi1> -> vector<16xf32>
        %reduce_sum3A_480 = vector.extract %reduce_sum3A_479[15] : f32 from vector<16xf32>
        %broadcast_in_dim3A_481 = vector.broadcast %reduce_sum3A_480 : f32 to vector<16xf32>
        %select_n3A_482 = arith.select %eq3A_476, %broadcast_in_dim3A_481, %select_n3A : vector<16xi1>, vector<16xf32>
        %mul3A_483 = arith.constant 8 : i32
        %mul3A_484 = arith.muli %scan3A_208, %mul3A_483 : i32
        %add3A_485 = arith.addi %mul3A_198, %mul3A_484 : i32
        %add3A_486 = arith.constant 2 : i32
        %add3A_487 = arith.addi %add3A_485, %add3A_486 : i32
        %broadcast_in_dim3A_488 = arith.constant 0.000000e+00 : f32
        %broadcast_in_dim3A_489 = vector.broadcast %broadcast_in_dim3A_488 : f32 to vector<16xf32>
        %get3A_490 = arith.constant 0 : i32
        %get3A_491 = arith.index_cast %get3A_490 : i32 to index
        %get3A_492 = arith.index_cast %add3A_487 : i32 to index
        %get3A_493 = arith.constant 0 : index
        %get3A_494 = tpu.vector_load %arg11[%get3A_491, %get3A_492, %get3A_493] {strides = array<i32>} : memref<2x80x64xi32, #tpu.memory_space<vmem>>, vector<16xi32>,
        %bitcast3A_495 = vector.bitcast %get3A_494 : vector<16xi32> to vector<32xbf16>
        %get3A_496 = arith.constant 0 : i32
        %get3A_497 = arith.index_cast %get3A_496 : i32 to index
        %get3A_498 = arith.index_cast %add3A_487 : i32 to index
        %get3A_499 = arith.constant 0 : index
        %get3A_500 = tpu.vector_load %arg13[%get3A_497, %get3A_498, %get3A_499] {strides = array<i32>} : memref<2x80x64xi32, #tpu.memory_space<vmem>>, vector<16xi32>,
        %bitcast3A_501 = vector.bitcast %get3A_500 : vector<16xi32> to vector<32xbf16>
        %get3A_502 = arith.constant 0 : i32
        %get3A_503 = arith.index_cast %get3A_502 : i32 to index
        %get3A_504 = arith.index_cast %add3A_487 : i32 to index
        %get3A_505 = arith.constant 0 : index
        %get3A_506 = tpu.vector_load %arg12[%get3A_503, %get3A_504, %get3A_505] {strides = array<i32>} : memref<2x80x64xi32, #tpu.memory_space<vmem>>, vector<16xi32>,
        %bitcast3A_507 = vector.bitcast %get3A_506 : vector<16xi32> to vector<32xbf16>
        %unpack3A_508 = tpu.unpack_subelements %bitcast3A_495, 0 {pack_format = #tpu.pack_format<interleaved>} : vector<32xbf16> -> vector<16xf32>
        %unpack3A_509 = tpu.unpack_subelements %bitcast3A_495, 1 {pack_format = #tpu.pack_format<interleaved>} : vector<32xbf16> -> vector<16xf32>
        %unpack3A_510 = tpu.unpack_subelements %bitcast3A_501, 0 {pack_format = #tpu.pack_format<interleaved>} : vector<32xbf16> -> vector<16xf32>
        %unpack3A_511 = tpu.unpack_subelements %bitcast3A_501, 1 {pack_format = #tpu.pack_format<interleaved>} : vector<32xbf16> -> vector<16xf32>
        %unpack3A_512 = tpu.unpack_subelements %bitcast3A_507, 0 {pack_format = #tpu.pack_format<interleaved>} : vector<32xbf16> -> vector<16xf32>
        %unpack3A_513 = tpu.unpack_subelements %bitcast3A_507, 1 {pack_format = #tpu.pack_format<interleaved>} : vector<32xbf16> -> vector<16xf32>
        %mul3A_514 = arith.mulf %unpack3A_508, %unpack3A_510 : vector<16xf32>
        %mul3A_515 = arith.mulf %mul3A_514, %unpack3A_512 : vector<16xf32>
        %add3A_516 = arith.addf %broadcast_in_dim3A_489, %mul3A_515 : vector<16xf32>
        %mul3A_517 = arith.mulf %unpack3A_509, %unpack3A_511 : vector<16xf32>
        %mul3A_518 = arith.mulf %mul3A_517, %unpack3A_513 : vector<16xf32>
        %add3A_519 = arith.addf %add3A_516, %mul3A_518 : vector<16xf32>
        %get3A_520 = arith.constant 0 : i32
        %get3A_521 = arith.index_cast %get3A_520 : i32 to index
        %get3A_522 = arith.index_cast %add3A_487 : i32 to index
        %get3A_523 = arith.constant 16 : index
        %get3A_524 = tpu.vector_load %arg11[%get3A_521, %get3A_522, %get3A_523] {strides = array<i32>} : memref<2x80x64xi32, #tpu.memory_space<vmem>>, vector<16xi32>,
        %bitcast3A_525 = vector.bitcast %get3A_524 : vector<16xi32> to vector<32xbf16>
        %get3A_526 = arith.constant 0 : i32
        %get3A_527 = arith.index_cast %get3A_526 : i32 to index
        %get3A_528 = arith.index_cast %add3A_487 : i32 to index
        %get3A_529 = arith.constant 16 : index
        %get3A_530 = tpu.vector_load %arg13[%get3A_527, %get3A_528, %get3A_529] {strides = array<i32>} : memref<2x80x64xi32, #tpu.memory_space<vmem>>, vector<16xi32>,
        %bitcast3A_531 = vector.bitcast %get3A_530 : vector<16xi32> to vector<32xbf16>
        %get3A_532 = arith.constant 0 : i32
        %get3A_533 = arith.index_cast %get3A_532 : i32 to index
        %get3A_534 = arith.index_cast %add3A_487 : i32 to index
        %get3A_535 = arith.constant 16 : index
        %get3A_536 = tpu.vector_load %arg12[%get3A_533, %get3A_534, %get3A_535] {strides = array<i32>} : memref<2x80x64xi32, #tpu.memory_space<vmem>>, vector<16xi32>,
        %bitcast3A_537 = vector.bitcast %get3A_536 : vector<16xi32> to vector<32xbf16>
        %unpack3A_538 = tpu.unpack_subelements %bitcast3A_525, 0 {pack_format = #tpu.pack_format<interleaved>} : vector<32xbf16> -> vector<16xf32>
        %unpack3A_539 = tpu.unpack_subelements %bitcast3A_525, 1 {pack_format = #tpu.pack_format<interleaved>} : vector<32xbf16> -> vector<16xf32>
        %unpack3A_540 = tpu.unpack_subelements %bitcast3A_531, 0 {pack_format = #tpu.pack_format<interleaved>} : vector<32xbf16> -> vector<16xf32>
        %unpack3A_541 = tpu.unpack_subelements %bitcast3A_531, 1 {pack_format = #tpu.pack_format<interleaved>} : vector<32xbf16> -> vector<16xf32>
        %unpack3A_542 = tpu.unpack_subelements %bitcast3A_537, 0 {pack_format = #tpu.pack_format<interleaved>} : vector<32xbf16> -> vector<16xf32>
        %unpack3A_543 = tpu.unpack_subelements %bitcast3A_537, 1 {pack_format = #tpu.pack_format<interleaved>} : vector<32xbf16> -> vector<16xf32>
        %mul3A_544 = arith.mulf %unpack3A_538, %unpack3A_540 : vector<16xf32>
        %mul3A_545 = arith.mulf %mul3A_544, %unpack3A_542 : vector<16xf32>
        %add3A_546 = arith.addf %add3A_519, %mul3A_545 : vector<16xf32>
        %mul3A_547 = arith.mulf %unpack3A_539, %unpack3A_541 : vector<16xf32>
        %mul3A_548 = arith.mulf %mul3A_547, %unpack3A_543 : vector<16xf32>
        %add3A_549 = arith.addf %add3A_546, %mul3A_548 : vector<16xf32>
        %get3A_550 = arith.constant 0 : i32
        %get3A_551 = arith.index_cast %get3A_550 : i32 to index
        %get3A_552 = arith.index_cast %add3A_487 : i32 to index
        %get3A_553 = arith.constant 32 : index
        %get3A_554 = tpu.vector_load %arg11[%get3A_551, %get3A_552, %get3A_553] {strides = array<i32>} : memref<2x80x64xi32, #tpu.memory_space<vmem>>, vector<16xi32>,
        %bitcast3A_555 = vector.bitcast %get3A_554 : vector<16xi32> to vector<32xbf16>
        %get3A_556 = arith.constant 0 : i32
        %get3A_557 = arith.index_cast %get3A_556 : i32 to index
        %get3A_558 = arith.index_cast %add3A_487 : i32 to index
        %get3A_559 = arith.constant 32 : index
        %get3A_560 = tpu.vector_load %arg13[%get3A_557, %get3A_558, %get3A_559] {strides = array<i32>} : memref<2x80x64xi32, #tpu.memory_space<vmem>>, vector<16xi32>,
        %bitcast3A_561 = vector.bitcast %get3A_560 : vector<16xi32> to vector<32xbf16>
        %get3A_562 = arith.constant 0 : i32
        %get3A_563 = arith.index_cast %get3A_562 : i32 to index
        %get3A_564 = arith.index_cast %add3A_487 : i32 to index
        %get3A_565 = arith.constant 32 : index
        %get3A_566 = tpu.vector_load %arg12[%get3A_563, %get3A_564, %get3A_565] {strides = array<i32>} : memref<2x80x64xi32, #tpu.memory_space<vmem>>, vector<16xi32>,
        %bitcast3A_567 = vector.bitcast %get3A_566 : vector<16xi32> to vector<32xbf16>
        %unpack3A_568 = tpu.unpack_subelements %bitcast3A_555, 0 {pack_format = #tpu.pack_format<interleaved>} : vector<32xbf16> -> vector<16xf32>
        %unpack3A_569 = tpu.unpack_subelements %bitcast3A_555, 1 {pack_format = #tpu.pack_format<interleaved>} : vector<32xbf16> -> vector<16xf32>
        %unpack3A_570 = tpu.unpack_subelements %bitcast3A_561, 0 {pack_format = #tpu.pack_format<interleaved>} : vector<32xbf16> -> vector<16xf32>
        %unpack3A_571 = tpu.unpack_subelements %bitcast3A_561, 1 {pack_format = #tpu.pack_format<interleaved>} : vector<32xbf16> -> vector<16xf32>
        %unpack3A_572 = tpu.unpack_subelements %bitcast3A_567, 0 {pack_format = #tpu.pack_format<interleaved>} : vector<32xbf16> -> vector<16xf32>
        %unpack3A_573 = tpu.unpack_subelements %bitcast3A_567, 1 {pack_format = #tpu.pack_format<interleaved>} : vector<32xbf16> -> vector<16xf32>
        %mul3A_574 = arith.mulf %unpack3A_568, %unpack3A_570 : vector<16xf32>
        %mul3A_575 = arith.mulf %mul3A_574, %unpack3A_572 : vector<16xf32>
        %add3A_576 = arith.addf %add3A_549, %mul3A_575 : vector<16xf32>
        %mul3A_577 = arith.mulf %unpack3A_569, %unpack3A_571 : vector<16xf32>
        %mul3A_578 = arith.mulf %mul3A_577, %unpack3A_573 : vector<16xf32>
        %add3A_579 = arith.addf %add3A_576, %mul3A_578 : vector<16xf32>
        %get3A_580 = arith.constant 0 : i32
        %get3A_581 = arith.index_cast %get3A_580 : i32 to index
        %get3A_582 = arith.index_cast %add3A_487 : i32 to index
        %get3A_583 = arith.constant 48 : index
        %get3A_584 = tpu.vector_load %arg11[%get3A_581, %get3A_582, %get3A_583] {strides = array<i32>} : memref<2x80x64xi32, #tpu.memory_space<vmem>>, vector<16xi32>,
        %bitcast3A_585 = vector.bitcast %get3A_584 : vector<16xi32> to vector<32xbf16>
        %get3A_586 = arith.constant 0 : i32
        %get3A_587 = arith.index_cast %get3A_586 : i32 to index
        %get3A_588 = arith.index_cast %add3A_487 : i32 to index
        %get3A_589 = arith.constant 48 : index
        %get3A_590 = tpu.vector_load %arg13[%get3A_587, %get3A_588, %get3A_589] {strides = array<i32>} : memref<2x80x64xi32, #tpu.memory_space<vmem>>, vector<16xi32>,
        %bitcast3A_591 = vector.bitcast %get3A_590 : vector<16xi32> to vector<32xbf16>
        %get3A_592 = arith.constant 0 : i32
        %get3A_593 = arith.index_cast %get3A_592 : i32 to index
        %get3A_594 = arith.index_cast %add3A_487 : i32 to index
        %get3A_595 = arith.constant 48 : index
        %get3A_596 = tpu.vector_load %arg12[%get3A_593, %get3A_594, %get3A_595] {strides = array<i32>} : memref<2x80x64xi32, #tpu.memory_space<vmem>>, vector<16xi32>,
        %bitcast3A_597 = vector.bitcast %get3A_596 : vector<16xi32> to vector<32xbf16>
        %unpack3A_598 = tpu.unpack_subelements %bitcast3A_585, 0 {pack_format = #tpu.pack_format<interleaved>} : vector<32xbf16> -> vector<16xf32>
        %unpack3A_599 = tpu.unpack_subelements %bitcast3A_585, 1 {pack_format = #tpu.pack_format<interleaved>} : vector<32xbf16> -> vector<16xf32>
        %unpack3A_600 = tpu.unpack_subelements %bitcast3A_591, 0 {pack_format = #tpu.pack_format<interleaved>} : vector<32xbf16> -> vector<16xf32>
        %unpack3A_601 = tpu.unpack_subelements %bitcast3A_591, 1 {pack_format = #tpu.pack_format<interleaved>} : vector<32xbf16> -> vector<16xf32>
        %unpack3A_602 = tpu.unpack_subelements %bitcast3A_597, 0 {pack_format = #tpu.pack_format<interleaved>} : vector<32xbf16> -> vector<16xf32>
        %unpack3A_603 = tpu.unpack_subelements %bitcast3A_597, 1 {pack_format = #tpu.pack_format<interleaved>} : vector<32xbf16> -> vector<16xf32>
        %mul3A_604 = arith.mulf %unpack3A_598, %unpack3A_600 : vector<16xf32>
        %mul3A_605 = arith.mulf %mul3A_604, %unpack3A_602 : vector<16xf32>
        %add3A_606 = arith.addf %add3A_579, %mul3A_605 : vector<16xf32>
        %mul3A_607 = arith.mulf %unpack3A_599, %unpack3A_601 : vector<16xf32>
        %mul3A_608 = arith.mulf %mul3A_607, %unpack3A_603 : vector<16xf32>
        %add3A_609 = arith.addf %add3A_606, %mul3A_608 : vector<16xf32>
        %mul3A_610 = arith.constant 8 : i32
        %mul3A_611 = arith.muli %scan3A_208, %mul3A_610 : i32
        %add3A_612 = arith.constant 2 : i32
        %add3A_613 = arith.addi %mul3A_611, %add3A_612 : i32
        %eq3A_614 = vector.broadcast %add3A_613 : i32 to vector<16xi32>
        %eq3A_615 = arith.cmpi eq, %iota3A, %eq3A_614 : vector<16xi32>
        %reduce_sum3A_616 = arith.constant true
        %reduce_sum3A_617 = vector.broadcast %reduce_sum3A_616 : i1 to vector<16xi1>
        %reduce_sum3A_618 = tpu.scan <sum>, %add3A_609 masked %reduce_sum3A_617 : vector<16xf32>, vector<16xi1> -> vector<16xf32>
        %reduce_sum3A_619 = vector.extract %reduce_sum3A_618[15] : f32 from vector<16xf32>
        %broadcast_in_dim3A_620 = vector.broadcast %reduce_sum3A_619 : f32 to vector<16xf32>
        %select_n3A_621 = arith.select %eq3A_615, %broadcast_in_dim3A_620, %select_n3A_482 : vector<16xi1>, vector<16xf32>
        %mul3A_622 = arith.constant 8 : i32
        %mul3A_623 = arith.muli %scan3A_208, %mul3A_622 : i32
        %add3A_624 = arith.addi %mul3A_198, %mul3A_623 : i32
        %add3A_625 = arith.constant 3 : i32
        %add3A_626 = arith.addi %add3A_624, %add3A_625 : i32
        %broadcast_in_dim3A_627 = arith.constant 0.000000e+00 : f32
        %broadcast_in_dim3A_628 = vector.broadcast %broadcast_in_dim3A_627 : f32 to vector<16xf32>
        %get3A_629 = arith.constant 0 : i32
        %get3A_630 = arith.index_cast %get3A_629 : i32 to index
        %get3A_631 = arith.index_cast %add3A_626 : i32 to index
        %get3A_632 = arith.constant 0 : index
        %get3A_633 = tpu.vector_load %arg11[%get3A_630, %get3A_631, %get3A_632] {strides = array<i32>} : memref<2x80x64xi32, #tpu.memory_space<vmem>>, vector<16xi32>,
        %bitcast3A_634 = vector.bitcast %get3A_633 : vector<16xi32> to vector<32xbf16>
        %get3A_635 = arith.constant 0 : i32
        %get3A_636 = arith.index_cast %get3A_635 : i32 to index
        %get3A_637 = arith.index_cast %add3A_626 : i32 to index
        %get3A_638 = arith.constant 0 : index
        %get3A_639 = tpu.vector_load %arg13[%get3A_636, %get3A_637, %get3A_638] {strides = array<i32>} : memref<2x80x64xi32, #tpu.memory_space<vmem>>, vector<16xi32>,
        %bitcast3A_640 = vector.bitcast %get3A_639 : vector<16xi32> to vector<32xbf16>
        %get3A_641 = arith.constant 0 : i32
        %get3A_642 = arith.index_cast %get3A_641 : i32 to index
        %get3A_643 = arith.index_cast %add3A_626 : i32 to index
        %get3A_644 = arith.constant 0 : index
        %get3A_645 = tpu.vector_load %arg12[%get3A_642, %get3A_643, %get3A_644] {strides = array<i32>} : memref<2x80x64xi32, #tpu.memory_space<vmem>>, vector<16xi32>,
        %bitcast3A_646 = vector.bitcast %get3A_645 : vector<16xi32> to vector<32xbf16>
        %unpack3A_647 = tpu.unpack_subelements %bitcast3A_634, 0 {pack_format = #tpu.pack_format<interleaved>} : vector<32xbf16> -> vector<16xf32>
        %unpack3A_648 = tpu.unpack_subelements %bitcast3A_634, 1 {pack_format = #tpu.pack_format<interleaved>} : vector<32xbf16> -> vector<16xf32>
        %unpack3A_649 = tpu.unpack_subelements %bitcast3A_640, 0 {pack_format = #tpu.pack_format<interleaved>} : vector<32xbf16> -> vector<16xf32>
        %unpack3A_650 = tpu.unpack_subelements %bitcast3A_640, 1 {pack_format = #tpu.pack_format<interleaved>} : vector<32xbf16> -> vector<16xf32>
        %unpack3A_651 = tpu.unpack_subelements %bitcast3A_646, 0 {pack_format = #tpu.pack_format<interleaved>} : vector<32xbf16> -> vector<16xf32>
        %unpack3A_652 = tpu.unpack_subelements %bitcast3A_646, 1 {pack_format = #tpu.pack_format<interleaved>} : vector<32xbf16> -> vector<16xf32>
        %mul3A_653 = arith.mulf %unpack3A_647, %unpack3A_649 : vector<16xf32>
        %mul3A_654 = arith.mulf %mul3A_653, %unpack3A_651 : vector<16xf32>
        %add3A_655 = arith.addf %broadcast_in_dim3A_628, %mul3A_654 : vector<16xf32>
        %mul3A_656 = arith.mulf %unpack3A_648, %unpack3A_650 : vector<16xf32>
        %mul3A_657 = arith.mulf %mul3A_656, %unpack3A_652 : vector<16xf32>
        %add3A_658 = arith.addf %add3A_655, %mul3A_657 : vector<16xf32>
        %get3A_659 = arith.constant 0 : i32
        %get3A_660 = arith.index_cast %get3A_659 : i32 to index
        %get3A_661 = arith.index_cast %add3A_626 : i32 to index
        %get3A_662 = arith.constant 16 : index
        %get3A_663 = tpu.vector_load %arg11[%get3A_660, %get3A_661, %get3A_662] {strides = array<i32>} : memref<2x80x64xi32, #tpu.memory_space<vmem>>, vector<16xi32>,
        %bitcast3A_664 = vector.bitcast %get3A_663 : vector<16xi32> to vector<32xbf16>
        %get3A_665 = arith.constant 0 : i32
        %get3A_666 = arith.index_cast %get3A_665 : i32 to index
        %get3A_667 = arith.index_cast %add3A_626 : i32 to index
        %get3A_668 = arith.constant 16 : index
        %get3A_669 = tpu.vector_load %arg13[%get3A_666, %get3A_667, %get3A_668] {strides = array<i32>} : memref<2x80x64xi32, #tpu.memory_space<vmem>>, vector<16xi32>,
        %bitcast3A_670 = vector.bitcast %get3A_669 : vector<16xi32> to vector<32xbf16>
        %get3A_671 = arith.constant 0 : i32
        %get3A_672 = arith.index_cast %get3A_671 : i32 to index
        %get3A_673 = arith.index_cast %add3A_626 : i32 to index
        %get3A_674 = arith.constant 16 : index
        %get3A_675 = tpu.vector_load %arg12[%get3A_672, %get3A_673, %get3A_674] {strides = array<i32>} : memref<2x80x64xi32, #tpu.memory_space<vmem>>, vector<16xi32>,
        %bitcast3A_676 = vector.bitcast %get3A_675 : vector<16xi32> to vector<32xbf16>
        %unpack3A_677 = tpu.unpack_subelements %bitcast3A_664, 0 {pack_format = #tpu.pack_format<interleaved>} : vector<32xbf16> -> vector<16xf32>
        %unpack3A_678 = tpu.unpack_subelements %bitcast3A_664, 1 {pack_format = #tpu.pack_format<interleaved>} : vector<32xbf16> -> vector<16xf32>
        %unpack3A_679 = tpu.unpack_subelements %bitcast3A_670, 0 {pack_format = #tpu.pack_format<interleaved>} : vector<32xbf16> -> vector<16xf32>
        %unpack3A_680 = tpu.unpack_subelements %bitcast3A_670, 1 {pack_format = #tpu.pack_format<interleaved>} : vector<32xbf16> -> vector<16xf32>
        %unpack3A_681 = tpu.unpack_subelements %bitcast3A_676, 0 {pack_format = #tpu.pack_format<interleaved>} : vector<32xbf16> -> vector<16xf32>
        %unpack3A_682 = tpu.unpack_subelements %bitcast3A_676, 1 {pack_format = #tpu.pack_format<interleaved>} : vector<32xbf16> -> vector<16xf32>
        %mul3A_683 = arith.mulf %unpack3A_677, %unpack3A_679 : vector<16xf32>
        %mul3A_684 = arith.mulf %mul3A_683, %unpack3A_681 : vector<16xf32>
        %add3A_685 = arith.addf %add3A_658, %mul3A_684 : vector<16xf32>
        %mul3A_686 = arith.mulf %unpack3A_678, %unpack3A_680 : vector<16xf32>
        %mul3A_687 = arith.mulf %mul3A_686, %unpack3A_682 : vector<16xf32>
        %add3A_688 = arith.addf %add3A_685, %mul3A_687 : vector<16xf32>
        %get3A_689 = arith.constant 0 : i32
        %get3A_690 = arith.index_cast %get3A_689 : i32 to index
        %get3A_691 = arith.index_cast %add3A_626 : i32 to index
        %get3A_692 = arith.constant 32 : index
        %get3A_693 = tpu.vector_load %arg11[%get3A_690, %get3A_691, %get3A_692] {strides = array<i32>} : memref<2x80x64xi32, #tpu.memory_space<vmem>>, vector<16xi32>,
        %bitcast3A_694 = vector.bitcast %get3A_693 : vector<16xi32> to vector<32xbf16>
        %get3A_695 = arith.constant 0 : i32
        %get3A_696 = arith.index_cast %get3A_695 : i32 to index
        %get3A_697 = arith.index_cast %add3A_626 : i32 to index
        %get3A_698 = arith.constant 32 : index
        %get3A_699 = tpu.vector_load %arg13[%get3A_696, %get3A_697, %get3A_698] {strides = array<i32>} : memref<2x80x64xi32, #tpu.memory_space<vmem>>, vector<16xi32>,
        %bitcast3A_700 = vector.bitcast %get3A_699 : vector<16xi32> to vector<32xbf16>
        %get3A_701 = arith.constant 0 : i32
        %get3A_702 = arith.index_cast %get3A_701 : i32 to index
        %get3A_703 = arith.index_cast %add3A_626 : i32 to index
        %get3A_704 = arith.constant 32 : index
        %get3A_705 = tpu.vector_load %arg12[%get3A_702, %get3A_703, %get3A_704] {strides = array<i32>} : memref<2x80x64xi32, #tpu.memory_space<vmem>>, vector<16xi32>,
        %bitcast3A_706 = vector.bitcast %get3A_705 : vector<16xi32> to vector<32xbf16>
        %unpack3A_707 = tpu.unpack_subelements %bitcast3A_694, 0 {pack_format = #tpu.pack_format<interleaved>} : vector<32xbf16> -> vector<16xf32>
        %unpack3A_708 = tpu.unpack_subelements %bitcast3A_694, 1 {pack_format = #tpu.pack_format<interleaved>} : vector<32xbf16> -> vector<16xf32>
        %unpack3A_709 = tpu.unpack_subelements %bitcast3A_700, 0 {pack_format = #tpu.pack_format<interleaved>} : vector<32xbf16> -> vector<16xf32>
        %unpack3A_710 = tpu.unpack_subelements %bitcast3A_700, 1 {pack_format = #tpu.pack_format<interleaved>} : vector<32xbf16> -> vector<16xf32>
        %unpack3A_711 = tpu.unpack_subelements %bitcast3A_706, 0 {pack_format = #tpu.pack_format<interleaved>} : vector<32xbf16> -> vector<16xf32>
        %unpack3A_712 = tpu.unpack_subelements %bitcast3A_706, 1 {pack_format = #tpu.pack_format<interleaved>} : vector<32xbf16> -> vector<16xf32>
        %mul3A_713 = arith.mulf %unpack3A_707, %unpack3A_709 : vector<16xf32>
        %mul3A_714 = arith.mulf %mul3A_713, %unpack3A_711 : vector<16xf32>
        %add3A_715 = arith.addf %add3A_688, %mul3A_714 : vector<16xf32>
        %mul3A_716 = arith.mulf %unpack3A_708, %unpack3A_710 : vector<16xf32>
        %mul3A_717 = arith.mulf %mul3A_716, %unpack3A_712 : vector<16xf32>
        %add3A_718 = arith.addf %add3A_715, %mul3A_717 : vector<16xf32>
        %get3A_719 = arith.constant 0 : i32
        %get3A_720 = arith.index_cast %get3A_719 : i32 to index
        %get3A_721 = arith.index_cast %add3A_626 : i32 to index
        %get3A_722 = arith.constant 48 : index
        %get3A_723 = tpu.vector_load %arg11[%get3A_720, %get3A_721, %get3A_722] {strides = array<i32>} : memref<2x80x64xi32, #tpu.memory_space<vmem>>, vector<16xi32>,
        %bitcast3A_724 = vector.bitcast %get3A_723 : vector<16xi32> to vector<32xbf16>
        %get3A_725 = arith.constant 0 : i32
        %get3A_726 = arith.index_cast %get3A_725 : i32 to index
        %get3A_727 = arith.index_cast %add3A_626 : i32 to index
        %get3A_728 = arith.constant 48 : index
        %get3A_729 = tpu.vector_load %arg13[%get3A_726, %get3A_727, %get3A_728] {strides = array<i32>} : memref<2x80x64xi32, #tpu.memory_space<vmem>>, vector<16xi32>,
        %bitcast3A_730 = vector.bitcast %get3A_729 : vector<16xi32> to vector<32xbf16>
        %get3A_731 = arith.constant 0 : i32
        %get3A_732 = arith.index_cast %get3A_731 : i32 to index
        %get3A_733 = arith.index_cast %add3A_626 : i32 to index
        %get3A_734 = arith.constant 48 : index
        %get3A_735 = tpu.vector_load %arg12[%get3A_732, %get3A_733, %get3A_734] {strides = array<i32>} : memref<2x80x64xi32, #tpu.memory_space<vmem>>, vector<16xi32>,
        %bitcast3A_736 = vector.bitcast %get3A_735 : vector<16xi32> to vector<32xbf16>
        %unpack3A_737 = tpu.unpack_subelements %bitcast3A_724, 0 {pack_format = #tpu.pack_format<interleaved>} : vector<32xbf16> -> vector<16xf32>
        %unpack3A_738 = tpu.unpack_subelements %bitcast3A_724, 1 {pack_format = #tpu.pack_format<interleaved>} : vector<32xbf16> -> vector<16xf32>
        %unpack3A_739 = tpu.unpack_subelements %bitcast3A_730, 0 {pack_format = #tpu.pack_format<interleaved>} : vector<32xbf16> -> vector<16xf32>
        %unpack3A_740 = tpu.unpack_subelements %bitcast3A_730, 1 {pack_format = #tpu.pack_format<interleaved>} : vector<32xbf16> -> vector<16xf32>
        %unpack3A_741 = tpu.unpack_subelements %bitcast3A_736, 0 {pack_format = #tpu.pack_format<interleaved>} : vector<32xbf16> -> vector<16xf32>
        %unpack3A_742 = tpu.unpack_subelements %bitcast3A_736, 1 {pack_format = #tpu.pack_format<interleaved>} : vector<32xbf16> -> vector<16xf32>
        %mul3A_743 = arith.mulf %unpack3A_737, %unpack3A_739 : vector<16xf32>
        %mul3A_744 = arith.mulf %mul3A_743, %unpack3A_741 : vector<16xf32>
        %add3A_745 = arith.addf %add3A_718, %mul3A_744 : vector<16xf32>
        %mul3A_746 = arith.mulf %unpack3A_738, %unpack3A_740 : vector<16xf32>
        %mul3A_747 = arith.mulf %mul3A_746, %unpack3A_742 : vector<16xf32>
        %add3A_748 = arith.addf %add3A_745, %mul3A_747 : vector<16xf32>
        %mul3A_749 = arith.constant 8 : i32
        %mul3A_750 = arith.muli %scan3A_208, %mul3A_749 : i32
        %add3A_751 = arith.constant 3 : i32
        %add3A_752 = arith.addi %mul3A_750, %add3A_751 : i32
        %eq3A_753 = vector.broadcast %add3A_752 : i32 to vector<16xi32>
        %eq3A_754 = arith.cmpi eq, %iota3A, %eq3A_753 : vector<16xi32>
        %reduce_sum3A_755 = arith.constant true
        %reduce_sum3A_756 = vector.broadcast %reduce_sum3A_755 : i1 to vector<16xi1>
        %reduce_sum3A_757 = tpu.scan <sum>, %add3A_748 masked %reduce_sum3A_756 : vector<16xf32>, vector<16xi1> -> vector<16xf32>
        %reduce_sum3A_758 = vector.extract %reduce_sum3A_757[15] : f32 from vector<16xf32>
        %broadcast_in_dim3A_759 = vector.broadcast %reduce_sum3A_758 : f32 to vector<16xf32>
        %select_n3A_760 = arith.select %eq3A_754, %broadcast_in_dim3A_759, %select_n3A_621 : vector<16xi1>, vector<16xf32>
        %mul3A_761 = arith.constant 8 : i32
        %mul3A_762 = arith.muli %scan3A_208, %mul3A_761 : i32
        %add3A_763 = arith.addi %mul3A_198, %mul3A_762 : i32
        %add3A_764 = arith.constant 4 : i32
        %add3A_765 = arith.addi %add3A_763, %add3A_764 : i32
        %broadcast_in_dim3A_766 = arith.constant 0.000000e+00 : f32
        %broadcast_in_dim3A_767 = vector.broadcast %broadcast_in_dim3A_766 : f32 to vector<16xf32>
        %get3A_768 = arith.constant 0 : i32
        %get3A_769 = arith.index_cast %get3A_768 : i32 to index
        %get3A_770 = arith.index_cast %add3A_765 : i32 to index
        %get3A_771 = arith.constant 0 : index
        %get3A_772 = tpu.vector_load %arg11[%get3A_769, %get3A_770, %get3A_771] {strides = array<i32>} : memref<2x80x64xi32, #tpu.memory_space<vmem>>, vector<16xi32>,
        %bitcast3A_773 = vector.bitcast %get3A_772 : vector<16xi32> to vector<32xbf16>
        %get3A_774 = arith.constant 0 : i32
        %get3A_775 = arith.index_cast %get3A_774 : i32 to index
        %get3A_776 = arith.index_cast %add3A_765 : i32 to index
        %get3A_777 = arith.constant 0 : index
        %get3A_778 = tpu.vector_load %arg13[%get3A_775, %get3A_776, %get3A_777] {strides = array<i32>} : memref<2x80x64xi32, #tpu.memory_space<vmem>>, vector<16xi32>,
        %bitcast3A_779 = vector.bitcast %get3A_778 : vector<16xi32> to vector<32xbf16>
        %get3A_780 = arith.constant 0 : i32
        %get3A_781 = arith.index_cast %get3A_780 : i32 to index
        %get3A_782 = arith.index_cast %add3A_765 : i32 to index
        %get3A_783 = arith.constant 0 : index
        %get3A_784 = tpu.vector_load %arg12[%get3A_781, %get3A_782, %get3A_783] {strides = array<i32>} : memref<2x80x64xi32, #tpu.memory_space<vmem>>, vector<16xi32>,
        %bitcast3A_785 = vector.bitcast %get3A_784 : vector<16xi32> to vector<32xbf16>
        %unpack3A_786 = tpu.unpack_subelements %bitcast3A_773, 0 {pack_format = #tpu.pack_format<interleaved>} : vector<32xbf16> -> vector<16xf32>
        %unpack3A_787 = tpu.unpack_subelements %bitcast3A_773, 1 {pack_format = #tpu.pack_format<interleaved>} : vector<32xbf16> -> vector<16xf32>
        %unpack3A_788 = tpu.unpack_subelements %bitcast3A_779, 0 {pack_format = #tpu.pack_format<interleaved>} : vector<32xbf16> -> vector<16xf32>
        %unpack3A_789 = tpu.unpack_subelements %bitcast3A_779, 1 {pack_format = #tpu.pack_format<interleaved>} : vector<32xbf16> -> vector<16xf32>
        %unpack3A_790 = tpu.unpack_subelements %bitcast3A_785, 0 {pack_format = #tpu.pack_format<interleaved>} : vector<32xbf16> -> vector<16xf32>
        %unpack3A_791 = tpu.unpack_subelements %bitcast3A_785, 1 {pack_format = #tpu.pack_format<interleaved>} : vector<32xbf16> -> vector<16xf32>
        %mul3A_792 = arith.mulf %unpack3A_786, %unpack3A_788 : vector<16xf32>
        %mul3A_793 = arith.mulf %mul3A_792, %unpack3A_790 : vector<16xf32>
        %add3A_794 = arith.addf %broadcast_in_dim3A_767, %mul3A_793 : vector<16xf32>
        %mul3A_795 = arith.mulf %unpack3A_787, %unpack3A_789 : vector<16xf32>
        %mul3A_796 = arith.mulf %mul3A_795, %unpack3A_791 : vector<16xf32>
        %add3A_797 = arith.addf %add3A_794, %mul3A_796 : vector<16xf32>
        %get3A_798 = arith.constant 0 : i32
        %get3A_799 = arith.index_cast %get3A_798 : i32 to index
        %get3A_800 = arith.index_cast %add3A_765 : i32 to index
        %get3A_801 = arith.constant 16 : index
        %get3A_802 = tpu.vector_load %arg11[%get3A_799, %get3A_800, %get3A_801] {strides = array<i32>} : memref<2x80x64xi32, #tpu.memory_space<vmem>>, vector<16xi32>,
        %bitcast3A_803 = vector.bitcast %get3A_802 : vector<16xi32> to vector<32xbf16>
        %get3A_804 = arith.constant 0 : i32
        %get3A_805 = arith.index_cast %get3A_804 : i32 to index
        %get3A_806 = arith.index_cast %add3A_765 : i32 to index
        %get3A_807 = arith.constant 16 : index
        %get3A_808 = tpu.vector_load %arg13[%get3A_805, %get3A_806, %get3A_807] {strides = array<i32>} : memref<2x80x64xi32, #tpu.memory_space<vmem>>, vector<16xi32>,
        %bitcast3A_809 = vector.bitcast %get3A_808 : vector<16xi32> to vector<32xbf16>
        %get3A_810 = arith.constant 0 : i32
        %get3A_811 = arith.index_cast %get3A_810 : i32 to index
        %get3A_812 = arith.index_cast %add3A_765 : i32 to index
        %get3A_813 = arith.constant 16 : index
        %get3A_814 = tpu.vector_load %arg12[%get3A_811, %get3A_812, %get3A_813] {strides = array<i32>} : memref<2x80x64xi32, #tpu.memory_space<vmem>>, vector<16xi32>,
        %bitcast3A_815 = vector.bitcast %get3A_814 : vector<16xi32> to vector<32xbf16>
        %unpack3A_816 = tpu.unpack_subelements %bitcast3A_803, 0 {pack_format = #tpu.pack_format<interleaved>} : vector<32xbf16> -> vector<16xf32>
        %unpack3A_817 = tpu.unpack_subelements %bitcast3A_803, 1 {pack_format = #tpu.pack_format<interleaved>} : vector<32xbf16> -> vector<16xf32>
        %unpack3A_818 = tpu.unpack_subelements %bitcast3A_809, 0 {pack_format = #tpu.pack_format<interleaved>} : vector<32xbf16> -> vector<16xf32>
        %unpack3A_819 = tpu.unpack_subelements %bitcast3A_809, 1 {pack_format = #tpu.pack_format<interleaved>} : vector<32xbf16> -> vector<16xf32>
        %unpack3A_820 = tpu.unpack_subelements %bitcast3A_815, 0 {pack_format = #tpu.pack_format<interleaved>} : vector<32xbf16> -> vector<16xf32>
        %unpack3A_821 = tpu.unpack_subelements %bitcast3A_815, 1 {pack_format = #tpu.pack_format<interleaved>} : vector<32xbf16> -> vector<16xf32>
        %mul3A_822 = arith.mulf %unpack3A_816, %unpack3A_818 : vector<16xf32>
        %mul3A_823 = arith.mulf %mul3A_822, %unpack3A_820 : vector<16xf32>
        %add3A_824 = arith.addf %add3A_797, %mul3A_823 : vector<16xf32>
        %mul3A_825 = arith.mulf %unpack3A_817, %unpack3A_819 : vector<16xf32>
        %mul3A_826 = arith.mulf %mul3A_825, %unpack3A_821 : vector<16xf32>
        %add3A_827 = arith.addf %add3A_824, %mul3A_826 : vector<16xf32>
        %get3A_828 = arith.constant 0 : i32
        %get3A_829 = arith.index_cast %get3A_828 : i32 to index
        %get3A_830 = arith.index_cast %add3A_765 : i32 to index
        %get3A_831 = arith.constant 32 : index
        %get3A_832 = tpu.vector_load %arg11[%get3A_829, %get3A_830, %get3A_831] {strides = array<i32>} : memref<2x80x64xi32, #tpu.memory_space<vmem>>, vector<16xi32>,
        %bitcast3A_833 = vector.bitcast %get3A_832 : vector<16xi32> to vector<32xbf16>
        %get3A_834 = arith.constant 0 : i32
        %get3A_835 = arith.index_cast %get3A_834 : i32 to index
        %get3A_836 = arith.index_cast %add3A_765 : i32 to index
        %get3A_837 = arith.constant 32 : index
        %get3A_838 = tpu.vector_load %arg13[%get3A_835, %get3A_836, %get3A_837] {strides = array<i32>} : memref<2x80x64xi32, #tpu.memory_space<vmem>>, vector<16xi32>,
        %bitcast3A_839 = vector.bitcast %get3A_838 : vector<16xi32> to vector<32xbf16>
        %get3A_840 = arith.constant 0 : i32
        %get3A_841 = arith.index_cast %get3A_840 : i32 to index
        %get3A_842 = arith.index_cast %add3A_765 : i32 to index
        %get3A_843 = arith.constant 32 : index
        %get3A_844 = tpu.vector_load %arg12[%get3A_841, %get3A_842, %get3A_843] {strides = array<i32>} : memref<2x80x64xi32, #tpu.memory_space<vmem>>, vector<16xi32>,
        %bitcast3A_845 = vector.bitcast %get3A_844 : vector<16xi32> to vector<32xbf16>
        %unpack3A_846 = tpu.unpack_subelements %bitcast3A_833, 0 {pack_format = #tpu.pack_format<interleaved>} : vector<32xbf16> -> vector<16xf32>
        %unpack3A_847 = tpu.unpack_subelements %bitcast3A_833, 1 {pack_format = #tpu.pack_format<interleaved>} : vector<32xbf16> -> vector<16xf32>
        %unpack3A_848 = tpu.unpack_subelements %bitcast3A_839, 0 {pack_format = #tpu.pack_format<interleaved>} : vector<32xbf16> -> vector<16xf32>
        %unpack3A_849 = tpu.unpack_subelements %bitcast3A_839, 1 {pack_format = #tpu.pack_format<interleaved>} : vector<32xbf16> -> vector<16xf32>
        %unpack3A_850 = tpu.unpack_subelements %bitcast3A_845, 0 {pack_format = #tpu.pack_format<interleaved>} : vector<32xbf16> -> vector<16xf32>
        %unpack3A_851 = tpu.unpack_subelements %bitcast3A_845, 1 {pack_format = #tpu.pack_format<interleaved>} : vector<32xbf16> -> vector<16xf32>
        %mul3A_852 = arith.mulf %unpack3A_846, %unpack3A_848 : vector<16xf32>
        %mul3A_853 = arith.mulf %mul3A_852, %unpack3A_850 : vector<16xf32>
        %add3A_854 = arith.addf %add3A_827, %mul3A_853 : vector<16xf32>
        %mul3A_855 = arith.mulf %unpack3A_847, %unpack3A_849 : vector<16xf32>
        %mul3A_856 = arith.mulf %mul3A_855, %unpack3A_851 : vector<16xf32>
        %add3A_857 = arith.addf %add3A_854, %mul3A_856 : vector<16xf32>
        %get3A_858 = arith.constant 0 : i32
        %get3A_859 = arith.index_cast %get3A_858 : i32 to index
        %get3A_860 = arith.index_cast %add3A_765 : i32 to index
        %get3A_861 = arith.constant 48 : index
        %get3A_862 = tpu.vector_load %arg11[%get3A_859, %get3A_860, %get3A_861] {strides = array<i32>} : memref<2x80x64xi32, #tpu.memory_space<vmem>>, vector<16xi32>,
        %bitcast3A_863 = vector.bitcast %get3A_862 : vector<16xi32> to vector<32xbf16>
        %get3A_864 = arith.constant 0 : i32
        %get3A_865 = arith.index_cast %get3A_864 : i32 to index
        %get3A_866 = arith.index_cast %add3A_765 : i32 to index
        %get3A_867 = arith.constant 48 : index
        %get3A_868 = tpu.vector_load %arg13[%get3A_865, %get3A_866, %get3A_867] {strides = array<i32>} : memref<2x80x64xi32, #tpu.memory_space<vmem>>, vector<16xi32>,
        %bitcast3A_869 = vector.bitcast %get3A_868 : vector<16xi32> to vector<32xbf16>
        %get3A_870 = arith.constant 0 : i32
        %get3A_871 = arith.index_cast %get3A_870 : i32 to index
        %get3A_872 = arith.index_cast %add3A_765 : i32 to index
        %get3A_873 = arith.constant 48 : index
        %get3A_874 = tpu.vector_load %arg12[%get3A_871, %get3A_872, %get3A_873] {strides = array<i32>} : memref<2x80x64xi32, #tpu.memory_space<vmem>>, vector<16xi32>,
        %bitcast3A_875 = vector.bitcast %get3A_874 : vector<16xi32> to vector<32xbf16>
        %unpack3A_876 = tpu.unpack_subelements %bitcast3A_863, 0 {pack_format = #tpu.pack_format<interleaved>} : vector<32xbf16> -> vector<16xf32>
        %unpack3A_877 = tpu.unpack_subelements %bitcast3A_863, 1 {pack_format = #tpu.pack_format<interleaved>} : vector<32xbf16> -> vector<16xf32>
        %unpack3A_878 = tpu.unpack_subelements %bitcast3A_869, 0 {pack_format = #tpu.pack_format<interleaved>} : vector<32xbf16> -> vector<16xf32>
        %unpack3A_879 = tpu.unpack_subelements %bitcast3A_869, 1 {pack_format = #tpu.pack_format<interleaved>} : vector<32xbf16> -> vector<16xf32>
        %unpack3A_880 = tpu.unpack_subelements %bitcast3A_875, 0 {pack_format = #tpu.pack_format<interleaved>} : vector<32xbf16> -> vector<16xf32>
        %unpack3A_881 = tpu.unpack_subelements %bitcast3A_875, 1 {pack_format = #tpu.pack_format<interleaved>} : vector<32xbf16> -> vector<16xf32>
        %mul3A_882 = arith.mulf %unpack3A_876, %unpack3A_878 : vector<16xf32>
        %mul3A_883 = arith.mulf %mul3A_882, %unpack3A_880 : vector<16xf32>
        %add3A_884 = arith.addf %add3A_857, %mul3A_883 : vector<16xf32>
        %mul3A_885 = arith.mulf %unpack3A_877, %unpack3A_879 : vector<16xf32>
        %mul3A_886 = arith.mulf %mul3A_885, %unpack3A_881 : vector<16xf32>
        %add3A_887 = arith.addf %add3A_884, %mul3A_886 : vector<16xf32>
        %mul3A_888 = arith.constant 8 : i32
        %mul3A_889 = arith.muli %scan3A_208, %mul3A_888 : i32
        %add3A_890 = arith.constant 4 : i32
        %add3A_891 = arith.addi %mul3A_889, %add3A_890 : i32
        %eq3A_892 = vector.broadcast %add3A_891 : i32 to vector<16xi32>
        %eq3A_893 = arith.cmpi eq, %iota3A, %eq3A_892 : vector<16xi32>
        %reduce_sum3A_894 = arith.constant true
        %reduce_sum3A_895 = vector.broadcast %reduce_sum3A_894 : i1 to vector<16xi1>
        %reduce_sum3A_896 = tpu.scan <sum>, %add3A_887 masked %reduce_sum3A_895 : vector<16xf32>, vector<16xi1> -> vector<16xf32>
        %reduce_sum3A_897 = vector.extract %reduce_sum3A_896[15] : f32 from vector<16xf32>
        %broadcast_in_dim3A_898 = vector.broadcast %reduce_sum3A_897 : f32 to vector<16xf32>
        %select_n3A_899 = arith.select %eq3A_893, %broadcast_in_dim3A_898, %select_n3A_760 : vector<16xi1>, vector<16xf32>
        %mul3A_900 = arith.constant 8 : i32
        %mul3A_901 = arith.muli %scan3A_208, %mul3A_900 : i32
        %add3A_902 = arith.addi %mul3A_198, %mul3A_901 : i32
        %add3A_903 = arith.constant 5 : i32
        %add3A_904 = arith.addi %add3A_902, %add3A_903 : i32
        %broadcast_in_dim3A_905 = arith.constant 0.000000e+00 : f32
        %broadcast_in_dim3A_906 = vector.broadcast %broadcast_in_dim3A_905 : f32 to vector<16xf32>
        %get3A_907 = arith.constant 0 : i32
        %get3A_908 = arith.index_cast %get3A_907 : i32 to index
        %get3A_909 = arith.index_cast %add3A_904 : i32 to index
        %get3A_910 = arith.constant 0 : index
        %get3A_911 = tpu.vector_load %arg11[%get3A_908, %get3A_909, %get3A_910] {strides = array<i32>} : memref<2x80x64xi32, #tpu.memory_space<vmem>>, vector<16xi32>,
        %bitcast3A_912 = vector.bitcast %get3A_911 : vector<16xi32> to vector<32xbf16>
        %get3A_913 = arith.constant 0 : i32
        %get3A_914 = arith.index_cast %get3A_913 : i32 to index
        %get3A_915 = arith.index_cast %add3A_904 : i32 to index
        %get3A_916 = arith.constant 0 : index
        %get3A_917 = tpu.vector_load %arg13[%get3A_914, %get3A_915, %get3A_916] {strides = array<i32>} : memref<2x80x64xi32, #tpu.memory_space<vmem>>, vector<16xi32>,
        %bitcast3A_918 = vector.bitcast %get3A_917 : vector<16xi32> to vector<32xbf16>
        %get3A_919 = arith.constant 0 : i32
        %get3A_920 = arith.index_cast %get3A_919 : i32 to index
        %get3A_921 = arith.index_cast %add3A_904 : i32 to index
        %get3A_922 = arith.constant 0 : index
        %get3A_923 = tpu.vector_load %arg12[%get3A_920, %get3A_921, %get3A_922] {strides = array<i32>} : memref<2x80x64xi32, #tpu.memory_space<vmem>>, vector<16xi32>,
        %bitcast3A_924 = vector.bitcast %get3A_923 : vector<16xi32> to vector<32xbf16>
        %unpack3A_925 = tpu.unpack_subelements %bitcast3A_912, 0 {pack_format = #tpu.pack_format<interleaved>} : vector<32xbf16> -> vector<16xf32>
        %unpack3A_926 = tpu.unpack_subelements %bitcast3A_912, 1 {pack_format = #tpu.pack_format<interleaved>} : vector<32xbf16> -> vector<16xf32>
        %unpack3A_927 = tpu.unpack_subelements %bitcast3A_918, 0 {pack_format = #tpu.pack_format<interleaved>} : vector<32xbf16> -> vector<16xf32>
        %unpack3A_928 = tpu.unpack_subelements %bitcast3A_918, 1 {pack_format = #tpu.pack_format<interleaved>} : vector<32xbf16> -> vector<16xf32>
        %unpack3A_929 = tpu.unpack_subelements %bitcast3A_924, 0 {pack_format = #tpu.pack_format<interleaved>} : vector<32xbf16> -> vector<16xf32>
        %unpack3A_930 = tpu.unpack_subelements %bitcast3A_924, 1 {pack_format = #tpu.pack_format<interleaved>} : vector<32xbf16> -> vector<16xf32>
        %mul3A_931 = arith.mulf %unpack3A_925, %unpack3A_927 : vector<16xf32>
        %mul3A_932 = arith.mulf %mul3A_931, %unpack3A_929 : vector<16xf32>
        %add3A_933 = arith.addf %broadcast_in_dim3A_906, %mul3A_932 : vector<16xf32>
        %mul3A_934 = arith.mulf %unpack3A_926, %unpack3A_928 : vector<16xf32>
        %mul3A_935 = arith.mulf %mul3A_934, %unpack3A_930 : vector<16xf32>
        %add3A_936 = arith.addf %add3A_933, %mul3A_935 : vector<16xf32>
        %get3A_937 = arith.constant 0 : i32
        %get3A_938 = arith.index_cast %get3A_937 : i32 to index
        %get3A_939 = arith.index_cast %add3A_904 : i32 to index
        %get3A_940 = arith.constant 16 : index
        %get3A_941 = tpu.vector_load %arg11[%get3A_938, %get3A_939, %get3A_940] {strides = array<i32>} : memref<2x80x64xi32, #tpu.memory_space<vmem>>, vector<16xi32>,
        %bitcast3A_942 = vector.bitcast %get3A_941 : vector<16xi32> to vector<32xbf16>
        %get3A_943 = arith.constant 0 : i32
        %get3A_944 = arith.index_cast %get3A_943 : i32 to index
        %get3A_945 = arith.index_cast %add3A_904 : i32 to index
        %get3A_946 = arith.constant 16 : index
        %get3A_947 = tpu.vector_load %arg13[%get3A_944, %get3A_945, %get3A_946] {strides = array<i32>} : memref<2x80x64xi32, #tpu.memory_space<vmem>>, vector<16xi32>,
        %bitcast3A_948 = vector.bitcast %get3A_947 : vector<16xi32> to vector<32xbf16>
        %get3A_949 = arith.constant 0 : i32
        %get3A_950 = arith.index_cast %get3A_949 : i32 to index
        %get3A_951 = arith.index_cast %add3A_904 : i32 to index
        %get3A_952 = arith.constant 16 : index
        %get3A_953 = tpu.vector_load %arg12[%get3A_950, %get3A_951, %get3A_952] {strides = array<i32>} : memref<2x80x64xi32, #tpu.memory_space<vmem>>, vector<16xi32>,
        %bitcast3A_954 = vector.bitcast %get3A_953 : vector<16xi32> to vector<32xbf16>
        %unpack3A_955 = tpu.unpack_subelements %bitcast3A_942, 0 {pack_format = #tpu.pack_format<interleaved>} : vector<32xbf16> -> vector<16xf32>
        %unpack3A_956 = tpu.unpack_subelements %bitcast3A_942, 1 {pack_format = #tpu.pack_format<interleaved>} : vector<32xbf16> -> vector<16xf32>
        %unpack3A_957 = tpu.unpack_subelements %bitcast3A_948, 0 {pack_format = #tpu.pack_format<interleaved>} : vector<32xbf16> -> vector<16xf32>
        %unpack3A_958 = tpu.unpack_subelements %bitcast3A_948, 1 {pack_format = #tpu.pack_format<interleaved>} : vector<32xbf16> -> vector<16xf32>
        %unpack3A_959 = tpu.unpack_subelements %bitcast3A_954, 0 {pack_format = #tpu.pack_format<interleaved>} : vector<32xbf16> -> vector<16xf32>
        %unpack3A_960 = tpu.unpack_subelements %bitcast3A_954, 1 {pack_format = #tpu.pack_format<interleaved>} : vector<32xbf16> -> vector<16xf32>
        %mul3A_961 = arith.mulf %unpack3A_955, %unpack3A_957 : vector<16xf32>
        %mul3A_962 = arith.mulf %mul3A_961, %unpack3A_959 : vector<16xf32>
        %add3A_963 = arith.addf %add3A_936, %mul3A_962 : vector<16xf32>
        %mul3A_964 = arith.mulf %unpack3A_956, %unpack3A_958 : vector<16xf32>
        %mul3A_965 = arith.mulf %mul3A_964, %unpack3A_960 : vector<16xf32>
        %add3A_966 = arith.addf %add3A_963, %mul3A_965 : vector<16xf32>
        %get3A_967 = arith.constant 0 : i32
        %get3A_968 = arith.index_cast %get3A_967 : i32 to index
        %get3A_969 = arith.index_cast %add3A_904 : i32 to index
        %get3A_970 = arith.constant 32 : index
        %get3A_971 = tpu.vector_load %arg11[%get3A_968, %get3A_969, %get3A_970] {strides = array<i32>} : memref<2x80x64xi32, #tpu.memory_space<vmem>>, vector<16xi32>,
        %bitcast3A_972 = vector.bitcast %get3A_971 : vector<16xi32> to vector<32xbf16>
        %get3A_973 = arith.constant 0 : i32
        %get3A_974 = arith.index_cast %get3A_973 : i32 to index
        %get3A_975 = arith.index_cast %add3A_904 : i32 to index
        %get3A_976 = arith.constant 32 : index
        %get3A_977 = tpu.vector_load %arg13[%get3A_974, %get3A_975, %get3A_976] {strides = array<i32>} : memref<2x80x64xi32, #tpu.memory_space<vmem>>, vector<16xi32>,
        %bitcast3A_978 = vector.bitcast %get3A_977 : vector<16xi32> to vector<32xbf16>
        %get3A_979 = arith.constant 0 : i32
        %get3A_980 = arith.index_cast %get3A_979 : i32 to index
        %get3A_981 = arith.index_cast %add3A_904 : i32 to index
        %get3A_982 = arith.constant 32 : index
        %get3A_983 = tpu.vector_load %arg12[%get3A_980, %get3A_981, %get3A_982] {strides = array<i32>} : memref<2x80x64xi32, #tpu.memory_space<vmem>>, vector<16xi32>,
        %bitcast3A_984 = vector.bitcast %get3A_983 : vector<16xi32> to vector<32xbf16>
        %unpack3A_985 = tpu.unpack_subelements %bitcast3A_972, 0 {pack_format = #tpu.pack_format<interleaved>} : vector<32xbf16> -> vector<16xf32>
        %unpack3A_986 = tpu.unpack_subelements %bitcast3A_972, 1 {pack_format = #tpu.pack_format<interleaved>} : vector<32xbf16> -> vector<16xf32>
        %unpack3A_987 = tpu.unpack_subelements %bitcast3A_978, 0 {pack_format = #tpu.pack_format<interleaved>} : vector<32xbf16> -> vector<16xf32>
        %unpack3A_988 = tpu.unpack_subelements %bitcast3A_978, 1 {pack_format = #tpu.pack_format<interleaved>} : vector<32xbf16> -> vector<16xf32>
        %unpack3A_989 = tpu.unpack_subelements %bitcast3A_984, 0 {pack_format = #tpu.pack_format<interleaved>} : vector<32xbf16> -> vector<16xf32>
        %unpack3A_990 = tpu.unpack_subelements %bitcast3A_984, 1 {pack_format = #tpu.pack_format<interleaved>} : vector<32xbf16> -> vector<16xf32>
        %mul3A_991 = arith.mulf %unpack3A_985, %unpack3A_987 : vector<16xf32>
        %mul3A_992 = arith.mulf %mul3A_991, %unpack3A_989 : vector<16xf32>
        %add3A_993 = arith.addf %add3A_966, %mul3A_992 : vector<16xf32>
        %mul3A_994 = arith.mulf %unpack3A_986, %unpack3A_988 : vector<16xf32>
        %mul3A_995 = arith.mulf %mul3A_994, %unpack3A_990 : vector<16xf32>
        %add3A_996 = arith.addf %add3A_993, %mul3A_995 : vector<16xf32>
        %get3A_997 = arith.constant 0 : i32
        %get3A_998 = arith.index_cast %get3A_997 : i32 to index
        %get3A_999 = arith.index_cast %add3A_904 : i32 to index
        %get3A_1000 = arith.constant 48 : index
        %get3A_1001 = tpu.vector_load %arg11[%get3A_998, %get3A_999, %get3A_1000] {strides = array<i32>} : memref<2x80x64xi32, #tpu.memory_space<vmem>>, vector<16xi32>,
        %bitcast3A_1002 = vector.bitcast %get3A_1001 : vector<16xi32> to vector<32xbf16>
        %get3A_1003 = arith.constant 0 : i32
        %get3A_1004 = arith.index_cast %get3A_1003 : i32 to index
        %get3A_1005 = arith.index_cast %add3A_904 : i32 to index
        %get3A_1006 = arith.constant 48 : index
        %get3A_1007 = tpu.vector_load %arg13[%get3A_1004, %get3A_1005, %get3A_1006] {strides = array<i32>} : memref<2x80x64xi32, #tpu.memory_space<vmem>>, vector<16xi32>,
        %bitcast3A_1008 = vector.bitcast %get3A_1007 : vector<16xi32> to vector<32xbf16>
        %get3A_1009 = arith.constant 0 : i32
        %get3A_1010 = arith.index_cast %get3A_1009 : i32 to index
        %get3A_1011 = arith.index_cast %add3A_904 : i32 to index
        %get3A_1012 = arith.constant 48 : index
        %get3A_1013 = tpu.vector_load %arg12[%get3A_1010, %get3A_1011, %get3A_1012] {strides = array<i32>} : memref<2x80x64xi32, #tpu.memory_space<vmem>>, vector<16xi32>,
        %bitcast3A_1014 = vector.bitcast %get3A_1013 : vector<16xi32> to vector<32xbf16>
        %unpack3A_1015 = tpu.unpack_subelements %bitcast3A_1002, 0 {pack_format = #tpu.pack_format<interleaved>} : vector<32xbf16> -> vector<16xf32>
        %unpack3A_1016 = tpu.unpack_subelements %bitcast3A_1002, 1 {pack_format = #tpu.pack_format<interleaved>} : vector<32xbf16> -> vector<16xf32>
        %unpack3A_1017 = tpu.unpack_subelements %bitcast3A_1008, 0 {pack_format = #tpu.pack_format<interleaved>} : vector<32xbf16> -> vector<16xf32>
        %unpack3A_1018 = tpu.unpack_subelements %bitcast3A_1008, 1 {pack_format = #tpu.pack_format<interleaved>} : vector<32xbf16> -> vector<16xf32>
        %unpack3A_1019 = tpu.unpack_subelements %bitcast3A_1014, 0 {pack_format = #tpu.pack_format<interleaved>} : vector<32xbf16> -> vector<16xf32>
        %unpack3A_1020 = tpu.unpack_subelements %bitcast3A_1014, 1 {pack_format = #tpu.pack_format<interleaved>} : vector<32xbf16> -> vector<16xf32>
        %mul3A_1021 = arith.mulf %unpack3A_1015, %unpack3A_1017 : vector<16xf32>
        %mul3A_1022 = arith.mulf %mul3A_1021, %unpack3A_1019 : vector<16xf32>
        %add3A_1023 = arith.addf %add3A_996, %mul3A_1022 : vector<16xf32>
        %mul3A_1024 = arith.mulf %unpack3A_1016, %unpack3A_1018 : vector<16xf32>
        %mul3A_1025 = arith.mulf %mul3A_1024, %unpack3A_1020 : vector<16xf32>
        %add3A_1026 = arith.addf %add3A_1023, %mul3A_1025 : vector<16xf32>
        %mul3A_1027 = arith.constant 8 : i32
        %mul3A_1028 = arith.muli %scan3A_208, %mul3A_1027 : i32
        %add3A_1029 = arith.constant 5 : i32
        %add3A_1030 = arith.addi %mul3A_1028, %add3A_1029 : i32
        %eq3A_1031 = vector.broadcast %add3A_1030 : i32 to vector<16xi32>
        %eq3A_1032 = arith.cmpi eq, %iota3A, %eq3A_1031 : vector<16xi32>
        %reduce_sum3A_1033 = arith.constant true
        %reduce_sum3A_1034 = vector.broadcast %reduce_sum3A_1033 : i1 to vector<16xi1>
        %reduce_sum3A_1035 = tpu.scan <sum>, %add3A_1026 masked %reduce_sum3A_1034 : vector<16xf32>, vector<16xi1> -> vector<16xf32>
        %reduce_sum3A_1036 = vector.extract %reduce_sum3A_1035[15] : f32 from vector<16xf32>
        %broadcast_in_dim3A_1037 = vector.broadcast %reduce_sum3A_1036 : f32 to vector<16xf32>
        %select_n3A_1038 = arith.select %eq3A_1032, %broadcast_in_dim3A_1037, %select_n3A_899 : vector<16xi1>, vector<16xf32>
        %mul3A_1039 = arith.constant 8 : i32
        %mul3A_1040 = arith.muli %scan3A_208, %mul3A_1039 : i32
        %add3A_1041 = arith.addi %mul3A_198, %mul3A_1040 : i32
        %add3A_1042 = arith.constant 6 : i32
        %add3A_1043 = arith.addi %add3A_1041, %add3A_1042 : i32
        %broadcast_in_dim3A_1044 = arith.constant 0.000000e+00 : f32
        %broadcast_in_dim3A_1045 = vector.broadcast %broadcast_in_dim3A_1044 : f32 to vector<16xf32>
        %get3A_1046 = arith.constant 0 : i32
        %get3A_1047 = arith.index_cast %get3A_1046 : i32 to index
        %get3A_1048 = arith.index_cast %add3A_1043 : i32 to index
        %get3A_1049 = arith.constant 0 : index
        %get3A_1050 = tpu.vector_load %arg11[%get3A_1047, %get3A_1048, %get3A_1049] {strides = array<i32>} : memref<2x80x64xi32, #tpu.memory_space<vmem>>, vector<16xi32>,
        %bitcast3A_1051 = vector.bitcast %get3A_1050 : vector<16xi32> to vector<32xbf16>
        %get3A_1052 = arith.constant 0 : i32
        %get3A_1053 = arith.index_cast %get3A_1052 : i32 to index
        %get3A_1054 = arith.index_cast %add3A_1043 : i32 to index
        %get3A_1055 = arith.constant 0 : index
        %get3A_1056 = tpu.vector_load %arg13[%get3A_1053, %get3A_1054, %get3A_1055] {strides = array<i32>} : memref<2x80x64xi32, #tpu.memory_space<vmem>>, vector<16xi32>,
        %bitcast3A_1057 = vector.bitcast %get3A_1056 : vector<16xi32> to vector<32xbf16>
        %get3A_1058 = arith.constant 0 : i32
        %get3A_1059 = arith.index_cast %get3A_1058 : i32 to index
        %get3A_1060 = arith.index_cast %add3A_1043 : i32 to index
        %get3A_1061 = arith.constant 0 : index
        %get3A_1062 = tpu.vector_load %arg12[%get3A_1059, %get3A_1060, %get3A_1061] {strides = array<i32>} : memref<2x80x64xi32, #tpu.memory_space<vmem>>, vector<16xi32>,
        %bitcast3A_1063 = vector.bitcast %get3A_1062 : vector<16xi32> to vector<32xbf16>
        %unpack3A_1064 = tpu.unpack_subelements %bitcast3A_1051, 0 {pack_format = #tpu.pack_format<interleaved>} : vector<32xbf16> -> vector<16xf32>
        %unpack3A_1065 = tpu.unpack_subelements %bitcast3A_1051, 1 {pack_format = #tpu.pack_format<interleaved>} : vector<32xbf16> -> vector<16xf32>
        %unpack3A_1066 = tpu.unpack_subelements %bitcast3A_1057, 0 {pack_format = #tpu.pack_format<interleaved>} : vector<32xbf16> -> vector<16xf32>
        %unpack3A_1067 = tpu.unpack_subelements %bitcast3A_1057, 1 {pack_format = #tpu.pack_format<interleaved>} : vector<32xbf16> -> vector<16xf32>
        %unpack3A_1068 = tpu.unpack_subelements %bitcast3A_1063, 0 {pack_format = #tpu.pack_format<interleaved>} : vector<32xbf16> -> vector<16xf32>
        %unpack3A_1069 = tpu.unpack_subelements %bitcast3A_1063, 1 {pack_format = #tpu.pack_format<interleaved>} : vector<32xbf16> -> vector<16xf32>
        %mul3A_1070 = arith.mulf %unpack3A_1064, %unpack3A_1066 : vector<16xf32>
        %mul3A_1071 = arith.mulf %mul3A_1070, %unpack3A_1068 : vector<16xf32>
        %add3A_1072 = arith.addf %broadcast_in_dim3A_1045, %mul3A_1071 : vector<16xf32>
        %mul3A_1073 = arith.mulf %unpack3A_1065, %unpack3A_1067 : vector<16xf32>
        %mul3A_1074 = arith.mulf %mul3A_1073, %unpack3A_1069 : vector<16xf32>
        %add3A_1075 = arith.addf %add3A_1072, %mul3A_1074 : vector<16xf32>
        %get3A_1076 = arith.constant 0 : i32
        %get3A_1077 = arith.index_cast %get3A_1076 : i32 to index
        %get3A_1078 = arith.index_cast %add3A_1043 : i32 to index
        %get3A_1079 = arith.constant 16 : index
        %get3A_1080 = tpu.vector_load %arg11[%get3A_1077, %get3A_1078, %get3A_1079] {strides = array<i32>} : memref<2x80x64xi32, #tpu.memory_space<vmem>>, vector<16xi32>,
        %bitcast3A_1081 = vector.bitcast %get3A_1080 : vector<16xi32> to vector<32xbf16>
        %get3A_1082 = arith.constant 0 : i32
        %get3A_1083 = arith.index_cast %get3A_1082 : i32 to index
        %get3A_1084 = arith.index_cast %add3A_1043 : i32 to index
        %get3A_1085 = arith.constant 16 : index
        %get3A_1086 = tpu.vector_load %arg13[%get3A_1083, %get3A_1084, %get3A_1085] {strides = array<i32>} : memref<2x80x64xi32, #tpu.memory_space<vmem>>, vector<16xi32>,
        %bitcast3A_1087 = vector.bitcast %get3A_1086 : vector<16xi32> to vector<32xbf16>
        %get3A_1088 = arith.constant 0 : i32
        %get3A_1089 = arith.index_cast %get3A_1088 : i32 to index
        %get3A_1090 = arith.index_cast %add3A_1043 : i32 to index
        %get3A_1091 = arith.constant 16 : index
        %get3A_1092 = tpu.vector_load %arg12[%get3A_1089, %get3A_1090, %get3A_1091] {strides = array<i32>} : memref<2x80x64xi32, #tpu.memory_space<vmem>>, vector<16xi32>,
        %bitcast3A_1093 = vector.bitcast %get3A_1092 : vector<16xi32> to vector<32xbf16>
        %unpack3A_1094 = tpu.unpack_subelements %bitcast3A_1081, 0 {pack_format = #tpu.pack_format<interleaved>} : vector<32xbf16> -> vector<16xf32>
        %unpack3A_1095 = tpu.unpack_subelements %bitcast3A_1081, 1 {pack_format = #tpu.pack_format<interleaved>} : vector<32xbf16> -> vector<16xf32>
        %unpack3A_1096 = tpu.unpack_subelements %bitcast3A_1087, 0 {pack_format = #tpu.pack_format<interleaved>} : vector<32xbf16> -> vector<16xf32>
        %unpack3A_1097 = tpu.unpack_subelements %bitcast3A_1087, 1 {pack_format = #tpu.pack_format<interleaved>} : vector<32xbf16> -> vector<16xf32>
        %unpack3A_1098 = tpu.unpack_subelements %bitcast3A_1093, 0 {pack_format = #tpu.pack_format<interleaved>} : vector<32xbf16> -> vector<16xf32>
        %unpack3A_1099 = tpu.unpack_subelements %bitcast3A_1093, 1 {pack_format = #tpu.pack_format<interleaved>} : vector<32xbf16> -> vector<16xf32>
        %mul3A_1100 = arith.mulf %unpack3A_1094, %unpack3A_1096 : vector<16xf32>
        %mul3A_1101 = arith.mulf %mul3A_1100, %unpack3A_1098 : vector<16xf32>
        %add3A_1102 = arith.addf %add3A_1075, %mul3A_1101 : vector<16xf32>
        %mul3A_1103 = arith.mulf %unpack3A_1095, %unpack3A_1097 : vector<16xf32>
        %mul3A_1104 = arith.mulf %mul3A_1103, %unpack3A_1099 : vector<16xf32>
        %add3A_1105 = arith.addf %add3A_1102, %mul3A_1104 : vector<16xf32>
        %get3A_1106 = arith.constant 0 : i32
        %get3A_1107 = arith.index_cast %get3A_1106 : i32 to index
        %get3A_1108 = arith.index_cast %add3A_1043 : i32 to index
        %get3A_1109 = arith.constant 32 : index
        %get3A_1110 = tpu.vector_load %arg11[%get3A_1107, %get3A_1108, %get3A_1109] {strides = array<i32>} : memref<2x80x64xi32, #tpu.memory_space<vmem>>, vector<16xi32>,
        %bitcast3A_1111 = vector.bitcast %get3A_1110 : vector<16xi32> to vector<32xbf16>
        %get3A_1112 = arith.constant 0 : i32
        %get3A_1113 = arith.index_cast %get3A_1112 : i32 to index
        %get3A_1114 = arith.index_cast %add3A_1043 : i32 to index
        %get3A_1115 = arith.constant 32 : index
        %get3A_1116 = tpu.vector_load %arg13[%get3A_1113, %get3A_1114, %get3A_1115] {strides = array<i32>} : memref<2x80x64xi32, #tpu.memory_space<vmem>>, vector<16xi32>,
        %bitcast3A_1117 = vector.bitcast %get3A_1116 : vector<16xi32> to vector<32xbf16>
        %get3A_1118 = arith.constant 0 : i32
        %get3A_1119 = arith.index_cast %get3A_1118 : i32 to index
        %get3A_1120 = arith.index_cast %add3A_1043 : i32 to index
        %get3A_1121 = arith.constant 32 : index
        %get3A_1122 = tpu.vector_load %arg12[%get3A_1119, %get3A_1120, %get3A_1121] {strides = array<i32>} : memref<2x80x64xi32, #tpu.memory_space<vmem>>, vector<16xi32>,
        %bitcast3A_1123 = vector.bitcast %get3A_1122 : vector<16xi32> to vector<32xbf16>
        %unpack3A_1124 = tpu.unpack_subelements %bitcast3A_1111, 0 {pack_format = #tpu.pack_format<interleaved>} : vector<32xbf16> -> vector<16xf32>
        %unpack3A_1125 = tpu.unpack_subelements %bitcast3A_1111, 1 {pack_format = #tpu.pack_format<interleaved>} : vector<32xbf16> -> vector<16xf32>
        %unpack3A_1126 = tpu.unpack_subelements %bitcast3A_1117, 0 {pack_format = #tpu.pack_format<interleaved>} : vector<32xbf16> -> vector<16xf32>
        %unpack3A_1127 = tpu.unpack_subelements %bitcast3A_1117, 1 {pack_format = #tpu.pack_format<interleaved>} : vector<32xbf16> -> vector<16xf32>
        %unpack3A_1128 = tpu.unpack_subelements %bitcast3A_1123, 0 {pack_format = #tpu.pack_format<interleaved>} : vector<32xbf16> -> vector<16xf32>
        %unpack3A_1129 = tpu.unpack_subelements %bitcast3A_1123, 1 {pack_format = #tpu.pack_format<interleaved>} : vector<32xbf16> -> vector<16xf32>
        %mul3A_1130 = arith.mulf %unpack3A_1124, %unpack3A_1126 : vector<16xf32>
        %mul3A_1131 = arith.mulf %mul3A_1130, %unpack3A_1128 : vector<16xf32>
        %add3A_1132 = arith.addf %add3A_1105, %mul3A_1131 : vector<16xf32>
        %mul3A_1133 = arith.mulf %unpack3A_1125, %unpack3A_1127 : vector<16xf32>
        %mul3A_1134 = arith.mulf %mul3A_1133, %unpack3A_1129 : vector<16xf32>
        %add3A_1135 = arith.addf %add3A_1132, %mul3A_1134 : vector<16xf32>
        %get3A_1136 = arith.constant 0 : i32
        %get3A_1137 = arith.index_cast %get3A_1136 : i32 to index
        %get3A_1138 = arith.index_cast %add3A_1043 : i32 to index
        %get3A_1139 = arith.constant 48 : index
        %get3A_1140 = tpu.vector_load %arg11[%get3A_1137, %get3A_1138, %get3A_1139] {strides = array<i32>} : memref<2x80x64xi32, #tpu.memory_space<vmem>>, vector<16xi32>,
        %bitcast3A_1141 = vector.bitcast %get3A_1140 : vector<16xi32> to vector<32xbf16>
        %get3A_1142 = arith.constant 0 : i32
        %get3A_1143 = arith.index_cast %get3A_1142 : i32 to index
        %get3A_1144 = arith.index_cast %add3A_1043 : i32 to index
        %get3A_1145 = arith.constant 48 : index
        %get3A_1146 = tpu.vector_load %arg13[%get3A_1143, %get3A_1144, %get3A_1145] {strides = array<i32>} : memref<2x80x64xi32, #tpu.memory_space<vmem>>, vector<16xi32>,
        %bitcast3A_1147 = vector.bitcast %get3A_1146 : vector<16xi32> to vector<32xbf16>
        %get3A_1148 = arith.constant 0 : i32
        %get3A_1149 = arith.index_cast %get3A_1148 : i32 to index
        %get3A_1150 = arith.index_cast %add3A_1043 : i32 to index
        %get3A_1151 = arith.constant 48 : index
        %get3A_1152 = tpu.vector_load %arg12[%get3A_1149, %get3A_1150, %get3A_1151] {strides = array<i32>} : memref<2x80x64xi32, #tpu.memory_space<vmem>>, vector<16xi32>,
        %bitcast3A_1153 = vector.bitcast %get3A_1152 : vector<16xi32> to vector<32xbf16>
        %unpack3A_1154 = tpu.unpack_subelements %bitcast3A_1141, 0 {pack_format = #tpu.pack_format<interleaved>} : vector<32xbf16> -> vector<16xf32>
        %unpack3A_1155 = tpu.unpack_subelements %bitcast3A_1141, 1 {pack_format = #tpu.pack_format<interleaved>} : vector<32xbf16> -> vector<16xf32>
        %unpack3A_1156 = tpu.unpack_subelements %bitcast3A_1147, 0 {pack_format = #tpu.pack_format<interleaved>} : vector<32xbf16> -> vector<16xf32>
        %unpack3A_1157 = tpu.unpack_subelements %bitcast3A_1147, 1 {pack_format = #tpu.pack_format<interleaved>} : vector<32xbf16> -> vector<16xf32>
        %unpack3A_1158 = tpu.unpack_subelements %bitcast3A_1153, 0 {pack_format = #tpu.pack_format<interleaved>} : vector<32xbf16> -> vector<16xf32>
        %unpack3A_1159 = tpu.unpack_subelements %bitcast3A_1153, 1 {pack_format = #tpu.pack_format<interleaved>} : vector<32xbf16> -> vector<16xf32>
        %mul3A_1160 = arith.mulf %unpack3A_1154, %unpack3A_1156 : vector<16xf32>
        %mul3A_1161 = arith.mulf %mul3A_1160, %unpack3A_1158 : vector<16xf32>
        %add3A_1162 = arith.addf %add3A_1135, %mul3A_1161 : vector<16xf32>
        %mul3A_1163 = arith.mulf %unpack3A_1155, %unpack3A_1157 : vector<16xf32>
        %mul3A_1164 = arith.mulf %mul3A_1163, %unpack3A_1159 : vector<16xf32>
        %add3A_1165 = arith.addf %add3A_1162, %mul3A_1164 : vector<16xf32>
        %mul3A_1166 = arith.constant 8 : i32
        %mul3A_1167 = arith.muli %scan3A_208, %mul3A_1166 : i32
        %add3A_1168 = arith.constant 6 : i32
        %add3A_1169 = arith.addi %mul3A_1167, %add3A_1168 : i32
        %eq3A_1170 = vector.broadcast %add3A_1169 : i32 to vector<16xi32>
        %eq3A_1171 = arith.cmpi eq, %iota3A, %eq3A_1170 : vector<16xi32>
        %reduce_sum3A_1172 = arith.constant true
        %reduce_sum3A_1173 = vector.broadcast %reduce_sum3A_1172 : i1 to vector<16xi1>
        %reduce_sum3A_1174 = tpu.scan <sum>, %add3A_1165 masked %reduce_sum3A_1173 : vector<16xf32>, vector<16xi1> -> vector<16xf32>
        %reduce_sum3A_1175 = vector.extract %reduce_sum3A_1174[15] : f32 from vector<16xf32>
        %broadcast_in_dim3A_1176 = vector.broadcast %reduce_sum3A_1175 : f32 to vector<16xf32>
        %select_n3A_1177 = arith.select %eq3A_1171, %broadcast_in_dim3A_1176, %select_n3A_1038 : vector<16xi1>, vector<16xf32>
        %mul3A_1178 = arith.constant 8 : i32
        %mul3A_1179 = arith.muli %scan3A_208, %mul3A_1178 : i32
        %add3A_1180 = arith.addi %mul3A_198, %mul3A_1179 : i32
        %add3A_1181 = arith.constant 7 : i32
        %add3A_1182 = arith.addi %add3A_1180, %add3A_1181 : i32
        %broadcast_in_dim3A_1183 = arith.constant 0.000000e+00 : f32
        %broadcast_in_dim3A_1184 = vector.broadcast %broadcast_in_dim3A_1183 : f32 to vector<16xf32>
        %get3A_1185 = arith.constant 0 : i32
        %get3A_1186 = arith.index_cast %get3A_1185 : i32 to index
        %get3A_1187 = arith.index_cast %add3A_1182 : i32 to index
        %get3A_1188 = arith.constant 0 : index
        %get3A_1189 = tpu.vector_load %arg11[%get3A_1186, %get3A_1187, %get3A_1188] {strides = array<i32>} : memref<2x80x64xi32, #tpu.memory_space<vmem>>, vector<16xi32>,
        %bitcast3A_1190 = vector.bitcast %get3A_1189 : vector<16xi32> to vector<32xbf16>
        %get3A_1191 = arith.constant 0 : i32
        %get3A_1192 = arith.index_cast %get3A_1191 : i32 to index
        %get3A_1193 = arith.index_cast %add3A_1182 : i32 to index
        %get3A_1194 = arith.constant 0 : index
        %get3A_1195 = tpu.vector_load %arg13[%get3A_1192, %get3A_1193, %get3A_1194] {strides = array<i32>} : memref<2x80x64xi32, #tpu.memory_space<vmem>>, vector<16xi32>,
        %bitcast3A_1196 = vector.bitcast %get3A_1195 : vector<16xi32> to vector<32xbf16>
        %get3A_1197 = arith.constant 0 : i32
        %get3A_1198 = arith.index_cast %get3A_1197 : i32 to index
        %get3A_1199 = arith.index_cast %add3A_1182 : i32 to index
        %get3A_1200 = arith.constant 0 : index
        %get3A_1201 = tpu.vector_load %arg12[%get3A_1198, %get3A_1199, %get3A_1200] {strides = array<i32>} : memref<2x80x64xi32, #tpu.memory_space<vmem>>, vector<16xi32>,
        %bitcast3A_1202 = vector.bitcast %get3A_1201 : vector<16xi32> to vector<32xbf16>
        %unpack3A_1203 = tpu.unpack_subelements %bitcast3A_1190, 0 {pack_format = #tpu.pack_format<interleaved>} : vector<32xbf16> -> vector<16xf32>
        %unpack3A_1204 = tpu.unpack_subelements %bitcast3A_1190, 1 {pack_format = #tpu.pack_format<interleaved>} : vector<32xbf16> -> vector<16xf32>
        %unpack3A_1205 = tpu.unpack_subelements %bitcast3A_1196, 0 {pack_format = #tpu.pack_format<interleaved>} : vector<32xbf16> -> vector<16xf32>
        %unpack3A_1206 = tpu.unpack_subelements %bitcast3A_1196, 1 {pack_format = #tpu.pack_format<interleaved>} : vector<32xbf16> -> vector<16xf32>
        %unpack3A_1207 = tpu.unpack_subelements %bitcast3A_1202, 0 {pack_format = #tpu.pack_format<interleaved>} : vector<32xbf16> -> vector<16xf32>
        %unpack3A_1208 = tpu.unpack_subelements %bitcast3A_1202, 1 {pack_format = #tpu.pack_format<interleaved>} : vector<32xbf16> -> vector<16xf32>
        %mul3A_1209 = arith.mulf %unpack3A_1203, %unpack3A_1205 : vector<16xf32>
        %mul3A_1210 = arith.mulf %mul3A_1209, %unpack3A_1207 : vector<16xf32>
        %add3A_1211 = arith.addf %broadcast_in_dim3A_1184, %mul3A_1210 : vector<16xf32>
        %mul3A_1212 = arith.mulf %unpack3A_1204, %unpack3A_1206 : vector<16xf32>
        %mul3A_1213 = arith.mulf %mul3A_1212, %unpack3A_1208 : vector<16xf32>
        %add3A_1214 = arith.addf %add3A_1211, %mul3A_1213 : vector<16xf32>
        %get3A_1215 = arith.constant 0 : i32
        %get3A_1216 = arith.index_cast %get3A_1215 : i32 to index
        %get3A_1217 = arith.index_cast %add3A_1182 : i32 to index
        %get3A_1218 = arith.constant 16 : index
        %get3A_1219 = tpu.vector_load %arg11[%get3A_1216, %get3A_1217, %get3A_1218] {strides = array<i32>} : memref<2x80x64xi32, #tpu.memory_space<vmem>>, vector<16xi32>,
        %bitcast3A_1220 = vector.bitcast %get3A_1219 : vector<16xi32> to vector<32xbf16>
        %get3A_1221 = arith.constant 0 : i32
        %get3A_1222 = arith.index_cast %get3A_1221 : i32 to index
        %get3A_1223 = arith.index_cast %add3A_1182 : i32 to index
        %get3A_1224 = arith.constant 16 : index
        %get3A_1225 = tpu.vector_load %arg13[%get3A_1222, %get3A_1223, %get3A_1224] {strides = array<i32>} : memref<2x80x64xi32, #tpu.memory_space<vmem>>, vector<16xi32>,
        %bitcast3A_1226 = vector.bitcast %get3A_1225 : vector<16xi32> to vector<32xbf16>
        %get3A_1227 = arith.constant 0 : i32
        %get3A_1228 = arith.index_cast %get3A_1227 : i32 to index
        %get3A_1229 = arith.index_cast %add3A_1182 : i32 to index
        %get3A_1230 = arith.constant 16 : index
        %get3A_1231 = tpu.vector_load %arg12[%get3A_1228, %get3A_1229, %get3A_1230] {strides = array<i32>} : memref<2x80x64xi32, #tpu.memory_space<vmem>>, vector<16xi32>,
        %bitcast3A_1232 = vector.bitcast %get3A_1231 : vector<16xi32> to vector<32xbf16>
        %unpack3A_1233 = tpu.unpack_subelements %bitcast3A_1220, 0 {pack_format = #tpu.pack_format<interleaved>} : vector<32xbf16> -> vector<16xf32>
        %unpack3A_1234 = tpu.unpack_subelements %bitcast3A_1220, 1 {pack_format = #tpu.pack_format<interleaved>} : vector<32xbf16> -> vector<16xf32>
        %unpack3A_1235 = tpu.unpack_subelements %bitcast3A_1226, 0 {pack_format = #tpu.pack_format<interleaved>} : vector<32xbf16> -> vector<16xf32>
        %unpack3A_1236 = tpu.unpack_subelements %bitcast3A_1226, 1 {pack_format = #tpu.pack_format<interleaved>} : vector<32xbf16> -> vector<16xf32>
        %unpack3A_1237 = tpu.unpack_subelements %bitcast3A_1232, 0 {pack_format = #tpu.pack_format<interleaved>} : vector<32xbf16> -> vector<16xf32>
        %unpack3A_1238 = tpu.unpack_subelements %bitcast3A_1232, 1 {pack_format = #tpu.pack_format<interleaved>} : vector<32xbf16> -> vector<16xf32>
        %mul3A_1239 = arith.mulf %unpack3A_1233, %unpack3A_1235 : vector<16xf32>
        %mul3A_1240 = arith.mulf %mul3A_1239, %unpack3A_1237 : vector<16xf32>
        %add3A_1241 = arith.addf %add3A_1214, %mul3A_1240 : vector<16xf32>
        %mul3A_1242 = arith.mulf %unpack3A_1234, %unpack3A_1236 : vector<16xf32>
        %mul3A_1243 = arith.mulf %mul3A_1242, %unpack3A_1238 : vector<16xf32>
        %add3A_1244 = arith.addf %add3A_1241, %mul3A_1243 : vector<16xf32>
        %get3A_1245 = arith.constant 0 : i32
        %get3A_1246 = arith.index_cast %get3A_1245 : i32 to index
        %get3A_1247 = arith.index_cast %add3A_1182 : i32 to index
        %get3A_1248 = arith.constant 32 : index
        %get3A_1249 = tpu.vector_load %arg11[%get3A_1246, %get3A_1247, %get3A_1248] {strides = array<i32>} : memref<2x80x64xi32, #tpu.memory_space<vmem>>, vector<16xi32>,
        %bitcast3A_1250 = vector.bitcast %get3A_1249 : vector<16xi32> to vector<32xbf16>
        %get3A_1251 = arith.constant 0 : i32
        %get3A_1252 = arith.index_cast %get3A_1251 : i32 to index
        %get3A_1253 = arith.index_cast %add3A_1182 : i32 to index
        %get3A_1254 = arith.constant 32 : index
        %get3A_1255 = tpu.vector_load %arg13[%get3A_1252, %get3A_1253, %get3A_1254] {strides = array<i32>} : memref<2x80x64xi32, #tpu.memory_space<vmem>>, vector<16xi32>,
        %bitcast3A_1256 = vector.bitcast %get3A_1255 : vector<16xi32> to vector<32xbf16>
        %get3A_1257 = arith.constant 0 : i32
        %get3A_1258 = arith.index_cast %get3A_1257 : i32 to index
        %get3A_1259 = arith.index_cast %add3A_1182 : i32 to index
        %get3A_1260 = arith.constant 32 : index
        %get3A_1261 = tpu.vector_load %arg12[%get3A_1258, %get3A_1259, %get3A_1260] {strides = array<i32>} : memref<2x80x64xi32, #tpu.memory_space<vmem>>, vector<16xi32>,
        %bitcast3A_1262 = vector.bitcast %get3A_1261 : vector<16xi32> to vector<32xbf16>
        %unpack3A_1263 = tpu.unpack_subelements %bitcast3A_1250, 0 {pack_format = #tpu.pack_format<interleaved>} : vector<32xbf16> -> vector<16xf32>
        %unpack3A_1264 = tpu.unpack_subelements %bitcast3A_1250, 1 {pack_format = #tpu.pack_format<interleaved>} : vector<32xbf16> -> vector<16xf32>
        %unpack3A_1265 = tpu.unpack_subelements %bitcast3A_1256, 0 {pack_format = #tpu.pack_format<interleaved>} : vector<32xbf16> -> vector<16xf32>
        %unpack3A_1266 = tpu.unpack_subelements %bitcast3A_1256, 1 {pack_format = #tpu.pack_format<interleaved>} : vector<32xbf16> -> vector<16xf32>
        %unpack3A_1267 = tpu.unpack_subelements %bitcast3A_1262, 0 {pack_format = #tpu.pack_format<interleaved>} : vector<32xbf16> -> vector<16xf32>
        %unpack3A_1268 = tpu.unpack_subelements %bitcast3A_1262, 1 {pack_format = #tpu.pack_format<interleaved>} : vector<32xbf16> -> vector<16xf32>
        %mul3A_1269 = arith.mulf %unpack3A_1263, %unpack3A_1265 : vector<16xf32>
        %mul3A_1270 = arith.mulf %mul3A_1269, %unpack3A_1267 : vector<16xf32>
        %add3A_1271 = arith.addf %add3A_1244, %mul3A_1270 : vector<16xf32>
        %mul3A_1272 = arith.mulf %unpack3A_1264, %unpack3A_1266 : vector<16xf32>
        %mul3A_1273 = arith.mulf %mul3A_1272, %unpack3A_1268 : vector<16xf32>
        %add3A_1274 = arith.addf %add3A_1271, %mul3A_1273 : vector<16xf32>
        %get3A_1275 = arith.constant 0 : i32
        %get3A_1276 = arith.index_cast %get3A_1275 : i32 to index
        %get3A_1277 = arith.index_cast %add3A_1182 : i32 to index
        %get3A_1278 = arith.constant 48 : index
        %get3A_1279 = tpu.vector_load %arg11[%get3A_1276, %get3A_1277, %get3A_1278] {strides = array<i32>} : memref<2x80x64xi32, #tpu.memory_space<vmem>>, vector<16xi32>,
        %bitcast3A_1280 = vector.bitcast %get3A_1279 : vector<16xi32> to vector<32xbf16>
        %get3A_1281 = arith.constant 0 : i32
        %get3A_1282 = arith.index_cast %get3A_1281 : i32 to index
        %get3A_1283 = arith.index_cast %add3A_1182 : i32 to index
        %get3A_1284 = arith.constant 48 : index
        %get3A_1285 = tpu.vector_load %arg13[%get3A_1282, %get3A_1283, %get3A_1284] {strides = array<i32>} : memref<2x80x64xi32, #tpu.memory_space<vmem>>, vector<16xi32>,
        %bitcast3A_1286 = vector.bitcast %get3A_1285 : vector<16xi32> to vector<32xbf16>
        %get3A_1287 = arith.constant 0 : i32
        %get3A_1288 = arith.index_cast %get3A_1287 : i32 to index
        %get3A_1289 = arith.index_cast %add3A_1182 : i32 to index
        %get3A_1290 = arith.constant 48 : index
        %get3A_1291 = tpu.vector_load %arg12[%get3A_1288, %get3A_1289, %get3A_1290] {strides = array<i32>} : memref<2x80x64xi32, #tpu.memory_space<vmem>>, vector<16xi32>,
        %bitcast3A_1292 = vector.bitcast %get3A_1291 : vector<16xi32> to vector<32xbf16>
        %unpack3A_1293 = tpu.unpack_subelements %bitcast3A_1280, 0 {pack_format = #tpu.pack_format<interleaved>} : vector<32xbf16> -> vector<16xf32>
        %unpack3A_1294 = tpu.unpack_subelements %bitcast3A_1280, 1 {pack_format = #tpu.pack_format<interleaved>} : vector<32xbf16> -> vector<16xf32>
        %unpack3A_1295 = tpu.unpack_subelements %bitcast3A_1286, 0 {pack_format = #tpu.pack_format<interleaved>} : vector<32xbf16> -> vector<16xf32>
        %unpack3A_1296 = tpu.unpack_subelements %bitcast3A_1286, 1 {pack_format = #tpu.pack_format<interleaved>} : vector<32xbf16> -> vector<16xf32>
        %unpack3A_1297 = tpu.unpack_subelements %bitcast3A_1292, 0 {pack_format = #tpu.pack_format<interleaved>} : vector<32xbf16> -> vector<16xf32>
        %unpack3A_1298 = tpu.unpack_subelements %bitcast3A_1292, 1 {pack_format = #tpu.pack_format<interleaved>} : vector<32xbf16> -> vector<16xf32>
        %mul3A_1299 = arith.mulf %unpack3A_1293, %unpack3A_1295 : vector<16xf32>
        %mul3A_1300 = arith.mulf %mul3A_1299, %unpack3A_1297 : vector<16xf32>
        %add3A_1301 = arith.addf %add3A_1274, %mul3A_1300 : vector<16xf32>
        %mul3A_1302 = arith.mulf %unpack3A_1294, %unpack3A_1296 : vector<16xf32>
        %mul3A_1303 = arith.mulf %mul3A_1302, %unpack3A_1298 : vector<16xf32>
        %add3A_1304 = arith.addf %add3A_1301, %mul3A_1303 : vector<16xf32>
        %mul3A_1305 = arith.constant 8 : i32
        %mul3A_1306 = arith.muli %scan3A_208, %mul3A_1305 : i32
        %add3A_1307 = arith.constant 7 : i32
        %add3A_1308 = arith.addi %mul3A_1306, %add3A_1307 : i32
        %eq3A_1309 = vector.broadcast %add3A_1308 : i32 to vector<16xi32>
        %eq3A_1310 = arith.cmpi eq, %iota3A, %eq3A_1309 : vector<16xi32>
        %reduce_sum3A_1311 = arith.constant true
        %reduce_sum3A_1312 = vector.broadcast %reduce_sum3A_1311 : i1 to vector<16xi1>
        %reduce_sum3A_1313 = tpu.scan <sum>, %add3A_1304 masked %reduce_sum3A_1312 : vector<16xf32>, vector<16xi1> -> vector<16xf32>
        %reduce_sum3A_1314 = vector.extract %reduce_sum3A_1313[15] : f32 from vector<16xf32>
        %broadcast_in_dim3A_1315 = vector.broadcast %reduce_sum3A_1314 : f32 to vector<16xf32>
        %select_n3A_1316 = arith.select %eq3A_1310, %broadcast_in_dim3A_1315, %select_n3A_1177 : vector<16xi1>, vector<16xf32>
        scf.yield %select_n3A_1316 : vector<16xf32>
      }
      %scan3A_205 = arith.constant 2 : i32
      %add3A_206 = arith.addi %multiple_of3A_189, %mul3A_198 : i32
      %swap3A = arith.index_cast %add3A_206 : i32 to index
      %swap3A_207 = tpu.vector_load %arg14[%swap3A] {strides = array<i32>} : memref<10000xf32, #tpu.memory_space<vmem>>, vector<16xf32>,
      tpu.vector_store %arg14[%swap3A], %scan3A_204 {strides = array<i32>} : memref<10000xf32, #tpu.memory_space<vmem>>, vector<16xf32>,
    }
    %scan3A_195 = arith.constant 5 : i32
    "tpu.region"() ({
      %run_scoped3A = tpu.sem_alloc : memref<!tpu.dma_semaphore, #tpu.memory_space<semaphore_mem>>
      %dma_start3A_196 = tpu.memref_slice %arg7[%multiple_of3A_7] : memref<320000xf32, #tpu.memory_space<hbm>> -> memref<10000xf32, #tpu.memory_space<hbm>>
      %dma_start3A_197 = tpu.memref_slice %arg7[%multiple_of3A_7] : memref<320000xf32, #tpu.memory_space<hbm>> -> memref<10000xf32, #tpu.memory_space<hbm>>
      tpu.enqueue_dma source(%arg14 : memref<10000xf32, #tpu.memory_space<vmem>>) target(%dma_start3A_197 : memref<10000xf32, #tpu.memory_space<hbm>>) target_semaphore(%run_scoped3A : memref<!tpu.dma_semaphore, #tpu.memory_space<semaphore_mem>>)
      %dma_wait3A_198 = tpu.memref_slice %arg7[%multiple_of3A_7] : memref<320000xf32, #tpu.memory_space<hbm>> -> memref<10000xf32, #tpu.memory_space<hbm>>
      %dma_wait3A_199 = tpu.memref_slice %arg7[%multiple_of3A_7] : memref<320000xf32, #tpu.memory_space<hbm>> -> memref<10000xf32, #tpu.memory_space<hbm>>
      tpu.wait_dma2 semaphore(%run_scoped3A : memref<!tpu.dma_semaphore, #tpu.memory_space<semaphore_mem>>) src(%arg14 : memref<10000xf32, #tpu.memory_space<vmem>>) dst(%dma_wait3A_199 : memref<10000xf32, #tpu.memory_space<hbm>>)
      tpu.yield
    }) : () -> ()
    return
  }
}

</mosaic_0001>

<sc_bundles>
// kernel: kernel.3.cloned.1.call-start
scs
__scs_entry_jumppad:
0x0: {  	(pc) =	sbr.rel $0x88, $3  }
0x1: {  	(tag) =	ssettag $0x0;
	lr =	simm.s32 $0x1  }
0x2: {  	[smem:$0x3F9D] =	sst lr;
	_ =	strace $0xD0000000  }
0x3: {  	_ = 	snop  }
0x4: {  	_ = 	snop  }
0x5: {  	_ = 	snop  }
0x6: {  	_ = 	snop  }
0x7: {  	_ = 	snop  }
__scs_overlays_trampoline_lowered:
0x8: {  	[smem:$0x3FAC] =	sst s0  }
0x9: {  	[smem:$0x3FAD] =	sst s1  }
0xa: {  	[smem:$0x3FAE] =	sst s2  }
0xb: {  	[smem:$0x3FAF] =	sst s3  }
0xc: {  	[smem:$0x3FB0] =	sst s4  }
0xd: {  	[smem:$0x3FB1] =	sst s5  }
0xe: {  	[smem:$0x3FB2] =	sst s6  }
0xf: {  	[smem:$0x3FB3] =	sst s7  }
0x10: {  	[smem:$0x3FB4] =	sst s8  }
0x11: {  	[smem:$0x3FB5] =	sst s9;
	s0 =	simm.s32 @!p0 $0x0  }
0x12: {  	s1 =	sld [smem:$0x3F9B];
	s0 =	simm.s32 @p0 $0x1  }
0x13: {  	[smem:$0x3FB6] =	sst s0;
	s0 =	simm.s32 @!p1 $0x0  }
0x14: {  	s2 =	sld [smem:$0x3F9A];
	s0 =	simm.s32 @p1 $0x1  }
0x15: {  	[smem:$0x3FB7] =	sst s0;
	s0 =	simm.s32 @!p2 $0x0  }
0x16: {  	s3 =	sld [smem:$0x3FDB];
	s0 =	simm.s32 @p2 $0x1  }
0x17: {  	s4 =	simm.s32 $0x1BF5;
	[smem:$0x3FB9] =	sst s0  }
0x18: {  	s0 =	sld [smem:$0x3F9C];
	_ =	swait.ge [sflag:s4], $0x0  }
0x19: {  	s7 =	sld [smem:$0x3F9D]  }
0x1a: {  	s8 =	sadd.s32 $0xFFFFE003, lr  }
0x1b: {  	s9 =	sadd.s32 $0xFFFFFEF7, lr;
	s5 =	simm.s32 $0xFFFFFFFF;
	p2 =	slt.u32 s8, $0xFFFFF086  }
0x1c: {  	p1 =	slt.u32 s9, $0xF7A;
	s5 =	simm.s32 @!p2 $0x0  }
0x1d: {  	s5 =	simm.s32 @p1 $0x1;
	p0 =	seq.s32 s7, s2  }
0x1e: {  	s7 =	smul.u32 @!p0 $0xF7A, s2;
	p2 =	seq.s32 @!p0 s5, $0x0  }
0x1f: {  	s9 =	smul.u32 $0xF7A, s1;
	s8 =	simm.s32 @!p0 $0x1BF5;
	p2 =	por !p2, p0  }
0x20: {  	[sflag:s8] =	ssyncset.s32 @!p0 $0xFFFFF086;
	s6 =	sadd.s32 @!p0 s3, s7;
	s7 =	simm.s32 @!p0 $0x108  }
0x21: {  	s3 =	sadd.s32 s3, s9;
	s6 =	sadd.s32 @!p0 $0x88, s6;
	s7 =	simm.s32 @p2 $0x1082  }
0x22: {  	[simem:s7], [sflag:s8] =	dma.local @!p0 [hbm:s6], $0xF7A  }
0x23: {  	s9 =	sor.u32 $0xD0000000, s2;
	s6 =	simm.s32 $0x108;
	_ =	swait.ge @!p0 [sflag:s8], $0x0  }
0x24: {  	s3 =	sadd.s32 $0x88, s3;
	s6 =	simm.s32 @!p1 $0x1082;
	[sflag:s4] =	ssyncset.s32 $0xFFFFF086  }
0x25: {  	[simem:s6], [sflag:s4] =	dma.local [hbm:s3], $0xF7A  }
0x26: {  	[smem:$0x3F9D] =	sst s1;
	(tag) =	ssettag s2;
	_ =	strace s9  }
0x27: {  	s1 =	sld [smem:$0x3FAD]  }
0x28: {  	s2 =	sld [smem:$0x3FAE]  }
0x29: {  	s4 =	sld [smem:$0x3FB0]  }
0x2a: {  	p0 =	seq.s32 s5, $0x0;
	s5 =	sld [smem:$0x3FB1]  }
0x2b: {  	s6 =	sld [smem:$0x3FB2]  }
0x2c: {  	s7 =	sld [smem:$0x3FB3]  }
0x2d: {  	s3 =	simm.s32 $0x108;
	s8 =	sld [smem:$0x3FB4]  }
0x2e: {  	s3 =	simm.s32 @!p0 $0x1082;
	s9 =	sld [smem:$0x3FB5]  }
0x2f: {  	lr =	sadd.s32 s0, s3;
	s0 =	sld [smem:$0x3FAC]  }
0x30: {  	s3 =	sld [smem:$0x3FAF]  }
0x31: {  	[smem:$0x3FB8] =	sst s10  }
0x32: {  	s10 =	sld [smem:$0x3FB6];
	_ =	sdelay $0x3  }
0x33: {  	p0 =	seq.s32 s10, $0x1;
	s10 =	sld [smem:$0x3FB8];
	_ =	sdelay $0x3  }
0x34: {  	[smem:$0x3FB8] =	sst s10  }
0x35: {  	s10 =	sld [smem:$0x3FB7];
	_ =	sdelay $0x3  }
0x36: {  	p1 =	seq.s32 s10, $0x1;
	s10 =	sld [smem:$0x3FB8];
	_ =	sdelay $0x3  }
0x37: {  	[smem:$0x3FB8] =	sst s10  }
0x38: {  	s10 =	sld [smem:$0x3FB9]  }
0x39: {  	_ = 	snop;
	(pc) =	sbr.ind lr, $3  }
0x3a: {  	_ = 	snop  }
0x3b: {  	_ = 	snop  }
0x3c: {  	p2 =	seq.s32 s10, $0x1;
	s10 =	sld [smem:$0x3FB8]  }
0x3d: {  	_ =	shalt  }
0x3e: {  	_ =	shalt  }
0x3f: {  	_ =	shalt  }
0x40: {  	_ =	shalt  }
0x41: {  	_ =	shalt  }
0x42: {  	_ =	shalt  }
0x43: {  	_ =	shalt  }
0x44: {  	_ =	shalt  }
0x45: {  	_ =	shalt  }
0x46: {  	_ =	shalt  }
0x47: {  	_ =	shalt  }
0x48: {  	_ =	shalt  }
0x49: {  	_ =	shalt  }
0x4a: {  	_ =	shalt  }
0x4b: {  	_ =	shalt  }
0x4c: {  	_ =	shalt  }
0x4d: {  	_ =	shalt  }
0x4e: {  	_ =	shalt  }
0x4f: {  	_ =	shalt  }
0x50: {  	_ =	shalt  }
0x51: {  	_ =	shalt  }
0x52: {  	_ =	shalt  }
0x53: {  	_ =	shalt  }
0x54: {  	_ =	shalt  }
0x55: {  	_ =	shalt  }
0x56: {  	_ =	shalt  }
0x57: {  	_ =	shalt  }
0x58: {  	_ =	shalt  }
0x59: {  	_ =	shalt  }
0x5a: {  	_ =	shalt  }
0x5b: {  	_ =	shalt  }
0x5c: {  	_ =	shalt  }
0x5d: {  	_ =	shalt  }
0x5e: {  	_ =	shalt  }
0x5f: {  	_ =	shalt  }
0x60: {  	_ =	shalt  }
0x61: {  	_ =	shalt  }
0x62: {  	_ =	shalt  }
0x63: {  	_ =	shalt  }
0x64: {  	_ =	shalt  }
0x65: {  	_ =	shalt  }
0x66: {  	_ =	shalt  }
0x67: {  	_ =	shalt  }
0x68: {  	_ =	shalt  }
0x69: {  	_ =	shalt  }
0x6a: {  	_ =	shalt  }
0x6b: {  	_ =	shalt  }
0x6c: {  	_ =	shalt  }
0x6d: {  	_ =	shalt  }
0x6e: {  	_ =	shalt  }
0x6f: {  	_ =	shalt  }
0x70: {  	_ =	shalt  }
0x71: {  	_ =	shalt  }
0x72: {  	_ =	shalt  }
0x73: {  	_ =	shalt  }
0x74: {  	_ =	shalt  }
0x75: {  	_ =	shalt  }
0x76: {  	_ =	shalt  }
0x77: {  	_ =	shalt  }
0x78: {  	_ =	shalt  }
0x79: {  	_ =	shalt  }
0x7a: {  	_ =	shalt  }
0x7b: {  	_ =	shalt  }
0x7c: {  	_ =	shalt  }
0x7d: {  	_ =	shalt  }
0x7e: {  	_ =	shalt  }
0x7f: {  	_ =	shalt  }
0x80: {  	_ =	shalt  }
0x81: {  	_ =	shalt  }
0x82: {  	_ =	shalt  }
0x83: {  	_ =	shalt  }
0x84: {  	_ =	shalt  }
0x85: {  	_ =	shalt  }
0x86: {  	_ =	shalt  }
0x87: {  	_ =	shalt  }
.Lfunc_end0:
.L_simem_size_0:
called_computation_lowered:
.L_overlay_start_0:
0x88: {  	s2 =	sld [smem:$0x3FD9]  }
0x89: {  	s3 =	sld [smem:$0x3FFE];
	_ =	sdelay $0x1  }
0x8a: {  	s1 =	srdreg.scid  }
0x8b: {  	s0 =	sand.u32 $0x1, s1  }
0x8c: {  	s17 =	sshll.u32 s0, $0xA;
	s2 =	sadd.s32 s3, s2  }
0x8d: {  	s2 =	sadd.s32 s2, s17  }
0x8e: {  	[smem:$0x3FC4] =	sst s2  }
0x8f: {  	_ = 	snop  }
0x90: {  	s2 =	sld [smem:$0x3FC7]  }
0x91: {  	s18 =	sld [smem:$0x3FD0];
	(tm) =	ssettm $0x1  }
0x92: {  	s4 =	sld [smem:$0x3FFB];
	_ =	sdelay $0x3  }
0x93: {  	_ =	strace s4  }
0x94: {  	s4 =	sld [smem:$0x3FFC];
	_ =	sdelay $0x3  }
0x95: {  	_ =	strace s4  }
0x96: {  	s4 =	sld [smem:$0x3FFD];
	_ =	sdelay $0x3  }
0x97: {  	_ =	strace s4  }
0x98: {  	_ =	strace $0x8FFFFFFF  }
0x99: {  	s19 =	sld [smem:$0x3FDB];
	_ =	sdelay $0x1  }
0x9a: {  	s5 =	simm.s32 $_scs_section_size  }
0x9b: {  	s6 =	simm.s32 $_size__tile_overlayer_lowered;
	s7 =	simm.s32 $_tile_overlayer_lowered  }
0x9c: {  	s22 =	simm.s32 $0x1BFF;
	s21 =	sshll.u32 s7, $0x1;
	s4 =	sadd.s32 s5, s19  }
0x9d: {  	s8 =	simm.s32 $0x0;
	s20 =	sshll.u32 s6, $0x1;
	s6 =	sadd.s32 s21, s4  }
0x9e: {  	[timem:s8], [sflag:s22] =	dma.local [hbm:s6], s20  }
0x9f: {  	_ =	swait.ge [sflag:s22], s20  }
0xa0: {  	s5 =	ssub.s32 $0x0, s20;
	[sflag:s22] =	ssyncset.done $0x0  }
0xa1: {  	[sflag:s22] =	ssyncadd.s32 s5;
	_ =	sdelay $0x1  }
0xa2: {  	s23 =	simm.s32 $0x1B8B  }
0xa3: {  	_ =	swait.ge [sflag:s23], $0x1  }
0xa4: {  	[sflag:s23] =	ssyncset.done $0x0  }
0xa5: {  	s25 =	simm.s32 $0x1B8E;
	s24 =	sld [smem:$0x3FFE];
	[sflag:s23] =	ssyncadd.s32 $0xFFFFFFFF  }
0xa6: {  	s26 =	simm.s32 $execute0_lowered;
	[smem:$0x3FD2] =	sst s25  }
0xa7: {  	s6 =	sshll.u32 s26, $0x1;
	_ =	strace $0x80000046;
	[dreg:$0x1] =	wrdreg $0xFFFFFFFF  }
0xa8: {  	s28 =	simm.s32 $_size_execute0_lowered;
	s4 =	sadd.s32 s4, s6;
	[dreg:$0x0] =	wrdreg $0x0  }
0xa9: {  	s6 =	sshll.u32 s28, $0x1;
	[dreg:$0x2] =	wrdreg s4  }
0xaa: {  	[dreg:$0x3] =	wrdreg s6  }
0xab: {  	[dreg:$0x4] =	wrdreg $0xC0  }
0xac: {  	_ =	task [dreg:s8], $0x5FFFF  }
0xad: {  	[dreg:$0x1] =	wrdreg $0xFFFFFFFF  }
0xae: {  	[dreg:$0x0] =	wrdreg $0x60  }
0xaf: {  	[dreg:$0x2] =	wrdreg s24  }
0xb0: {  	[dreg:$0x3] =	wrdreg s2  }
0xb1: {  	[dreg:$0x4] =	wrdreg s18  }
0xb2: {  	[dreg:$0x5] =	wrdreg $0x0  }
0xb3: {  	[dreg:$0x6] =	wrdreg $0x9C400  }
0xb4: {  	[dreg:$0x7] =	wrdreg $0x9  }
0xb5: {  	_ =	task.clear_ibuf [dreg:s8], $0x8FFFF;
	_ =	strace $0x90000046  }
0xb6: {  	s29 =	simm.s32 $0x9;
	_ =	strace $0x80000048  }
0xb7: {  	_ =	swait.ge [sflag:s29], $0x1  }
0xb8: {  	[sflag:s29] =	ssyncadd.s32 $0xFFFFFFFF  }
0xb9: {  	_ =	strace $0x90000048  }
0xba: {  	_ =	sfence  }
0xbb: {  	s30 =	sld [smem:$0x0];
	_ =	sdelay $0x2  }
0xbc: {  	s31 =	sshll.u32 s1, $0xD;
	s1 =	sshrl.u32 s1, $0x2  }
0xbd: {  	s3 =	sand.u32 $0x4000, s31;
	s1 =	sadd.s32 s1, s30  }
0xbe: {  	s0 =	sor.u32 s3, s0;
	s1 =	sshll.u32 s1, $0x11  }
0xbf: {  	s0 =	sor.u32 s1, s0  }
0xc0: {  	s0 =	sadd.s32 $0x8F2B, s0  }
0xc1: {  	[sflag:s0] =	ssyncadd.remote.s32 $0x1  }
0xc2: {  	_ =	sfence.sel $0xFFFF  }
0xc3: {  	[dreg:$0x0] =	wrdreg $0xFFFFFFFF;
	(pc) =	sbr.abs _section_cstart, $3  }
0xc4: {  	[dreg:$0x1] =	wrdreg $0xFFFFFFFF  }
0xc5: {  	_ =	task.clear_ibuf [dreg:s8], $0x2FFFF;
	_ =	strace $0x9FFFFFFF  }
0xc6: {  	(tm) =	ssettm $0x7FFFFFFF  }
0xc7: {  	_ =	shalt  }
tec
execute0_lowered:
.L_overlay_start_1:
0x0: {  	(tag) =	ssettag $0x1  }
0x1: {  	s0 =	rddreg [dreg:$0x0]  }
0x2: {  	s1 =	rddreg [dreg:$0x1]  }
0x3: {  	s7 =	rddreg [dreg:$0x2]  }
0x4: {  	s2 =	rddreg [dreg:$0x3]  }
0x5: {  	s3 =	rddreg [dreg:$0x4]  }
0x6: {  	s4 =	simm.s32 $0x0;
	s8 =	srdreg.scid;
	s9 =	stileid.u32  }
0x7: {  	s28 =	simm.s32 $0x50;
	s29 =	simm.s32 $0xA5F0;
	s30 =	simm.s32 $0xCDF0  }
0x8: {  	s31 =	simm.s32 $0xF5F0;
	[smem:$0x7FF] =	sst s4;
	s5 =	sadd.s32 $0x1D800, s0  }
0x9: {  	s6 =	sadd.s32 $0x13A00, s0;
	s8 =	sand.u32 $0x1, s8;
	s10 =	sshll.u32 s9, $0x1  }
0xa: {  	s13 =	smul.u32 $0x9C00, s9;
	s12 =	sadd.s32 $0x27600, s0;
	s17 =	sshll.u32 s9, $0x6  }
0xb: {  	p0 =	sne.s32 s9, $0x0;
	_ =	strace $0x80000047;
	s11 =	ssub.s32 $0x2, s8  }
0xc: {  	s8 =	sor.u32 s8, s10;
	[dreg:$0x6] =	wrdreg s12;
	s12 =	simm.s32 $0xE1F0  }
0xd: {  	s14 =	sshrl.u32 s11, $0x1;
	s8 =	smul.u32 $0x2710, s8;
	s10 =	sshrl.u32 s13, $0x3  }
0xe: {  	s15 =	sadd.s32 s13, s2;
	s11 =	ssub.s32 s11, s14;
	s0 =	sadd.s32 s0, s10  }
0xf: {  	s26 =	sshrl.u32 s15, $0x3;
	s10 =	simm.s32 $0x2;
	s14 =	simm.s32 $0x0  }
0x10: {  	[dreg:$0x7] =	wrdreg s0;
	s18 =	sshrl.u32 s8, $0x3;
	s0 =	sor.u32 $0x1C03, s17  }
0x11: {  	s16 =	sadd.s32 $0xA0, s8;
	s17 =	sadd.s32 $0xF0, s8;
	[dreg:$0x11] =	wrdreg s26  }
0x12: {  	s25 =	smax.u32 s11, $0x1;
	s26 =	simm.s32 $0x1;
	[dreg:$0x8] =	wrdreg s0  }
0x13: {  	s8 =	simm.s32 $0xA5A0;
	s19 =	sadd.s32 s5, s18;
	[dreg:$0x10] =	wrdreg s25  }
0x14: {  	s11 =	simm.s32 $0xB9F0;
	s13 =	sadd.s32 s6, s18;
	[dreg:$0x9] =	wrdreg s19  }
0x15: {  	s20 =	sadd.s32 $0xA, s18;
	s21 =	sadd.s32 s1, s18;
	[dreg:$0xa] =	wrdreg s13  }
0x16: {  	s24 =	sadd.s32 s7, s18;
	s25 =	simm.s32 $0xA4B0;
	[dreg:$0xb] =	wrdreg s21  }
0x17: {  	s7 =	simm.s32 $0xA550;
	s22 =	sadd.s32 s5, s20;
	[dreg:$0xf] =	wrdreg s24  }
0x18: {  	s23 =	sadd.s32 s6, s20;
	s0 =	sadd.s32 s1, s20;
	[dreg:$0xc] =	wrdreg s22  }
0x19: {  	s19 =	simm.s32 $0x3;
	s24 =	simm.s32 $0xA460;
	[dreg:$0xd] =	wrdreg s23  }
0x1a: {  	s13 =	simm.s32 $0x109F0;
	[dreg:$0xe] =	wrdreg s0;
	s0 =	sshrl.u32 @!p0 s3, $0x3  }
0x1b: {  	v0 =	vlaneseq.u32;
	s23 =	simm.s32 $0xA410;
	[dreg:$0x12] =	wrdreg s0;
	s0 =	simm.s32 $0xA500  }
.LBB2_1:
0x1c: {  	s9 =	rddreg [dreg:$0x7]  }
0x1d: {  	s15 =	rddreg [dreg:$0x8]  }
0x1e: {  	s18 =	rddreg [dreg:$0x11]  }
0x1f: {  	[spmem:s18], [sflag:s15] =	dma.local [hbm:s9], $0x1400  }
0x20: {  	_ =	swait.ge [sflag:s19], $0x1400  }
0x21: {  	[sflag:s19] =	ssyncset.done $0x0;
	s9 =	rddreg [dreg:$0x6]  }
0x22: {  	s18 =	rddreg [dreg:$0x12];
	[sflag:s19] =	ssyncadd.s32 $0xFFFFEC00  }
0x23: {  	[spmem:s18], [sflag:s15] =	dma.local @!p0 [hbm:s9], $0xFA0  }
0x24: {  	s9 =	simm.s32 @!p0 $0x3  }
0x25: {  	_ =	swait.ge @!p0 [sflag:s9], $0xFA0  }
0x26: {  	[sflag:s9] =	ssyncset.done @!p0 $0x0  }
0x27: {  	[sflag:s9] =	ssyncadd.s32 @!p0 $0xFFFFF060  }
0x28: {  	[bflag:$0x0] =	sbarrier.arrive $0xFFFF  }
0x29: {  	s15 =	rddreg [dreg:$0x9]  }
0x2a: {  	[tilespmem:s23], [sflag:$0x1] =	stream.linear.gather [hbm4b:s15+s4], $0x50, $0x38;
	[tilespmem:$0x14500] =	vst v63  }
0x2b: {  	s18 =	rddreg [dreg:$0xa]  }
0x2c: {  	[tilespmem:s24], [sflag:$0x1] =	stream.linear.gather [hbm4b:s18+s4], $0x50, $0x38;
	[tilespmem:$0x14500] =	vst v63  }
0x2d: {  	s19 =	rddreg [dreg:$0xb]  }
0x2e: {  	[tilespmem:s25], [sflag:$0x1] =	stream.linear.gather [hbm4b:s19+s4], $0x50, $0x38;
	[tilespmem:$0x14500] =	vst v63  }
0x2f: {  	_ =	swait.ge [sflag:s26], $0x50  }
0x30: {  	[sflag:s26] =	ssyncset.done $0x0  }
0x31: {  	[sflag:s26] =	ssyncadd.s32 $0xFFFFFFB0  }
0x32: {  	_ =	swait.ge [sflag:s26], $0x50  }
0x33: {  	[sflag:s26] =	ssyncset.done $0x0  }
0x34: {  	[sflag:s26] =	ssyncadd.s32 $0xFFFFFFB0  }
0x35: {  	_ =	swait.ge [sflag:s26], $0x50  }
0x36: {  	[sflag:s26] =	ssyncset.done $0x0  }
0x37: {  	[sflag:s26] =	ssyncadd.s32 $0xFFFFFFB0  }
0x38: {  	[tilespmem:s29], [sflag:$0x2] =	stream.indirect.gather [spmem:s2], $0x40, s23, s28, $0xb8;
	[tilespmem:$0x14500] =	vst v63  }
0x39: {  	_ = 	snop  }
0x3a: {  	[tilespmem:s30], [sflag:$0x2] =	stream.indirect.gather [spmem:s2], $0x40, s24, s28, $0xb8;
	[tilespmem:$0x14500] =	vst v63  }
0x3b: {  	_ = 	snop  }
0x3c: {  	[tilespmem:s31], [sflag:$0x2] =	stream.indirect.gather [spmem:s3], $0x40, s25, s28, $0xb8;
	[tilespmem:$0x14500] =	vst v63  }
0x3d: {  	s20 =	rddreg [dreg:$0xc]  }
0x3e: {  	[tilespmem:s0], [sflag:$0x1] =	stream.linear.gather [hbm4b:s20+s4], $0x50, $0x38;
	[tilespmem:$0x14500] =	vst v63  }
0x3f: {  	s21 =	rddreg [dreg:$0xd]  }
0x40: {  	[tilespmem:s7], [sflag:$0x1] =	stream.linear.gather [hbm4b:s21+s4], $0x50, $0x38;
	[tilespmem:$0x14500] =	vst v63  }
0x41: {  	s15 =	simm.s32 $0x0;
	s22 =	rddreg [dreg:$0xe]  }
0x42: {  	[tilespmem:s8], [sflag:$0x1] =	stream.linear.gather [hbm4b:s22+s4], $0x50, $0x38;
	[tilespmem:$0x14500] =	vst v63  }
.LBB2_2:
0x43: {  	_ =	swait.ge [sflag:s10], $0x1400  }
0x44: {  	[sflag:s10] =	ssyncset.done $0x0  }
0x45: {  	[sflag:s10] =	ssyncadd.s32 $0xFFFFEC00  }
0x46: {  	_ =	swait.ge [sflag:s10], $0x1400  }
0x47: {  	[sflag:s10] =	ssyncset.done $0x0  }
0x48: {  	[sflag:s10] =	ssyncadd.s32 $0xFFFFEC00  }
0x49: {  	_ =	swait.ge [sflag:s10], $0x1400  }
0x4a: {  	[sflag:s10] =	ssyncset.done $0x0  }
0x4b: {  	[sflag:s10] =	ssyncadd.s32 $0xFFFFEC00  }
0x4c: {  	_ =	swait.ge [sflag:s26], $0x50  }
0x4d: {  	[sflag:s26] =	ssyncset.done $0x0  }
0x4e: {  	[sflag:s26] =	ssyncadd.s32 $0xFFFFFFB0  }
0x4f: {  	_ =	swait.ge [sflag:s26], $0x50  }
0x50: {  	[sflag:s26] =	ssyncset.done $0x0  }
0x51: {  	[sflag:s26] =	ssyncadd.s32 $0xFFFFFFB0  }
0x52: {  	_ =	swait.ge [sflag:s26], $0x50  }
0x53: {  	[sflag:s26] =	ssyncset.done $0x0  }
0x54: {  	s18 =	smul.u32 $0xA0, s15;
	[sflag:s26] =	ssyncadd.s32 $0xFFFFFFB0  }
0x55: {  	[tilespmem:s11], [sflag:$0x2] =	stream.indirect.gather [spmem:s2], $0x40, s0, s28, $0xb8;
	[tilespmem:$0x14500] =	vst v63  }
0x56: {  	s9 =	sadd.s32 s18, s16  }
0x57: {  	[tilespmem:s12], [sflag:$0x2] =	stream.indirect.gather [spmem:s2], $0x40, s7, s28, $0xb8;
	[tilespmem:$0x14500] =	vst v63  }
0x58: {  	s9 =	sshrl.u32 s9, $0x3  }
0x59: {  	[tilespmem:s13], [sflag:$0x2] =	stream.indirect.gather [spmem:s3], $0x40, s8, s28, $0xb8;
	[tilespmem:$0x14500] =	vst v63  }
0x5a: {  	s20 =	simm.s32 $0x0;
	s21 =	smul.u32 $0x280, s15;
	s19 =	sadd.s32 s5, s9  }
0x5b: {  	[tilespmem:s23], [sflag:$0x1] =	stream.linear.gather [hbm4b:s19+s20], $0x50, $0x38;
	[tilespmem:$0x14500] =	vst v63  }
0x5c: {  	s22 =	sadd.s32 s6, s9;
	s19 =	sshra.s32 s21, $0x2  }
0x5d: {  	[tilespmem:s24], [sflag:$0x1] =	stream.linear.gather [hbm4b:s22+s20], $0x50, $0x38;
	[tilespmem:$0x14500] =	vst v63  }
0x5e: {  	s9 =	sadd.s32 s1, s9;
	s22 =	sadd.s32 $0x11DF0, s19  }
0x5f: {  	v1 =	vmov s22;
	[tilespmem:s25], [sflag:$0x1] =	stream.linear.gather [hbm4b:s9+s20], $0x50, $0x38;
	[tilespmem:$0x14500] =	vst v63  }
.LBB2_3:
0x60: {  	s22 =	sshll.u32 s20, $0x4;
	p1 =	por $0x1, $0x1;
	v2 =	vimm.f32 $0.0e+00;
	s9 =	simm.s32 $0x0  }
.LBB2_4:
0x61: {  	s21 =	sor.u32 s22, s9  }
0x62: {  	s21 =	sshll.u32 s21, $0x6  }
0x63: {  	v3 =	vld [tilespmem:s21+$0xA5F0]  }
0x64: {  	v4 =	vld [tilespmem:s21+$0xF5F0]  }
0x65: {  	v5 =	vld [tilespmem:s21+$0xCDF0]  }
0x66: {  	v8 =	vld [tilespmem:s21+$0xA600]  }
0x67: {  	v63 =	vld [tilespmem:s21+$0xF600]  }
0x68: {  	v12 =	vld [tilespmem:s21+$0xCE00]  }
0x69: {  	v10 =	vld [tilespmem:s21+$0xA610]  }
0x6a: {  	v19 =	vld [tilespmem:s21+$0xA620]  }
0x6b: {  	v20 =	vld [tilespmem:s21+$0xF620]  }
0x6c: {  	v21 =	vld [tilespmem:s21+$0xCE20]  }
0x6d: {  	v23 =	vld [tilespmem:s21+$0xF630]  }
0x6e: {  	v27 =	vld [tilespmem:s21+$0xA640]  }
0x6f: {  	v29 =	vld [tilespmem:s21+$0xF640]  }
0x70: {  	v32 =	vld [tilespmem:s21+$0xCE40];
	v6 =	vunpack.i.l.bf16.f32 v3  }
0x71: {  	v41 =	vld [tilespmem:s21+$0xA650];
	v7 =	vunpack.i.l.bf16.f32 v4;
	v9 =	vunpack.i.l.bf16.f32 v5;
	v3 =	vunpack.i.u.bf16.f32 v3  }
0x72: {  	v44 =	vld [tilespmem:s21+$0xF650];
	v4 =	vunpack.i.u.bf16.f32 v4;
	v13 =	vunpack.i.u.bf16.f32 v5;
	v15 =	vunpack.i.l.bf16.f32 v8  }
0x73: {  	v46 =	vld [tilespmem:s21+$0xA670];
	v16 =	vunpack.i.l.bf16.f32 v63;
	v18 =	vunpack.i.l.bf16.f32 v12;
	v8 =	vunpack.i.u.bf16.f32 v8  }
0x74: {  	v48 =	vld [tilespmem:s21+$0xF670];
	v22 =	vunpack.i.l.bf16.f32 v10;
	v10 =	vunpack.i.u.bf16.f32 v10;
	v24 =	vunpack.i.l.bf16.f32 v19  }
0x75: {  	v51 =	vld [tilespmem:s21+$0xCE50];
	v25 =	vunpack.i.l.bf16.f32 v20;
	v5 =	vunpack.i.u.bf16.f32 v19;
	v28 =	vunpack.i.l.bf16.f32 v21  }
0x76: {  	v59 =	vld [tilespmem:s21+$0xA680];
	v38 =	vunpack.i.l.bf16.f32 v27;
	v39 =	vunpack.i.l.bf16.f32 v29;
	v42 =	vunpack.i.u.bf16.f32 v29  }
0x77: {  	v62 =	vld [tilespmem:s21+$0xF680];
	v43 =	vunpack.i.l.bf16.f32 v32;
	v47 =	vunpack.i.u.bf16.f32 v32;
	v54 =	vunpack.i.u.bf16.f32 v41  }
0x78: {  	v55 =	vunpack.i.l.bf16.f32 v41;
	v56 =	vunpack.i.l.bf16.f32 v44;
	v57 =	vunpack.i.l.bf16.f32 v46  }
0x79: {  	v58 =	vunpack.i.l.bf16.f32 v48;
	v60 =	vunpack.i.u.bf16.f32 v44;
	v6 =	vmul.f32 v7, v6  }
0x7a: {  	v17 =	vld [tilespmem:s21+$0xF610];
	v61 =	vunpack.i.l.bf16.f32 v51;
	v3 =	vmul.f32 v4, v3;
	v4 =	vmul.f32 v16, v15  }
0x7b: {  	v52 =	vld [tilespmem:s21+$0xCE70];
	v7 =	vunpack.i.u.bf16.f32 v63;
	v26 =	vmul.f32 v25, v24;
	v16 =	vunpack.i.l.bf16.f32 v23  }
0x7c: {  	v40 =	vmul.f32 v39, v38;
	v24 =	vunpack.i.l.bf16.f32 v59;
	v25 =	vunpack.i.l.bf16.f32 v62  }
0x7d: {  	v15 =	vld [tilespmem:s21+$0xCE30];
	v7 =	vmul.f32 v7, v8;
	v8 =	vunpack.i.u.bf16.f32 v20;
	v6 =	vmul.f32 v9, v6  }
0x7e: {  	v63 =	vld [tilespmem:s21+$0xA660];
	v3 =	vmul.f32 v13, v3;
	v4 =	vmul.f32 v18, v4;
	v9 =	vunpack.i.u.bf16.f32 v12  }
0x7f: {  	v11 =	vld [tilespmem:s21+$0xCE10];
	v12 =	vunpack.i.l.bf16.f32 v17;
	v5 =	vmul.f32 v8, v5;
	v45 =	vmul.f32 v43, v40  }
0x80: {  	v20 =	vunpack.i.l.bf16.f32 v52;
	v13 =	vld [tilespmem:s21+$0xA630];
	v7 =	vmul.f32 v9, v7;
	v9 =	vmul.f32 v12, v22  }
0x81: {  	v12 =	vunpack.i.u.bf16.f32 v23;
	v14 =	vadd.f32 $0.0e+00, v6;
	v6 =	vunpack.i.u.bf16.f32 v17  }
0x82: {  	v6 =	vmul.f32 v6, v10;
	v34 =	vunpack.i.l.bf16.f32 v15;
	v37 =	vunpack.i.u.bf16.f32 v15  }
0x83: {  	v10 =	vunpack.i.u.bf16.f32 v27;
	v27 =	vunpack.i.u.bf16.f32 v63;
	v3 =	vadd.f32 v14, v3  }
0x84: {  	v14 =	vunpack.i.u.bf16.f32 v11;
	v11 =	vunpack.i.l.bf16.f32 v11;
	v10 =	vmul.f32 v42, v10  }
0x85: {  	v22 =	vld [tilespmem:s21+$0xF660];
	v9 =	vmul.f32 v11, v9;
	v6 =	vmul.f32 v14, v6;
	v30 =	vunpack.i.l.bf16.f32 v13  }
0x86: {  	v40 =	vld [tilespmem:s21+$0xCEA0];
	v33 =	vunpack.i.u.bf16.f32 v13;
	v11 =	vunpack.i.u.bf16.f32 v46;
	v14 =	vunpack.i.l.bf16.f32 v63  }
0x87: {  	v23 =	vld [tilespmem:s21+$0xCE60];
	v13 =	vunpack.i.u.bf16.f32 v59;
	v3 =	vadd.f32 v4, v3;
	v31 =	vmul.f32 v16, v30  }
0x88: {  	v36 =	vmul.f32 v12, v33;
	v4 =	vunpack.i.u.bf16.f32 v21;
	v50 =	vmul.f32 v47, v10;
	v21 =	vld [tilespmem:s21+$0xCE80]  }
0x89: {  	v10 =	vmul.f32 v58, v57;
	v12 =	vunpack.i.u.bf16.f32 v62;
	v30 =	vld [tilespmem:s21+$0xCE90];
	v4 =	vmul.f32 v4, v5  }
0x8a: {  	v17 =	vunpack.i.l.bf16.f32 v22;
	v47 =	vld [tilespmem:s21+$0xA6C0];
	v5 =	vmul.f32 v60, v54;
	v12 =	vmul.f32 v12, v13  }
0x8b: {  	v54 =	vld [tilespmem:s21+$0xA6D0];
	v3 =	vadd.f32 v3, v7;
	v7 =	vmul.f32 v28, v26;
	v35 =	vmul.f32 v34, v31  }
0x8c: {  	v18 =	vunpack.i.l.bf16.f32 v23;
	v10 =	vmul.f32 v20, v10;
	v26 =	vld [tilespmem:s21+$0xA690];
	v31 =	vmul.f32 v17, v14  }
0x8d: {  	v8 =	vmul.f32 v37, v36;
	v28 =	vld [tilespmem:s21+$0xF690];
	v3 =	vadd.f32 v9, v3;
	v9 =	vunpack.i.u.bf16.f32 v48  }
0x8e: {  	v36 =	vld [tilespmem:s21+$0xA6A0];
	v10 =	vadd.f32 $0.0e+00, v10;
	v13 =	vmul.f32 v18, v31;
	v48 =	vunpack.i.u.bf16.f32 v40  }
0x8f: {  	v37 =	vld [tilespmem:s21+$0xF6A0];
	v9 =	vmul.f32 v9, v11;
	v29 =	vunpack.i.l.bf16.f32 v21;
	v32 =	vunpack.i.u.bf16.f32 v21  }
0x90: {  	v39 =	vunpack.i.l.bf16.f32 v30;
	v43 =	vunpack.i.u.bf16.f32 v30;
	v58 =	vunpack.i.l.bf16.f32 v47  }
0x91: {  	v42 =	vld [tilespmem:s21+$0xF6B0];
	v3 =	vadd.f32 v3, v6;
	v6 =	vadd.f32 $0.0e+00, v35;
	v33 =	vmul.f32 v32, v12  }
0x92: {  	v63 =	vld [tilespmem:s21+$0xA6E0];
	v34 =	vunpack.i.l.bf16.f32 v26;
	v35 =	vunpack.i.l.bf16.f32 v28;
	v16 =	vunpack.i.u.bf16.f32 v26  }
0x93: {  	v11 =	vunpack.i.u.bf16.f32 v28;
	v44 =	vunpack.i.l.bf16.f32 v36;
	v15 =	vunpack.i.u.bf16.f32 v36  }
0x94: {  	v57 =	vld [tilespmem:s21+$0xF6D0];
	v14 =	vunpack.i.u.bf16.f32 v37;
	v28 =	vunpack.i.u.bf16.f32 v54;
	v6 =	vadd.f32 v6, v8  }
0x95: {  	v3 =	vadd.f32 v7, v3;
	v7 =	vunpack.i.u.bf16.f32 v51;
	v12 =	vmul.f32 v35, v34  }
0x96: {  	v30 =	vld [tilespmem:s21+$0xF6F0];
	v8 =	vunpack.i.u.bf16.f32 v52;
	v11 =	vmul.f32 v11, v16;
	v14 =	vmul.f32 v14, v15  }
0x97: {  	v51 =	vunpack.i.l.bf16.f32 v42;
	v34 =	vunpack.i.l.bf16.f32 v63;
	v5 =	vmul.f32 v7, v5  }
0x98: {  	v41 =	vld [tilespmem:s21+$0xA6B0];
	v8 =	vmul.f32 v8, v9;
	v9 =	vmul.f32 v25, v24;
	v7 =	vunpack.i.u.bf16.f32 v23  }
0x99: {  	v36 =	vld [tilespmem:s21+$0xCEF0];
	v23 =	vunpack.i.l.bf16.f32 v54;
	v24 =	vunpack.i.l.bf16.f32 v57;
	v49 =	vadd.f32 v45, v6  }
0x9a: {  	v52 =	vld [tilespmem:s21+$0xCEC0];
	v3 =	vadd.f32 v3, v4;
	v6 =	vmul.f32 v56, v55;
	v45 =	vunpack.i.l.bf16.f32 v37  }
0x9b: {  	v46 =	vld [tilespmem:s21+$0xCEB0];
	v26 =	vmul.f32 v24, v23;
	v20 =	vunpack.i.l.bf16.f32 v30;
	v8 =	vadd.f32 v10, v8  }
0x9c: {  	v19 =	vld [tilespmem:s21+$0xCEE0];
	v9 =	vmul.f32 v29, v9;
	v10 =	vunpack.i.u.bf16.f32 v47;
	v47 =	vunpack.i.u.bf16.f32 v30  }
0x9d: {  	v53 =	vadd.f32 v49, v50;
	v6 =	vmul.f32 v61, v6;
	v50 =	vunpack.i.l.bf16.f32 v41  }
0x9e: {  	v49 =	vld [tilespmem:s21+$0xF6C0];
	v16 =	vunpack.i.u.bf16.f32 v36;
	v8 =	vadd.f32 v9, v8;
	v9 =	vunpack.i.l.bf16.f32 v40  }
0x9f: {  	v61 =	vld [tilespmem:s21+$0xCED0];
	v62 =	vunpack.i.l.bf16.f32 v52;
	v40 =	vunpack.i.u.bf16.f32 v63;
	v4 =	vadd.f32 v6, v53  }
0xa0: {  	v6 =	vunpack.i.u.bf16.f32 v22;
	v53 =	vunpack.i.l.bf16.f32 v46;
	v38 =	vadd.f32 v8, v33  }
0xa1: {  	v8 =	vmul.f32 v39, v12;
	v12 =	vunpack.i.u.bf16.f32 v41;
	v41 =	vunpack.i.l.bf16.f32 v19  }
0xa2: {  	v19 =	vunpack.i.u.bf16.f32 v19;
	v4 =	vadd.f32 v4, v5;
	v5 =	vmul.f32 v6, v27  }
0xa3: {  	v6 =	vadd.f32 v8, v38;
	v8 =	vmul.f32 v45, v44;
	v59 =	vunpack.i.l.bf16.f32 v49  }
0xa4: {  	v22 =	vld [tilespmem:s21+$0xF6E0];
	v15 =	vunpack.i.u.bf16.f32 v49;
	v29 =	vunpack.i.l.bf16.f32 v61;
	v33 =	vunpack.i.u.bf16.f32 v61  }
0xa5: {  	v24 =	vld [tilespmem:s21+$0xF730];
	v4 =	vadd.f32 v13, v4;
	v5 =	vmul.f32 v7, v5;
	v7 =	vmul.f32 v43, v11  }
0xa6: {  	v39 =	vld [tilespmem:s21+$0xA700];
	v13 =	vunpack.i.u.bf16.f32 v42;
	v60 =	vmul.f32 v59, v58;
	v10 =	vmul.f32 v15, v10  }
0xa7: {  	v63 =	vld [tilespmem:s21+$0xA730];
	v11 =	vunpack.i.u.bf16.f32 v46;
	v31 =	vmul.f32 v29, v26;
	v8 =	vmul.f32 v9, v8  }
0xa8: {  	v9 =	vmul.f32 v51, v50;
	v56 =	vmul.f32 v13, v12;
	v12 =	vunpack.i.u.bf16.f32 v57  }
0xa9: {  	v27 =	vld [tilespmem:s21+$0xA6F0];
	v35 =	vunpack.i.l.bf16.f32 v22;
	v6 =	vadd.f32 v6, v7;
	v7 =	vmul.f32 v48, v14  }
0xaa: {  	v49 =	vld [tilespmem:s21+$0xA710];
	v21 =	vmul.f32 v62, v60;
	v14 =	vunpack.i.u.bf16.f32 v52;
	v32 =	vmul.f32 v12, v28  }
0xab: {  	v42 =	vld [tilespmem:s21+$0xF700];
	v38 =	vmul.f32 v35, v34;
	v48 =	vunpack.i.l.bf16.f32 v36;
	v51 =	vunpack.i.l.bf16.f32 v39  }
0xac: {  	v46 =	vld [tilespmem:s21+$0xCF00];
	v12 =	vunpack.i.u.bf16.f32 v39;
	v35 =	vunpack.i.l.bf16.f32 v63;
	v36 =	vunpack.i.l.bf16.f32 v24  }
0xad: {  	v58 =	vld [tilespmem:s21+$0xA720];
	v39 =	vunpack.i.u.bf16.f32 v63;
	v55 =	vmul.f32 v53, v9;
	v9 =	vmul.f32 v11, v56  }
0xae: {  	v26 =	vld [tilespmem:s21+$0xCF20];
	v25 =	vmul.f32 v14, v10;
	v11 =	vunpack.i.u.bf16.f32 v22;
	v43 =	vunpack.i.l.bf16.f32 v27  }
0xaf: {  	v50 =	vld [tilespmem:s21+$0xF710];
	v14 =	vunpack.i.u.bf16.f32 v27;
	v37 =	vmul.f32 v33, v32;
	v10 =	vmul.f32 v41, v38  }
0xb0: {  	v29 =	vld [tilespmem:s21+$0xA740];
	v8 =	vadd.f32 v8, v6;
	v44 =	vmul.f32 v11, v40;
	v45 =	vmul.f32 v20, v43  }
0xb1: {  	v60 =	vld [tilespmem:s21+$0xF720];
	v14 =	vmul.f32 v47, v14;
	v56 =	vunpack.i.l.bf16.f32 v49;
	v61 =	vunpack.i.u.bf16.f32 v49  }
0xb2: {  	v28 =	vld [tilespmem:s21+$0xCF30];
	v6 =	vadd.f32 $0.0e+00, v55;
	v18 =	vunpack.i.u.bf16.f32 v42;
	v54 =	vunpack.i.l.bf16.f32 v46  }
0xb3: {  	v63 =	vld [tilespmem:s21+$0xF760];
	v13 =	vunpack.i.u.bf16.f32 v46;
	v32 =	vunpack.i.l.bf16.f32 v58;
	v11 =	vmul.f32 v48, v45  }
0xb4: {  	v53 =	vld [tilespmem:s21+$0xCF10];
	v14 =	vmul.f32 v16, v14;
	v12 =	vmul.f32 v18, v12;
	v57 =	vunpack.i.l.bf16.f32 v50  }
0xb5: {  	v38 =	vld [tilespmem:s21+$0xCF40];
	v15 =	vunpack.i.u.bf16.f32 v50;
	v6 =	vadd.f32 v6, v9;
	v59 =	vmul.f32 v57, v56  }
0xb6: {  	v41 =	vld [tilespmem:s21+$0xA750];
	v23 =	vmul.f32 v15, v61;
	v9 =	vmul.f32 v19, v44;
	v34 =	vunpack.i.l.bf16.f32 v60  }
0xb7: {  	v43 =	vld [tilespmem:s21+$0xF750];
	v15 =	vunpack.i.u.bf16.f32 v24;
	v40 =	vunpack.i.l.bf16.f32 v28;
	v44 =	vunpack.i.l.bf16.f32 v29  }
0xb8: {  	v61 =	vunpack.i.u.bf16.f32 v26;
	v18 =	vunpack.i.u.bf16.f32 v63;
	v11 =	vadd.f32 $0.0e+00, v11  }
0xb9: {  	v12 =	vmul.f32 v13, v12;
	v62 =	vunpack.i.l.bf16.f32 v53;
	v15 =	vmul.f32 v15, v39  }
0xba: {  	v46 =	vld [tilespmem:s21+$0xCF50];
	v13 =	vunpack.i.u.bf16.f32 v28;
	v6 =	vadd.f32 v21, v6;
	v21 =	vunpack.i.l.bf16.f32 v42  }
0xbb: {  	v22 =	vmul.f32 v62, v59;
	v42 =	vunpack.i.l.bf16.f32 v26;
	v47 =	vunpack.i.l.bf16.f32 v38  }
0xbc: {  	v28 =	vld [tilespmem:s21+$0xA780];
	v49 =	vunpack.i.u.bf16.f32 v38;
	v50 =	vunpack.i.l.bf16.f32 v41;
	v56 =	vunpack.i.u.bf16.f32 v43  }
0xbd: {  	v52 =	vmul.f32 v21, v51;
	v11 =	vadd.f32 v11, v14;
	v14 =	vunpack.i.u.bf16.f32 v60  }
0xbe: {  	v39 =	vld [tilespmem:s21+$0xA7B0];
	v13 =	vmul.f32 v13, v15;
	v51 =	vunpack.i.l.bf16.f32 v43;
	v6 =	vadd.f32 v6, v25  }
0xbf: {  	v33 =	vld [tilespmem:s21+$0xF740];
	v57 =	vunpack.i.l.bf16.f32 v46;
	v62 =	vunpack.i.u.bf16.f32 v46;
	v25 =	vunpack.i.u.bf16.f32 v53  }
0xc0: {  	v60 =	vld [tilespmem:s21+$0xCF70];
	v53 =	vmul.f32 v51, v50;
	v55 =	vmul.f32 v54, v52;
	v6 =	vadd.f32 v31, v6  }
0xc1: {  	v27 =	vmul.f32 v25, v23;
	v52 =	vld [tilespmem:s21+$0xA770];
	v31 =	vunpack.i.u.bf16.f32 v58;
	v17 =	vunpack.i.u.bf16.f32 v28  }
0xc2: {  	v25 =	vld [tilespmem:s21+$0xCF60];
	v11 =	vadd.f32 v55, v11;
	v55 =	vunpack.i.u.bf16.f32 v41;
	v6 =	vadd.f32 v6, v37  }
0xc3: {  	v50 =	vld [tilespmem:s21+$0xF7C0];
	v46 =	vunpack.i.l.bf16.f32 v39;
	v37 =	vmul.f32 v36, v35;
	v59 =	vmul.f32 v56, v55  }
0xc4: {  	v35 =	vunpack.i.l.bf16.f32 v63;
	v11 =	vadd.f32 v11, v12;
	v10 =	vadd.f32 v10, v6  }
0xc5: {  	v58 =	vld [tilespmem:s21+$0xA760];
	v15 =	vunpack.i.u.bf16.f32 v60;
	v6 =	vadd.f32 v4, v5;
	v5 =	vadd.f32 v8, v7  }
0xc6: {  	v12 =	vmul.f32 v40, v37;
	v7 =	vunpack.i.u.bf16.f32 v29;
	v24 =	vmul.f32 v62, v59  }
0xc7: {  	v54 =	vld [tilespmem:s21+$0xF770];
	v26 =	vunpack.i.l.bf16.f32 v52;
	v36 =	vunpack.i.l.bf16.f32 v25;
	v37 =	vunpack.i.l.bf16.f32 v28  }
0xc8: {  	v55 =	vld [tilespmem:s21+$0xCFC0];
	v59 =	vunpack.i.l.bf16.f32 v50;
	v11 =	vadd.f32 v22, v11;
	v22 =	vunpack.i.l.bf16.f32 v33  }
0xc9: {  	v43 =	vld [tilespmem:s21+$0xCFB0];
	v4 =	vadd.f32 v10, v9;
	v10 =	vmul.f32 v34, v32;
	v12 =	vadd.f32 $0.0e+00, v12  }
0xca: {  	v51 =	vld [tilespmem:s21+$0xCF90];
	v45 =	vmul.f32 v22, v44;
	v9 =	vmul.f32 v14, v31;
	v31 =	vunpack.i.l.bf16.f32 v58  }
0xcb: {  	v63 =	vld [tilespmem:s21+$0xCFD0];
	v32 =	vunpack.i.l.bf16.f32 v60;
	v30 =	vadd.f32 v11, v27;
	v11 =	vunpack.i.u.bf16.f32 v33  }
0xcc: {  	v29 =	vld [tilespmem:s21+$0xF780];
	v27 =	vunpack.i.l.bf16.f32 v54;
	v33 =	vunpack.i.u.bf16.f32 v52;
	v16 =	vmul.f32 v35, v31  }
0xcd: {  	v40 =	vld [tilespmem:s21+$0xF7B0];
	v62 =	vunpack.i.l.bf16.f32 v55;
	v48 =	vmul.f32 v47, v45;
	v7 =	vmul.f32 v11, v7  }
0xce: {  	v12 =	vadd.f32 v12, v13;
	v11 =	vmul.f32 v57, v53;
	v10 =	vmul.f32 v42, v10  }
0xcf: {  	v9 =	vmul.f32 v61, v9;
	v13 =	vunpack.i.u.bf16.f32 v54;
	v53 =	vunpack.i.l.bf16.f32 v43  }
0xd0: {  	v34 =	vld [tilespmem:s21+$0xCF80];
	v54 =	vunpack.i.u.bf16.f32 v39;
	v61 =	vunpack.i.l.bf16.f32 v51;
	v39 =	vunpack.i.u.bf16.f32 v63  }
0xd1: {  	v60 =	vld [tilespmem:s21+$0xF7D0];
	v13 =	vmul.f32 v13, v33;
	v38 =	vunpack.i.l.bf16.f32 v29;
	v16 =	vmul.f32 v36, v16  }
0xd2: {  	v28 =	vld [tilespmem:s21+$0xCFA0];
	v47 =	vunpack.i.l.bf16.f32 v40;
	v20 =	vunpack.i.u.bf16.f32 v40;
	v7 =	vmul.f32 v49, v7  }
0xd3: {  	v42 =	vld [tilespmem:s21+$0xA790];
	v8 =	vadd.f32 v10, v30;
	v10 =	vmul.f32 v27, v26;
	v49 =	vmul.f32 v47, v46  }
0xd4: {  	v45 =	vld [tilespmem:s21+$0xF790];
	v30 =	vunpack.i.u.bf16.f32 v58;
	v19 =	vmul.f32 v20, v54;
	v13 =	vmul.f32 v15, v13  }
0xd5: {  	v57 =	vld [tilespmem:s21+$0xA7D0];
	v12 =	vadd.f32 v48, v12;
	v15 =	vmul.f32 v38, v37;
	v14 =	vmul.f32 v18, v30  }
0xd6: {  	v41 =	vunpack.i.l.bf16.f32 v34;
	v44 =	vunpack.i.u.bf16.f32 v34;
	v27 =	vunpack.i.l.bf16.f32 v60  }
0xd7: {  	v22 =	vunpack.i.u.bf16.f32 v60;
	v7 =	vadd.f32 v12, v7;
	v10 =	vmul.f32 v32, v10  }
0xd8: {  	v33 =	vld [tilespmem:s21+$0xF7E0];
	v12 =	vunpack.i.u.bf16.f32 v25;
	v8 =	vadd.f32 v8, v9;
	v9 =	vmul.f32 v53, v49  }
0xd9: {  	v48 =	vld [tilespmem:s21+$0xA7C0];
	v49 =	vunpack.i.u.bf16.f32 v28;
	v12 =	vmul.f32 v12, v14;
	v52 =	vunpack.i.u.bf16.f32 v42  }
0xda: {  	v18 =	vunpack.i.l.bf16.f32 v42;
	v56 =	vunpack.i.l.bf16.f32 v45;
	v26 =	vunpack.i.l.bf16.f32 v57  }
0xdb: {  	v20 =	vunpack.i.u.bf16.f32 v57;
	v7 =	vadd.f32 v11, v7;
	v10 =	vadd.f32 $0.0e+00, v10  }
0xdc: {  	v30 =	vld [tilespmem:s21+$0xA7E0];
	v11 =	vunpack.i.u.bf16.f32 v29;
	v18 =	vmul.f32 v56, v18;
	v9 =	vadd.f32 $0.0e+00, v9  }
0xdd: {  	v25 =	vld [tilespmem:s21+$0xF7A0];
	v29 =	vunpack.i.l.bf16.f32 v63;
	v36 =	vmul.f32 v22, v20;
	v46 =	vunpack.i.u.bf16.f32 v33  }
0xde: {  	v11 =	vmul.f32 v11, v17;
	v58 =	vunpack.i.l.bf16.f32 v48;
	v17 =	vunpack.i.u.bf16.f32 v48  }
0xdf: {  	v7 =	vadd.f32 v7, v24;
	v10 =	vadd.f32 v10, v13;
	v13 =	vmul.f32 v41, v15  }
0xe0: {  	v15 =	vunpack.i.u.bf16.f32 v43;
	v18 =	vmul.f32 v61, v18;
	v40 =	vmul.f32 v39, v36  }
0xe1: {  	v41 =	vunpack.i.l.bf16.f32 v28;
	v43 =	vunpack.i.l.bf16.f32 v30;
	v11 =	vmul.f32 v44, v11  }
0xe2: {  	v15 =	vmul.f32 v15, v19;
	v19 =	vmul.f32 v59, v58;
	v34 =	vunpack.i.l.bf16.f32 v25  }
0xe3: {  	(xrf2) =	vadd.scan.msk.f32 $0xffff, v3;
	v24 =	vld [tilespmem:s21+$0xA7A0];
	v3 =	vunpack.i.u.bf16.f32 v25;
	v44 =	vunpack.i.l.bf16.f32 v33;
	v7 =	vadd.f32 v16, v7  }
0xe4: {  	v10 =	vadd.f32 v13, v10;
	v13 =	vunpack.i.u.bf16.f32 v45;
	v9 =	vadd.f32 v9, v15  }
0xe5: {  	v15 =	vmul.f32 v62, v19;
	v7 =	vadd.f32 v7, v12;
	v12 =	vunpack.i.u.bf16.f32 v50  }
0xe6: {  	v16 =	vunpack.i.u.bf16.f32 v55;
	v13 =	vmul.f32 v13, v52;
	v12 =	vmul.f32 v12, v17  }
0xe7: {  	v37 =	vld [tilespmem:s21+$0xCFE0];
	v10 =	vadd.f32 v10, v11;
	v11 =	vunpack.i.u.bf16.f32 v51;
	v9 =	vadd.f32 v15, v9  }
0xe8: {  	v15 =	vmul.f32 v27, v26;
	v31 =	vunpack.i.l.bf16.f32 v24;
	v12 =	vmul.f32 v16, v12  }
0xe9: {  	v11 =	vmul.f32 v11, v13;
	v10 =	vadd.f32 v18, v10;
	v35 =	vmul.f32 v34, v31  }
0xea: {  	v38 =	vunpack.i.u.bf16.f32 v24;
	v32 =	vmul.f32 v29, v15;
	v9 =	vadd.f32 v9, v12  }
0xeb: {  	v3 =	vmul.f32 v3, v38;
	v10 =	vadd.f32 v10, v11;
	v42 =	vmul.f32 v41, v35  }
0xec: {  	(xrf2) =	vadd.scan.msk.f32 $0xffff, v6;
	v47 =	vunpack.i.l.bf16.f32 v37;
	v11 =	vmul.f32 v44, v43;
	v9 =	vadd.f32 v32, v9  }
0xed: {  	(xrf2) =	vadd.scan.msk.f32 $0xffff, v5;
	v45 =	vunpack.i.u.bf16.f32 v30;
	v3 =	vmul.f32 v49, v3;
	v6 =	vadd.f32 v42, v10  }
0xee: {  	(xrf2) =	vadd.scan.msk.f32 $0xffff, v4;
	v5 =	vmul.f32 v46, v45;
	v48 =	vmul.f32 v47, v11;
	v9 =	vadd.f32 v9, v40  }
0xef: {  	v50 =	vunpack.i.u.bf16.f32 v37;
	v3 =	vadd.f32 v6, v3  }
0xf0: {  	(xrf2) =	vadd.scan.msk.f32 $0xffff, v8;
	v5 =	vmul.f32 v50, v5;
	v4 =	vadd.f32 v48, v9  }
0xf1: {  	(xrf2) =	vadd.scan.msk.f32 $0xffff, v7  }
0xf2: {  	v4 =	vadd.f32 v4, v5  }
0xf3: {  	(xrf2) =	vadd.scan.msk.f32 $0xffff, v3;
	v3, _, _ =	vpop (xrf2)  }
0xf4: {  	s21 =	sor.u32 $0x1, s9;
	v3 =	vbroadcast v3, $0xF;
	(xrf2) =	vadd.scan.msk.f32 $0xffff, v4  }
0xf5: {  	v53 =	vmov s21  }
0xf6: {  	s21 =	sor.u32 $0x2, s9;
	vm9 =	veq.s32 v53, v0;
	v52 =	vmov s9;
	v51, _, _ =	vpop (xrf2)  }
0xf7: {  	v55 =	vmov s21;
	vm0 =	veq.s32 v52, v0;
	v54, _, _ =	vpop (xrf2);
	v4 =	vbroadcast v51, $0xF  }
0xf8: {  	s21 =	sor.u32 $0x3, s9;
	vm10 =	veq.s32 v55, v0;
	v2 =	vsel vm0, v3, v2;
	v56 =	vbroadcast v54, $0xF;
	v3, _, _ =	vpop (xrf2)  }
0xf9: {  	v57 =	vmov s21;
	v2 =	vsel vm9, v4, v2;
	v3 =	vbroadcast v3, $0xF  }
0xfa: {  	s21 =	sor.u32 $0x4, s9;
	vm11 =	veq.s32 v57, v0;
	v58, _, _ =	vpop (xrf2);
	v2 =	vsel vm10, v56, v2  }
0xfb: {  	v59, _, _ =	vpop (xrf2);
	v60 =	vbroadcast v58, $0xF;
	v2 =	vsel vm11, v3, v2;
	v3 =	vmov s21;
	s21 =	sor.u32 $0x5, s9  }
0xfc: {  	p2 =	por p1, p1;
	v4 =	vbroadcast v59, $0xF;
	vm12 =	veq.s32 v3, v0;
	v3 =	vmov s21  }
.Ltmp0:
0xfd: {  	v61, _, _ =	vpop (xrf2);
	s21 =	sor.u32 $0x6, s9;
	v2 =	vsel vm12, v60, v2;
	vm13 =	veq.s32 v3, v0;
	(pc) =	sbr.rel @p2 .LBB2_4-.Ltmp0, $4  }
0xfe: {  	v62 =	vbroadcast v61, $0xF;
	v3 =	vmov s21;
	s21 =	sor.u32 $0x7, s9;
	v2 =	vsel vm13, v4, v2;
	v63, _, _ =	vpop (xrf2)  }
0xff: {  	vm14 =	veq.s32 v3, v0;
	v3 =	vmov s21;
	v5 =	vbroadcast v63, $0xF  }
0x100: {  	v2 =	vsel vm14, v62, v2;
	vm15 =	veq.s32 v3, v0  }
0x101: {  	p1 =	por $0x0, $0x0;
	s9 =	simm.s32 $0x8;
	v2 =	vsel vm15, v5, v2  }
0x102: {  	s20 =	sadd.s32 $0x1, s20  }
0x103: {  	p1 =	sne.s32 s20, $0x5  }
.Ltmp1:
0x104: {  	_ = 	snop;
	(pc) =	sbr.rel @p1 .LBB2_3-.Ltmp1, $2  }
0x105: {  	_ =	sdelay $0x2  }
0x106: {  	[tilespmem:v1+s22+$0x0 ss:$0x1] =	vst.idx.msk $0xffff, v2  }
0x107: {  	_ =	swait.ge [sflag:s10], $0x1400  }
0x108: {  	[sflag:s10] =	ssyncset.done $0x0  }
0x109: {  	[sflag:s10] =	ssyncadd.s32 $0xFFFFEC00  }
0x10a: {  	_ =	swait.ge [sflag:s10], $0x1400  }
0x10b: {  	[sflag:s10] =	ssyncset.done $0x0  }
0x10c: {  	[sflag:s10] =	ssyncadd.s32 $0xFFFFEC00  }
0x10d: {  	_ =	swait.ge [sflag:s10], $0x1400  }
0x10e: {  	[sflag:s10] =	ssyncset.done $0x0  }
0x10f: {  	[sflag:s10] =	ssyncadd.s32 $0xFFFFEC00  }
0x110: {  	_ =	swait.ge [sflag:s26], $0x50  }
0x111: {  	[sflag:s26] =	ssyncset.done $0x0  }
0x112: {  	[sflag:s26] =	ssyncadd.s32 $0xFFFFFFB0  }
0x113: {  	_ =	swait.ge [sflag:s26], $0x50  }
0x114: {  	[sflag:s26] =	ssyncset.done $0x0  }
0x115: {  	[sflag:s26] =	ssyncadd.s32 $0xFFFFFFB0  }
0x116: {  	_ =	swait.ge [sflag:s26], $0x50  }
0x117: {  	[sflag:s26] =	ssyncset.done $0x0  }
0x118: {  	p1 =	seq.s32 s15, $0x3D;
	[sflag:s26] =	ssyncadd.s32 $0xFFFFFFB0  }
0x119: {  	[tilespmem:s29], [sflag:$0x2] =	stream.indirect.gather [spmem:s2], $0x40, s23, s28, $0xb8;
	[tilespmem:$0x14500] =	vst v63  }
0x11a: {  	s9 =	sadd.s32 @!p1 s18, s17  }
0x11b: {  	[tilespmem:s30], [sflag:$0x2] =	stream.indirect.gather [spmem:s2], $0x40, s24, s28, $0xb8;
	[tilespmem:$0x14500] =	vst v63  }
0x11c: {  	s9 =	sshrl.u32 @!p1 s9, $0x3  }
0x11d: {  	[tilespmem:s31], [sflag:$0x2] =	stream.indirect.gather [spmem:s3], $0x40, s25, s28, $0xb8;
	[tilespmem:$0x14500] =	vst v63  }
0x11e: {  	s20 =	simm.s32 @!p1 $0x0;
	s21 =	simm.s32 @!p1 $0xA500;
	s18 =	sadd.s32 @!p1 s5, s9  }
0x11f: {  	[tilespmem:s21], [sflag:$0x1] =	stream.linear.gather @!p1 [hbm4b:s18+s20], $0x50, $0x38;
	[tilespmem:$0x14500] =	vst v63  }
0x120: {  	s18 =	sadd.s32 @!p1 s6, s9;
	s21 =	simm.s32 @!p1 $0xA550  }
0x121: {  	[tilespmem:s21], [sflag:$0x1] =	stream.linear.gather @!p1 [hbm4b:s18+s20], $0x50, $0x38;
	[tilespmem:$0x14500] =	vst v63  }
0x122: {  	s22 =	sadd.s32 $0x11E40, s19;
	s9 =	sadd.s32 @!p1 s1, s9;
	s18 =	simm.s32 @!p1 $0xA5A0  }
0x123: {  	[tilespmem:s18], [sflag:$0x1] =	stream.linear.gather @!p1 [hbm4b:s9+s20], $0x50, $0x38;
	[tilespmem:$0x14500] =	vst v63  }
0x124: {  	v1 =	vmov s22;
	s18 =	simm.s32 $0x0  }
.LBB2_7:
0x125: {  	s19 =	sshll.u32 s18, $0x4;
	p1 =	por $0x1, $0x1;
	v2 =	vimm.f32 $0.0e+00;
	s9 =	simm.s32 $0x0  }
.LBB2_8:
0x126: {  	s20 =	sor.u32 s19, s9  }
0x127: {  	s20 =	sshll.u32 s20, $0x6  }
0x128: {  	v3 =	vld [tilespmem:s20+$0xB9F0]  }
0x129: {  	v4 =	vld [tilespmem:s20+$0x109F0]  }
0x12a: {  	v5 =	vld [tilespmem:s20+$0xE1F0]  }
0x12b: {  	v8 =	vld [tilespmem:s20+$0xBA00]  }
0x12c: {  	v63 =	vld [tilespmem:s20+$0x10A00]  }
0x12d: {  	v12 =	vld [tilespmem:s20+$0xE200]  }
0x12e: {  	v10 =	vld [tilespmem:s20+$0xBA10]  }
0x12f: {  	v19 =	vld [tilespmem:s20+$0xBA20]  }
0x130: {  	v20 =	vld [tilespmem:s20+$0x10A20]  }
0x131: {  	v21 =	vld [tilespmem:s20+$0xE220]  }
0x132: {  	v23 =	vld [tilespmem:s20+$0x10A30]  }
0x133: {  	v27 =	vld [tilespmem:s20+$0xBA40]  }
0x134: {  	v29 =	vld [tilespmem:s20+$0x10A40]  }
0x135: {  	v32 =	vld [tilespmem:s20+$0xE240];
	v6 =	vunpack.i.l.bf16.f32 v3  }
0x136: {  	v41 =	vld [tilespmem:s20+$0xBA50];
	v7 =	vunpack.i.l.bf16.f32 v4;
	v9 =	vunpack.i.l.bf16.f32 v5;
	v3 =	vunpack.i.u.bf16.f32 v3  }
0x137: {  	v44 =	vld [tilespmem:s20+$0x10A50];
	v4 =	vunpack.i.u.bf16.f32 v4;
	v13 =	vunpack.i.u.bf16.f32 v5;
	v15 =	vunpack.i.l.bf16.f32 v8  }
0x138: {  	v46 =	vld [tilespmem:s20+$0xBA70];
	v16 =	vunpack.i.l.bf16.f32 v63;
	v18 =	vunpack.i.l.bf16.f32 v12;
	v8 =	vunpack.i.u.bf16.f32 v8  }
0x139: {  	v48 =	vld [tilespmem:s20+$0x10A70];
	v22 =	vunpack.i.l.bf16.f32 v10;
	v10 =	vunpack.i.u.bf16.f32 v10;
	v24 =	vunpack.i.l.bf16.f32 v19  }
0x13a: {  	v51 =	vld [tilespmem:s20+$0xE250];
	v25 =	vunpack.i.l.bf16.f32 v20;
	v5 =	vunpack.i.u.bf16.f32 v19;
	v28 =	vunpack.i.l.bf16.f32 v21  }
0x13b: {  	v59 =	vld [tilespmem:s20+$0xBA80];
	v38 =	vunpack.i.l.bf16.f32 v27;
	v39 =	vunpack.i.l.bf16.f32 v29;
	v42 =	vunpack.i.u.bf16.f32 v29  }
0x13c: {  	v62 =	vld [tilespmem:s20+$0x10A80];
	v43 =	vunpack.i.l.bf16.f32 v32;
	v47 =	vunpack.i.u.bf16.f32 v32;
	v54 =	vunpack.i.u.bf16.f32 v41  }
0x13d: {  	v55 =	vunpack.i.l.bf16.f32 v41;
	v56 =	vunpack.i.l.bf16.f32 v44;
	v57 =	vunpack.i.l.bf16.f32 v46  }
0x13e: {  	v58 =	vunpack.i.l.bf16.f32 v48;
	v60 =	vunpack.i.u.bf16.f32 v44;
	v6 =	vmul.f32 v7, v6  }
0x13f: {  	v17 =	vld [tilespmem:s20+$0x10A10];
	v61 =	vunpack.i.l.bf16.f32 v51;
	v3 =	vmul.f32 v4, v3;
	v4 =	vmul.f32 v16, v15  }
0x140: {  	v52 =	vld [tilespmem:s20+$0xE270];
	v7 =	vunpack.i.u.bf16.f32 v63;
	v26 =	vmul.f32 v25, v24;
	v16 =	vunpack.i.l.bf16.f32 v23  }
0x141: {  	v40 =	vmul.f32 v39, v38;
	v24 =	vunpack.i.l.bf16.f32 v59;
	v25 =	vunpack.i.l.bf16.f32 v62  }
0x142: {  	v15 =	vld [tilespmem:s20+$0xE230];
	v7 =	vmul.f32 v7, v8;
	v8 =	vunpack.i.u.bf16.f32 v20;
	v6 =	vmul.f32 v9, v6  }
0x143: {  	v63 =	vld [tilespmem:s20+$0xBA60];
	v3 =	vmul.f32 v13, v3;
	v4 =	vmul.f32 v18, v4;
	v9 =	vunpack.i.u.bf16.f32 v12  }
0x144: {  	v11 =	vld [tilespmem:s20+$0xE210];
	v12 =	vunpack.i.l.bf16.f32 v17;
	v5 =	vmul.f32 v8, v5;
	v45 =	vmul.f32 v43, v40  }
0x145: {  	v20 =	vunpack.i.l.bf16.f32 v52;
	v13 =	vld [tilespmem:s20+$0xBA30];
	v7 =	vmul.f32 v9, v7;
	v9 =	vmul.f32 v12, v22  }
0x146: {  	v12 =	vunpack.i.u.bf16.f32 v23;
	v14 =	vadd.f32 $0.0e+00, v6;
	v6 =	vunpack.i.u.bf16.f32 v17  }
0x147: {  	v6 =	vmul.f32 v6, v10;
	v34 =	vunpack.i.l.bf16.f32 v15;
	v37 =	vunpack.i.u.bf16.f32 v15  }
0x148: {  	v10 =	vunpack.i.u.bf16.f32 v27;
	v27 =	vunpack.i.u.bf16.f32 v63;
	v3 =	vadd.f32 v14, v3  }
0x149: {  	v14 =	vunpack.i.u.bf16.f32 v11;
	v11 =	vunpack.i.l.bf16.f32 v11;
	v10 =	vmul.f32 v42, v10  }
0x14a: {  	v22 =	vld [tilespmem:s20+$0x10A60];
	v9 =	vmul.f32 v11, v9;
	v6 =	vmul.f32 v14, v6;
	v30 =	vunpack.i.l.bf16.f32 v13  }
0x14b: {  	v40 =	vld [tilespmem:s20+$0xE2A0];
	v33 =	vunpack.i.u.bf16.f32 v13;
	v11 =	vunpack.i.u.bf16.f32 v46;
	v14 =	vunpack.i.l.bf16.f32 v63  }
0x14c: {  	v23 =	vld [tilespmem:s20+$0xE260];
	v13 =	vunpack.i.u.bf16.f32 v59;
	v3 =	vadd.f32 v4, v3;
	v31 =	vmul.f32 v16, v30  }
0x14d: {  	v36 =	vmul.f32 v12, v33;
	v4 =	vunpack.i.u.bf16.f32 v21;
	v50 =	vmul.f32 v47, v10;
	v21 =	vld [tilespmem:s20+$0xE280]  }
0x14e: {  	v10 =	vmul.f32 v58, v57;
	v12 =	vunpack.i.u.bf16.f32 v62;
	v30 =	vld [tilespmem:s20+$0xE290];
	v4 =	vmul.f32 v4, v5  }
0x14f: {  	v17 =	vunpack.i.l.bf16.f32 v22;
	v47 =	vld [tilespmem:s20+$0xBAC0];
	v5 =	vmul.f32 v60, v54;
	v12 =	vmul.f32 v12, v13  }
0x150: {  	v54 =	vld [tilespmem:s20+$0xBAD0];
	v3 =	vadd.f32 v3, v7;
	v7 =	vmul.f32 v28, v26;
	v35 =	vmul.f32 v34, v31  }
0x151: {  	v18 =	vunpack.i.l.bf16.f32 v23;
	v10 =	vmul.f32 v20, v10;
	v26 =	vld [tilespmem:s20+$0xBA90];
	v31 =	vmul.f32 v17, v14  }
0x152: {  	v8 =	vmul.f32 v37, v36;
	v28 =	vld [tilespmem:s20+$0x10A90];
	v3 =	vadd.f32 v9, v3;
	v9 =	vunpack.i.u.bf16.f32 v48  }
0x153: {  	v36 =	vld [tilespmem:s20+$0xBAA0];
	v10 =	vadd.f32 $0.0e+00, v10;
	v13 =	vmul.f32 v18, v31;
	v48 =	vunpack.i.u.bf16.f32 v40  }
0x154: {  	v37 =	vld [tilespmem:s20+$0x10AA0];
	v9 =	vmul.f32 v9, v11;
	v29 =	vunpack.i.l.bf16.f32 v21;
	v32 =	vunpack.i.u.bf16.f32 v21  }
0x155: {  	v39 =	vunpack.i.l.bf16.f32 v30;
	v43 =	vunpack.i.u.bf16.f32 v30;
	v58 =	vunpack.i.l.bf16.f32 v47  }
0x156: {  	v42 =	vld [tilespmem:s20+$0x10AB0];
	v3 =	vadd.f32 v3, v6;
	v6 =	vadd.f32 $0.0e+00, v35;
	v33 =	vmul.f32 v32, v12  }
0x157: {  	v63 =	vld [tilespmem:s20+$0xBAE0];
	v34 =	vunpack.i.l.bf16.f32 v26;
	v35 =	vunpack.i.l.bf16.f32 v28;
	v16 =	vunpack.i.u.bf16.f32 v26  }
0x158: {  	v11 =	vunpack.i.u.bf16.f32 v28;
	v44 =	vunpack.i.l.bf16.f32 v36;
	v15 =	vunpack.i.u.bf16.f32 v36  }
0x159: {  	v57 =	vld [tilespmem:s20+$0x10AD0];
	v14 =	vunpack.i.u.bf16.f32 v37;
	v28 =	vunpack.i.u.bf16.f32 v54;
	v6 =	vadd.f32 v6, v8  }
0x15a: {  	v3 =	vadd.f32 v7, v3;
	v7 =	vunpack.i.u.bf16.f32 v51;
	v12 =	vmul.f32 v35, v34  }
0x15b: {  	v30 =	vld [tilespmem:s20+$0x10AF0];
	v8 =	vunpack.i.u.bf16.f32 v52;
	v11 =	vmul.f32 v11, v16;
	v14 =	vmul.f32 v14, v15  }
0x15c: {  	v51 =	vunpack.i.l.bf16.f32 v42;
	v34 =	vunpack.i.l.bf16.f32 v63;
	v5 =	vmul.f32 v7, v5  }
0x15d: {  	v41 =	vld [tilespmem:s20+$0xBAB0];
	v8 =	vmul.f32 v8, v9;
	v9 =	vmul.f32 v25, v24;
	v7 =	vunpack.i.u.bf16.f32 v23  }
0x15e: {  	v36 =	vld [tilespmem:s20+$0xE2F0];
	v23 =	vunpack.i.l.bf16.f32 v54;
	v24 =	vunpack.i.l.bf16.f32 v57;
	v49 =	vadd.f32 v45, v6  }
0x15f: {  	v52 =	vld [tilespmem:s20+$0xE2C0];
	v3 =	vadd.f32 v3, v4;
	v6 =	vmul.f32 v56, v55;
	v45 =	vunpack.i.l.bf16.f32 v37  }
0x160: {  	v46 =	vld [tilespmem:s20+$0xE2B0];
	v26 =	vmul.f32 v24, v23;
	v20 =	vunpack.i.l.bf16.f32 v30;
	v8 =	vadd.f32 v10, v8  }
0x161: {  	v19 =	vld [tilespmem:s20+$0xE2E0];
	v9 =	vmul.f32 v29, v9;
	v10 =	vunpack.i.u.bf16.f32 v47;
	v47 =	vunpack.i.u.bf16.f32 v30  }
0x162: {  	v53 =	vadd.f32 v49, v50;
	v6 =	vmul.f32 v61, v6;
	v50 =	vunpack.i.l.bf16.f32 v41  }
0x163: {  	v49 =	vld [tilespmem:s20+$0x10AC0];
	v16 =	vunpack.i.u.bf16.f32 v36;
	v8 =	vadd.f32 v9, v8;
	v9 =	vunpack.i.l.bf16.f32 v40  }
0x164: {  	v61 =	vld [tilespmem:s20+$0xE2D0];
	v62 =	vunpack.i.l.bf16.f32 v52;
	v40 =	vunpack.i.u.bf16.f32 v63;
	v4 =	vadd.f32 v6, v53  }
0x165: {  	v6 =	vunpack.i.u.bf16.f32 v22;
	v53 =	vunpack.i.l.bf16.f32 v46;
	v38 =	vadd.f32 v8, v33  }
0x166: {  	v8 =	vmul.f32 v39, v12;
	v12 =	vunpack.i.u.bf16.f32 v41;
	v41 =	vunpack.i.l.bf16.f32 v19  }
0x167: {  	v19 =	vunpack.i.u.bf16.f32 v19;
	v4 =	vadd.f32 v4, v5;
	v5 =	vmul.f32 v6, v27  }
0x168: {  	v6 =	vadd.f32 v8, v38;
	v8 =	vmul.f32 v45, v44;
	v59 =	vunpack.i.l.bf16.f32 v49  }
0x169: {  	v22 =	vld [tilespmem:s20+$0x10AE0];
	v15 =	vunpack.i.u.bf16.f32 v49;
	v29 =	vunpack.i.l.bf16.f32 v61;
	v33 =	vunpack.i.u.bf16.f32 v61  }
0x16a: {  	v24 =	vld [tilespmem:s20+$0x10B30];
	v4 =	vadd.f32 v13, v4;
	v5 =	vmul.f32 v7, v5;
	v7 =	vmul.f32 v43, v11  }
0x16b: {  	v39 =	vld [tilespmem:s20+$0xBB00];
	v13 =	vunpack.i.u.bf16.f32 v42;
	v60 =	vmul.f32 v59, v58;
	v10 =	vmul.f32 v15, v10  }
0x16c: {  	v63 =	vld [tilespmem:s20+$0xBB30];
	v11 =	vunpack.i.u.bf16.f32 v46;
	v31 =	vmul.f32 v29, v26;
	v8 =	vmul.f32 v9, v8  }
0x16d: {  	v9 =	vmul.f32 v51, v50;
	v56 =	vmul.f32 v13, v12;
	v12 =	vunpack.i.u.bf16.f32 v57  }
0x16e: {  	v27 =	vld [tilespmem:s20+$0xBAF0];
	v35 =	vunpack.i.l.bf16.f32 v22;
	v6 =	vadd.f32 v6, v7;
	v7 =	vmul.f32 v48, v14  }
0x16f: {  	v49 =	vld [tilespmem:s20+$0xBB10];
	v21 =	vmul.f32 v62, v60;
	v14 =	vunpack.i.u.bf16.f32 v52;
	v32 =	vmul.f32 v12, v28  }
0x170: {  	v42 =	vld [tilespmem:s20+$0x10B00];
	v38 =	vmul.f32 v35, v34;
	v48 =	vunpack.i.l.bf16.f32 v36;
	v51 =	vunpack.i.l.bf16.f32 v39  }
0x171: {  	v46 =	vld [tilespmem:s20+$0xE300];
	v12 =	vunpack.i.u.bf16.f32 v39;
	v35 =	vunpack.i.l.bf16.f32 v63;
	v36 =	vunpack.i.l.bf16.f32 v24  }
0x172: {  	v58 =	vld [tilespmem:s20+$0xBB20];
	v39 =	vunpack.i.u.bf16.f32 v63;
	v55 =	vmul.f32 v53, v9;
	v9 =	vmul.f32 v11, v56  }
0x173: {  	v26 =	vld [tilespmem:s20+$0xE320];
	v25 =	vmul.f32 v14, v10;
	v11 =	vunpack.i.u.bf16.f32 v22;
	v43 =	vunpack.i.l.bf16.f32 v27  }
0x174: {  	v50 =	vld [tilespmem:s20+$0x10B10];
	v14 =	vunpack.i.u.bf16.f32 v27;
	v37 =	vmul.f32 v33, v32;
	v10 =	vmul.f32 v41, v38  }
0x175: {  	v29 =	vld [tilespmem:s20+$0xBB40];
	v8 =	vadd.f32 v8, v6;
	v44 =	vmul.f32 v11, v40;
	v45 =	vmul.f32 v20, v43  }
0x176: {  	v60 =	vld [tilespmem:s20+$0x10B20];
	v14 =	vmul.f32 v47, v14;
	v56 =	vunpack.i.l.bf16.f32 v49;
	v61 =	vunpack.i.u.bf16.f32 v49  }
0x177: {  	v28 =	vld [tilespmem:s20+$0xE330];
	v6 =	vadd.f32 $0.0e+00, v55;
	v18 =	vunpack.i.u.bf16.f32 v42;
	v54 =	vunpack.i.l.bf16.f32 v46  }
0x178: {  	v63 =	vld [tilespmem:s20+$0x10B60];
	v13 =	vunpack.i.u.bf16.f32 v46;
	v32 =	vunpack.i.l.bf16.f32 v58;
	v11 =	vmul.f32 v48, v45  }
0x179: {  	v53 =	vld [tilespmem:s20+$0xE310];
	v14 =	vmul.f32 v16, v14;
	v12 =	vmul.f32 v18, v12;
	v57 =	vunpack.i.l.bf16.f32 v50  }
0x17a: {  	v38 =	vld [tilespmem:s20+$0xE340];
	v15 =	vunpack.i.u.bf16.f32 v50;
	v6 =	vadd.f32 v6, v9;
	v59 =	vmul.f32 v57, v56  }
0x17b: {  	v41 =	vld [tilespmem:s20+$0xBB50];
	v23 =	vmul.f32 v15, v61;
	v9 =	vmul.f32 v19, v44;
	v34 =	vunpack.i.l.bf16.f32 v60  }
0x17c: {  	v43 =	vld [tilespmem:s20+$0x10B50];
	v15 =	vunpack.i.u.bf16.f32 v24;
	v40 =	vunpack.i.l.bf16.f32 v28;
	v44 =	vunpack.i.l.bf16.f32 v29  }
0x17d: {  	v61 =	vunpack.i.u.bf16.f32 v26;
	v18 =	vunpack.i.u.bf16.f32 v63;
	v11 =	vadd.f32 $0.0e+00, v11  }
0x17e: {  	v12 =	vmul.f32 v13, v12;
	v62 =	vunpack.i.l.bf16.f32 v53;
	v15 =	vmul.f32 v15, v39  }
0x17f: {  	v46 =	vld [tilespmem:s20+$0xE350];
	v13 =	vunpack.i.u.bf16.f32 v28;
	v6 =	vadd.f32 v21, v6;
	v21 =	vunpack.i.l.bf16.f32 v42  }
0x180: {  	v22 =	vmul.f32 v62, v59;
	v42 =	vunpack.i.l.bf16.f32 v26;
	v47 =	vunpack.i.l.bf16.f32 v38  }
0x181: {  	v28 =	vld [tilespmem:s20+$0xBB80];
	v49 =	vunpack.i.u.bf16.f32 v38;
	v50 =	vunpack.i.l.bf16.f32 v41;
	v56 =	vunpack.i.u.bf16.f32 v43  }
0x182: {  	v52 =	vmul.f32 v21, v51;
	v11 =	vadd.f32 v11, v14;
	v14 =	vunpack.i.u.bf16.f32 v60  }
0x183: {  	v39 =	vld [tilespmem:s20+$0xBBB0];
	v13 =	vmul.f32 v13, v15;
	v51 =	vunpack.i.l.bf16.f32 v43;
	v6 =	vadd.f32 v6, v25  }
0x184: {  	v33 =	vld [tilespmem:s20+$0x10B40];
	v57 =	vunpack.i.l.bf16.f32 v46;
	v62 =	vunpack.i.u.bf16.f32 v46;
	v25 =	vunpack.i.u.bf16.f32 v53  }
0x185: {  	v60 =	vld [tilespmem:s20+$0xE370];
	v53 =	vmul.f32 v51, v50;
	v55 =	vmul.f32 v54, v52;
	v6 =	vadd.f32 v31, v6  }
0x186: {  	v27 =	vmul.f32 v25, v23;
	v52 =	vld [tilespmem:s20+$0xBB70];
	v31 =	vunpack.i.u.bf16.f32 v58;
	v17 =	vunpack.i.u.bf16.f32 v28  }
0x187: {  	v25 =	vld [tilespmem:s20+$0xE360];
	v11 =	vadd.f32 v55, v11;
	v55 =	vunpack.i.u.bf16.f32 v41;
	v6 =	vadd.f32 v6, v37  }
0x188: {  	v50 =	vld [tilespmem:s20+$0x10BC0];
	v46 =	vunpack.i.l.bf16.f32 v39;
	v37 =	vmul.f32 v36, v35;
	v59 =	vmul.f32 v56, v55  }
0x189: {  	v35 =	vunpack.i.l.bf16.f32 v63;
	v11 =	vadd.f32 v11, v12;
	v10 =	vadd.f32 v10, v6  }
0x18a: {  	v58 =	vld [tilespmem:s20+$0xBB60];
	v15 =	vunpack.i.u.bf16.f32 v60;
	v6 =	vadd.f32 v4, v5;
	v5 =	vadd.f32 v8, v7  }
0x18b: {  	v12 =	vmul.f32 v40, v37;
	v7 =	vunpack.i.u.bf16.f32 v29;
	v24 =	vmul.f32 v62, v59  }
0x18c: {  	v54 =	vld [tilespmem:s20+$0x10B70];
	v26 =	vunpack.i.l.bf16.f32 v52;
	v36 =	vunpack.i.l.bf16.f32 v25;
	v37 =	vunpack.i.l.bf16.f32 v28  }
0x18d: {  	v55 =	vld [tilespmem:s20+$0xE3C0];
	v59 =	vunpack.i.l.bf16.f32 v50;
	v11 =	vadd.f32 v22, v11;
	v22 =	vunpack.i.l.bf16.f32 v33  }
0x18e: {  	v43 =	vld [tilespmem:s20+$0xE3B0];
	v4 =	vadd.f32 v10, v9;
	v10 =	vmul.f32 v34, v32;
	v12 =	vadd.f32 $0.0e+00, v12  }
0x18f: {  	v51 =	vld [tilespmem:s20+$0xE390];
	v45 =	vmul.f32 v22, v44;
	v9 =	vmul.f32 v14, v31;
	v31 =	vunpack.i.l.bf16.f32 v58  }
0x190: {  	v63 =	vld [tilespmem:s20+$0xE3D0];
	v32 =	vunpack.i.l.bf16.f32 v60;
	v30 =	vadd.f32 v11, v27;
	v11 =	vunpack.i.u.bf16.f32 v33  }
0x191: {  	v29 =	vld [tilespmem:s20+$0x10B80];
	v27 =	vunpack.i.l.bf16.f32 v54;
	v33 =	vunpack.i.u.bf16.f32 v52;
	v16 =	vmul.f32 v35, v31  }
0x192: {  	v40 =	vld [tilespmem:s20+$0x10BB0];
	v62 =	vunpack.i.l.bf16.f32 v55;
	v48 =	vmul.f32 v47, v45;
	v7 =	vmul.f32 v11, v7  }
0x193: {  	v12 =	vadd.f32 v12, v13;
	v11 =	vmul.f32 v57, v53;
	v10 =	vmul.f32 v42, v10  }
0x194: {  	v9 =	vmul.f32 v61, v9;
	v13 =	vunpack.i.u.bf16.f32 v54;
	v53 =	vunpack.i.l.bf16.f32 v43  }
0x195: {  	v34 =	vld [tilespmem:s20+$0xE380];
	v54 =	vunpack.i.u.bf16.f32 v39;
	v61 =	vunpack.i.l.bf16.f32 v51;
	v39 =	vunpack.i.u.bf16.f32 v63  }
0x196: {  	v60 =	vld [tilespmem:s20+$0x10BD0];
	v13 =	vmul.f32 v13, v33;
	v38 =	vunpack.i.l.bf16.f32 v29;
	v16 =	vmul.f32 v36, v16  }
0x197: {  	v28 =	vld [tilespmem:s20+$0xE3A0];
	v47 =	vunpack.i.l.bf16.f32 v40;
	v20 =	vunpack.i.u.bf16.f32 v40;
	v7 =	vmul.f32 v49, v7  }
0x198: {  	v42 =	vld [tilespmem:s20+$0xBB90];
	v8 =	vadd.f32 v10, v30;
	v10 =	vmul.f32 v27, v26;
	v49 =	vmul.f32 v47, v46  }
0x199: {  	v45 =	vld [tilespmem:s20+$0x10B90];
	v30 =	vunpack.i.u.bf16.f32 v58;
	v19 =	vmul.f32 v20, v54;
	v13 =	vmul.f32 v15, v13  }
0x19a: {  	v57 =	vld [tilespmem:s20+$0xBBD0];
	v12 =	vadd.f32 v48, v12;
	v15 =	vmul.f32 v38, v37;
	v14 =	vmul.f32 v18, v30  }
0x19b: {  	v41 =	vunpack.i.l.bf16.f32 v34;
	v44 =	vunpack.i.u.bf16.f32 v34;
	v27 =	vunpack.i.l.bf16.f32 v60  }
0x19c: {  	v22 =	vunpack.i.u.bf16.f32 v60;
	v7 =	vadd.f32 v12, v7;
	v10 =	vmul.f32 v32, v10  }
0x19d: {  	v33 =	vld [tilespmem:s20+$0x10BE0];
	v12 =	vunpack.i.u.bf16.f32 v25;
	v8 =	vadd.f32 v8, v9;
	v9 =	vmul.f32 v53, v49  }
0x19e: {  	v48 =	vld [tilespmem:s20+$0xBBC0];
	v49 =	vunpack.i.u.bf16.f32 v28;
	v12 =	vmul.f32 v12, v14;
	v52 =	vunpack.i.u.bf16.f32 v42  }
0x19f: {  	v18 =	vunpack.i.l.bf16.f32 v42;
	v56 =	vunpack.i.l.bf16.f32 v45;
	v26 =	vunpack.i.l.bf16.f32 v57  }
0x1a0: {  	v20 =	vunpack.i.u.bf16.f32 v57;
	v7 =	vadd.f32 v11, v7;
	v10 =	vadd.f32 $0.0e+00, v10  }
0x1a1: {  	v30 =	vld [tilespmem:s20+$0xBBE0];
	v11 =	vunpack.i.u.bf16.f32 v29;
	v18 =	vmul.f32 v56, v18;
	v9 =	vadd.f32 $0.0e+00, v9  }
0x1a2: {  	v25 =	vld [tilespmem:s20+$0x10BA0];
	v29 =	vunpack.i.l.bf16.f32 v63;
	v36 =	vmul.f32 v22, v20;
	v46 =	vunpack.i.u.bf16.f32 v33  }
0x1a3: {  	v11 =	vmul.f32 v11, v17;
	v58 =	vunpack.i.l.bf16.f32 v48;
	v17 =	vunpack.i.u.bf16.f32 v48  }
0x1a4: {  	v7 =	vadd.f32 v7, v24;
	v10 =	vadd.f32 v10, v13;
	v13 =	vmul.f32 v41, v15  }
0x1a5: {  	v15 =	vunpack.i.u.bf16.f32 v43;
	v18 =	vmul.f32 v61, v18;
	v40 =	vmul.f32 v39, v36  }
0x1a6: {  	v41 =	vunpack.i.l.bf16.f32 v28;
	v43 =	vunpack.i.l.bf16.f32 v30;
	v11 =	vmul.f32 v44, v11  }
0x1a7: {  	v15 =	vmul.f32 v15, v19;
	v19 =	vmul.f32 v59, v58;
	v34 =	vunpack.i.l.bf16.f32 v25  }
0x1a8: {  	(xrf2) =	vadd.scan.msk.f32 $0xffff, v3;
	v24 =	vld [tilespmem:s20+$0xBBA0];
	v3 =	vunpack.i.u.bf16.f32 v25;
	v44 =	vunpack.i.l.bf16.f32 v33;
	v7 =	vadd.f32 v16, v7  }
0x1a9: {  	v10 =	vadd.f32 v13, v10;
	v13 =	vunpack.i.u.bf16.f32 v45;
	v9 =	vadd.f32 v9, v15  }
0x1aa: {  	v15 =	vmul.f32 v62, v19;
	v7 =	vadd.f32 v7, v12;
	v12 =	vunpack.i.u.bf16.f32 v50  }
0x1ab: {  	v16 =	vunpack.i.u.bf16.f32 v55;
	v13 =	vmul.f32 v13, v52;
	v12 =	vmul.f32 v12, v17  }
0x1ac: {  	v37 =	vld [tilespmem:s20+$0xE3E0];
	v10 =	vadd.f32 v10, v11;
	v11 =	vunpack.i.u.bf16.f32 v51;
	v9 =	vadd.f32 v15, v9  }
0x1ad: {  	v15 =	vmul.f32 v27, v26;
	v31 =	vunpack.i.l.bf16.f32 v24;
	v12 =	vmul.f32 v16, v12  }
0x1ae: {  	v11 =	vmul.f32 v11, v13;
	v10 =	vadd.f32 v18, v10;
	v35 =	vmul.f32 v34, v31  }
0x1af: {  	v38 =	vunpack.i.u.bf16.f32 v24;
	v32 =	vmul.f32 v29, v15;
	v9 =	vadd.f32 v9, v12  }
0x1b0: {  	v3 =	vmul.f32 v3, v38;
	v10 =	vadd.f32 v10, v11;
	v42 =	vmul.f32 v41, v35  }
0x1b1: {  	(xrf2) =	vadd.scan.msk.f32 $0xffff, v6;
	v47 =	vunpack.i.l.bf16.f32 v37;
	v11 =	vmul.f32 v44, v43;
	v9 =	vadd.f32 v32, v9  }
0x1b2: {  	(xrf2) =	vadd.scan.msk.f32 $0xffff, v5;
	v45 =	vunpack.i.u.bf16.f32 v30;
	v3 =	vmul.f32 v49, v3;
	v6 =	vadd.f32 v42, v10  }
0x1b3: {  	(xrf2) =	vadd.scan.msk.f32 $0xffff, v4;
	v5 =	vmul.f32 v46, v45;
	v48 =	vmul.f32 v47, v11;
	v9 =	vadd.f32 v9, v40  }
0x1b4: {  	v50 =	vunpack.i.u.bf16.f32 v37;
	v3 =	vadd.f32 v6, v3  }
0x1b5: {  	(xrf2) =	vadd.scan.msk.f32 $0xffff, v8;
	v5 =	vmul.f32 v50, v5;
	v4 =	vadd.f32 v48, v9  }
0x1b6: {  	(xrf2) =	vadd.scan.msk.f32 $0xffff, v7  }
0x1b7: {  	v4 =	vadd.f32 v4, v5  }
0x1b8: {  	(xrf2) =	vadd.scan.msk.f32 $0xffff, v3;
	v3, _, _ =	vpop (xrf2)  }
0x1b9: {  	s22 =	sor.u32 $0x1, s9;
	v3 =	vbroadcast v3, $0xF;
	(xrf2) =	vadd.scan.msk.f32 $0xffff, v4  }
0x1ba: {  	v53 =	vmov s22  }
0x1bb: {  	s22 =	sor.u32 $0x3, s9;
	vm9 =	veq.s32 v53, v0;
	v52 =	vmov s9;
	v51, _, _ =	vpop (xrf2)  }
0x1bc: {  	s21 =	sor.u32 $0x2, s9;
	v57 =	vmov s22;
	vm0 =	veq.s32 v52, v0;
	v54, _, _ =	vpop (xrf2);
	v4 =	vbroadcast v51, $0xF  }
0x1bd: {  	v55 =	vmov s21;
	v2 =	vsel vm0, v3, v2;
	v56 =	vbroadcast v54, $0xF;
	v3, _, _ =	vpop (xrf2)  }
0x1be: {  	vm10 =	veq.s32 v55, v0;
	v2 =	vsel vm9, v4, v2;
	v3 =	vbroadcast v3, $0xF  }
0x1bf: {  	vm11 =	veq.s32 v57, v0;
	s21 =	sor.u32 $0x4, s9;
	v58, _, _ =	vpop (xrf2);
	v2 =	vsel vm10, v56, v2  }
0x1c0: {  	s22 =	sor.u32 $0x5, s9;
	v59, _, _ =	vpop (xrf2);
	v60 =	vbroadcast v58, $0xF;
	v2 =	vsel vm11, v3, v2;
	v3 =	vmov s21  }
0x1c1: {  	p2 =	por p1, p1;
	v4 =	vbroadcast v59, $0xF;
	vm12 =	veq.s32 v3, v0;
	v3 =	vmov s22  }
.Ltmp2:
0x1c2: {  	v61, _, _ =	vpop (xrf2);
	s21 =	sor.u32 $0x6, s9;
	v2 =	vsel vm12, v60, v2;
	vm13 =	veq.s32 v3, v0;
	(pc) =	sbr.rel @p2 .LBB2_8-.Ltmp2, $4  }
0x1c3: {  	v62 =	vbroadcast v61, $0xF;
	s22 =	sor.u32 $0x7, s9;
	v3 =	vmov s21;
	v2 =	vsel vm13, v4, v2;
	v63, _, _ =	vpop (xrf2)  }
0x1c4: {  	vm14 =	veq.s32 v3, v0;
	v3 =	vmov s22;
	v5 =	vbroadcast v63, $0xF  }
0x1c5: {  	v2 =	vsel vm14, v62, v2;
	vm15 =	veq.s32 v3, v0  }
0x1c6: {  	p1 =	por $0x0, $0x0;
	s9 =	simm.s32 $0x8;
	v2 =	vsel vm15, v5, v2  }
0x1c7: {  	s18 =	sadd.s32 $0x1, s18  }
0x1c8: {  	p1 =	sne.s32 s18, $0x5  }
.Ltmp3:
0x1c9: {  	_ = 	snop;
	(pc) =	sbr.rel @p1 .LBB2_7-.Ltmp3, $2  }
0x1ca: {  	_ =	sdelay $0x2  }
0x1cb: {  	[tilespmem:v1+s19+$0x0 ss:$0x1] =	vst.idx.msk $0xffff, v2  }
0x1cc: {  	s15 =	sadd.s32 $0x1, s15  }
0x1cd: {  	p1 =	sne.s32 s15, $0x3E  }
.Ltmp4:
0x1ce: {  	_ = 	snop;
	(pc) =	sbr.rel @p1 .LBB2_2-.Ltmp4, $1  }
0x1cf: {  	_ =	sdelay $0x3  }
0x1d0: {  	_ =	swait.ge [sflag:s10], $0x1400  }
0x1d1: {  	[sflag:s10] =	ssyncset.done $0x0  }
0x1d2: {  	[sflag:s10] =	ssyncadd.s32 $0xFFFFEC00  }
0x1d3: {  	_ =	swait.ge [sflag:s10], $0x1400  }
0x1d4: {  	[sflag:s10] =	ssyncset.done $0x0  }
0x1d5: {  	[sflag:s10] =	ssyncadd.s32 $0xFFFFEC00  }
0x1d6: {  	_ =	swait.ge [sflag:s10], $0x1400  }
0x1d7: {  	[sflag:s10] =	ssyncset.done $0x0  }
0x1d8: {  	s15 =	simm.s32 $0x0;
	[sflag:s10] =	ssyncadd.s32 $0xFFFFEC00  }
.LBB2_12:
0x1d9: {  	s18 =	sshll.u32 s15, $0x4;
	p1 =	por $0x1, $0x1;
	v1 =	vimm.f32 $0.0e+00;
	s9 =	simm.s32 $0x0  }
.LBB2_13:
0x1da: {  	s19 =	sor.u32 s18, s9  }
0x1db: {  	s19 =	sshll.u32 s19, $0x6  }
0x1dc: {  	v2 =	vld [tilespmem:s19+$0xA5F0]  }
0x1dd: {  	v3 =	vld [tilespmem:s19+$0xF5F0]  }
0x1de: {  	v4 =	vld [tilespmem:s19+$0xCDF0]  }
0x1df: {  	v25 =	vld [tilespmem:s19+$0xF600]  }
0x1e0: {  	v26 =	vld [tilespmem:s19+$0xCE00]  }
0x1e1: {  	v9 =	vld [tilespmem:s19+$0xA610]  }
0x1e2: {  	v29 =	vld [tilespmem:s19+$0xF610]  }
0x1e3: {  	v10 =	vld [tilespmem:s19+$0xCE10]  }
0x1e4: {  	v31 =	vld [tilespmem:s19+$0xA620]  }
0x1e5: {  	v32 =	vld [tilespmem:s19+$0xF620]  }
0x1e6: {  	v12 =	vld [tilespmem:s19+$0xA630]  }
0x1e7: {  	v34 =	vld [tilespmem:s19+$0xF630]  }
0x1e8: {  	v14 =	vld [tilespmem:s19+$0xCE30]  }
0x1e9: {  	v38 =	vld [tilespmem:s19+$0xA640]  }
0x1ea: {  	v40 =	vld [tilespmem:s19+$0xF640]  }
0x1eb: {  	v43 =	vld [tilespmem:s19+$0xCE40]  }
0x1ec: {  	v52 =	vld [tilespmem:s19+$0xA650];
	v5 =	vunpack.i.l.bf16.f32 v2;
	v6 =	vunpack.i.l.bf16.f32 v3  }
0x1ed: {  	v55 =	vld [tilespmem:s19+$0xF650];
	v8 =	vunpack.i.l.bf16.f32 v4;
	v2 =	vunpack.i.u.bf16.f32 v2;
	v3 =	vunpack.i.u.bf16.f32 v3  }
0x1ee: {  	v57 =	vld [tilespmem:s19+$0xA670];
	v28 =	vunpack.i.l.bf16.f32 v25;
	v30 =	vunpack.i.l.bf16.f32 v26;
	v33 =	vunpack.i.l.bf16.f32 v9  }
0x1ef: {  	v59 =	vld [tilespmem:s19+$0xF670];
	v11 =	vunpack.i.l.bf16.f32 v29;
	v9 =	vunpack.i.u.bf16.f32 v9;
	v13 =	vunpack.i.u.bf16.f32 v10  }
0x1f0: {  	v62 =	vld [tilespmem:s19+$0xCE50];
	v10 =	vunpack.i.l.bf16.f32 v10;
	v35 =	vunpack.i.l.bf16.f32 v31;
	v36 =	vunpack.i.l.bf16.f32 v32  }
0x1f1: {  	v21 =	vld [tilespmem:s19+$0xA680];
	v41 =	vunpack.i.l.bf16.f32 v12;
	v15 =	vunpack.i.l.bf16.f32 v34;
	v44 =	vunpack.i.u.bf16.f32 v12  }
0x1f2: {  	v45 =	vunpack.i.l.bf16.f32 v14;
	v48 =	vunpack.i.u.bf16.f32 v14;
	v49 =	vunpack.i.l.bf16.f32 v38  }
0x1f3: {  	v50 =	vunpack.i.l.bf16.f32 v40;
	v53 =	vunpack.i.u.bf16.f32 v40;
	v54 =	vunpack.i.l.bf16.f32 v43  }
0x1f4: {  	v24 =	vld [tilespmem:s19+$0xF680];
	v58 =	vunpack.i.u.bf16.f32 v43;
	v16 =	vunpack.i.u.bf16.f32 v52;
	v17 =	vunpack.i.l.bf16.f32 v52  }
0x1f5: {  	v7 =	vld [tilespmem:s19+$0xA600];
	v18 =	vunpack.i.l.bf16.f32 v55;
	v19 =	vunpack.i.l.bf16.f32 v57;
	v20 =	vunpack.i.l.bf16.f32 v59  }
0x1f6: {  	v22 =	vunpack.i.u.bf16.f32 v55;
	v23 =	vunpack.i.l.bf16.f32 v62;
	v12 =	vunpack.i.u.bf16.f32 v21  }
0x1f7: {  	v63 =	vld [tilespmem:s19+$0xCE70];
	v5 =	vmul.f32 v6, v5;
	v2 =	vmul.f32 v3, v2;
	v3 =	vunpack.i.u.bf16.f32 v4  }
0x1f8: {  	v6 =	vunpack.i.u.bf16.f32 v25;
	v37 =	vmul.f32 v36, v35;
	v4 =	vunpack.i.u.bf16.f32 v31  }
0x1f9: {  	v42 =	vmul.f32 v15, v41;
	v51 =	vmul.f32 v50, v49;
	v31 =	vunpack.i.l.bf16.f32 v24  }
0x1fa: {  	v43 =	vld [tilespmem:s19+$0xF6A0];
	v5 =	vmul.f32 v8, v5;
	v2 =	vmul.f32 v3, v2;
	v3 =	vunpack.i.l.bf16.f32 v7  }
0x1fb: {  	v25 =	vld [tilespmem:s19+$0xA660];
	v7 =	vunpack.i.u.bf16.f32 v7;
	v8 =	vunpack.i.u.bf16.f32 v26;
	v46 =	vmul.f32 v45, v42  }
0x1fc: {  	v36 =	vld [tilespmem:s19+$0xCE90];
	v56 =	vmul.f32 v54, v51;
	v26 =	vunpack.i.l.bf16.f32 v63;
	v3 =	vmul.f32 v28, v3  }
0x1fd: {  	v6 =	vmul.f32 v6, v7;
	v7 =	vunpack.i.u.bf16.f32 v32;
	v27 =	vadd.f32 $0.0e+00, v5  }
0x1fe: {  	v5 =	vunpack.i.u.bf16.f32 v29;
	v4 =	vmul.f32 v7, v4;
	v3 =	vmul.f32 v30, v3  }
0x1ff: {  	v52 =	vld [tilespmem:s19+$0xCEB0];
	v51 =	vunpack.i.l.bf16.f32 v43;
	v6 =	vmul.f32 v8, v6;
	v8 =	vmul.f32 v11, v33  }
0x200: {  	v42 =	vld [tilespmem:s19+$0xA6A0];
	v5 =	vmul.f32 v5, v9;
	v11 =	vunpack.i.u.bf16.f32 v34;
	v9 =	vunpack.i.u.bf16.f32 v38  }
0x201: {  	v32 =	vld [tilespmem:s19+$0xA690];
	v30 =	vunpack.i.l.bf16.f32 v21;
	v33 =	vunpack.i.u.bf16.f32 v25;
	v45 =	vunpack.i.l.bf16.f32 v36  }
0x202: {  	v34 =	vld [tilespmem:s19+$0xF690];
	v49 =	vunpack.i.u.bf16.f32 v36;
	v2 =	vadd.f32 v27, v2;
	v47 =	vmul.f32 v11, v44  }
0x203: {  	v36 =	vld [tilespmem:s19+$0xF6F0];
	v9 =	vmul.f32 v53, v9;
	v11 =	vunpack.i.u.bf16.f32 v24;
	v8 =	vmul.f32 v10, v8  }
0x204: {  	v27 =	vld [tilespmem:s19+$0xCE80];
	v5 =	vmul.f32 v13, v5;
	v10 =	vunpack.i.u.bf16.f32 v57;
	v13 =	vunpack.i.l.bf16.f32 v25  }
0x205: {  	v53 =	vld [tilespmem:s19+$0xA6C0];
	v11 =	vmul.f32 v11, v12;
	v50 =	vunpack.i.l.bf16.f32 v42;
	v14 =	vunpack.i.u.bf16.f32 v42  }
0x206: {  	v2 =	vadd.f32 v3, v2;
	v3 =	vld [tilespmem:s19+$0xCE20];
	v61 =	vmul.f32 v58, v9;
	v9 =	vmul.f32 v20, v19  }
0x207: {  	v7 =	vmul.f32 v48, v47;
	v40 =	vunpack.i.l.bf16.f32 v32;
	v15 =	vunpack.i.u.bf16.f32 v32;
	v48 =	vld [tilespmem:s19+$0xF6B0]  }
0x208: {  	v58 =	vld [tilespmem:s19+$0xCEC0];
	v2 =	vadd.f32 v2, v6;
	v9 =	vmul.f32 v26, v9;
	v41 =	vunpack.i.l.bf16.f32 v34  }
0x209: {  	v19 =	vunpack.i.l.bf16.f32 v36;
	v35 =	vunpack.i.l.bf16.f32 v27;
	v38 =	vunpack.i.u.bf16.f32 v27  }
0x20a: {  	v28 =	vld [tilespmem:s19+$0xF660];
	v21 =	vunpack.i.l.bf16.f32 v53;
	v2 =	vadd.f32 v8, v2;
	v8 =	vunpack.i.u.bf16.f32 v59  }
0x20b: {  	v55 =	vld [tilespmem:s19+$0xF6C0];
	v9 =	vadd.f32 $0.0e+00, v9;
	v59 =	vunpack.i.l.bf16.f32 v52;
	v39 =	vunpack.i.l.bf16.f32 v3  }
0x20c: {  	v42 =	vld [tilespmem:s19+$0xCEF0];
	v3 =	vunpack.i.u.bf16.f32 v3;
	v8 =	vmul.f32 v8, v10;
	v10 =	vunpack.i.u.bf16.f32 v34  }
0x20d: {  	v26 =	vld [tilespmem:s19+$0xA6E0];
	v57 =	vunpack.i.l.bf16.f32 v48;
	v25 =	vunpack.i.l.bf16.f32 v58;
	v6 =	vmul.f32 v39, v37  }
0x20e: {  	v2 =	vadd.f32 v2, v5;
	v5 =	vadd.f32 $0.0e+00, v46;
	v3 =	vmul.f32 v3, v4  }
0x20f: {  	v4 =	vmul.f32 v22, v16;
	v16 =	vunpack.i.l.bf16.f32 v28;
	v39 =	vmul.f32 v38, v11  }
0x210: {  	v29 =	vld [tilespmem:s19+$0xCE60];
	v11 =	vmul.f32 v41, v40;
	v10 =	vmul.f32 v10, v15;
	v22 =	vunpack.i.l.bf16.f32 v55  }
0x211: {  	v15 =	vunpack.i.u.bf16.f32 v42;
	v37 =	vmul.f32 v16, v13;
	v13 =	vunpack.i.u.bf16.f32 v43  }
0x212: {  	v47 =	vld [tilespmem:s19+$0xA6B0];
	v40 =	vunpack.i.l.bf16.f32 v26;
	v5 =	vadd.f32 v5, v7;
	v2 =	vadd.f32 v6, v2  }
0x213: {  	v46 =	vld [tilespmem:s19+$0xCEA0];
	v6 =	vunpack.i.u.bf16.f32 v62;
	v7 =	vunpack.i.u.bf16.f32 v63;
	v13 =	vmul.f32 v13, v14  }
0x214: {  	v24 =	vld [tilespmem:s19+$0xCED0];
	v14 =	vunpack.i.u.bf16.f32 v55;
	v4 =	vmul.f32 v6, v4;
	v7 =	vmul.f32 v7, v8  }
0x215: {  	v8 =	vmul.f32 v31, v30;
	v6 =	vunpack.i.u.bf16.f32 v29;
	v60 =	vadd.f32 v56, v5  }
0x216: {  	v63 =	vld [tilespmem:s19+$0xF6D0];
	v2 =	vadd.f32 v2, v3;
	v5 =	vmul.f32 v18, v17;
	v17 =	vunpack.i.l.bf16.f32 v29  }
0x217: {  	v56 =	vunpack.i.l.bf16.f32 v47;
	v7 =	vadd.f32 v9, v7;
	v8 =	vmul.f32 v35, v8  }
0x218: {  	v12 =	vmul.f32 v17, v37;
	v54 =	vunpack.i.u.bf16.f32 v46;
	v9 =	vunpack.i.u.bf16.f32 v53  }
0x219: {  	v18 =	vld [tilespmem:s19+$0xCEE0];
	v35 =	vunpack.i.l.bf16.f32 v24;
	v53 =	vunpack.i.u.bf16.f32 v36;
	v5 =	vmul.f32 v23, v5  }
0x21a: {  	v3 =	vadd.f32 v60, v61;
	v23 =	vmul.f32 v22, v21;
	v9 =	vmul.f32 v14, v9  }
0x21b: {  	v60 =	vld [tilespmem:s19+$0xA6D0];
	v7 =	vadd.f32 v8, v7;
	v8 =	vunpack.i.l.bf16.f32 v46;
	v30 =	vunpack.i.l.bf16.f32 v63  }
0x21c: {  	v46 =	vunpack.i.u.bf16.f32 v26;
	v3 =	vadd.f32 v5, v3;
	v5 =	vunpack.i.u.bf16.f32 v28  }
0x21d: {  	v27 =	vmul.f32 v25, v23;
	v44 =	vadd.f32 v7, v39;
	v7 =	vmul.f32 v45, v11  }
0x21e: {  	v11 =	vunpack.i.u.bf16.f32 v47;
	v39 =	vunpack.i.u.bf16.f32 v24;
	v47 =	vunpack.i.l.bf16.f32 v18  }
0x21f: {  	v28 =	vld [tilespmem:s19+$0xF6E0];
	v18 =	vunpack.i.u.bf16.f32 v18;
	v3 =	vadd.f32 v3, v4;
	v4 =	vmul.f32 v5, v33  }
0x220: {  	v5 =	vadd.f32 v7, v44;
	v7 =	vmul.f32 v51, v50;
	v29 =	vunpack.i.l.bf16.f32 v60  }
0x221: {  	v26 =	vld [tilespmem:s19+$0xF720];
	v34 =	vunpack.i.u.bf16.f32 v60;
	v3 =	vadd.f32 v12, v3;
	v4 =	vmul.f32 v6, v4  }
0x222: {  	v45 =	vld [tilespmem:s19+$0xA700];
	v6 =	vmul.f32 v49, v10;
	v12 =	vunpack.i.u.bf16.f32 v48;
	v32 =	vmul.f32 v30, v29  }
0x223: {  	v24 =	vld [tilespmem:s19+$0xA720];
	v10 =	vunpack.i.u.bf16.f32 v52;
	v7 =	vmul.f32 v8, v7;
	v8 =	vmul.f32 v57, v56  }
0x224: {  	v62 =	vmul.f32 v12, v11;
	v11 =	vunpack.i.u.bf16.f32 v63;
	v41 =	vunpack.i.l.bf16.f32 v28  }
0x225: {  	v33 =	vld [tilespmem:s19+$0xA6F0];
	v5 =	vadd.f32 v5, v6;
	v6 =	vmul.f32 v54, v13;
	v37 =	vmul.f32 v35, v32  }
0x226: {  	v55 =	vld [tilespmem:s19+$0xA710];
	v13 =	vunpack.i.u.bf16.f32 v58;
	v38 =	vmul.f32 v11, v34;
	v44 =	vmul.f32 v41, v40  }
0x227: {  	v36 =	vld [tilespmem:s19+$0xCF30];
	v54 =	vunpack.i.l.bf16.f32 v42;
	v57 =	vunpack.i.l.bf16.f32 v45;
	v11 =	vunpack.i.u.bf16.f32 v45  }
0x228: {  	v48 =	vld [tilespmem:s19+$0xF700];
	v40 =	vunpack.i.l.bf16.f32 v24;
	v42 =	vunpack.i.l.bf16.f32 v26;
	v61 =	vmul.f32 v59, v8  }
0x229: {  	v52 =	vld [tilespmem:s19+$0xCF00];
	v8 =	vmul.f32 v10, v62;
	v31 =	vmul.f32 v13, v9;
	v10 =	vunpack.i.u.bf16.f32 v28  }
0x22a: {  	v29 =	vld [tilespmem:s19+$0xA730];
	v49 =	vunpack.i.l.bf16.f32 v33;
	v13 =	vunpack.i.u.bf16.f32 v33;
	v43 =	vmul.f32 v39, v38  }
0x22b: {  	v56 =	vld [tilespmem:s19+$0xF710];
	v62 =	vunpack.i.l.bf16.f32 v55;
	v9 =	vmul.f32 v47, v44;
	v50 =	vmul.f32 v10, v46  }
0x22c: {  	v32 =	vld [tilespmem:s19+$0xF730];
	v7 =	vadd.f32 v7, v5;
	v51 =	vmul.f32 v19, v49;
	v13 =	vmul.f32 v53, v13  }
0x22d: {  	v34 =	vld [tilespmem:s19+$0xCF20];
	v39 =	vunpack.i.u.bf16.f32 v24;
	v5 =	vadd.f32 $0.0e+00, v61;
	v20 =	vunpack.i.l.bf16.f32 v48  }
0x22e: {  	v41 =	vld [tilespmem:s19+$0xF740];
	v17 =	vunpack.i.u.bf16.f32 v48;
	v60 =	vunpack.i.l.bf16.f32 v52;
	v12 =	vunpack.i.u.bf16.f32 v52  }
0x22f: {  	v59 =	vld [tilespmem:s19+$0xCF10];
	v47 =	vunpack.i.u.bf16.f32 v29;
	v10 =	vmul.f32 v54, v51;
	v13 =	vmul.f32 v15, v13  }
0x230: {  	v48 =	vunpack.i.l.bf16.f32 v36;
	v58 =	vmul.f32 v20, v57;
	v11 =	vmul.f32 v17, v11  }
0x231: {  	v46 =	vld [tilespmem:s19+$0xCF40];
	v63 =	vunpack.i.l.bf16.f32 v56;
	v14 =	vunpack.i.u.bf16.f32 v56;
	v5 =	vadd.f32 v5, v8  }
0x232: {  	v49 =	vld [tilespmem:s19+$0xA750];
	v25 =	vmul.f32 v63, v62;
	v8 =	vmul.f32 v18, v50;
	v44 =	vunpack.i.l.bf16.f32 v32  }
0x233: {  	v24 =	vld [tilespmem:s19+$0xA760];
	v50 =	vunpack.i.l.bf16.f32 v34;
	v21 =	vunpack.i.l.bf16.f32 v41;
	v10 =	vadd.f32 $0.0e+00, v10  }
0x234: {  	v51 =	vld [tilespmem:s19+$0xF750];
	v61 =	vmul.f32 v60, v58;
	v11 =	vmul.f32 v12, v11;
	v28 =	vunpack.i.l.bf16.f32 v59  }
0x235: {  	v54 =	vld [tilespmem:s19+$0xCF50];
	v33 =	vunpack.i.u.bf16.f32 v59;
	v12 =	vunpack.i.u.bf16.f32 v36;
	v5 =	vadd.f32 v27, v5  }
0x236: {  	v27 =	vunpack.i.u.bf16.f32 v55;
	v30 =	vmul.f32 v28, v25;
	v55 =	vunpack.i.l.bf16.f32 v46  }
0x237: {  	v62 =	vld [tilespmem:s19+$0xF770];
	v57 =	vunpack.i.u.bf16.f32 v46;
	v58 =	vunpack.i.l.bf16.f32 v49;
	v63 =	vunpack.i.u.bf16.f32 v49  }
0x238: {  	v60 =	vld [tilespmem:s19+$0xA770];
	v36 =	vunpack.i.u.bf16.f32 v24;
	v10 =	vadd.f32 v10, v13;
	v13 =	vunpack.i.u.bf16.f32 v26  }
0x239: {  	v46 =	vld [tilespmem:s19+$0xF7B0];
	v5 =	vadd.f32 v5, v31;
	v31 =	vmul.f32 v14, v27;
	v14 =	vunpack.i.u.bf16.f32 v32  }
0x23a: {  	v49 =	vld [tilespmem:s19+$0xCFB0];
	v59 =	vunpack.i.l.bf16.f32 v51;
	v22 =	vunpack.i.u.bf16.f32 v51;
	v23 =	vunpack.i.l.bf16.f32 v54  }
0x23b: {  	v26 =	vld [tilespmem:s19+$0xCF70];
	v27 =	vunpack.i.u.bf16.f32 v34;
	v28 =	vunpack.i.u.bf16.f32 v54;
	v14 =	vmul.f32 v14, v47  }
0x23c: {  	v34 =	vld [tilespmem:s19+$0xA780];
	v10 =	vadd.f32 v61, v10;
	v61 =	vmul.f32 v59, v58;
	v25 =	vmul.f32 v22, v63  }
0x23d: {  	v5 =	vadd.f32 v37, v5;
	v35 =	vmul.f32 v33, v31;
	v32 =	vunpack.i.l.bf16.f32 v60  }
0x23e: {  	v33 =	vunpack.i.l.bf16.f32 v62;
	v10 =	vadd.f32 v10, v11;
	v12 =	vmul.f32 v12, v14  }
0x23f: {  	v37 =	vld [tilespmem:s19+$0xA740];
	v59 =	vunpack.i.l.bf16.f32 v49;
	v19 =	vunpack.i.u.bf16.f32 v46;
	v5 =	vadd.f32 v5, v43  }
0x240: {  	v43 =	vunpack.i.l.bf16.f32 v29;
	v14 =	vunpack.i.u.bf16.f32 v26;
	v10 =	vadd.f32 v30, v10  }
0x241: {  	v54 =	vld [tilespmem:s19+$0xA7C0];
	v45 =	vmul.f32 v44, v43;
	v30 =	vmul.f32 v28, v25;
	v43 =	vunpack.i.l.bf16.f32 v34  }
0x242: {  	v16 =	vunpack.i.u.bf16.f32 v34;
	v9 =	vadd.f32 v9, v5;
	v5 =	vadd.f32 v3, v4  }
0x243: {  	v31 =	vld [tilespmem:s19+$0xCF60];
	v4 =	vadd.f32 v7, v6;
	v38 =	vadd.f32 v10, v35;
	v11 =	vmul.f32 v48, v45  }
0x244: {  	v29 =	vld [tilespmem:s19+$0xF760];
	v52 =	vunpack.i.l.bf16.f32 v37;
	v6 =	vunpack.i.u.bf16.f32 v37;
	v10 =	vunpack.i.u.bf16.f32 v41  }
0x245: {  	v37 =	vunpack.i.l.bf16.f32 v24;
	v3 =	vadd.f32 v9, v8;
	v9 =	vmul.f32 v42, v40  }
0x246: {  	v51 =	vld [tilespmem:s19+$0xF790];
	v24 =	vunpack.i.l.bf16.f32 v54;
	v53 =	vmul.f32 v21, v52;
	v6 =	vmul.f32 v10, v6  }
0x247: {  	v63 =	vld [tilespmem:s19+$0xA7D0];
	v10 =	vmul.f32 v23, v61;
	v8 =	vmul.f32 v13, v39;
	v39 =	vunpack.i.u.bf16.f32 v60  }
0x248: {  	v35 =	vld [tilespmem:s19+$0xF780];
	v42 =	vunpack.i.l.bf16.f32 v31;
	v11 =	vadd.f32 $0.0e+00, v11;
	v56 =	vmul.f32 v55, v53  }
0x249: {  	v45 =	vld [tilespmem:s19+$0xA7B0];
	v41 =	vunpack.i.l.bf16.f32 v29;
	v6 =	vmul.f32 v57, v6;
	v9 =	vmul.f32 v50, v9  }
0x24a: {  	v48 =	vld [tilespmem:s19+$0xA790];
	v17 =	vunpack.i.u.bf16.f32 v29;
	v8 =	vmul.f32 v27, v8;
	v15 =	vmul.f32 v41, v37  }
0x24b: {  	v40 =	vld [tilespmem:s19+$0xCF80];
	v13 =	vmul.f32 v17, v36;
	v53 =	vunpack.i.l.bf16.f32 v46;
	v11 =	vadd.f32 v11, v12  }
0x24c: {  	v12 =	vunpack.i.u.bf16.f32 v62;
	v62 =	vunpack.i.l.bf16.f32 v51;
	v7 =	vadd.f32 v9, v38  }
0x24d: {  	v61 =	vld [tilespmem:s19+$0xCFC0];
	v9 =	vmul.f32 v33, v32;
	v38 =	vunpack.i.l.bf16.f32 v26;
	v12 =	vmul.f32 v12, v39  }
0x24e: {  	v44 =	vunpack.i.l.bf16.f32 v35;
	v15 =	vmul.f32 v42, v15;
	v52 =	vunpack.i.l.bf16.f32 v45  }
0x24f: {  	v29 =	vld [tilespmem:s19+$0xCFD0];
	v58 =	vunpack.i.u.bf16.f32 v48;
	v60 =	vunpack.i.u.bf16.f32 v45;
	v17 =	vunpack.i.l.bf16.f32 v48  }
0x250: {  	v57 =	vld [tilespmem:s19+$0xCF90];
	v32 =	vunpack.i.l.bf16.f32 v63;
	v11 =	vadd.f32 v56, v11;
	v47 =	vunpack.i.l.bf16.f32 v40  }
0x251: {  	v50 =	vunpack.i.u.bf16.f32 v40;
	v55 =	vmul.f32 v53, v52;
	v18 =	vmul.f32 v19, v60  }
0x252: {  	v17 =	vmul.f32 v62, v17;
	v28 =	vunpack.i.l.bf16.f32 v61;
	v9 =	vmul.f32 v38, v9  }
0x253: {  	v26 =	vld [tilespmem:s19+$0xF7D0];
	v19 =	vunpack.i.u.bf16.f32 v63;
	v12 =	vmul.f32 v14, v12;
	v14 =	vmul.f32 v44, v43  }
0x254: {  	v39 =	vld [tilespmem:s19+$0xF7E0];
	v7 =	vadd.f32 v7, v8;
	v45 =	vunpack.i.u.bf16.f32 v29;
	v6 =	vadd.f32 v11, v6  }
0x255: {  	v56 =	vld [tilespmem:s19+$0xF7C0];
	v11 =	vunpack.i.u.bf16.f32 v31;
	v8 =	vmul.f32 v59, v55;
	v27 =	vunpack.i.l.bf16.f32 v57  }
0x256: {  	v34 =	vld [tilespmem:s19+$0xCFA0];
	v9 =	vadd.f32 $0.0e+00, v9;
	v11 =	vmul.f32 v11, v13;
	v17 =	vmul.f32 v27, v17  }
0x257: {  	v36 =	vld [tilespmem:s19+$0xA7E0];
	v6 =	vadd.f32 v10, v6;
	v10 =	vunpack.i.u.bf16.f32 v35;
	v8 =	vadd.f32 $0.0e+00, v8  }
0x258: {  	v43 =	vld [tilespmem:s19+$0xCFE0];
	v33 =	vunpack.i.l.bf16.f32 v26;
	v35 =	vunpack.i.l.bf16.f32 v29;
	v21 =	vunpack.i.u.bf16.f32 v26  }
0x259: {  	v52 =	vunpack.i.u.bf16.f32 v39;
	v9 =	vadd.f32 v9, v12;
	v12 =	vmul.f32 v47, v14  }
0x25a: {  	v31 =	vld [tilespmem:s19+$0xF7A0];
	v10 =	vmul.f32 v10, v16;
	v14 =	vunpack.i.u.bf16.f32 v49;
	v25 =	vunpack.i.l.bf16.f32 v56  }
0x25b: {  	v16 =	vunpack.i.u.bf16.f32 v54;
	v42 =	vmul.f32 v21, v19;
	v47 =	vunpack.i.l.bf16.f32 v34  }
0x25c: {  	v49 =	vunpack.i.l.bf16.f32 v36;
	v54 =	vunpack.i.u.bf16.f32 v34;
	v6 =	vadd.f32 v6, v30  }
0x25d: {  	v14 =	vmul.f32 v14, v18;
	v18 =	vmul.f32 v25, v24;
	v53 =	vunpack.i.l.bf16.f32 v43  }
0x25e: {  	v9 =	vadd.f32 v12, v9;
	v10 =	vmul.f32 v50, v10;
	v6 =	vadd.f32 v15, v6  }
0x25f: {  	v12 =	vunpack.i.u.bf16.f32 v51;
	v40 =	vunpack.i.l.bf16.f32 v31;
	v8 =	vadd.f32 v8, v14  }
0x260: {  	v30 =	vld [tilespmem:s19+$0xA7A0];
	v14 =	vmul.f32 v28, v18;
	v6 =	vadd.f32 v6, v11;
	v11 =	vunpack.i.u.bf16.f32 v56  }
0x261: {  	(xrf2) =	vadd.scan.msk.f32 $0xffff, v2;
	v2 =	vunpack.i.u.bf16.f32 v31;
	v12 =	vmul.f32 v12, v58;
	v11 =	vmul.f32 v11, v16  }
0x262: {  	v15 =	vunpack.i.u.bf16.f32 v61;
	v9 =	vadd.f32 v9, v10;
	v10 =	vunpack.i.u.bf16.f32 v57  }
0x263: {  	v8 =	vadd.f32 v14, v8;
	v14 =	vmul.f32 v33, v32;
	v11 =	vmul.f32 v15, v11  }
0x264: {  	v46 =	vmul.f32 v45, v42;
	v10 =	vmul.f32 v10, v12;
	v9 =	vadd.f32 v17, v9  }
0x265: {  	v37 =	vunpack.i.l.bf16.f32 v30;
	v38 =	vmul.f32 v35, v14;
	v8 =	vadd.f32 v8, v11  }
0x266: {  	v50 =	vunpack.i.l.bf16.f32 v39;
	v44 =	vunpack.i.u.bf16.f32 v30;
	v41 =	vmul.f32 v40, v37  }
0x267: {  	(xrf2) =	vadd.scan.msk.f32 $0xffff, v5;
	v9 =	vadd.f32 v9, v10;
	v10 =	vmul.f32 v50, v49;
	v8 =	vadd.f32 v38, v8  }
0x268: {  	(xrf2) =	vadd.scan.msk.f32 $0xffff, v4;
	v51 =	vunpack.i.u.bf16.f32 v36;
	v2 =	vmul.f32 v2, v44;
	v48 =	vmul.f32 v47, v41  }
0x269: {  	(xrf2) =	vadd.scan.msk.f32 $0xffff, v3;
	v4 =	vmul.f32 v52, v51;
	v3 =	vmul.f32 v53, v10;
	v8 =	vadd.f32 v8, v46  }
0x26a: {  	v55 =	vunpack.i.u.bf16.f32 v43;
	v2 =	vmul.f32 v54, v2;
	v5 =	vadd.f32 v48, v9  }
0x26b: {  	v4 =	vmul.f32 v55, v4;
	v3 =	vadd.f32 v3, v8  }
0x26c: {  	v2 =	vadd.f32 v5, v2  }
0x26d: {  	(xrf2) =	vadd.scan.msk.f32 $0xffff, v7;
	v3 =	vadd.f32 v3, v4  }
0x26e: {  	(xrf2) =	vadd.scan.msk.f32 $0xffff, v6;
	_ =	sdelay $0x1  }
0x26f: {  	(xrf2) =	vadd.scan.msk.f32 $0xffff, v2;
	v2, _, _ =	vpop (xrf2)  }
0x270: {  	s22 =	sor.u32 $0x1, s9;
	v56 =	vmov s9;
	v2 =	vbroadcast v2, $0xF;
	(xrf2) =	vadd.scan.msk.f32 $0xffff, v3;
	v3, _, _ =	vpop (xrf2)  }
0x271: {  	v57 =	vmov s22;
	vm0 =	veq.s32 v56, v0;
	v3 =	vbroadcast v3, $0xF  }
0x272: {  	s20 =	sor.u32 $0x2, s9;
	vm9 =	veq.s32 v57, v0;
	v1 =	vsel vm0, v2, v1  }
0x273: {  	s21 =	sor.u32 $0x3, s9;
	v58, _, _ =	vpop (xrf2);
	v1 =	vsel vm9, v3, v1;
	v3 =	vmov s20  }
0x274: {  	v2, _, _ =	vpop (xrf2);
	v59 =	vbroadcast v58, $0xF;
	vm10 =	veq.s32 v3, v0;
	v3 =	vmov s21  }
0x275: {  	v2 =	vbroadcast v2, $0xF  }
0x276: {  	s22 =	sor.u32 $0x4, s9;
	v60, _, _ =	vpop (xrf2);
	v1 =	vsel vm10, v59, v1;
	vm11 =	veq.s32 v3, v0  }
0x277: {  	s20 =	sor.u32 $0x5, s9;
	v61 =	vbroadcast v60, $0xF;
	v1 =	vsel vm11, v2, v1;
	v2 =	vmov s22;
	v3, _, _ =	vpop (xrf2)  }
0x278: {  	p2 =	por p1, p1;
	vm12 =	veq.s32 v2, v0;
	v2 =	vmov s20;
	v3 =	vbroadcast v3, $0xF  }
.Ltmp5:
0x279: {  	s21 =	sor.u32 $0x6, s9;
	v62, _, _ =	vpop (xrf2);
	v1 =	vsel vm12, v61, v1;
	vm13 =	veq.s32 v2, v0;
	(pc) =	sbr.rel @p2 .LBB2_13-.Ltmp5, $4  }
0x27a: {  	s22 =	sor.u32 $0x7, s9;
	v2 =	vmov s21;
	v63, _, _ =	vpop (xrf2);
	v1 =	vsel vm13, v3, v1;
	v3 =	vbroadcast v62, $0xF  }
0x27b: {  	vm14 =	veq.s32 v2, v0;
	v2 =	vmov s22;
	v4 =	vbroadcast v63, $0xF  }
0x27c: {  	vm15 =	veq.s32 v2, v0;
	v1 =	vsel vm14, v3, v1  }
0x27d: {  	p1 =	por $0x0, $0x0;
	s9 =	simm.s32 $0x8;
	v1 =	vsel vm15, v4, v1  }
0x27e: {  	s15 =	sadd.s32 $0x1, s15  }
0x27f: {  	p1 =	sne.s32 s15, $0x5  }
.Ltmp6:
0x280: {  	_ = 	snop;
	(pc) =	sbr.rel @p1 .LBB2_12-.Ltmp6, $2  }
0x281: {  	_ =	sdelay $0x2  }
0x282: {  	[tilespmem:s18+$0x144B0] =	vst v1  }
0x283: {  	s9 =	rddreg [dreg:$0xf];
	s15 =	simm.s32 $0x11DF0;
	s19 =	simm.s32 $0x3  }
0x284: {  	[hbm4b:s9+s4] =	stream.linear.scatter [tilespmem:s15], [sflag:$0x3], $0x2710, $0x38;
	[tilespmem:$0x14500] =	vst v63  }
0x285: {  	_ =	swait.ge [sflag:s19], $0x2710  }
0x286: {  	s14 =	sadd.s32 $0x1, s14;
	s22 =	rddreg [dreg:$0x10]  }
0x287: {  	p1 =	sne.s32 s14, s22  }
.Ltmp7:
0x288: {  	_ = 	snop;
	(pc) =	sbr.rel @p1 .LBB2_1-.Ltmp7, $3  }
0x289: {  	_ =	sdelay $0x1  }
0x28a: {  	[sflag:s19] =	ssyncset.done $0x0  }
0x28b: {  	[sflag:s19] =	ssyncadd.s32 $0xFFFFD8F0  }
0x28c: {  	_ =	sfence.sel $0x180000  }
0x28d: {  	[bflag:$0x0] =	sbarrier.arrive $0xFFFF  }
0x28e: {  	_ =	strace $0x90000047  }
0x28f: {  	[bflag:$0x2] =	sbarrier.arrive $0xFFFF  }
0x290: {  	s0 =	rddreg [dreg:$0x5]  }
0x291: {  	s0 =	sadd.s32 @!p0 $0x100000, s0  }
0x292: {  	[sflag:s0] =	ssyncadd.tile.s32 @!p0 $0x1;
	_ =	shalt  }
.Lfunc_end2:
_tile_overlayer_lowered:
.L_overlay_start_2:
0x293: {  	(tag) =	ssettag $0x2  }
0x294: {  	s0 =	rddreg [dreg:$0x0];
	s2 =	stileid.u32  }
0x295: {  	s1 =	rddreg [dreg:$0x1];
	p0 =	sne.s32 s2, $0x0  }
0x296: {  	s3 =	rddreg [dreg:$0x2];
	[bflag:$0x3] =	sbarrier.arrive $0xFFFF;
	s2 =	simm.s32 @!p0 $0x1C03  }
0x297: {  	[timem:s3], [sflag:s2] =	dma.local @!p0 [hbm:s0], s1  }
0x298: {  	s0 =	simm.s32 @!p0 $0x3  }
0x299: {  	_ =	swait.ge @!p0 [sflag:s0], s1  }
0x29a: {  	s1 =	ssub.s32 @!p0 $0x0, s1;
	[sflag:s0] =	ssyncset.done @!p0 $0x0  }
0x29b: {  	[sflag:s0] =	ssyncadd.s32 @!p0 s1  }
0x29c: {  	[bflag:$0x3] =	sbarrier.arrive $0xFFFF  }
0x29d: {  	_ =	shalt  }

</sc_bundles>
